<compile_context>
chip_gen: v7x
topology: tpu7x:2x2x1
jax: 0.10.2.dev20260603
libtpu: 0.0.44.dev20260713+nightly
codegen_flags: <defaults>
</compile_context>

<pallas_src>
import jax
import jax.numpy as jnp
from jax import lax
from jax.experimental import pallas as pl
from jax.experimental.pallas import tpu as pltpu
from jax.experimental.pallas import tpu_sc as plsc

VOCAB = 100000
D = 128
B = 64
T = 3072
N = B * T
NC = 2
NS = 16
NW = NC * NS
PER_W = N // NW
CHUNK = 128
NCHUNK = PER_W // CHUNK
POS_CHUNKS = T // CHUNK
POS_PER_SUB = T // NS


NBUF = 4


def _body(idx_hbm, wte_hbm, row_hbm, col_hbm, chan_hbm, out_hbm,
          row_v, col_v, chan_v, pos_build, pos_sh, idx_v, bufs,
          psems, gsems, wsems):
    c = lax.axis_index("c")
    s = lax.axis_index("s")
    w = s * NC + c
    base = w * PER_W

    rcp = pltpu.async_copy(row_hbm, row_v, psems[0])
    ccp = pltpu.async_copy(col_hbm, col_v, psems[1])
    hcp = pltpu.async_copy(chan_hbm, chan_v, psems[2])
    icp = pltpu.async_copy(idx_hbm.at[pl.ds(w * NCHUNK, NCHUNK)], idx_v,
                           psems[3])
    rcp.wait()
    ccp.wait()
    hcp.wait()
    t0 = s * POS_PER_SUB
    for j in range(POS_PER_SUB // 32):
        tb = t0 + j * 32
        chan_i = tb // 1024
        row_i = (tb % 1024) // 32
        rcs = [row_v[row_i, pl.ds(d * 16, 16)] + chan_v[chan_i, pl.ds(d * 16, 16)]
               for d in range(8)]

        def blk(i, carry):
            for d in range(8):
                pos_build[j * 32 + i, pl.ds(d * 16, 16)] = (
                    col_v[i, pl.ds(d * 16, 16)] + rcs[d])
            return carry

        lax.fori_loop(0, 32, blk, 0)
    pltpu.sync_copy(pos_build, pos_sh.at[pl.ds(t0, POS_PER_SUB)])
    icp.wait()
    plsc.subcore_barrier()


    def start_pos(c):
        return pltpu.async_copy(
            pos_sh.at[pl.ds((c % POS_CHUNKS) * CHUNK, CHUNK)],
            bufs[c % NBUF], psems[c % NBUF])

    def start_gather(c):
        return pltpu.async_copy(wte_hbm.at[idx_v.at[c]], bufs[c % NBUF],
                                gsems[c % NBUF], add=True)

    def start_write(c):
        return pltpu.async_copy(
            bufs[c % NBUF], out_hbm.at[pl.ds(base + c * CHUNK, CHUNK)],
            wsems[c % NBUF])

    pos_cp = [None] * NCHUNK
    g_cp = [None] * NCHUNK
    w_cp = [None] * NCHUNK
    pos_cp[0] = start_pos(0)
    pos_cp[1] = start_pos(1)
    for c in range(NCHUNK):
        pos_cp[c].wait()
        g_cp[c] = start_gather(c)
        if c - 1 >= 0:
            g_cp[c - 1].wait()
            w_cp[c - 1] = start_write(c - 1)
        if c + 2 < NCHUNK:
            if c - 2 >= 0:
                w_cp[c - 2].wait()
            pos_cp[c + 2] = start_pos(c + 2)
    g_cp[NCHUNK - 1].wait()
    w_cp[NCHUNK - 1] = start_write(NCHUNK - 1)
    for c in range(NCHUNK - 4, NCHUNK):
        w_cp[c].wait()


@jax.jit
def _run(idx2, wte, row_w, col_w, chan_w):
    mesh = plsc.VectorSubcoreMesh(core_axis_name="c", subcore_axis_name="s",
                                  num_cores=NC, num_subcores=NS)
    f = pl.kernel(
        _body,
        out_type=jax.ShapeDtypeStruct((N, D), jnp.float32),
        mesh=mesh,
        scratch_types=[
            pltpu.VMEM((32, D), jnp.float32),
            pltpu.VMEM((32, D), jnp.float32),
            pltpu.VMEM((3, D), jnp.float32),
            pltpu.VMEM((POS_PER_SUB, D), jnp.float32),
            pltpu.VMEM_SHARED((T, D), jnp.float32),
            pltpu.VMEM((NCHUNK, CHUNK), jnp.int32),
            [pltpu.VMEM((CHUNK, D), jnp.float32) for _ in range(NBUF)],
            [pltpu.SemaphoreType.DMA for _ in range(NBUF)],
            [pltpu.SemaphoreType.DMA for _ in range(NBUF)],
            [pltpu.SemaphoreType.DMA for _ in range(NBUF)],
        ],
    )
    return f(idx2, wte, row_w, col_w, chan_w)


def kernel(idx, wte, row_w, col_w, chan_w):
    idx2 = idx.reshape(N // CHUNK, CHUNK).astype(jnp.int32)
    out = _run(idx2, wte, row_w, col_w, chan_w)
    return out.reshape(B, T, D)

# --- scband reference (transcript-rebuilt; emitter-appended) ---
"""Pipeline reference for scband-embedding-stage-29326036697822 (READ-ONLY COPY).

The authoritative reference and input builder live on the scoring server;
editing this copy changes nothing except your own understanding.
"""

import jax, jax.numpy as jnp
import numpy as np

VOCAB = 100000
D = 128
B = 64
T = 3072


def setup_inputs(seed: int = 0) -> dict:
    key = jax.random.key(seed)
    k1, k2, k3, k4, k5 = jax.random.split(key, 5)
    idx = jax.random.randint(k1, (B, T), 0, VOCAB)
    std = 0.125 / np.sqrt(D)
    wte = jax.random.normal(k2, (VOCAB, D), dtype=jnp.float32) * std
    row_w = jax.random.normal(k3, (32, D), dtype=jnp.float32) * std
    col_w = jax.random.normal(k4, (32, D), dtype=jnp.float32) * std
    # num_embeddings=3 <= 32 -> std = 0.125 / sqrt(d * 3)
    chan_std = 0.125 / np.sqrt(D * 3)
    chan_w = jax.random.normal(k5, (3, D), dtype=jnp.float32) * chan_std
    return {"idx": idx, "wte": wte, "row_w": row_w, "col_w": col_w, "chan_w": chan_w}


def reference(idx, wte, row_w, col_w, chan_w):
    b, t = idx.shape
    H, W = 32, 32
    tok_emb = jnp.take(wte, idx, axis=0)            # [b, t, d]
    positions = jnp.arange(t)
    chans = positions // (H * W)
    rows = (positions % (H * W)) // W
    cols = positions % W
    row_emb = jnp.take(row_w, rows, axis=0)[None, :, :]
    col_emb = jnp.take(col_w, cols, axis=0)[None, :, :]
    chan_emb = jnp.take(chan_w, chans, axis=0)[None, :, :]
    # dropout p=0.0 -> identity
    x = tok_emb + row_emb + col_emb + chan_emb
    return x

if __name__ == "__main__":
    import jax
    _d = setup_inputs()
    print(jax.jit(kernel)(*tuple(_d.values())))

</pallas_src>

<mosaic_0001>
#map = affine_map<(d0, d1) -> (0, 0)>
module attributes {stable_mosaic.version = 14 : i64} {
  func.func @_body(%arg0: i32, %arg1: i32, %arg2: memref<1536x128xi32, #tpu.memory_space<hbm>>, %arg3: memref<100000x128xf32, #tpu.memory_space<hbm>>, %arg4: memref<32x128xf32, #tpu.memory_space<hbm>>, %arg5: memref<32x128xf32, #tpu.memory_space<hbm>>, %arg6: memref<3x128xf32, #tpu.memory_space<hbm>>, %arg7: memref<196608x128xf32, #tpu.memory_space<hbm>>, %arg8: memref<32x128xf32, #tpu.memory_space<vmem>>, %arg9: memref<32x128xf32, #tpu.memory_space<vmem>>, %arg10: memref<3x128xf32, #tpu.memory_space<vmem>>, %arg11: memref<192x128xf32, #tpu.memory_space<vmem>>, %arg12: memref<3072x128xf32, #tpu.memory_space<vmem_shared>>, %arg13: memref<48x128xi32, #tpu.memory_space<vmem>>, %arg14: memref<128x128xf32, #tpu.memory_space<vmem>>, %arg15: memref<128x128xf32, #tpu.memory_space<vmem>>, %arg16: memref<128x128xf32, #tpu.memory_space<vmem>>, %arg17: memref<128x128xf32, #tpu.memory_space<vmem>>, %arg18: memref<!tpu.dma_semaphore, #tpu.memory_space<semaphore_mem>>, %arg19: memref<!tpu.dma_semaphore, #tpu.memory_space<semaphore_mem>>, %arg20: memref<!tpu.dma_semaphore, #tpu.memory_space<semaphore_mem>>, %arg21: memref<!tpu.dma_semaphore, #tpu.memory_space<semaphore_mem>>, %arg22: memref<!tpu.dma_semaphore, #tpu.memory_space<semaphore_mem>>, %arg23: memref<!tpu.dma_semaphore, #tpu.memory_space<semaphore_mem>>, %arg24: memref<!tpu.dma_semaphore, #tpu.memory_space<semaphore_mem>>, %arg25: memref<!tpu.dma_semaphore, #tpu.memory_space<semaphore_mem>>, %arg26: memref<!tpu.dma_semaphore, #tpu.memory_space<semaphore_mem>>, %arg27: memref<!tpu.dma_semaphore, #tpu.memory_space<semaphore_mem>>, %arg28: memref<!tpu.dma_semaphore, #tpu.memory_space<semaphore_mem>>, %arg29: memref<!tpu.dma_semaphore, #tpu.memory_space<semaphore_mem>>) attributes {dimension_semantics = [#tpu.dimension_semantics<core_parallel>, #tpu.dimension_semantics<subcore_parallel>], iteration_bounds = array<i64: 2, 16>, scalar_prefetch = 0 : i64, scratch_operands = 22 : i64, tpu.core_type = #tpu.core_type<sc_vector_subcore>, window_params = [{transform_indices = #map}, {transform_indices = #map}, {transform_indices = #map}, {transform_indices = #map}, {transform_indices = #map}, {transform_indices = #map}]} {
    %mul3A = arith.constant 2 : i32
    %mul3A_0 = arith.muli %arg1, %mul3A : i32
    %add3A = arith.addi %mul3A_0, %arg0 : i32
    %mul3A_1 = arith.constant 6144 : i32
    %mul3A_2 = arith.muli %add3A, %mul3A_1 : i32
    tpu.enqueue_dma source(%arg4 : memref<32x128xf32, #tpu.memory_space<hbm>>) target(%arg8 : memref<32x128xf32, #tpu.memory_space<vmem>>) target_semaphore(%arg18 : memref<!tpu.dma_semaphore, #tpu.memory_space<semaphore_mem>>)
    tpu.enqueue_dma source(%arg5 : memref<32x128xf32, #tpu.memory_space<hbm>>) target(%arg9 : memref<32x128xf32, #tpu.memory_space<vmem>>) target_semaphore(%arg19 : memref<!tpu.dma_semaphore, #tpu.memory_space<semaphore_mem>>)
    tpu.enqueue_dma source(%arg6 : memref<3x128xf32, #tpu.memory_space<hbm>>) target(%arg10 : memref<3x128xf32, #tpu.memory_space<vmem>>) target_semaphore(%arg20 : memref<!tpu.dma_semaphore, #tpu.memory_space<semaphore_mem>>)
    %mul3A_3 = arith.constant 48 : i32
    %mul3A_4 = arith.muli %add3A, %mul3A_3 : i32
    %dma_start3A = arith.constant 0 : i32
    %dma_start3A_5 = tpu.memref_slice %arg2[%mul3A_4, %dma_start3A] : memref<1536x128xi32, #tpu.memory_space<hbm>> -> memref<48x128xi32, #tpu.memory_space<hbm>>
    %dma_start3A_6 = arith.constant 0 : i32
    %dma_start3A_7 = tpu.memref_slice %arg2[%mul3A_4, %dma_start3A_6] : memref<1536x128xi32, #tpu.memory_space<hbm>> -> memref<48x128xi32, #tpu.memory_space<hbm>>
    tpu.enqueue_dma source(%dma_start3A_7 : memref<48x128xi32, #tpu.memory_space<hbm>>) target(%arg13 : memref<48x128xi32, #tpu.memory_space<vmem>>) target_semaphore(%arg21 : memref<!tpu.dma_semaphore, #tpu.memory_space<semaphore_mem>>)
    tpu.wait_dma2 semaphore(%arg18 : memref<!tpu.dma_semaphore, #tpu.memory_space<semaphore_mem>>) src(%arg4 : memref<32x128xf32, #tpu.memory_space<hbm>>) dst(%arg8 : memref<32x128xf32, #tpu.memory_space<vmem>>)
    tpu.wait_dma2 semaphore(%arg19 : memref<!tpu.dma_semaphore, #tpu.memory_space<semaphore_mem>>) src(%arg5 : memref<32x128xf32, #tpu.memory_space<hbm>>) dst(%arg9 : memref<32x128xf32, #tpu.memory_space<vmem>>)
    tpu.wait_dma2 semaphore(%arg20 : memref<!tpu.dma_semaphore, #tpu.memory_space<semaphore_mem>>) src(%arg6 : memref<3x128xf32, #tpu.memory_space<hbm>>) dst(%arg10 : memref<3x128xf32, #tpu.memory_space<vmem>>)
    %mul3A_8 = arith.constant 192 : i32
    %mul3A_9 = arith.muli %arg1, %mul3A_8 : i32
    %add3A_10 = arith.constant 0 : i32
    %add3A_11 = arith.addi %mul3A_9, %add3A_10 : i32
    %jit3A = arith.constant 1024 : i32
    %div3A = arith.divsi %add3A_11, %jit3A : i32
    %sign3A = arith.constant 0 : i32
    %sign3A_12 = arith.cmpi sgt, %add3A_11, %sign3A : i32
    %sign3A_13 = arith.extui %sign3A_12 : i1 to i32
    %sign3A_14 = arith.constant 0 : i32
    %sign3A_15 = arith.cmpi slt, %add3A_11, %sign3A_14 : i32
    %sign3A_16 = arith.extui %sign3A_15 : i1 to i32
    %sign3A_17 = arith.subi %sign3A_13, %sign3A_16 : i32
    %sign3A_18 = arith.constant 0 : i32
    %sign3A_19 = arith.cmpi sgt, %jit3A, %sign3A_18 : i32
    %sign3A_20 = arith.extui %sign3A_19 : i1 to i32
    %sign3A_21 = arith.constant 0 : i32
    %sign3A_22 = arith.cmpi slt, %jit3A, %sign3A_21 : i32
    %sign3A_23 = arith.extui %sign3A_22 : i1 to i32
    %sign3A_24 = arith.subi %sign3A_20, %sign3A_23 : i32
    %ne3A = arith.cmpi ne, %sign3A_17, %sign3A_24 : i32
    %rem3A = arith.remsi %add3A_11, %jit3A : i32
    %ne3A_25 = arith.constant 0 : i32
    %ne3A_26 = arith.cmpi ne, %rem3A, %ne3A_25 : i32
    %and3A = arith.andi %ne3A, %ne3A_26 : i1
    %sub3A = arith.constant 1 : i32
    %sub3A_27 = arith.subi %div3A, %sub3A : i32
    %select_n3A = arith.select %and3A, %sub3A_27, %div3A : i32
    %jit3A_28 = arith.constant 1024 : i32
    %eq3A = arith.constant 0 : i32
    %eq3A_29 = arith.cmpi eq, %jit3A_28, %eq3A : i32
    %jit3A_30 = arith.constant 1 : i32
    %select_n3A_31 = arith.select %eq3A_29, %jit3A_30, %jit3A_28 : i32
    %rem3A_32 = arith.remsi %add3A_11, %select_n3A_31 : i32
    %ne3A_33 = arith.constant 0 : i32
    %ne3A_34 = arith.cmpi ne, %rem3A_32, %ne3A_33 : i32
    %lt3A = arith.constant 0 : i32
    %lt3A_35 = arith.cmpi slt, %rem3A_32, %lt3A : i32
    %lt3A_36 = arith.constant 0 : i32
    %lt3A_37 = arith.cmpi slt, %select_n3A_31, %lt3A_36 : i32
    %ne3A_38 = arith.xori %lt3A_35, %lt3A_37 : i1
    %and3A_39 = arith.andi %ne3A_38, %ne3A_34 : i1
    %add3A_40 = arith.addi %rem3A_32, %select_n3A_31 : i32
    %select_n3A_41 = arith.select %and3A_39, %add3A_40, %rem3A_32 : i32
    %jit3A_42 = arith.constant 32 : i32
    %div3A_43 = arith.divsi %select_n3A_41, %jit3A_42 : i32
    %sign3A_44 = arith.constant 0 : i32
    %sign3A_45 = arith.cmpi sgt, %select_n3A_41, %sign3A_44 : i32
    %sign3A_46 = arith.extui %sign3A_45 : i1 to i32
    %sign3A_47 = arith.constant 0 : i32
    %sign3A_48 = arith.cmpi slt, %select_n3A_41, %sign3A_47 : i32
    %sign3A_49 = arith.extui %sign3A_48 : i1 to i32
    %sign3A_50 = arith.subi %sign3A_46, %sign3A_49 : i32
    %sign3A_51 = arith.constant 0 : i32
    %sign3A_52 = arith.cmpi sgt, %jit3A_42, %sign3A_51 : i32
    %sign3A_53 = arith.extui %sign3A_52 : i1 to i32
    %sign3A_54 = arith.constant 0 : i32
    %sign3A_55 = arith.cmpi slt, %jit3A_42, %sign3A_54 : i32
    %sign3A_56 = arith.extui %sign3A_55 : i1 to i32
    %sign3A_57 = arith.subi %sign3A_53, %sign3A_56 : i32
    %ne3A_58 = arith.cmpi ne, %sign3A_50, %sign3A_57 : i32
    %rem3A_59 = arith.remsi %select_n3A_41, %jit3A_42 : i32
    %ne3A_60 = arith.constant 0 : i32
    %ne3A_61 = arith.cmpi ne, %rem3A_59, %ne3A_60 : i32
    %and3A_62 = arith.andi %ne3A_58, %ne3A_61 : i1
    %sub3A_63 = arith.constant 1 : i32
    %sub3A_64 = arith.subi %div3A_43, %sub3A_63 : i32
    %select_n3A_65 = arith.select %and3A_62, %sub3A_64, %div3A_43 : i32
    %get3A = arith.index_cast %select_n3A_65 : i32 to index
    %get3A_66 = arith.constant 0 : index
    %get3A_67 = tpu.vector_load %arg8[%get3A, %get3A_66] {strides = array<i32>} : memref<32x128xf32, #tpu.memory_space<vmem>>, vector<1x16xf32>,
    %get3A_68 = vector.shape_cast %get3A_67 : vector<1x16xf32> to vector<16xf32>
    %get3A_69 = arith.index_cast %select_n3A : i32 to index
    %get3A_70 = arith.constant 0 : index
    %get3A_71 = tpu.vector_load %arg10[%get3A_69, %get3A_70] {strides = array<i32>} : memref<3x128xf32, #tpu.memory_space<vmem>>, vector<1x16xf32>,
    %get3A_72 = vector.shape_cast %get3A_71 : vector<1x16xf32> to vector<16xf32>
    %add3A_73 = arith.addf %get3A_68, %get3A_72 : vector<16xf32>
    %get3A_74 = arith.index_cast %select_n3A_65 : i32 to index
    %get3A_75 = arith.constant 16 : index
    %get3A_76 = tpu.vector_load %arg8[%get3A_74, %get3A_75] {strides = array<i32>} : memref<32x128xf32, #tpu.memory_space<vmem>>, vector<1x16xf32>,
    %get3A_77 = vector.shape_cast %get3A_76 : vector<1x16xf32> to vector<16xf32>
    %get3A_78 = arith.index_cast %select_n3A : i32 to index
    %get3A_79 = arith.constant 16 : index
    %get3A_80 = tpu.vector_load %arg10[%get3A_78, %get3A_79] {strides = array<i32>} : memref<3x128xf32, #tpu.memory_space<vmem>>, vector<1x16xf32>,
    %get3A_81 = vector.shape_cast %get3A_80 : vector<1x16xf32> to vector<16xf32>
    %add3A_82 = arith.addf %get3A_77, %get3A_81 : vector<16xf32>
    %get3A_83 = arith.index_cast %select_n3A_65 : i32 to index
    %get3A_84 = arith.constant 32 : index
    %get3A_85 = tpu.vector_load %arg8[%get3A_83, %get3A_84] {strides = array<i32>} : memref<32x128xf32, #tpu.memory_space<vmem>>, vector<1x16xf32>,
    %get3A_86 = vector.shape_cast %get3A_85 : vector<1x16xf32> to vector<16xf32>
    %get3A_87 = arith.index_cast %select_n3A : i32 to index
    %get3A_88 = arith.constant 32 : index
    %get3A_89 = tpu.vector_load %arg10[%get3A_87, %get3A_88] {strides = array<i32>} : memref<3x128xf32, #tpu.memory_space<vmem>>, vector<1x16xf32>,
    %get3A_90 = vector.shape_cast %get3A_89 : vector<1x16xf32> to vector<16xf32>
    %add3A_91 = arith.addf %get3A_86, %get3A_90 : vector<16xf32>
    %get3A_92 = arith.index_cast %select_n3A_65 : i32 to index
    %get3A_93 = arith.constant 48 : index
    %get3A_94 = tpu.vector_load %arg8[%get3A_92, %get3A_93] {strides = array<i32>} : memref<32x128xf32, #tpu.memory_space<vmem>>, vector<1x16xf32>,
    %get3A_95 = vector.shape_cast %get3A_94 : vector<1x16xf32> to vector<16xf32>
    %get3A_96 = arith.index_cast %select_n3A : i32 to index
    %get3A_97 = arith.constant 48 : index
    %get3A_98 = tpu.vector_load %arg10[%get3A_96, %get3A_97] {strides = array<i32>} : memref<3x128xf32, #tpu.memory_space<vmem>>, vector<1x16xf32>,
    %get3A_99 = vector.shape_cast %get3A_98 : vector<1x16xf32> to vector<16xf32>
    %add3A_100 = arith.addf %get3A_95, %get3A_99 : vector<16xf32>
    %get3A_101 = arith.index_cast %select_n3A_65 : i32 to index
    %get3A_102 = arith.constant 64 : index
    %get3A_103 = tpu.vector_load %arg8[%get3A_101, %get3A_102] {strides = array<i32>} : memref<32x128xf32, #tpu.memory_space<vmem>>, vector<1x16xf32>,
    %get3A_104 = vector.shape_cast %get3A_103 : vector<1x16xf32> to vector<16xf32>
    %get3A_105 = arith.index_cast %select_n3A : i32 to index
    %get3A_106 = arith.constant 64 : index
    %get3A_107 = tpu.vector_load %arg10[%get3A_105, %get3A_106] {strides = array<i32>} : memref<3x128xf32, #tpu.memory_space<vmem>>, vector<1x16xf32>,
    %get3A_108 = vector.shape_cast %get3A_107 : vector<1x16xf32> to vector<16xf32>
    %add3A_109 = arith.addf %get3A_104, %get3A_108 : vector<16xf32>
    %get3A_110 = arith.index_cast %select_n3A_65 : i32 to index
    %get3A_111 = arith.constant 80 : index
    %get3A_112 = tpu.vector_load %arg8[%get3A_110, %get3A_111] {strides = array<i32>} : memref<32x128xf32, #tpu.memory_space<vmem>>, vector<1x16xf32>,
    %get3A_113 = vector.shape_cast %get3A_112 : vector<1x16xf32> to vector<16xf32>
    %get3A_114 = arith.index_cast %select_n3A : i32 to index
    %get3A_115 = arith.constant 80 : index
    %get3A_116 = tpu.vector_load %arg10[%get3A_114, %get3A_115] {strides = array<i32>} : memref<3x128xf32, #tpu.memory_space<vmem>>, vector<1x16xf32>,
    %get3A_117 = vector.shape_cast %get3A_116 : vector<1x16xf32> to vector<16xf32>
    %add3A_118 = arith.addf %get3A_113, %get3A_117 : vector<16xf32>
    %get3A_119 = arith.index_cast %select_n3A_65 : i32 to index
    %get3A_120 = arith.constant 96 : index
    %get3A_121 = tpu.vector_load %arg8[%get3A_119, %get3A_120] {strides = array<i32>} : memref<32x128xf32, #tpu.memory_space<vmem>>, vector<1x16xf32>,
    %get3A_122 = vector.shape_cast %get3A_121 : vector<1x16xf32> to vector<16xf32>
    %get3A_123 = arith.index_cast %select_n3A : i32 to index
    %get3A_124 = arith.constant 96 : index
    %get3A_125 = tpu.vector_load %arg10[%get3A_123, %get3A_124] {strides = array<i32>} : memref<3x128xf32, #tpu.memory_space<vmem>>, vector<1x16xf32>,
    %get3A_126 = vector.shape_cast %get3A_125 : vector<1x16xf32> to vector<16xf32>
    %add3A_127 = arith.addf %get3A_122, %get3A_126 : vector<16xf32>
    %get3A_128 = arith.index_cast %select_n3A_65 : i32 to index
    %get3A_129 = arith.constant 112 : index
    %get3A_130 = tpu.vector_load %arg8[%get3A_128, %get3A_129] {strides = array<i32>} : memref<32x128xf32, #tpu.memory_space<vmem>>, vector<1x16xf32>,
    %get3A_131 = vector.shape_cast %get3A_130 : vector<1x16xf32> to vector<16xf32>
    %get3A_132 = arith.index_cast %select_n3A : i32 to index
    %get3A_133 = arith.constant 112 : index
    %get3A_134 = tpu.vector_load %arg10[%get3A_132, %get3A_133] {strides = array<i32>} : memref<3x128xf32, #tpu.memory_space<vmem>>, vector<1x16xf32>,
    %get3A_135 = vector.shape_cast %get3A_134 : vector<1x16xf32> to vector<16xf32>
    %add3A_136 = arith.addf %get3A_131, %get3A_135 : vector<16xf32>
    %scan3A = arith.constant 0 : i32
    %scan3A_137 = arith.constant 0 : i32
    %scan3A_138 = arith.constant 32 : i32
    %scan3A_139 = arith.addi %scan3A_137, %scan3A_138 : i32
    %scan3A_140 = arith.constant 1 : i32
    scf.for %scan3A_2593 = %scan3A_137 to %scan3A_139 step %scan3A_140  : i32 {
      %get3A_2594 = arith.index_cast %scan3A_2593 : i32 to index
      %get3A_2595 = arith.constant 0 : index
      %get3A_2596 = tpu.vector_load %arg9[%get3A_2594, %get3A_2595] {strides = array<i32>} : memref<32x128xf32, #tpu.memory_space<vmem>>, vector<1x16xf32>,
      %get3A_2597 = vector.shape_cast %get3A_2596 : vector<1x16xf32> to vector<16xf32>
      %add3A_2598 = arith.addf %get3A_2597, %add3A_73 : vector<16xf32>
      %add3A_2599 = arith.constant 0 : i32
      %add3A_2600 = arith.addi %add3A_2599, %scan3A_2593 : i32
      %swap3A = arith.index_cast %add3A_2600 : i32 to index
      %swap3A_2601 = arith.constant 0 : index
      %swap3A_2602 = tpu.vector_load %arg11[%swap3A, %swap3A_2601] {strides = array<i32>} : memref<192x128xf32, #tpu.memory_space<vmem>>, vector<1x16xf32>,
      %swap3A_2603 = vector.shape_cast %swap3A_2602 : vector<1x16xf32> to vector<16xf32>
      %swap3A_2604 = vector.shape_cast %add3A_2598 : vector<16xf32> to vector<1x16xf32>
      tpu.vector_store %arg11[%swap3A, %swap3A_2601], %swap3A_2604 {strides = array<i32>} : memref<192x128xf32, #tpu.memory_space<vmem>>, vector<1x16xf32>,
      %get3A_2605 = arith.index_cast %scan3A_2593 : i32 to index
      %get3A_2606 = arith.constant 16 : index
      %get3A_2607 = tpu.vector_load %arg9[%get3A_2605, %get3A_2606] {strides = array<i32>} : memref<32x128xf32, #tpu.memory_space<vmem>>, vector<1x16xf32>,
      %get3A_2608 = vector.shape_cast %get3A_2607 : vector<1x16xf32> to vector<16xf32>
      %add3A_2609 = arith.addf %get3A_2608, %add3A_82 : vector<16xf32>
      %add3A_2610 = arith.constant 0 : i32
      %add3A_2611 = arith.addi %add3A_2610, %scan3A_2593 : i32
      %swap3A_2612 = arith.index_cast %add3A_2611 : i32 to index
      %swap3A_2613 = arith.constant 16 : index
      %swap3A_2614 = tpu.vector_load %arg11[%swap3A_2612, %swap3A_2613] {strides = array<i32>} : memref<192x128xf32, #tpu.memory_space<vmem>>, vector<1x16xf32>,
      %swap3A_2615 = vector.shape_cast %swap3A_2614 : vector<1x16xf32> to vector<16xf32>
      %swap3A_2616 = vector.shape_cast %add3A_2609 : vector<16xf32> to vector<1x16xf32>
      tpu.vector_store %arg11[%swap3A_2612, %swap3A_2613], %swap3A_2616 {strides = array<i32>} : memref<192x128xf32, #tpu.memory_space<vmem>>, vector<1x16xf32>,
      %get3A_2617 = arith.index_cast %scan3A_2593 : i32 to index
      %get3A_2618 = arith.constant 32 : index
      %get3A_2619 = tpu.vector_load %arg9[%get3A_2617, %get3A_2618] {strides = array<i32>} : memref<32x128xf32, #tpu.memory_space<vmem>>, vector<1x16xf32>,
      %get3A_2620 = vector.shape_cast %get3A_2619 : vector<1x16xf32> to vector<16xf32>
      %add3A_2621 = arith.addf %get3A_2620, %add3A_91 : vector<16xf32>
      %add3A_2622 = arith.constant 0 : i32
      %add3A_2623 = arith.addi %add3A_2622, %scan3A_2593 : i32
      %swap3A_2624 = arith.index_cast %add3A_2623 : i32 to index
      %swap3A_2625 = arith.constant 32 : index
      %swap3A_2626 = tpu.vector_load %arg11[%swap3A_2624, %swap3A_2625] {strides = array<i32>} : memref<192x128xf32, #tpu.memory_space<vmem>>, vector<1x16xf32>,
      %swap3A_2627 = vector.shape_cast %swap3A_2626 : vector<1x16xf32> to vector<16xf32>
      %swap3A_2628 = vector.shape_cast %add3A_2621 : vector<16xf32> to vector<1x16xf32>
      tpu.vector_store %arg11[%swap3A_2624, %swap3A_2625], %swap3A_2628 {strides = array<i32>} : memref<192x128xf32, #tpu.memory_space<vmem>>, vector<1x16xf32>,
      %get3A_2629 = arith.index_cast %scan3A_2593 : i32 to index
      %get3A_2630 = arith.constant 48 : index
      %get3A_2631 = tpu.vector_load %arg9[%get3A_2629, %get3A_2630] {strides = array<i32>} : memref<32x128xf32, #tpu.memory_space<vmem>>, vector<1x16xf32>,
      %get3A_2632 = vector.shape_cast %get3A_2631 : vector<1x16xf32> to vector<16xf32>
      %add3A_2633 = arith.addf %get3A_2632, %add3A_100 : vector<16xf32>
      %add3A_2634 = arith.constant 0 : i32
      %add3A_2635 = arith.addi %add3A_2634, %scan3A_2593 : i32
      %swap3A_2636 = arith.index_cast %add3A_2635 : i32 to index
      %swap3A_2637 = arith.constant 48 : index
      %swap3A_2638 = tpu.vector_load %arg11[%swap3A_2636, %swap3A_2637] {strides = array<i32>} : memref<192x128xf32, #tpu.memory_space<vmem>>, vector<1x16xf32>,
      %swap3A_2639 = vector.shape_cast %swap3A_2638 : vector<1x16xf32> to vector<16xf32>
      %swap3A_2640 = vector.shape_cast %add3A_2633 : vector<16xf32> to vector<1x16xf32>
      tpu.vector_store %arg11[%swap3A_2636, %swap3A_2637], %swap3A_2640 {strides = array<i32>} : memref<192x128xf32, #tpu.memory_space<vmem>>, vector<1x16xf32>,
      %get3A_2641 = arith.index_cast %scan3A_2593 : i32 to index
      %get3A_2642 = arith.constant 64 : index
      %get3A_2643 = tpu.vector_load %arg9[%get3A_2641, %get3A_2642] {strides = array<i32>} : memref<32x128xf32, #tpu.memory_space<vmem>>, vector<1x16xf32>,
      %get3A_2644 = vector.shape_cast %get3A_2643 : vector<1x16xf32> to vector<16xf32>
      %add3A_2645 = arith.addf %get3A_2644, %add3A_109 : vector<16xf32>
      %add3A_2646 = arith.constant 0 : i32
      %add3A_2647 = arith.addi %add3A_2646, %scan3A_2593 : i32
      %swap3A_2648 = arith.index_cast %add3A_2647 : i32 to index
      %swap3A_2649 = arith.constant 64 : index
      %swap3A_2650 = tpu.vector_load %arg11[%swap3A_2648, %swap3A_2649] {strides = array<i32>} : memref<192x128xf32, #tpu.memory_space<vmem>>, vector<1x16xf32>,
      %swap3A_2651 = vector.shape_cast %swap3A_2650 : vector<1x16xf32> to vector<16xf32>
      %swap3A_2652 = vector.shape_cast %add3A_2645 : vector<16xf32> to vector<1x16xf32>
      tpu.vector_store %arg11[%swap3A_2648, %swap3A_2649], %swap3A_2652 {strides = array<i32>} : memref<192x128xf32, #tpu.memory_space<vmem>>, vector<1x16xf32>,
      %get3A_2653 = arith.index_cast %scan3A_2593 : i32 to index
      %get3A_2654 = arith.constant 80 : index
      %get3A_2655 = tpu.vector_load %arg9[%get3A_2653, %get3A_2654] {strides = array<i32>} : memref<32x128xf32, #tpu.memory_space<vmem>>, vector<1x16xf32>,
      %get3A_2656 = vector.shape_cast %get3A_2655 : vector<1x16xf32> to vector<16xf32>
      %add3A_2657 = arith.addf %get3A_2656, %add3A_118 : vector<16xf32>
      %add3A_2658 = arith.constant 0 : i32
      %add3A_2659 = arith.addi %add3A_2658, %scan3A_2593 : i32
      %swap3A_2660 = arith.index_cast %add3A_2659 : i32 to index
      %swap3A_2661 = arith.constant 80 : index
      %swap3A_2662 = tpu.vector_load %arg11[%swap3A_2660, %swap3A_2661] {strides = array<i32>} : memref<192x128xf32, #tpu.memory_space<vmem>>, vector<1x16xf32>,
      %swap3A_2663 = vector.shape_cast %swap3A_2662 : vector<1x16xf32> to vector<16xf32>
      %swap3A_2664 = vector.shape_cast %add3A_2657 : vector<16xf32> to vector<1x16xf32>
      tpu.vector_store %arg11[%swap3A_2660, %swap3A_2661], %swap3A_2664 {strides = array<i32>} : memref<192x128xf32, #tpu.memory_space<vmem>>, vector<1x16xf32>,
      %get3A_2665 = arith.index_cast %scan3A_2593 : i32 to index
      %get3A_2666 = arith.constant 96 : index
      %get3A_2667 = tpu.vector_load %arg9[%get3A_2665, %get3A_2666] {strides = array<i32>} : memref<32x128xf32, #tpu.memory_space<vmem>>, vector<1x16xf32>,
      %get3A_2668 = vector.shape_cast %get3A_2667 : vector<1x16xf32> to vector<16xf32>
      %add3A_2669 = arith.addf %get3A_2668, %add3A_127 : vector<16xf32>
      %add3A_2670 = arith.constant 0 : i32
      %add3A_2671 = arith.addi %add3A_2670, %scan3A_2593 : i32
      %swap3A_2672 = arith.index_cast %add3A_2671 : i32 to index
      %swap3A_2673 = arith.constant 96 : index
      %swap3A_2674 = tpu.vector_load %arg11[%swap3A_2672, %swap3A_2673] {strides = array<i32>} : memref<192x128xf32, #tpu.memory_space<vmem>>, vector<1x16xf32>,
      %swap3A_2675 = vector.shape_cast %swap3A_2674 : vector<1x16xf32> to vector<16xf32>
      %swap3A_2676 = vector.shape_cast %add3A_2669 : vector<16xf32> to vector<1x16xf32>
      tpu.vector_store %arg11[%swap3A_2672, %swap3A_2673], %swap3A_2676 {strides = array<i32>} : memref<192x128xf32, #tpu.memory_space<vmem>>, vector<1x16xf32>,
      %get3A_2677 = arith.index_cast %scan3A_2593 : i32 to index
      %get3A_2678 = arith.constant 112 : index
      %get3A_2679 = tpu.vector_load %arg9[%get3A_2677, %get3A_2678] {strides = array<i32>} : memref<32x128xf32, #tpu.memory_space<vmem>>, vector<1x16xf32>,
      %get3A_2680 = vector.shape_cast %get3A_2679 : vector<1x16xf32> to vector<16xf32>
      %add3A_2681 = arith.addf %get3A_2680, %add3A_136 : vector<16xf32>
      %add3A_2682 = arith.constant 0 : i32
      %add3A_2683 = arith.addi %add3A_2682, %scan3A_2593 : i32
      %swap3A_2684 = arith.index_cast %add3A_2683 : i32 to index
      %swap3A_2685 = arith.constant 112 : index
      %swap3A_2686 = tpu.vector_load %arg11[%swap3A_2684, %swap3A_2685] {strides = array<i32>} : memref<192x128xf32, #tpu.memory_space<vmem>>, vector<1x16xf32>,
      %swap3A_2687 = vector.shape_cast %swap3A_2686 : vector<1x16xf32> to vector<16xf32>
      %swap3A_2688 = vector.shape_cast %add3A_2681 : vector<16xf32> to vector<1x16xf32>
      tpu.vector_store %arg11[%swap3A_2684, %swap3A_2685], %swap3A_2688 {strides = array<i32>} : memref<192x128xf32, #tpu.memory_space<vmem>>, vector<1x16xf32>,
    }
    %scan3A_141 = arith.constant 32 : i32
    %add3A_142 = arith.constant 32 : i32
    %add3A_143 = arith.addi %mul3A_9, %add3A_142 : i32
    %jit3A_144 = arith.constant 1024 : i32
    %div3A_145 = arith.divsi %add3A_143, %jit3A_144 : i32
    %sign3A_146 = arith.constant 0 : i32
    %sign3A_147 = arith.cmpi sgt, %add3A_143, %sign3A_146 : i32
    %sign3A_148 = arith.extui %sign3A_147 : i1 to i32
    %sign3A_149 = arith.constant 0 : i32
    %sign3A_150 = arith.cmpi slt, %add3A_143, %sign3A_149 : i32
    %sign3A_151 = arith.extui %sign3A_150 : i1 to i32
    %sign3A_152 = arith.subi %sign3A_148, %sign3A_151 : i32
    %sign3A_153 = arith.constant 0 : i32
    %sign3A_154 = arith.cmpi sgt, %jit3A_144, %sign3A_153 : i32
    %sign3A_155 = arith.extui %sign3A_154 : i1 to i32
    %sign3A_156 = arith.constant 0 : i32
    %sign3A_157 = arith.cmpi slt, %jit3A_144, %sign3A_156 : i32
    %sign3A_158 = arith.extui %sign3A_157 : i1 to i32
    %sign3A_159 = arith.subi %sign3A_155, %sign3A_158 : i32
    %ne3A_160 = arith.cmpi ne, %sign3A_152, %sign3A_159 : i32
    %rem3A_161 = arith.remsi %add3A_143, %jit3A_144 : i32
    %ne3A_162 = arith.constant 0 : i32
    %ne3A_163 = arith.cmpi ne, %rem3A_161, %ne3A_162 : i32
    %and3A_164 = arith.andi %ne3A_160, %ne3A_163 : i1
    %sub3A_165 = arith.constant 1 : i32
    %sub3A_166 = arith.subi %div3A_145, %sub3A_165 : i32
    %select_n3A_167 = arith.select %and3A_164, %sub3A_166, %div3A_145 : i32
    %jit3A_168 = arith.constant 1024 : i32
    %eq3A_169 = arith.constant 0 : i32
    %eq3A_170 = arith.cmpi eq, %jit3A_168, %eq3A_169 : i32
    %jit3A_171 = arith.constant 1 : i32
    %select_n3A_172 = arith.select %eq3A_170, %jit3A_171, %jit3A_168 : i32
    %rem3A_173 = arith.remsi %add3A_143, %select_n3A_172 : i32
    %ne3A_174 = arith.constant 0 : i32
    %ne3A_175 = arith.cmpi ne, %rem3A_173, %ne3A_174 : i32
    %lt3A_176 = arith.constant 0 : i32
    %lt3A_177 = arith.cmpi slt, %rem3A_173, %lt3A_176 : i32
    %lt3A_178 = arith.constant 0 : i32
    %lt3A_179 = arith.cmpi slt, %select_n3A_172, %lt3A_178 : i32
    %ne3A_180 = arith.xori %lt3A_177, %lt3A_179 : i1
    %and3A_181 = arith.andi %ne3A_180, %ne3A_175 : i1
    %add3A_182 = arith.addi %rem3A_173, %select_n3A_172 : i32
    %select_n3A_183 = arith.select %and3A_181, %add3A_182, %rem3A_173 : i32
    %jit3A_184 = arith.constant 32 : i32
    %div3A_185 = arith.divsi %select_n3A_183, %jit3A_184 : i32
    %sign3A_186 = arith.constant 0 : i32
    %sign3A_187 = arith.cmpi sgt, %select_n3A_183, %sign3A_186 : i32
    %sign3A_188 = arith.extui %sign3A_187 : i1 to i32
    %sign3A_189 = arith.constant 0 : i32
    %sign3A_190 = arith.cmpi slt, %select_n3A_183, %sign3A_189 : i32
    %sign3A_191 = arith.extui %sign3A_190 : i1 to i32
    %sign3A_192 = arith.subi %sign3A_188, %sign3A_191 : i32
    %sign3A_193 = arith.constant 0 : i32
    %sign3A_194 = arith.cmpi sgt, %jit3A_184, %sign3A_193 : i32
    %sign3A_195 = arith.extui %sign3A_194 : i1 to i32
    %sign3A_196 = arith.constant 0 : i32
    %sign3A_197 = arith.cmpi slt, %jit3A_184, %sign3A_196 : i32
    %sign3A_198 = arith.extui %sign3A_197 : i1 to i32
    %sign3A_199 = arith.subi %sign3A_195, %sign3A_198 : i32
    %ne3A_200 = arith.cmpi ne, %sign3A_192, %sign3A_199 : i32
    %rem3A_201 = arith.remsi %select_n3A_183, %jit3A_184 : i32
    %ne3A_202 = arith.constant 0 : i32
    %ne3A_203 = arith.cmpi ne, %rem3A_201, %ne3A_202 : i32
    %and3A_204 = arith.andi %ne3A_200, %ne3A_203 : i1
    %sub3A_205 = arith.constant 1 : i32
    %sub3A_206 = arith.subi %div3A_185, %sub3A_205 : i32
    %select_n3A_207 = arith.select %and3A_204, %sub3A_206, %div3A_185 : i32
    %get3A_208 = arith.index_cast %select_n3A_207 : i32 to index
    %get3A_209 = arith.constant 0 : index
    %get3A_210 = tpu.vector_load %arg8[%get3A_208, %get3A_209] {strides = array<i32>} : memref<32x128xf32, #tpu.memory_space<vmem>>, vector<1x16xf32>,
    %get3A_211 = vector.shape_cast %get3A_210 : vector<1x16xf32> to vector<16xf32>
    %get3A_212 = arith.index_cast %select_n3A_167 : i32 to index
    %get3A_213 = arith.constant 0 : index
    %get3A_214 = tpu.vector_load %arg10[%get3A_212, %get3A_213] {strides = array<i32>} : memref<3x128xf32, #tpu.memory_space<vmem>>, vector<1x16xf32>,
    %get3A_215 = vector.shape_cast %get3A_214 : vector<1x16xf32> to vector<16xf32>
    %add3A_216 = arith.addf %get3A_211, %get3A_215 : vector<16xf32>
    %get3A_217 = arith.index_cast %select_n3A_207 : i32 to index
    %get3A_218 = arith.constant 16 : index
    %get3A_219 = tpu.vector_load %arg8[%get3A_217, %get3A_218] {strides = array<i32>} : memref<32x128xf32, #tpu.memory_space<vmem>>, vector<1x16xf32>,
    %get3A_220 = vector.shape_cast %get3A_219 : vector<1x16xf32> to vector<16xf32>
    %get3A_221 = arith.index_cast %select_n3A_167 : i32 to index
    %get3A_222 = arith.constant 16 : index
    %get3A_223 = tpu.vector_load %arg10[%get3A_221, %get3A_222] {strides = array<i32>} : memref<3x128xf32, #tpu.memory_space<vmem>>, vector<1x16xf32>,
    %get3A_224 = vector.shape_cast %get3A_223 : vector<1x16xf32> to vector<16xf32>
    %add3A_225 = arith.addf %get3A_220, %get3A_224 : vector<16xf32>
    %get3A_226 = arith.index_cast %select_n3A_207 : i32 to index
    %get3A_227 = arith.constant 32 : index
    %get3A_228 = tpu.vector_load %arg8[%get3A_226, %get3A_227] {strides = array<i32>} : memref<32x128xf32, #tpu.memory_space<vmem>>, vector<1x16xf32>,
    %get3A_229 = vector.shape_cast %get3A_228 : vector<1x16xf32> to vector<16xf32>
    %get3A_230 = arith.index_cast %select_n3A_167 : i32 to index
    %get3A_231 = arith.constant 32 : index
    %get3A_232 = tpu.vector_load %arg10[%get3A_230, %get3A_231] {strides = array<i32>} : memref<3x128xf32, #tpu.memory_space<vmem>>, vector<1x16xf32>,
    %get3A_233 = vector.shape_cast %get3A_232 : vector<1x16xf32> to vector<16xf32>
    %add3A_234 = arith.addf %get3A_229, %get3A_233 : vector<16xf32>
    %get3A_235 = arith.index_cast %select_n3A_207 : i32 to index
    %get3A_236 = arith.constant 48 : index
    %get3A_237 = tpu.vector_load %arg8[%get3A_235, %get3A_236] {strides = array<i32>} : memref<32x128xf32, #tpu.memory_space<vmem>>, vector<1x16xf32>,
    %get3A_238 = vector.shape_cast %get3A_237 : vector<1x16xf32> to vector<16xf32>
    %get3A_239 = arith.index_cast %select_n3A_167 : i32 to index
    %get3A_240 = arith.constant 48 : index
    %get3A_241 = tpu.vector_load %arg10[%get3A_239, %get3A_240] {strides = array<i32>} : memref<3x128xf32, #tpu.memory_space<vmem>>, vector<1x16xf32>,
    %get3A_242 = vector.shape_cast %get3A_241 : vector<1x16xf32> to vector<16xf32>
    %add3A_243 = arith.addf %get3A_238, %get3A_242 : vector<16xf32>
    %get3A_244 = arith.index_cast %select_n3A_207 : i32 to index
    %get3A_245 = arith.constant 64 : index
    %get3A_246 = tpu.vector_load %arg8[%get3A_244, %get3A_245] {strides = array<i32>} : memref<32x128xf32, #tpu.memory_space<vmem>>, vector<1x16xf32>,
    %get3A_247 = vector.shape_cast %get3A_246 : vector<1x16xf32> to vector<16xf32>
    %get3A_248 = arith.index_cast %select_n3A_167 : i32 to index
    %get3A_249 = arith.constant 64 : index
    %get3A_250 = tpu.vector_load %arg10[%get3A_248, %get3A_249] {strides = array<i32>} : memref<3x128xf32, #tpu.memory_space<vmem>>, vector<1x16xf32>,
    %get3A_251 = vector.shape_cast %get3A_250 : vector<1x16xf32> to vector<16xf32>
    %add3A_252 = arith.addf %get3A_247, %get3A_251 : vector<16xf32>
    %get3A_253 = arith.index_cast %select_n3A_207 : i32 to index
    %get3A_254 = arith.constant 80 : index
    %get3A_255 = tpu.vector_load %arg8[%get3A_253, %get3A_254] {strides = array<i32>} : memref<32x128xf32, #tpu.memory_space<vmem>>, vector<1x16xf32>,
    %get3A_256 = vector.shape_cast %get3A_255 : vector<1x16xf32> to vector<16xf32>
    %get3A_257 = arith.index_cast %select_n3A_167 : i32 to index
    %get3A_258 = arith.constant 80 : index
    %get3A_259 = tpu.vector_load %arg10[%get3A_257, %get3A_258] {strides = array<i32>} : memref<3x128xf32, #tpu.memory_space<vmem>>, vector<1x16xf32>,
    %get3A_260 = vector.shape_cast %get3A_259 : vector<1x16xf32> to vector<16xf32>
    %add3A_261 = arith.addf %get3A_256, %get3A_260 : vector<16xf32>
    %get3A_262 = arith.index_cast %select_n3A_207 : i32 to index
    %get3A_263 = arith.constant 96 : index
    %get3A_264 = tpu.vector_load %arg8[%get3A_262, %get3A_263] {strides = array<i32>} : memref<32x128xf32, #tpu.memory_space<vmem>>, vector<1x16xf32>,
    %get3A_265 = vector.shape_cast %get3A_264 : vector<1x16xf32> to vector<16xf32>
    %get3A_266 = arith.index_cast %select_n3A_167 : i32 to index
    %get3A_267 = arith.constant 96 : index
    %get3A_268 = tpu.vector_load %arg10[%get3A_266, %get3A_267] {strides = array<i32>} : memref<3x128xf32, #tpu.memory_space<vmem>>, vector<1x16xf32>,
    %get3A_269 = vector.shape_cast %get3A_268 : vector<1x16xf32> to vector<16xf32>
    %add3A_270 = arith.addf %get3A_265, %get3A_269 : vector<16xf32>
    %get3A_271 = arith.index_cast %select_n3A_207 : i32 to index
    %get3A_272 = arith.constant 112 : index
    %get3A_273 = tpu.vector_load %arg8[%get3A_271, %get3A_272] {strides = array<i32>} : memref<32x128xf32, #tpu.memory_space<vmem>>, vector<1x16xf32>,
    %get3A_274 = vector.shape_cast %get3A_273 : vector<1x16xf32> to vector<16xf32>
    %get3A_275 = arith.index_cast %select_n3A_167 : i32 to index
    %get3A_276 = arith.constant 112 : index
    %get3A_277 = tpu.vector_load %arg10[%get3A_275, %get3A_276] {strides = array<i32>} : memref<3x128xf32, #tpu.memory_space<vmem>>, vector<1x16xf32>,
    %get3A_278 = vector.shape_cast %get3A_277 : vector<1x16xf32> to vector<16xf32>
    %add3A_279 = arith.addf %get3A_274, %get3A_278 : vector<16xf32>
    %scan3A_280 = arith.constant 0 : i32
    %scan3A_281 = arith.constant 0 : i32
    %scan3A_282 = arith.constant 32 : i32
    %scan3A_283 = arith.addi %scan3A_281, %scan3A_282 : i32
    %scan3A_284 = arith.constant 1 : i32
    scf.for %scan3A_2593 = %scan3A_281 to %scan3A_283 step %scan3A_284  : i32 {
      %get3A_2594 = arith.index_cast %scan3A_2593 : i32 to index
      %get3A_2595 = arith.constant 0 : index
      %get3A_2596 = tpu.vector_load %arg9[%get3A_2594, %get3A_2595] {strides = array<i32>} : memref<32x128xf32, #tpu.memory_space<vmem>>, vector<1x16xf32>,
      %get3A_2597 = vector.shape_cast %get3A_2596 : vector<1x16xf32> to vector<16xf32>
      %add3A_2598 = arith.addf %get3A_2597, %add3A_216 : vector<16xf32>
      %add3A_2599 = arith.constant 32 : i32
      %add3A_2600 = arith.addi %add3A_2599, %scan3A_2593 : i32
      %swap3A = arith.index_cast %add3A_2600 : i32 to index
      %swap3A_2601 = arith.constant 0 : index
      %swap3A_2602 = tpu.vector_load %arg11[%swap3A, %swap3A_2601] {strides = array<i32>} : memref<192x128xf32, #tpu.memory_space<vmem>>, vector<1x16xf32>,
      %swap3A_2603 = vector.shape_cast %swap3A_2602 : vector<1x16xf32> to vector<16xf32>
      %swap3A_2604 = vector.shape_cast %add3A_2598 : vector<16xf32> to vector<1x16xf32>
      tpu.vector_store %arg11[%swap3A, %swap3A_2601], %swap3A_2604 {strides = array<i32>} : memref<192x128xf32, #tpu.memory_space<vmem>>, vector<1x16xf32>,
      %get3A_2605 = arith.index_cast %scan3A_2593 : i32 to index
      %get3A_2606 = arith.constant 16 : index
      %get3A_2607 = tpu.vector_load %arg9[%get3A_2605, %get3A_2606] {strides = array<i32>} : memref<32x128xf32, #tpu.memory_space<vmem>>, vector<1x16xf32>,
      %get3A_2608 = vector.shape_cast %get3A_2607 : vector<1x16xf32> to vector<16xf32>
      %add3A_2609 = arith.addf %get3A_2608, %add3A_225 : vector<16xf32>
      %add3A_2610 = arith.constant 32 : i32
      %add3A_2611 = arith.addi %add3A_2610, %scan3A_2593 : i32
      %swap3A_2612 = arith.index_cast %add3A_2611 : i32 to index
      %swap3A_2613 = arith.constant 16 : index
      %swap3A_2614 = tpu.vector_load %arg11[%swap3A_2612, %swap3A_2613] {strides = array<i32>} : memref<192x128xf32, #tpu.memory_space<vmem>>, vector<1x16xf32>,
      %swap3A_2615 = vector.shape_cast %swap3A_2614 : vector<1x16xf32> to vector<16xf32>
      %swap3A_2616 = vector.shape_cast %add3A_2609 : vector<16xf32> to vector<1x16xf32>
      tpu.vector_store %arg11[%swap3A_2612, %swap3A_2613], %swap3A_2616 {strides = array<i32>} : memref<192x128xf32, #tpu.memory_space<vmem>>, vector<1x16xf32>,
      %get3A_2617 = arith.index_cast %scan3A_2593 : i32 to index
      %get3A_2618 = arith.constant 32 : index
      %get3A_2619 = tpu.vector_load %arg9[%get3A_2617, %get3A_2618] {strides = array<i32>} : memref<32x128xf32, #tpu.memory_space<vmem>>, vector<1x16xf32>,
      %get3A_2620 = vector.shape_cast %get3A_2619 : vector<1x16xf32> to vector<16xf32>
      %add3A_2621 = arith.addf %get3A_2620, %add3A_234 : vector<16xf32>
      %add3A_2622 = arith.constant 32 : i32
      %add3A_2623 = arith.addi %add3A_2622, %scan3A_2593 : i32
      %swap3A_2624 = arith.index_cast %add3A_2623 : i32 to index
      %swap3A_2625 = arith.constant 32 : index
      %swap3A_2626 = tpu.vector_load %arg11[%swap3A_2624, %swap3A_2625] {strides = array<i32>} : memref<192x128xf32, #tpu.memory_space<vmem>>, vector<1x16xf32>,
      %swap3A_2627 = vector.shape_cast %swap3A_2626 : vector<1x16xf32> to vector<16xf32>
      %swap3A_2628 = vector.shape_cast %add3A_2621 : vector<16xf32> to vector<1x16xf32>
      tpu.vector_store %arg11[%swap3A_2624, %swap3A_2625], %swap3A_2628 {strides = array<i32>} : memref<192x128xf32, #tpu.memory_space<vmem>>, vector<1x16xf32>,
      %get3A_2629 = arith.index_cast %scan3A_2593 : i32 to index
      %get3A_2630 = arith.constant 48 : index
      %get3A_2631 = tpu.vector_load %arg9[%get3A_2629, %get3A_2630] {strides = array<i32>} : memref<32x128xf32, #tpu.memory_space<vmem>>, vector<1x16xf32>,
      %get3A_2632 = vector.shape_cast %get3A_2631 : vector<1x16xf32> to vector<16xf32>
      %add3A_2633 = arith.addf %get3A_2632, %add3A_243 : vector<16xf32>
      %add3A_2634 = arith.constant 32 : i32
      %add3A_2635 = arith.addi %add3A_2634, %scan3A_2593 : i32
      %swap3A_2636 = arith.index_cast %add3A_2635 : i32 to index
      %swap3A_2637 = arith.constant 48 : index
      %swap3A_2638 = tpu.vector_load %arg11[%swap3A_2636, %swap3A_2637] {strides = array<i32>} : memref<192x128xf32, #tpu.memory_space<vmem>>, vector<1x16xf32>,
      %swap3A_2639 = vector.shape_cast %swap3A_2638 : vector<1x16xf32> to vector<16xf32>
      %swap3A_2640 = vector.shape_cast %add3A_2633 : vector<16xf32> to vector<1x16xf32>
      tpu.vector_store %arg11[%swap3A_2636, %swap3A_2637], %swap3A_2640 {strides = array<i32>} : memref<192x128xf32, #tpu.memory_space<vmem>>, vector<1x16xf32>,
      %get3A_2641 = arith.index_cast %scan3A_2593 : i32 to index
      %get3A_2642 = arith.constant 64 : index
      %get3A_2643 = tpu.vector_load %arg9[%get3A_2641, %get3A_2642] {strides = array<i32>} : memref<32x128xf32, #tpu.memory_space<vmem>>, vector<1x16xf32>,
      %get3A_2644 = vector.shape_cast %get3A_2643 : vector<1x16xf32> to vector<16xf32>
      %add3A_2645 = arith.addf %get3A_2644, %add3A_252 : vector<16xf32>
      %add3A_2646 = arith.constant 32 : i32
      %add3A_2647 = arith.addi %add3A_2646, %scan3A_2593 : i32
      %swap3A_2648 = arith.index_cast %add3A_2647 : i32 to index
      %swap3A_2649 = arith.constant 64 : index
      %swap3A_2650 = tpu.vector_load %arg11[%swap3A_2648, %swap3A_2649] {strides = array<i32>} : memref<192x128xf32, #tpu.memory_space<vmem>>, vector<1x16xf32>,
      %swap3A_2651 = vector.shape_cast %swap3A_2650 : vector<1x16xf32> to vector<16xf32>
      %swap3A_2652 = vector.shape_cast %add3A_2645 : vector<16xf32> to vector<1x16xf32>
      tpu.vector_store %arg11[%swap3A_2648, %swap3A_2649], %swap3A_2652 {strides = array<i32>} : memref<192x128xf32, #tpu.memory_space<vmem>>, vector<1x16xf32>,
      %get3A_2653 = arith.index_cast %scan3A_2593 : i32 to index
      %get3A_2654 = arith.constant 80 : index
      %get3A_2655 = tpu.vector_load %arg9[%get3A_2653, %get3A_2654] {strides = array<i32>} : memref<32x128xf32, #tpu.memory_space<vmem>>, vector<1x16xf32>,
      %get3A_2656 = vector.shape_cast %get3A_2655 : vector<1x16xf32> to vector<16xf32>
      %add3A_2657 = arith.addf %get3A_2656, %add3A_261 : vector<16xf32>
      %add3A_2658 = arith.constant 32 : i32
      %add3A_2659 = arith.addi %add3A_2658, %scan3A_2593 : i32
      %swap3A_2660 = arith.index_cast %add3A_2659 : i32 to index
      %swap3A_2661 = arith.constant 80 : index
      %swap3A_2662 = tpu.vector_load %arg11[%swap3A_2660, %swap3A_2661] {strides = array<i32>} : memref<192x128xf32, #tpu.memory_space<vmem>>, vector<1x16xf32>,
      %swap3A_2663 = vector.shape_cast %swap3A_2662 : vector<1x16xf32> to vector<16xf32>
      %swap3A_2664 = vector.shape_cast %add3A_2657 : vector<16xf32> to vector<1x16xf32>
      tpu.vector_store %arg11[%swap3A_2660, %swap3A_2661], %swap3A_2664 {strides = array<i32>} : memref<192x128xf32, #tpu.memory_space<vmem>>, vector<1x16xf32>,
      %get3A_2665 = arith.index_cast %scan3A_2593 : i32 to index
      %get3A_2666 = arith.constant 96 : index
      %get3A_2667 = tpu.vector_load %arg9[%get3A_2665, %get3A_2666] {strides = array<i32>} : memref<32x128xf32, #tpu.memory_space<vmem>>, vector<1x16xf32>,
      %get3A_2668 = vector.shape_cast %get3A_2667 : vector<1x16xf32> to vector<16xf32>
      %add3A_2669 = arith.addf %get3A_2668, %add3A_270 : vector<16xf32>
      %add3A_2670 = arith.constant 32 : i32
      %add3A_2671 = arith.addi %add3A_2670, %scan3A_2593 : i32
      %swap3A_2672 = arith.index_cast %add3A_2671 : i32 to index
      %swap3A_2673 = arith.constant 96 : index
      %swap3A_2674 = tpu.vector_load %arg11[%swap3A_2672, %swap3A_2673] {strides = array<i32>} : memref<192x128xf32, #tpu.memory_space<vmem>>, vector<1x16xf32>,
      %swap3A_2675 = vector.shape_cast %swap3A_2674 : vector<1x16xf32> to vector<16xf32>
      %swap3A_2676 = vector.shape_cast %add3A_2669 : vector<16xf32> to vector<1x16xf32>
      tpu.vector_store %arg11[%swap3A_2672, %swap3A_2673], %swap3A_2676 {strides = array<i32>} : memref<192x128xf32, #tpu.memory_space<vmem>>, vector<1x16xf32>,
      %get3A_2677 = arith.index_cast %scan3A_2593 : i32 to index
      %get3A_2678 = arith.constant 112 : index
      %get3A_2679 = tpu.vector_load %arg9[%get3A_2677, %get3A_2678] {strides = array<i32>} : memref<32x128xf32, #tpu.memory_space<vmem>>, vector<1x16xf32>,
      %get3A_2680 = vector.shape_cast %get3A_2679 : vector<1x16xf32> to vector<16xf32>
      %add3A_2681 = arith.addf %get3A_2680, %add3A_279 : vector<16xf32>
      %add3A_2682 = arith.constant 32 : i32
      %add3A_2683 = arith.addi %add3A_2682, %scan3A_2593 : i32
      %swap3A_2684 = arith.index_cast %add3A_2683 : i32 to index
      %swap3A_2685 = arith.constant 112 : index
      %swap3A_2686 = tpu.vector_load %arg11[%swap3A_2684, %swap3A_2685] {strides = array<i32>} : memref<192x128xf32, #tpu.memory_space<vmem>>, vector<1x16xf32>,
      %swap3A_2687 = vector.shape_cast %swap3A_2686 : vector<1x16xf32> to vector<16xf32>
      %swap3A_2688 = vector.shape_cast %add3A_2681 : vector<16xf32> to vector<1x16xf32>
      tpu.vector_store %arg11[%swap3A_2684, %swap3A_2685], %swap3A_2688 {strides = array<i32>} : memref<192x128xf32, #tpu.memory_space<vmem>>, vector<1x16xf32>,
    }
    %scan3A_285 = arith.constant 32 : i32
    %add3A_286 = arith.constant 64 : i32
    %add3A_287 = arith.addi %mul3A_9, %add3A_286 : i32
    %jit3A_288 = arith.constant 1024 : i32
    %div3A_289 = arith.divsi %add3A_287, %jit3A_288 : i32
    %sign3A_290 = arith.constant 0 : i32
    %sign3A_291 = arith.cmpi sgt, %add3A_287, %sign3A_290 : i32
    %sign3A_292 = arith.extui %sign3A_291 : i1 to i32
    %sign3A_293 = arith.constant 0 : i32
    %sign3A_294 = arith.cmpi slt, %add3A_287, %sign3A_293 : i32
    %sign3A_295 = arith.extui %sign3A_294 : i1 to i32
    %sign3A_296 = arith.subi %sign3A_292, %sign3A_295 : i32
    %sign3A_297 = arith.constant 0 : i32
    %sign3A_298 = arith.cmpi sgt, %jit3A_288, %sign3A_297 : i32
    %sign3A_299 = arith.extui %sign3A_298 : i1 to i32
    %sign3A_300 = arith.constant 0 : i32
    %sign3A_301 = arith.cmpi slt, %jit3A_288, %sign3A_300 : i32
    %sign3A_302 = arith.extui %sign3A_301 : i1 to i32
    %sign3A_303 = arith.subi %sign3A_299, %sign3A_302 : i32
    %ne3A_304 = arith.cmpi ne, %sign3A_296, %sign3A_303 : i32
    %rem3A_305 = arith.remsi %add3A_287, %jit3A_288 : i32
    %ne3A_306 = arith.constant 0 : i32
    %ne3A_307 = arith.cmpi ne, %rem3A_305, %ne3A_306 : i32
    %and3A_308 = arith.andi %ne3A_304, %ne3A_307 : i1
    %sub3A_309 = arith.constant 1 : i32
    %sub3A_310 = arith.subi %div3A_289, %sub3A_309 : i32
    %select_n3A_311 = arith.select %and3A_308, %sub3A_310, %div3A_289 : i32
    %jit3A_312 = arith.constant 1024 : i32
    %eq3A_313 = arith.constant 0 : i32
    %eq3A_314 = arith.cmpi eq, %jit3A_312, %eq3A_313 : i32
    %jit3A_315 = arith.constant 1 : i32
    %select_n3A_316 = arith.select %eq3A_314, %jit3A_315, %jit3A_312 : i32
    %rem3A_317 = arith.remsi %add3A_287, %select_n3A_316 : i32
    %ne3A_318 = arith.constant 0 : i32
    %ne3A_319 = arith.cmpi ne, %rem3A_317, %ne3A_318 : i32
    %lt3A_320 = arith.constant 0 : i32
    %lt3A_321 = arith.cmpi slt, %rem3A_317, %lt3A_320 : i32
    %lt3A_322 = arith.constant 0 : i32
    %lt3A_323 = arith.cmpi slt, %select_n3A_316, %lt3A_322 : i32
    %ne3A_324 = arith.xori %lt3A_321, %lt3A_323 : i1
    %and3A_325 = arith.andi %ne3A_324, %ne3A_319 : i1
    %add3A_326 = arith.addi %rem3A_317, %select_n3A_316 : i32
    %select_n3A_327 = arith.select %and3A_325, %add3A_326, %rem3A_317 : i32
    %jit3A_328 = arith.constant 32 : i32
    %div3A_329 = arith.divsi %select_n3A_327, %jit3A_328 : i32
    %sign3A_330 = arith.constant 0 : i32
    %sign3A_331 = arith.cmpi sgt, %select_n3A_327, %sign3A_330 : i32
    %sign3A_332 = arith.extui %sign3A_331 : i1 to i32
    %sign3A_333 = arith.constant 0 : i32
    %sign3A_334 = arith.cmpi slt, %select_n3A_327, %sign3A_333 : i32
    %sign3A_335 = arith.extui %sign3A_334 : i1 to i32
    %sign3A_336 = arith.subi %sign3A_332, %sign3A_335 : i32
    %sign3A_337 = arith.constant 0 : i32
    %sign3A_338 = arith.cmpi sgt, %jit3A_328, %sign3A_337 : i32
    %sign3A_339 = arith.extui %sign3A_338 : i1 to i32
    %sign3A_340 = arith.constant 0 : i32
    %sign3A_341 = arith.cmpi slt, %jit3A_328, %sign3A_340 : i32
    %sign3A_342 = arith.extui %sign3A_341 : i1 to i32
    %sign3A_343 = arith.subi %sign3A_339, %sign3A_342 : i32
    %ne3A_344 = arith.cmpi ne, %sign3A_336, %sign3A_343 : i32
    %rem3A_345 = arith.remsi %select_n3A_327, %jit3A_328 : i32
    %ne3A_346 = arith.constant 0 : i32
    %ne3A_347 = arith.cmpi ne, %rem3A_345, %ne3A_346 : i32
    %and3A_348 = arith.andi %ne3A_344, %ne3A_347 : i1
    %sub3A_349 = arith.constant 1 : i32
    %sub3A_350 = arith.subi %div3A_329, %sub3A_349 : i32
    %select_n3A_351 = arith.select %and3A_348, %sub3A_350, %div3A_329 : i32
    %get3A_352 = arith.index_cast %select_n3A_351 : i32 to index
    %get3A_353 = arith.constant 0 : index
    %get3A_354 = tpu.vector_load %arg8[%get3A_352, %get3A_353] {strides = array<i32>} : memref<32x128xf32, #tpu.memory_space<vmem>>, vector<1x16xf32>,
    %get3A_355 = vector.shape_cast %get3A_354 : vector<1x16xf32> to vector<16xf32>
    %get3A_356 = arith.index_cast %select_n3A_311 : i32 to index
    %get3A_357 = arith.constant 0 : index
    %get3A_358 = tpu.vector_load %arg10[%get3A_356, %get3A_357] {strides = array<i32>} : memref<3x128xf32, #tpu.memory_space<vmem>>, vector<1x16xf32>,
    %get3A_359 = vector.shape_cast %get3A_358 : vector<1x16xf32> to vector<16xf32>
    %add3A_360 = arith.addf %get3A_355, %get3A_359 : vector<16xf32>
    %get3A_361 = arith.index_cast %select_n3A_351 : i32 to index
    %get3A_362 = arith.constant 16 : index
    %get3A_363 = tpu.vector_load %arg8[%get3A_361, %get3A_362] {strides = array<i32>} : memref<32x128xf32, #tpu.memory_space<vmem>>, vector<1x16xf32>,
    %get3A_364 = vector.shape_cast %get3A_363 : vector<1x16xf32> to vector<16xf32>
    %get3A_365 = arith.index_cast %select_n3A_311 : i32 to index
    %get3A_366 = arith.constant 16 : index
    %get3A_367 = tpu.vector_load %arg10[%get3A_365, %get3A_366] {strides = array<i32>} : memref<3x128xf32, #tpu.memory_space<vmem>>, vector<1x16xf32>,
    %get3A_368 = vector.shape_cast %get3A_367 : vector<1x16xf32> to vector<16xf32>
    %add3A_369 = arith.addf %get3A_364, %get3A_368 : vector<16xf32>
    %get3A_370 = arith.index_cast %select_n3A_351 : i32 to index
    %get3A_371 = arith.constant 32 : index
    %get3A_372 = tpu.vector_load %arg8[%get3A_370, %get3A_371] {strides = array<i32>} : memref<32x128xf32, #tpu.memory_space<vmem>>, vector<1x16xf32>,
    %get3A_373 = vector.shape_cast %get3A_372 : vector<1x16xf32> to vector<16xf32>
    %get3A_374 = arith.index_cast %select_n3A_311 : i32 to index
    %get3A_375 = arith.constant 32 : index
    %get3A_376 = tpu.vector_load %arg10[%get3A_374, %get3A_375] {strides = array<i32>} : memref<3x128xf32, #tpu.memory_space<vmem>>, vector<1x16xf32>,
    %get3A_377 = vector.shape_cast %get3A_376 : vector<1x16xf32> to vector<16xf32>
    %add3A_378 = arith.addf %get3A_373, %get3A_377 : vector<16xf32>
    %get3A_379 = arith.index_cast %select_n3A_351 : i32 to index
    %get3A_380 = arith.constant 48 : index
    %get3A_381 = tpu.vector_load %arg8[%get3A_379, %get3A_380] {strides = array<i32>} : memref<32x128xf32, #tpu.memory_space<vmem>>, vector<1x16xf32>,
    %get3A_382 = vector.shape_cast %get3A_381 : vector<1x16xf32> to vector<16xf32>
    %get3A_383 = arith.index_cast %select_n3A_311 : i32 to index
    %get3A_384 = arith.constant 48 : index
    %get3A_385 = tpu.vector_load %arg10[%get3A_383, %get3A_384] {strides = array<i32>} : memref<3x128xf32, #tpu.memory_space<vmem>>, vector<1x16xf32>,
    %get3A_386 = vector.shape_cast %get3A_385 : vector<1x16xf32> to vector<16xf32>
    %add3A_387 = arith.addf %get3A_382, %get3A_386 : vector<16xf32>
    %get3A_388 = arith.index_cast %select_n3A_351 : i32 to index
    %get3A_389 = arith.constant 64 : index
    %get3A_390 = tpu.vector_load %arg8[%get3A_388, %get3A_389] {strides = array<i32>} : memref<32x128xf32, #tpu.memory_space<vmem>>, vector<1x16xf32>,
    %get3A_391 = vector.shape_cast %get3A_390 : vector<1x16xf32> to vector<16xf32>
    %get3A_392 = arith.index_cast %select_n3A_311 : i32 to index
    %get3A_393 = arith.constant 64 : index
    %get3A_394 = tpu.vector_load %arg10[%get3A_392, %get3A_393] {strides = array<i32>} : memref<3x128xf32, #tpu.memory_space<vmem>>, vector<1x16xf32>,
    %get3A_395 = vector.shape_cast %get3A_394 : vector<1x16xf32> to vector<16xf32>
    %add3A_396 = arith.addf %get3A_391, %get3A_395 : vector<16xf32>
    %get3A_397 = arith.index_cast %select_n3A_351 : i32 to index
    %get3A_398 = arith.constant 80 : index
    %get3A_399 = tpu.vector_load %arg8[%get3A_397, %get3A_398] {strides = array<i32>} : memref<32x128xf32, #tpu.memory_space<vmem>>, vector<1x16xf32>,
    %get3A_400 = vector.shape_cast %get3A_399 : vector<1x16xf32> to vector<16xf32>
    %get3A_401 = arith.index_cast %select_n3A_311 : i32 to index
    %get3A_402 = arith.constant 80 : index
    %get3A_403 = tpu.vector_load %arg10[%get3A_401, %get3A_402] {strides = array<i32>} : memref<3x128xf32, #tpu.memory_space<vmem>>, vector<1x16xf32>,
    %get3A_404 = vector.shape_cast %get3A_403 : vector<1x16xf32> to vector<16xf32>
    %add3A_405 = arith.addf %get3A_400, %get3A_404 : vector<16xf32>
    %get3A_406 = arith.index_cast %select_n3A_351 : i32 to index
    %get3A_407 = arith.constant 96 : index
    %get3A_408 = tpu.vector_load %arg8[%get3A_406, %get3A_407] {strides = array<i32>} : memref<32x128xf32, #tpu.memory_space<vmem>>, vector<1x16xf32>,
    %get3A_409 = vector.shape_cast %get3A_408 : vector<1x16xf32> to vector<16xf32>
    %get3A_410 = arith.index_cast %select_n3A_311 : i32 to index
    %get3A_411 = arith.constant 96 : index
    %get3A_412 = tpu.vector_load %arg10[%get3A_410, %get3A_411] {strides = array<i32>} : memref<3x128xf32, #tpu.memory_space<vmem>>, vector<1x16xf32>,
    %get3A_413 = vector.shape_cast %get3A_412 : vector<1x16xf32> to vector<16xf32>
    %add3A_414 = arith.addf %get3A_409, %get3A_413 : vector<16xf32>
    %get3A_415 = arith.index_cast %select_n3A_351 : i32 to index
    %get3A_416 = arith.constant 112 : index
    %get3A_417 = tpu.vector_load %arg8[%get3A_415, %get3A_416] {strides = array<i32>} : memref<32x128xf32, #tpu.memory_space<vmem>>, vector<1x16xf32>,
    %get3A_418 = vector.shape_cast %get3A_417 : vector<1x16xf32> to vector<16xf32>
    %get3A_419 = arith.index_cast %select_n3A_311 : i32 to index
    %get3A_420 = arith.constant 112 : index
    %get3A_421 = tpu.vector_load %arg10[%get3A_419, %get3A_420] {strides = array<i32>} : memref<3x128xf32, #tpu.memory_space<vmem>>, vector<1x16xf32>,
    %get3A_422 = vector.shape_cast %get3A_421 : vector<1x16xf32> to vector<16xf32>
    %add3A_423 = arith.addf %get3A_418, %get3A_422 : vector<16xf32>
    %scan3A_424 = arith.constant 0 : i32
    %scan3A_425 = arith.constant 0 : i32
    %scan3A_426 = arith.constant 32 : i32
    %scan3A_427 = arith.addi %scan3A_425, %scan3A_426 : i32
    %scan3A_428 = arith.constant 1 : i32
    scf.for %scan3A_2593 = %scan3A_425 to %scan3A_427 step %scan3A_428  : i32 {
      %get3A_2594 = arith.index_cast %scan3A_2593 : i32 to index
      %get3A_2595 = arith.constant 0 : index
      %get3A_2596 = tpu.vector_load %arg9[%get3A_2594, %get3A_2595] {strides = array<i32>} : memref<32x128xf32, #tpu.memory_space<vmem>>, vector<1x16xf32>,
      %get3A_2597 = vector.shape_cast %get3A_2596 : vector<1x16xf32> to vector<16xf32>
      %add3A_2598 = arith.addf %get3A_2597, %add3A_360 : vector<16xf32>
      %add3A_2599 = arith.constant 64 : i32
      %add3A_2600 = arith.addi %add3A_2599, %scan3A_2593 : i32
      %swap3A = arith.index_cast %add3A_2600 : i32 to index
      %swap3A_2601 = arith.constant 0 : index
      %swap3A_2602 = tpu.vector_load %arg11[%swap3A, %swap3A_2601] {strides = array<i32>} : memref<192x128xf32, #tpu.memory_space<vmem>>, vector<1x16xf32>,
      %swap3A_2603 = vector.shape_cast %swap3A_2602 : vector<1x16xf32> to vector<16xf32>
      %swap3A_2604 = vector.shape_cast %add3A_2598 : vector<16xf32> to vector<1x16xf32>
      tpu.vector_store %arg11[%swap3A, %swap3A_2601], %swap3A_2604 {strides = array<i32>} : memref<192x128xf32, #tpu.memory_space<vmem>>, vector<1x16xf32>,
      %get3A_2605 = arith.index_cast %scan3A_2593 : i32 to index
      %get3A_2606 = arith.constant 16 : index
      %get3A_2607 = tpu.vector_load %arg9[%get3A_2605, %get3A_2606] {strides = array<i32>} : memref<32x128xf32, #tpu.memory_space<vmem>>, vector<1x16xf32>,
      %get3A_2608 = vector.shape_cast %get3A_2607 : vector<1x16xf32> to vector<16xf32>
      %add3A_2609 = arith.addf %get3A_2608, %add3A_369 : vector<16xf32>
      %add3A_2610 = arith.constant 64 : i32
      %add3A_2611 = arith.addi %add3A_2610, %scan3A_2593 : i32
      %swap3A_2612 = arith.index_cast %add3A_2611 : i32 to index
      %swap3A_2613 = arith.constant 16 : index
      %swap3A_2614 = tpu.vector_load %arg11[%swap3A_2612, %swap3A_2613] {strides = array<i32>} : memref<192x128xf32, #tpu.memory_space<vmem>>, vector<1x16xf32>,
      %swap3A_2615 = vector.shape_cast %swap3A_2614 : vector<1x16xf32> to vector<16xf32>
      %swap3A_2616 = vector.shape_cast %add3A_2609 : vector<16xf32> to vector<1x16xf32>
      tpu.vector_store %arg11[%swap3A_2612, %swap3A_2613], %swap3A_2616 {strides = array<i32>} : memref<192x128xf32, #tpu.memory_space<vmem>>, vector<1x16xf32>,
      %get3A_2617 = arith.index_cast %scan3A_2593 : i32 to index
      %get3A_2618 = arith.constant 32 : index
      %get3A_2619 = tpu.vector_load %arg9[%get3A_2617, %get3A_2618] {strides = array<i32>} : memref<32x128xf32, #tpu.memory_space<vmem>>, vector<1x16xf32>,
      %get3A_2620 = vector.shape_cast %get3A_2619 : vector<1x16xf32> to vector<16xf32>
      %add3A_2621 = arith.addf %get3A_2620, %add3A_378 : vector<16xf32>
      %add3A_2622 = arith.constant 64 : i32
      %add3A_2623 = arith.addi %add3A_2622, %scan3A_2593 : i32
      %swap3A_2624 = arith.index_cast %add3A_2623 : i32 to index
      %swap3A_2625 = arith.constant 32 : index
      %swap3A_2626 = tpu.vector_load %arg11[%swap3A_2624, %swap3A_2625] {strides = array<i32>} : memref<192x128xf32, #tpu.memory_space<vmem>>, vector<1x16xf32>,
      %swap3A_2627 = vector.shape_cast %swap3A_2626 : vector<1x16xf32> to vector<16xf32>
      %swap3A_2628 = vector.shape_cast %add3A_2621 : vector<16xf32> to vector<1x16xf32>
      tpu.vector_store %arg11[%swap3A_2624, %swap3A_2625], %swap3A_2628 {strides = array<i32>} : memref<192x128xf32, #tpu.memory_space<vmem>>, vector<1x16xf32>,
      %get3A_2629 = arith.index_cast %scan3A_2593 : i32 to index
      %get3A_2630 = arith.constant 48 : index
      %get3A_2631 = tpu.vector_load %arg9[%get3A_2629, %get3A_2630] {strides = array<i32>} : memref<32x128xf32, #tpu.memory_space<vmem>>, vector<1x16xf32>,
      %get3A_2632 = vector.shape_cast %get3A_2631 : vector<1x16xf32> to vector<16xf32>
      %add3A_2633 = arith.addf %get3A_2632, %add3A_387 : vector<16xf32>
      %add3A_2634 = arith.constant 64 : i32
      %add3A_2635 = arith.addi %add3A_2634, %scan3A_2593 : i32
      %swap3A_2636 = arith.index_cast %add3A_2635 : i32 to index
      %swap3A_2637 = arith.constant 48 : index
      %swap3A_2638 = tpu.vector_load %arg11[%swap3A_2636, %swap3A_2637] {strides = array<i32>} : memref<192x128xf32, #tpu.memory_space<vmem>>, vector<1x16xf32>,
      %swap3A_2639 = vector.shape_cast %swap3A_2638 : vector<1x16xf32> to vector<16xf32>
      %swap3A_2640 = vector.shape_cast %add3A_2633 : vector<16xf32> to vector<1x16xf32>
      tpu.vector_store %arg11[%swap3A_2636, %swap3A_2637], %swap3A_2640 {strides = array<i32>} : memref<192x128xf32, #tpu.memory_space<vmem>>, vector<1x16xf32>,
      %get3A_2641 = arith.index_cast %scan3A_2593 : i32 to index
      %get3A_2642 = arith.constant 64 : index
      %get3A_2643 = tpu.vector_load %arg9[%get3A_2641, %get3A_2642] {strides = array<i32>} : memref<32x128xf32, #tpu.memory_space<vmem>>, vector<1x16xf32>,
      %get3A_2644 = vector.shape_cast %get3A_2643 : vector<1x16xf32> to vector<16xf32>
      %add3A_2645 = arith.addf %get3A_2644, %add3A_396 : vector<16xf32>
      %add3A_2646 = arith.constant 64 : i32
      %add3A_2647 = arith.addi %add3A_2646, %scan3A_2593 : i32
      %swap3A_2648 = arith.index_cast %add3A_2647 : i32 to index
      %swap3A_2649 = arith.constant 64 : index
      %swap3A_2650 = tpu.vector_load %arg11[%swap3A_2648, %swap3A_2649] {strides = array<i32>} : memref<192x128xf32, #tpu.memory_space<vmem>>, vector<1x16xf32>,
      %swap3A_2651 = vector.shape_cast %swap3A_2650 : vector<1x16xf32> to vector<16xf32>
      %swap3A_2652 = vector.shape_cast %add3A_2645 : vector<16xf32> to vector<1x16xf32>
      tpu.vector_store %arg11[%swap3A_2648, %swap3A_2649], %swap3A_2652 {strides = array<i32>} : memref<192x128xf32, #tpu.memory_space<vmem>>, vector<1x16xf32>,
      %get3A_2653 = arith.index_cast %scan3A_2593 : i32 to index
      %get3A_2654 = arith.constant 80 : index
      %get3A_2655 = tpu.vector_load %arg9[%get3A_2653, %get3A_2654] {strides = array<i32>} : memref<32x128xf32, #tpu.memory_space<vmem>>, vector<1x16xf32>,
      %get3A_2656 = vector.shape_cast %get3A_2655 : vector<1x16xf32> to vector<16xf32>
      %add3A_2657 = arith.addf %get3A_2656, %add3A_405 : vector<16xf32>
      %add3A_2658 = arith.constant 64 : i32
      %add3A_2659 = arith.addi %add3A_2658, %scan3A_2593 : i32
      %swap3A_2660 = arith.index_cast %add3A_2659 : i32 to index
      %swap3A_2661 = arith.constant 80 : index
      %swap3A_2662 = tpu.vector_load %arg11[%swap3A_2660, %swap3A_2661] {strides = array<i32>} : memref<192x128xf32, #tpu.memory_space<vmem>>, vector<1x16xf32>,
      %swap3A_2663 = vector.shape_cast %swap3A_2662 : vector<1x16xf32> to vector<16xf32>
      %swap3A_2664 = vector.shape_cast %add3A_2657 : vector<16xf32> to vector<1x16xf32>
      tpu.vector_store %arg11[%swap3A_2660, %swap3A_2661], %swap3A_2664 {strides = array<i32>} : memref<192x128xf32, #tpu.memory_space<vmem>>, vector<1x16xf32>,
      %get3A_2665 = arith.index_cast %scan3A_2593 : i32 to index
      %get3A_2666 = arith.constant 96 : index
      %get3A_2667 = tpu.vector_load %arg9[%get3A_2665, %get3A_2666] {strides = array<i32>} : memref<32x128xf32, #tpu.memory_space<vmem>>, vector<1x16xf32>,
      %get3A_2668 = vector.shape_cast %get3A_2667 : vector<1x16xf32> to vector<16xf32>
      %add3A_2669 = arith.addf %get3A_2668, %add3A_414 : vector<16xf32>
      %add3A_2670 = arith.constant 64 : i32
      %add3A_2671 = arith.addi %add3A_2670, %scan3A_2593 : i32
      %swap3A_2672 = arith.index_cast %add3A_2671 : i32 to index
      %swap3A_2673 = arith.constant 96 : index
      %swap3A_2674 = tpu.vector_load %arg11[%swap3A_2672, %swap3A_2673] {strides = array<i32>} : memref<192x128xf32, #tpu.memory_space<vmem>>, vector<1x16xf32>,
      %swap3A_2675 = vector.shape_cast %swap3A_2674 : vector<1x16xf32> to vector<16xf32>
      %swap3A_2676 = vector.shape_cast %add3A_2669 : vector<16xf32> to vector<1x16xf32>
      tpu.vector_store %arg11[%swap3A_2672, %swap3A_2673], %swap3A_2676 {strides = array<i32>} : memref<192x128xf32, #tpu.memory_space<vmem>>, vector<1x16xf32>,
      %get3A_2677 = arith.index_cast %scan3A_2593 : i32 to index
      %get3A_2678 = arith.constant 112 : index
      %get3A_2679 = tpu.vector_load %arg9[%get3A_2677, %get3A_2678] {strides = array<i32>} : memref<32x128xf32, #tpu.memory_space<vmem>>, vector<1x16xf32>,
      %get3A_2680 = vector.shape_cast %get3A_2679 : vector<1x16xf32> to vector<16xf32>
      %add3A_2681 = arith.addf %get3A_2680, %add3A_423 : vector<16xf32>
      %add3A_2682 = arith.constant 64 : i32
      %add3A_2683 = arith.addi %add3A_2682, %scan3A_2593 : i32
      %swap3A_2684 = arith.index_cast %add3A_2683 : i32 to index
      %swap3A_2685 = arith.constant 112 : index
      %swap3A_2686 = tpu.vector_load %arg11[%swap3A_2684, %swap3A_2685] {strides = array<i32>} : memref<192x128xf32, #tpu.memory_space<vmem>>, vector<1x16xf32>,
      %swap3A_2687 = vector.shape_cast %swap3A_2686 : vector<1x16xf32> to vector<16xf32>
      %swap3A_2688 = vector.shape_cast %add3A_2681 : vector<16xf32> to vector<1x16xf32>
      tpu.vector_store %arg11[%swap3A_2684, %swap3A_2685], %swap3A_2688 {strides = array<i32>} : memref<192x128xf32, #tpu.memory_space<vmem>>, vector<1x16xf32>,
    }
    %scan3A_429 = arith.constant 32 : i32
    %add3A_430 = arith.constant 96 : i32
    %add3A_431 = arith.addi %mul3A_9, %add3A_430 : i32
    %jit3A_432 = arith.constant 1024 : i32
    %div3A_433 = arith.divsi %add3A_431, %jit3A_432 : i32
    %sign3A_434 = arith.constant 0 : i32
    %sign3A_435 = arith.cmpi sgt, %add3A_431, %sign3A_434 : i32
    %sign3A_436 = arith.extui %sign3A_435 : i1 to i32
    %sign3A_437 = arith.constant 0 : i32
    %sign3A_438 = arith.cmpi slt, %add3A_431, %sign3A_437 : i32
    %sign3A_439 = arith.extui %sign3A_438 : i1 to i32
    %sign3A_440 = arith.subi %sign3A_436, %sign3A_439 : i32
    %sign3A_441 = arith.constant 0 : i32
    %sign3A_442 = arith.cmpi sgt, %jit3A_432, %sign3A_441 : i32
    %sign3A_443 = arith.extui %sign3A_442 : i1 to i32
    %sign3A_444 = arith.constant 0 : i32
    %sign3A_445 = arith.cmpi slt, %jit3A_432, %sign3A_444 : i32
    %sign3A_446 = arith.extui %sign3A_445 : i1 to i32
    %sign3A_447 = arith.subi %sign3A_443, %sign3A_446 : i32
    %ne3A_448 = arith.cmpi ne, %sign3A_440, %sign3A_447 : i32
    %rem3A_449 = arith.remsi %add3A_431, %jit3A_432 : i32
    %ne3A_450 = arith.constant 0 : i32
    %ne3A_451 = arith.cmpi ne, %rem3A_449, %ne3A_450 : i32
    %and3A_452 = arith.andi %ne3A_448, %ne3A_451 : i1
    %sub3A_453 = arith.constant 1 : i32
    %sub3A_454 = arith.subi %div3A_433, %sub3A_453 : i32
    %select_n3A_455 = arith.select %and3A_452, %sub3A_454, %div3A_433 : i32
    %jit3A_456 = arith.constant 1024 : i32
    %eq3A_457 = arith.constant 0 : i32
    %eq3A_458 = arith.cmpi eq, %jit3A_456, %eq3A_457 : i32
    %jit3A_459 = arith.constant 1 : i32
    %select_n3A_460 = arith.select %eq3A_458, %jit3A_459, %jit3A_456 : i32
    %rem3A_461 = arith.remsi %add3A_431, %select_n3A_460 : i32
    %ne3A_462 = arith.constant 0 : i32
    %ne3A_463 = arith.cmpi ne, %rem3A_461, %ne3A_462 : i32
    %lt3A_464 = arith.constant 0 : i32
    %lt3A_465 = arith.cmpi slt, %rem3A_461, %lt3A_464 : i32
    %lt3A_466 = arith.constant 0 : i32
    %lt3A_467 = arith.cmpi slt, %select_n3A_460, %lt3A_466 : i32
    %ne3A_468 = arith.xori %lt3A_465, %lt3A_467 : i1
    %and3A_469 = arith.andi %ne3A_468, %ne3A_463 : i1
    %add3A_470 = arith.addi %rem3A_461, %select_n3A_460 : i32
    %select_n3A_471 = arith.select %and3A_469, %add3A_470, %rem3A_461 : i32
    %jit3A_472 = arith.constant 32 : i32
    %div3A_473 = arith.divsi %select_n3A_471, %jit3A_472 : i32
    %sign3A_474 = arith.constant 0 : i32
    %sign3A_475 = arith.cmpi sgt, %select_n3A_471, %sign3A_474 : i32
    %sign3A_476 = arith.extui %sign3A_475 : i1 to i32
    %sign3A_477 = arith.constant 0 : i32
    %sign3A_478 = arith.cmpi slt, %select_n3A_471, %sign3A_477 : i32
    %sign3A_479 = arith.extui %sign3A_478 : i1 to i32
    %sign3A_480 = arith.subi %sign3A_476, %sign3A_479 : i32
    %sign3A_481 = arith.constant 0 : i32
    %sign3A_482 = arith.cmpi sgt, %jit3A_472, %sign3A_481 : i32
    %sign3A_483 = arith.extui %sign3A_482 : i1 to i32
    %sign3A_484 = arith.constant 0 : i32
    %sign3A_485 = arith.cmpi slt, %jit3A_472, %sign3A_484 : i32
    %sign3A_486 = arith.extui %sign3A_485 : i1 to i32
    %sign3A_487 = arith.subi %sign3A_483, %sign3A_486 : i32
    %ne3A_488 = arith.cmpi ne, %sign3A_480, %sign3A_487 : i32
    %rem3A_489 = arith.remsi %select_n3A_471, %jit3A_472 : i32
    %ne3A_490 = arith.constant 0 : i32
    %ne3A_491 = arith.cmpi ne, %rem3A_489, %ne3A_490 : i32
    %and3A_492 = arith.andi %ne3A_488, %ne3A_491 : i1
    %sub3A_493 = arith.constant 1 : i32
    %sub3A_494 = arith.subi %div3A_473, %sub3A_493 : i32
    %select_n3A_495 = arith.select %and3A_492, %sub3A_494, %div3A_473 : i32
    %get3A_496 = arith.index_cast %select_n3A_495 : i32 to index
    %get3A_497 = arith.constant 0 : index
    %get3A_498 = tpu.vector_load %arg8[%get3A_496, %get3A_497] {strides = array<i32>} : memref<32x128xf32, #tpu.memory_space<vmem>>, vector<1x16xf32>,
    %get3A_499 = vector.shape_cast %get3A_498 : vector<1x16xf32> to vector<16xf32>
    %get3A_500 = arith.index_cast %select_n3A_455 : i32 to index
    %get3A_501 = arith.constant 0 : index
    %get3A_502 = tpu.vector_load %arg10[%get3A_500, %get3A_501] {strides = array<i32>} : memref<3x128xf32, #tpu.memory_space<vmem>>, vector<1x16xf32>,
    %get3A_503 = vector.shape_cast %get3A_502 : vector<1x16xf32> to vector<16xf32>
    %add3A_504 = arith.addf %get3A_499, %get3A_503 : vector<16xf32>
    %get3A_505 = arith.index_cast %select_n3A_495 : i32 to index
    %get3A_506 = arith.constant 16 : index
    %get3A_507 = tpu.vector_load %arg8[%get3A_505, %get3A_506] {strides = array<i32>} : memref<32x128xf32, #tpu.memory_space<vmem>>, vector<1x16xf32>,
    %get3A_508 = vector.shape_cast %get3A_507 : vector<1x16xf32> to vector<16xf32>
    %get3A_509 = arith.index_cast %select_n3A_455 : i32 to index
    %get3A_510 = arith.constant 16 : index
    %get3A_511 = tpu.vector_load %arg10[%get3A_509, %get3A_510] {strides = array<i32>} : memref<3x128xf32, #tpu.memory_space<vmem>>, vector<1x16xf32>,
    %get3A_512 = vector.shape_cast %get3A_511 : vector<1x16xf32> to vector<16xf32>
    %add3A_513 = arith.addf %get3A_508, %get3A_512 : vector<16xf32>
    %get3A_514 = arith.index_cast %select_n3A_495 : i32 to index
    %get3A_515 = arith.constant 32 : index
    %get3A_516 = tpu.vector_load %arg8[%get3A_514, %get3A_515] {strides = array<i32>} : memref<32x128xf32, #tpu.memory_space<vmem>>, vector<1x16xf32>,
    %get3A_517 = vector.shape_cast %get3A_516 : vector<1x16xf32> to vector<16xf32>
    %get3A_518 = arith.index_cast %select_n3A_455 : i32 to index
    %get3A_519 = arith.constant 32 : index
    %get3A_520 = tpu.vector_load %arg10[%get3A_518, %get3A_519] {strides = array<i32>} : memref<3x128xf32, #tpu.memory_space<vmem>>, vector<1x16xf32>,
    %get3A_521 = vector.shape_cast %get3A_520 : vector<1x16xf32> to vector<16xf32>
    %add3A_522 = arith.addf %get3A_517, %get3A_521 : vector<16xf32>
    %get3A_523 = arith.index_cast %select_n3A_495 : i32 to index
    %get3A_524 = arith.constant 48 : index
    %get3A_525 = tpu.vector_load %arg8[%get3A_523, %get3A_524] {strides = array<i32>} : memref<32x128xf32, #tpu.memory_space<vmem>>, vector<1x16xf32>,
    %get3A_526 = vector.shape_cast %get3A_525 : vector<1x16xf32> to vector<16xf32>
    %get3A_527 = arith.index_cast %select_n3A_455 : i32 to index
    %get3A_528 = arith.constant 48 : index
    %get3A_529 = tpu.vector_load %arg10[%get3A_527, %get3A_528] {strides = array<i32>} : memref<3x128xf32, #tpu.memory_space<vmem>>, vector<1x16xf32>,
    %get3A_530 = vector.shape_cast %get3A_529 : vector<1x16xf32> to vector<16xf32>
    %add3A_531 = arith.addf %get3A_526, %get3A_530 : vector<16xf32>
    %get3A_532 = arith.index_cast %select_n3A_495 : i32 to index
    %get3A_533 = arith.constant 64 : index
    %get3A_534 = tpu.vector_load %arg8[%get3A_532, %get3A_533] {strides = array<i32>} : memref<32x128xf32, #tpu.memory_space<vmem>>, vector<1x16xf32>,
    %get3A_535 = vector.shape_cast %get3A_534 : vector<1x16xf32> to vector<16xf32>
    %get3A_536 = arith.index_cast %select_n3A_455 : i32 to index
    %get3A_537 = arith.constant 64 : index
    %get3A_538 = tpu.vector_load %arg10[%get3A_536, %get3A_537] {strides = array<i32>} : memref<3x128xf32, #tpu.memory_space<vmem>>, vector<1x16xf32>,
    %get3A_539 = vector.shape_cast %get3A_538 : vector<1x16xf32> to vector<16xf32>
    %add3A_540 = arith.addf %get3A_535, %get3A_539 : vector<16xf32>
    %get3A_541 = arith.index_cast %select_n3A_495 : i32 to index
    %get3A_542 = arith.constant 80 : index
    %get3A_543 = tpu.vector_load %arg8[%get3A_541, %get3A_542] {strides = array<i32>} : memref<32x128xf32, #tpu.memory_space<vmem>>, vector<1x16xf32>,
    %get3A_544 = vector.shape_cast %get3A_543 : vector<1x16xf32> to vector<16xf32>
    %get3A_545 = arith.index_cast %select_n3A_455 : i32 to index
    %get3A_546 = arith.constant 80 : index
    %get3A_547 = tpu.vector_load %arg10[%get3A_545, %get3A_546] {strides = array<i32>} : memref<3x128xf32, #tpu.memory_space<vmem>>, vector<1x16xf32>,
    %get3A_548 = vector.shape_cast %get3A_547 : vector<1x16xf32> to vector<16xf32>
    %add3A_549 = arith.addf %get3A_544, %get3A_548 : vector<16xf32>
    %get3A_550 = arith.index_cast %select_n3A_495 : i32 to index
    %get3A_551 = arith.constant 96 : index
    %get3A_552 = tpu.vector_load %arg8[%get3A_550, %get3A_551] {strides = array<i32>} : memref<32x128xf32, #tpu.memory_space<vmem>>, vector<1x16xf32>,
    %get3A_553 = vector.shape_cast %get3A_552 : vector<1x16xf32> to vector<16xf32>
    %get3A_554 = arith.index_cast %select_n3A_455 : i32 to index
    %get3A_555 = arith.constant 96 : index
    %get3A_556 = tpu.vector_load %arg10[%get3A_554, %get3A_555] {strides = array<i32>} : memref<3x128xf32, #tpu.memory_space<vmem>>, vector<1x16xf32>,
    %get3A_557 = vector.shape_cast %get3A_556 : vector<1x16xf32> to vector<16xf32>
    %add3A_558 = arith.addf %get3A_553, %get3A_557 : vector<16xf32>
    %get3A_559 = arith.index_cast %select_n3A_495 : i32 to index
    %get3A_560 = arith.constant 112 : index
    %get3A_561 = tpu.vector_load %arg8[%get3A_559, %get3A_560] {strides = array<i32>} : memref<32x128xf32, #tpu.memory_space<vmem>>, vector<1x16xf32>,
    %get3A_562 = vector.shape_cast %get3A_561 : vector<1x16xf32> to vector<16xf32>
    %get3A_563 = arith.index_cast %select_n3A_455 : i32 to index
    %get3A_564 = arith.constant 112 : index
    %get3A_565 = tpu.vector_load %arg10[%get3A_563, %get3A_564] {strides = array<i32>} : memref<3x128xf32, #tpu.memory_space<vmem>>, vector<1x16xf32>,
    %get3A_566 = vector.shape_cast %get3A_565 : vector<1x16xf32> to vector<16xf32>
    %add3A_567 = arith.addf %get3A_562, %get3A_566 : vector<16xf32>
    %scan3A_568 = arith.constant 0 : i32
    %scan3A_569 = arith.constant 0 : i32
    %scan3A_570 = arith.constant 32 : i32
    %scan3A_571 = arith.addi %scan3A_569, %scan3A_570 : i32
    %scan3A_572 = arith.constant 1 : i32
    scf.for %scan3A_2593 = %scan3A_569 to %scan3A_571 step %scan3A_572  : i32 {
      %get3A_2594 = arith.index_cast %scan3A_2593 : i32 to index
      %get3A_2595 = arith.constant 0 : index
      %get3A_2596 = tpu.vector_load %arg9[%get3A_2594, %get3A_2595] {strides = array<i32>} : memref<32x128xf32, #tpu.memory_space<vmem>>, vector<1x16xf32>,
      %get3A_2597 = vector.shape_cast %get3A_2596 : vector<1x16xf32> to vector<16xf32>
      %add3A_2598 = arith.addf %get3A_2597, %add3A_504 : vector<16xf32>
      %add3A_2599 = arith.constant 96 : i32
      %add3A_2600 = arith.addi %add3A_2599, %scan3A_2593 : i32
      %swap3A = arith.index_cast %add3A_2600 : i32 to index
      %swap3A_2601 = arith.constant 0 : index
      %swap3A_2602 = tpu.vector_load %arg11[%swap3A, %swap3A_2601] {strides = array<i32>} : memref<192x128xf32, #tpu.memory_space<vmem>>, vector<1x16xf32>,
      %swap3A_2603 = vector.shape_cast %swap3A_2602 : vector<1x16xf32> to vector<16xf32>
      %swap3A_2604 = vector.shape_cast %add3A_2598 : vector<16xf32> to vector<1x16xf32>
      tpu.vector_store %arg11[%swap3A, %swap3A_2601], %swap3A_2604 {strides = array<i32>} : memref<192x128xf32, #tpu.memory_space<vmem>>, vector<1x16xf32>,
      %get3A_2605 = arith.index_cast %scan3A_2593 : i32 to index
      %get3A_2606 = arith.constant 16 : index
      %get3A_2607 = tpu.vector_load %arg9[%get3A_2605, %get3A_2606] {strides = array<i32>} : memref<32x128xf32, #tpu.memory_space<vmem>>, vector<1x16xf32>,
      %get3A_2608 = vector.shape_cast %get3A_2607 : vector<1x16xf32> to vector<16xf32>
      %add3A_2609 = arith.addf %get3A_2608, %add3A_513 : vector<16xf32>
      %add3A_2610 = arith.constant 96 : i32
      %add3A_2611 = arith.addi %add3A_2610, %scan3A_2593 : i32
      %swap3A_2612 = arith.index_cast %add3A_2611 : i32 to index
      %swap3A_2613 = arith.constant 16 : index
      %swap3A_2614 = tpu.vector_load %arg11[%swap3A_2612, %swap3A_2613] {strides = array<i32>} : memref<192x128xf32, #tpu.memory_space<vmem>>, vector<1x16xf32>,
      %swap3A_2615 = vector.shape_cast %swap3A_2614 : vector<1x16xf32> to vector<16xf32>
      %swap3A_2616 = vector.shape_cast %add3A_2609 : vector<16xf32> to vector<1x16xf32>
      tpu.vector_store %arg11[%swap3A_2612, %swap3A_2613], %swap3A_2616 {strides = array<i32>} : memref<192x128xf32, #tpu.memory_space<vmem>>, vector<1x16xf32>,
      %get3A_2617 = arith.index_cast %scan3A_2593 : i32 to index
      %get3A_2618 = arith.constant 32 : index
      %get3A_2619 = tpu.vector_load %arg9[%get3A_2617, %get3A_2618] {strides = array<i32>} : memref<32x128xf32, #tpu.memory_space<vmem>>, vector<1x16xf32>,
      %get3A_2620 = vector.shape_cast %get3A_2619 : vector<1x16xf32> to vector<16xf32>
      %add3A_2621 = arith.addf %get3A_2620, %add3A_522 : vector<16xf32>
      %add3A_2622 = arith.constant 96 : i32
      %add3A_2623 = arith.addi %add3A_2622, %scan3A_2593 : i32
      %swap3A_2624 = arith.index_cast %add3A_2623 : i32 to index
      %swap3A_2625 = arith.constant 32 : index
      %swap3A_2626 = tpu.vector_load %arg11[%swap3A_2624, %swap3A_2625] {strides = array<i32>} : memref<192x128xf32, #tpu.memory_space<vmem>>, vector<1x16xf32>,
      %swap3A_2627 = vector.shape_cast %swap3A_2626 : vector<1x16xf32> to vector<16xf32>
      %swap3A_2628 = vector.shape_cast %add3A_2621 : vector<16xf32> to vector<1x16xf32>
      tpu.vector_store %arg11[%swap3A_2624, %swap3A_2625], %swap3A_2628 {strides = array<i32>} : memref<192x128xf32, #tpu.memory_space<vmem>>, vector<1x16xf32>,
      %get3A_2629 = arith.index_cast %scan3A_2593 : i32 to index
      %get3A_2630 = arith.constant 48 : index
      %get3A_2631 = tpu.vector_load %arg9[%get3A_2629, %get3A_2630] {strides = array<i32>} : memref<32x128xf32, #tpu.memory_space<vmem>>, vector<1x16xf32>,
      %get3A_2632 = vector.shape_cast %get3A_2631 : vector<1x16xf32> to vector<16xf32>
      %add3A_2633 = arith.addf %get3A_2632, %add3A_531 : vector<16xf32>
      %add3A_2634 = arith.constant 96 : i32
      %add3A_2635 = arith.addi %add3A_2634, %scan3A_2593 : i32
      %swap3A_2636 = arith.index_cast %add3A_2635 : i32 to index
      %swap3A_2637 = arith.constant 48 : index
      %swap3A_2638 = tpu.vector_load %arg11[%swap3A_2636, %swap3A_2637] {strides = array<i32>} : memref<192x128xf32, #tpu.memory_space<vmem>>, vector<1x16xf32>,
      %swap3A_2639 = vector.shape_cast %swap3A_2638 : vector<1x16xf32> to vector<16xf32>
      %swap3A_2640 = vector.shape_cast %add3A_2633 : vector<16xf32> to vector<1x16xf32>
      tpu.vector_store %arg11[%swap3A_2636, %swap3A_2637], %swap3A_2640 {strides = array<i32>} : memref<192x128xf32, #tpu.memory_space<vmem>>, vector<1x16xf32>,
      %get3A_2641 = arith.index_cast %scan3A_2593 : i32 to index
      %get3A_2642 = arith.constant 64 : index
      %get3A_2643 = tpu.vector_load %arg9[%get3A_2641, %get3A_2642] {strides = array<i32>} : memref<32x128xf32, #tpu.memory_space<vmem>>, vector<1x16xf32>,
      %get3A_2644 = vector.shape_cast %get3A_2643 : vector<1x16xf32> to vector<16xf32>
      %add3A_2645 = arith.addf %get3A_2644, %add3A_540 : vector<16xf32>
      %add3A_2646 = arith.constant 96 : i32
      %add3A_2647 = arith.addi %add3A_2646, %scan3A_2593 : i32
      %swap3A_2648 = arith.index_cast %add3A_2647 : i32 to index
      %swap3A_2649 = arith.constant 64 : index
      %swap3A_2650 = tpu.vector_load %arg11[%swap3A_2648, %swap3A_2649] {strides = array<i32>} : memref<192x128xf32, #tpu.memory_space<vmem>>, vector<1x16xf32>,
      %swap3A_2651 = vector.shape_cast %swap3A_2650 : vector<1x16xf32> to vector<16xf32>
      %swap3A_2652 = vector.shape_cast %add3A_2645 : vector<16xf32> to vector<1x16xf32>
      tpu.vector_store %arg11[%swap3A_2648, %swap3A_2649], %swap3A_2652 {strides = array<i32>} : memref<192x128xf32, #tpu.memory_space<vmem>>, vector<1x16xf32>,
      %get3A_2653 = arith.index_cast %scan3A_2593 : i32 to index
      %get3A_2654 = arith.constant 80 : index
      %get3A_2655 = tpu.vector_load %arg9[%get3A_2653, %get3A_2654] {strides = array<i32>} : memref<32x128xf32, #tpu.memory_space<vmem>>, vector<1x16xf32>,
      %get3A_2656 = vector.shape_cast %get3A_2655 : vector<1x16xf32> to vector<16xf32>
      %add3A_2657 = arith.addf %get3A_2656, %add3A_549 : vector<16xf32>
      %add3A_2658 = arith.constant 96 : i32
      %add3A_2659 = arith.addi %add3A_2658, %scan3A_2593 : i32
      %swap3A_2660 = arith.index_cast %add3A_2659 : i32 to index
      %swap3A_2661 = arith.constant 80 : index
      %swap3A_2662 = tpu.vector_load %arg11[%swap3A_2660, %swap3A_2661] {strides = array<i32>} : memref<192x128xf32, #tpu.memory_space<vmem>>, vector<1x16xf32>,
      %swap3A_2663 = vector.shape_cast %swap3A_2662 : vector<1x16xf32> to vector<16xf32>
      %swap3A_2664 = vector.shape_cast %add3A_2657 : vector<16xf32> to vector<1x16xf32>
      tpu.vector_store %arg11[%swap3A_2660, %swap3A_2661], %swap3A_2664 {strides = array<i32>} : memref<192x128xf32, #tpu.memory_space<vmem>>, vector<1x16xf32>,
      %get3A_2665 = arith.index_cast %scan3A_2593 : i32 to index
      %get3A_2666 = arith.constant 96 : index
      %get3A_2667 = tpu.vector_load %arg9[%get3A_2665, %get3A_2666] {strides = array<i32>} : memref<32x128xf32, #tpu.memory_space<vmem>>, vector<1x16xf32>,
      %get3A_2668 = vector.shape_cast %get3A_2667 : vector<1x16xf32> to vector<16xf32>
      %add3A_2669 = arith.addf %get3A_2668, %add3A_558 : vector<16xf32>
      %add3A_2670 = arith.constant 96 : i32
      %add3A_2671 = arith.addi %add3A_2670, %scan3A_2593 : i32
      %swap3A_2672 = arith.index_cast %add3A_2671 : i32 to index
      %swap3A_2673 = arith.constant 96 : index
      %swap3A_2674 = tpu.vector_load %arg11[%swap3A_2672, %swap3A_2673] {strides = array<i32>} : memref<192x128xf32, #tpu.memory_space<vmem>>, vector<1x16xf32>,
      %swap3A_2675 = vector.shape_cast %swap3A_2674 : vector<1x16xf32> to vector<16xf32>
      %swap3A_2676 = vector.shape_cast %add3A_2669 : vector<16xf32> to vector<1x16xf32>
      tpu.vector_store %arg11[%swap3A_2672, %swap3A_2673], %swap3A_2676 {strides = array<i32>} : memref<192x128xf32, #tpu.memory_space<vmem>>, vector<1x16xf32>,
      %get3A_2677 = arith.index_cast %scan3A_2593 : i32 to index
      %get3A_2678 = arith.constant 112 : index
      %get3A_2679 = tpu.vector_load %arg9[%get3A_2677, %get3A_2678] {strides = array<i32>} : memref<32x128xf32, #tpu.memory_space<vmem>>, vector<1x16xf32>,
      %get3A_2680 = vector.shape_cast %get3A_2679 : vector<1x16xf32> to vector<16xf32>
      %add3A_2681 = arith.addf %get3A_2680, %add3A_567 : vector<16xf32>
      %add3A_2682 = arith.constant 96 : i32
      %add3A_2683 = arith.addi %add3A_2682, %scan3A_2593 : i32
      %swap3A_2684 = arith.index_cast %add3A_2683 : i32 to index
      %swap3A_2685 = arith.constant 112 : index
      %swap3A_2686 = tpu.vector_load %arg11[%swap3A_2684, %swap3A_2685] {strides = array<i32>} : memref<192x128xf32, #tpu.memory_space<vmem>>, vector<1x16xf32>,
      %swap3A_2687 = vector.shape_cast %swap3A_2686 : vector<1x16xf32> to vector<16xf32>
      %swap3A_2688 = vector.shape_cast %add3A_2681 : vector<16xf32> to vector<1x16xf32>
      tpu.vector_store %arg11[%swap3A_2684, %swap3A_2685], %swap3A_2688 {strides = array<i32>} : memref<192x128xf32, #tpu.memory_space<vmem>>, vector<1x16xf32>,
    }
    %scan3A_573 = arith.constant 32 : i32
    %add3A_574 = arith.constant 128 : i32
    %add3A_575 = arith.addi %mul3A_9, %add3A_574 : i32
    %jit3A_576 = arith.constant 1024 : i32
    %div3A_577 = arith.divsi %add3A_575, %jit3A_576 : i32
    %sign3A_578 = arith.constant 0 : i32
    %sign3A_579 = arith.cmpi sgt, %add3A_575, %sign3A_578 : i32
    %sign3A_580 = arith.extui %sign3A_579 : i1 to i32
    %sign3A_581 = arith.constant 0 : i32
    %sign3A_582 = arith.cmpi slt, %add3A_575, %sign3A_581 : i32
    %sign3A_583 = arith.extui %sign3A_582 : i1 to i32
    %sign3A_584 = arith.subi %sign3A_580, %sign3A_583 : i32
    %sign3A_585 = arith.constant 0 : i32
    %sign3A_586 = arith.cmpi sgt, %jit3A_576, %sign3A_585 : i32
    %sign3A_587 = arith.extui %sign3A_586 : i1 to i32
    %sign3A_588 = arith.constant 0 : i32
    %sign3A_589 = arith.cmpi slt, %jit3A_576, %sign3A_588 : i32
    %sign3A_590 = arith.extui %sign3A_589 : i1 to i32
    %sign3A_591 = arith.subi %sign3A_587, %sign3A_590 : i32
    %ne3A_592 = arith.cmpi ne, %sign3A_584, %sign3A_591 : i32
    %rem3A_593 = arith.remsi %add3A_575, %jit3A_576 : i32
    %ne3A_594 = arith.constant 0 : i32
    %ne3A_595 = arith.cmpi ne, %rem3A_593, %ne3A_594 : i32
    %and3A_596 = arith.andi %ne3A_592, %ne3A_595 : i1
    %sub3A_597 = arith.constant 1 : i32
    %sub3A_598 = arith.subi %div3A_577, %sub3A_597 : i32
    %select_n3A_599 = arith.select %and3A_596, %sub3A_598, %div3A_577 : i32
    %jit3A_600 = arith.constant 1024 : i32
    %eq3A_601 = arith.constant 0 : i32
    %eq3A_602 = arith.cmpi eq, %jit3A_600, %eq3A_601 : i32
    %jit3A_603 = arith.constant 1 : i32
    %select_n3A_604 = arith.select %eq3A_602, %jit3A_603, %jit3A_600 : i32
    %rem3A_605 = arith.remsi %add3A_575, %select_n3A_604 : i32
    %ne3A_606 = arith.constant 0 : i32
    %ne3A_607 = arith.cmpi ne, %rem3A_605, %ne3A_606 : i32
    %lt3A_608 = arith.constant 0 : i32
    %lt3A_609 = arith.cmpi slt, %rem3A_605, %lt3A_608 : i32
    %lt3A_610 = arith.constant 0 : i32
    %lt3A_611 = arith.cmpi slt, %select_n3A_604, %lt3A_610 : i32
    %ne3A_612 = arith.xori %lt3A_609, %lt3A_611 : i1
    %and3A_613 = arith.andi %ne3A_612, %ne3A_607 : i1
    %add3A_614 = arith.addi %rem3A_605, %select_n3A_604 : i32
    %select_n3A_615 = arith.select %and3A_613, %add3A_614, %rem3A_605 : i32
    %jit3A_616 = arith.constant 32 : i32
    %div3A_617 = arith.divsi %select_n3A_615, %jit3A_616 : i32
    %sign3A_618 = arith.constant 0 : i32
    %sign3A_619 = arith.cmpi sgt, %select_n3A_615, %sign3A_618 : i32
    %sign3A_620 = arith.extui %sign3A_619 : i1 to i32
    %sign3A_621 = arith.constant 0 : i32
    %sign3A_622 = arith.cmpi slt, %select_n3A_615, %sign3A_621 : i32
    %sign3A_623 = arith.extui %sign3A_622 : i1 to i32
    %sign3A_624 = arith.subi %sign3A_620, %sign3A_623 : i32
    %sign3A_625 = arith.constant 0 : i32
    %sign3A_626 = arith.cmpi sgt, %jit3A_616, %sign3A_625 : i32
    %sign3A_627 = arith.extui %sign3A_626 : i1 to i32
    %sign3A_628 = arith.constant 0 : i32
    %sign3A_629 = arith.cmpi slt, %jit3A_616, %sign3A_628 : i32
    %sign3A_630 = arith.extui %sign3A_629 : i1 to i32
    %sign3A_631 = arith.subi %sign3A_627, %sign3A_630 : i32
    %ne3A_632 = arith.cmpi ne, %sign3A_624, %sign3A_631 : i32
    %rem3A_633 = arith.remsi %select_n3A_615, %jit3A_616 : i32
    %ne3A_634 = arith.constant 0 : i32
    %ne3A_635 = arith.cmpi ne, %rem3A_633, %ne3A_634 : i32
    %and3A_636 = arith.andi %ne3A_632, %ne3A_635 : i1
    %sub3A_637 = arith.constant 1 : i32
    %sub3A_638 = arith.subi %div3A_617, %sub3A_637 : i32
    %select_n3A_639 = arith.select %and3A_636, %sub3A_638, %div3A_617 : i32
    %get3A_640 = arith.index_cast %select_n3A_639 : i32 to index
    %get3A_641 = arith.constant 0 : index
    %get3A_642 = tpu.vector_load %arg8[%get3A_640, %get3A_641] {strides = array<i32>} : memref<32x128xf32, #tpu.memory_space<vmem>>, vector<1x16xf32>,
    %get3A_643 = vector.shape_cast %get3A_642 : vector<1x16xf32> to vector<16xf32>
    %get3A_644 = arith.index_cast %select_n3A_599 : i32 to index
    %get3A_645 = arith.constant 0 : index
    %get3A_646 = tpu.vector_load %arg10[%get3A_644, %get3A_645] {strides = array<i32>} : memref<3x128xf32, #tpu.memory_space<vmem>>, vector<1x16xf32>,
    %get3A_647 = vector.shape_cast %get3A_646 : vector<1x16xf32> to vector<16xf32>
    %add3A_648 = arith.addf %get3A_643, %get3A_647 : vector<16xf32>
    %get3A_649 = arith.index_cast %select_n3A_639 : i32 to index
    %get3A_650 = arith.constant 16 : index
    %get3A_651 = tpu.vector_load %arg8[%get3A_649, %get3A_650] {strides = array<i32>} : memref<32x128xf32, #tpu.memory_space<vmem>>, vector<1x16xf32>,
    %get3A_652 = vector.shape_cast %get3A_651 : vector<1x16xf32> to vector<16xf32>
    %get3A_653 = arith.index_cast %select_n3A_599 : i32 to index
    %get3A_654 = arith.constant 16 : index
    %get3A_655 = tpu.vector_load %arg10[%get3A_653, %get3A_654] {strides = array<i32>} : memref<3x128xf32, #tpu.memory_space<vmem>>, vector<1x16xf32>,
    %get3A_656 = vector.shape_cast %get3A_655 : vector<1x16xf32> to vector<16xf32>
    %add3A_657 = arith.addf %get3A_652, %get3A_656 : vector<16xf32>
    %get3A_658 = arith.index_cast %select_n3A_639 : i32 to index
    %get3A_659 = arith.constant 32 : index
    %get3A_660 = tpu.vector_load %arg8[%get3A_658, %get3A_659] {strides = array<i32>} : memref<32x128xf32, #tpu.memory_space<vmem>>, vector<1x16xf32>,
    %get3A_661 = vector.shape_cast %get3A_660 : vector<1x16xf32> to vector<16xf32>
    %get3A_662 = arith.index_cast %select_n3A_599 : i32 to index
    %get3A_663 = arith.constant 32 : index
    %get3A_664 = tpu.vector_load %arg10[%get3A_662, %get3A_663] {strides = array<i32>} : memref<3x128xf32, #tpu.memory_space<vmem>>, vector<1x16xf32>,
    %get3A_665 = vector.shape_cast %get3A_664 : vector<1x16xf32> to vector<16xf32>
    %add3A_666 = arith.addf %get3A_661, %get3A_665 : vector<16xf32>
    %get3A_667 = arith.index_cast %select_n3A_639 : i32 to index
    %get3A_668 = arith.constant 48 : index
    %get3A_669 = tpu.vector_load %arg8[%get3A_667, %get3A_668] {strides = array<i32>} : memref<32x128xf32, #tpu.memory_space<vmem>>, vector<1x16xf32>,
    %get3A_670 = vector.shape_cast %get3A_669 : vector<1x16xf32> to vector<16xf32>
    %get3A_671 = arith.index_cast %select_n3A_599 : i32 to index
    %get3A_672 = arith.constant 48 : index
    %get3A_673 = tpu.vector_load %arg10[%get3A_671, %get3A_672] {strides = array<i32>} : memref<3x128xf32, #tpu.memory_space<vmem>>, vector<1x16xf32>,
    %get3A_674 = vector.shape_cast %get3A_673 : vector<1x16xf32> to vector<16xf32>
    %add3A_675 = arith.addf %get3A_670, %get3A_674 : vector<16xf32>
    %get3A_676 = arith.index_cast %select_n3A_639 : i32 to index
    %get3A_677 = arith.constant 64 : index
    %get3A_678 = tpu.vector_load %arg8[%get3A_676, %get3A_677] {strides = array<i32>} : memref<32x128xf32, #tpu.memory_space<vmem>>, vector<1x16xf32>,
    %get3A_679 = vector.shape_cast %get3A_678 : vector<1x16xf32> to vector<16xf32>
    %get3A_680 = arith.index_cast %select_n3A_599 : i32 to index
    %get3A_681 = arith.constant 64 : index
    %get3A_682 = tpu.vector_load %arg10[%get3A_680, %get3A_681] {strides = array<i32>} : memref<3x128xf32, #tpu.memory_space<vmem>>, vector<1x16xf32>,
    %get3A_683 = vector.shape_cast %get3A_682 : vector<1x16xf32> to vector<16xf32>
    %add3A_684 = arith.addf %get3A_679, %get3A_683 : vector<16xf32>
    %get3A_685 = arith.index_cast %select_n3A_639 : i32 to index
    %get3A_686 = arith.constant 80 : index
    %get3A_687 = tpu.vector_load %arg8[%get3A_685, %get3A_686] {strides = array<i32>} : memref<32x128xf32, #tpu.memory_space<vmem>>, vector<1x16xf32>,
    %get3A_688 = vector.shape_cast %get3A_687 : vector<1x16xf32> to vector<16xf32>
    %get3A_689 = arith.index_cast %select_n3A_599 : i32 to index
    %get3A_690 = arith.constant 80 : index
    %get3A_691 = tpu.vector_load %arg10[%get3A_689, %get3A_690] {strides = array<i32>} : memref<3x128xf32, #tpu.memory_space<vmem>>, vector<1x16xf32>,
    %get3A_692 = vector.shape_cast %get3A_691 : vector<1x16xf32> to vector<16xf32>
    %add3A_693 = arith.addf %get3A_688, %get3A_692 : vector<16xf32>
    %get3A_694 = arith.index_cast %select_n3A_639 : i32 to index
    %get3A_695 = arith.constant 96 : index
    %get3A_696 = tpu.vector_load %arg8[%get3A_694, %get3A_695] {strides = array<i32>} : memref<32x128xf32, #tpu.memory_space<vmem>>, vector<1x16xf32>,
    %get3A_697 = vector.shape_cast %get3A_696 : vector<1x16xf32> to vector<16xf32>
    %get3A_698 = arith.index_cast %select_n3A_599 : i32 to index
    %get3A_699 = arith.constant 96 : index
    %get3A_700 = tpu.vector_load %arg10[%get3A_698, %get3A_699] {strides = array<i32>} : memref<3x128xf32, #tpu.memory_space<vmem>>, vector<1x16xf32>,
    %get3A_701 = vector.shape_cast %get3A_700 : vector<1x16xf32> to vector<16xf32>
    %add3A_702 = arith.addf %get3A_697, %get3A_701 : vector<16xf32>
    %get3A_703 = arith.index_cast %select_n3A_639 : i32 to index
    %get3A_704 = arith.constant 112 : index
    %get3A_705 = tpu.vector_load %arg8[%get3A_703, %get3A_704] {strides = array<i32>} : memref<32x128xf32, #tpu.memory_space<vmem>>, vector<1x16xf32>,
    %get3A_706 = vector.shape_cast %get3A_705 : vector<1x16xf32> to vector<16xf32>
    %get3A_707 = arith.index_cast %select_n3A_599 : i32 to index
    %get3A_708 = arith.constant 112 : index
    %get3A_709 = tpu.vector_load %arg10[%get3A_707, %get3A_708] {strides = array<i32>} : memref<3x128xf32, #tpu.memory_space<vmem>>, vector<1x16xf32>,
    %get3A_710 = vector.shape_cast %get3A_709 : vector<1x16xf32> to vector<16xf32>
    %add3A_711 = arith.addf %get3A_706, %get3A_710 : vector<16xf32>
    %scan3A_712 = arith.constant 0 : i32
    %scan3A_713 = arith.constant 0 : i32
    %scan3A_714 = arith.constant 32 : i32
    %scan3A_715 = arith.addi %scan3A_713, %scan3A_714 : i32
    %scan3A_716 = arith.constant 1 : i32
    scf.for %scan3A_2593 = %scan3A_713 to %scan3A_715 step %scan3A_716  : i32 {
      %get3A_2594 = arith.index_cast %scan3A_2593 : i32 to index
      %get3A_2595 = arith.constant 0 : index
      %get3A_2596 = tpu.vector_load %arg9[%get3A_2594, %get3A_2595] {strides = array<i32>} : memref<32x128xf32, #tpu.memory_space<vmem>>, vector<1x16xf32>,
      %get3A_2597 = vector.shape_cast %get3A_2596 : vector<1x16xf32> to vector<16xf32>
      %add3A_2598 = arith.addf %get3A_2597, %add3A_648 : vector<16xf32>
      %add3A_2599 = arith.constant 128 : i32
      %add3A_2600 = arith.addi %add3A_2599, %scan3A_2593 : i32
      %swap3A = arith.index_cast %add3A_2600 : i32 to index
      %swap3A_2601 = arith.constant 0 : index
      %swap3A_2602 = tpu.vector_load %arg11[%swap3A, %swap3A_2601] {strides = array<i32>} : memref<192x128xf32, #tpu.memory_space<vmem>>, vector<1x16xf32>,
      %swap3A_2603 = vector.shape_cast %swap3A_2602 : vector<1x16xf32> to vector<16xf32>
      %swap3A_2604 = vector.shape_cast %add3A_2598 : vector<16xf32> to vector<1x16xf32>
      tpu.vector_store %arg11[%swap3A, %swap3A_2601], %swap3A_2604 {strides = array<i32>} : memref<192x128xf32, #tpu.memory_space<vmem>>, vector<1x16xf32>,
      %get3A_2605 = arith.index_cast %scan3A_2593 : i32 to index
      %get3A_2606 = arith.constant 16 : index
      %get3A_2607 = tpu.vector_load %arg9[%get3A_2605, %get3A_2606] {strides = array<i32>} : memref<32x128xf32, #tpu.memory_space<vmem>>, vector<1x16xf32>,
      %get3A_2608 = vector.shape_cast %get3A_2607 : vector<1x16xf32> to vector<16xf32>
      %add3A_2609 = arith.addf %get3A_2608, %add3A_657 : vector<16xf32>
      %add3A_2610 = arith.constant 128 : i32
      %add3A_2611 = arith.addi %add3A_2610, %scan3A_2593 : i32
      %swap3A_2612 = arith.index_cast %add3A_2611 : i32 to index
      %swap3A_2613 = arith.constant 16 : index
      %swap3A_2614 = tpu.vector_load %arg11[%swap3A_2612, %swap3A_2613] {strides = array<i32>} : memref<192x128xf32, #tpu.memory_space<vmem>>, vector<1x16xf32>,
      %swap3A_2615 = vector.shape_cast %swap3A_2614 : vector<1x16xf32> to vector<16xf32>
      %swap3A_2616 = vector.shape_cast %add3A_2609 : vector<16xf32> to vector<1x16xf32>
      tpu.vector_store %arg11[%swap3A_2612, %swap3A_2613], %swap3A_2616 {strides = array<i32>} : memref<192x128xf32, #tpu.memory_space<vmem>>, vector<1x16xf32>,
      %get3A_2617 = arith.index_cast %scan3A_2593 : i32 to index
      %get3A_2618 = arith.constant 32 : index
      %get3A_2619 = tpu.vector_load %arg9[%get3A_2617, %get3A_2618] {strides = array<i32>} : memref<32x128xf32, #tpu.memory_space<vmem>>, vector<1x16xf32>,
      %get3A_2620 = vector.shape_cast %get3A_2619 : vector<1x16xf32> to vector<16xf32>
      %add3A_2621 = arith.addf %get3A_2620, %add3A_666 : vector<16xf32>
      %add3A_2622 = arith.constant 128 : i32
      %add3A_2623 = arith.addi %add3A_2622, %scan3A_2593 : i32
      %swap3A_2624 = arith.index_cast %add3A_2623 : i32 to index
      %swap3A_2625 = arith.constant 32 : index
      %swap3A_2626 = tpu.vector_load %arg11[%swap3A_2624, %swap3A_2625] {strides = array<i32>} : memref<192x128xf32, #tpu.memory_space<vmem>>, vector<1x16xf32>,
      %swap3A_2627 = vector.shape_cast %swap3A_2626 : vector<1x16xf32> to vector<16xf32>
      %swap3A_2628 = vector.shape_cast %add3A_2621 : vector<16xf32> to vector<1x16xf32>
      tpu.vector_store %arg11[%swap3A_2624, %swap3A_2625], %swap3A_2628 {strides = array<i32>} : memref<192x128xf32, #tpu.memory_space<vmem>>, vector<1x16xf32>,
      %get3A_2629 = arith.index_cast %scan3A_2593 : i32 to index
      %get3A_2630 = arith.constant 48 : index
      %get3A_2631 = tpu.vector_load %arg9[%get3A_2629, %get3A_2630] {strides = array<i32>} : memref<32x128xf32, #tpu.memory_space<vmem>>, vector<1x16xf32>,
      %get3A_2632 = vector.shape_cast %get3A_2631 : vector<1x16xf32> to vector<16xf32>
      %add3A_2633 = arith.addf %get3A_2632, %add3A_675 : vector<16xf32>
      %add3A_2634 = arith.constant 128 : i32
      %add3A_2635 = arith.addi %add3A_2634, %scan3A_2593 : i32
      %swap3A_2636 = arith.index_cast %add3A_2635 : i32 to index
      %swap3A_2637 = arith.constant 48 : index
      %swap3A_2638 = tpu.vector_load %arg11[%swap3A_2636, %swap3A_2637] {strides = array<i32>} : memref<192x128xf32, #tpu.memory_space<vmem>>, vector<1x16xf32>,
      %swap3A_2639 = vector.shape_cast %swap3A_2638 : vector<1x16xf32> to vector<16xf32>
      %swap3A_2640 = vector.shape_cast %add3A_2633 : vector<16xf32> to vector<1x16xf32>
      tpu.vector_store %arg11[%swap3A_2636, %swap3A_2637], %swap3A_2640 {strides = array<i32>} : memref<192x128xf32, #tpu.memory_space<vmem>>, vector<1x16xf32>,
      %get3A_2641 = arith.index_cast %scan3A_2593 : i32 to index
      %get3A_2642 = arith.constant 64 : index
      %get3A_2643 = tpu.vector_load %arg9[%get3A_2641, %get3A_2642] {strides = array<i32>} : memref<32x128xf32, #tpu.memory_space<vmem>>, vector<1x16xf32>,
      %get3A_2644 = vector.shape_cast %get3A_2643 : vector<1x16xf32> to vector<16xf32>
      %add3A_2645 = arith.addf %get3A_2644, %add3A_684 : vector<16xf32>
      %add3A_2646 = arith.constant 128 : i32
      %add3A_2647 = arith.addi %add3A_2646, %scan3A_2593 : i32
      %swap3A_2648 = arith.index_cast %add3A_2647 : i32 to index
      %swap3A_2649 = arith.constant 64 : index
      %swap3A_2650 = tpu.vector_load %arg11[%swap3A_2648, %swap3A_2649] {strides = array<i32>} : memref<192x128xf32, #tpu.memory_space<vmem>>, vector<1x16xf32>,
      %swap3A_2651 = vector.shape_cast %swap3A_2650 : vector<1x16xf32> to vector<16xf32>
      %swap3A_2652 = vector.shape_cast %add3A_2645 : vector<16xf32> to vector<1x16xf32>
      tpu.vector_store %arg11[%swap3A_2648, %swap3A_2649], %swap3A_2652 {strides = array<i32>} : memref<192x128xf32, #tpu.memory_space<vmem>>, vector<1x16xf32>,
      %get3A_2653 = arith.index_cast %scan3A_2593 : i32 to index
      %get3A_2654 = arith.constant 80 : index
      %get3A_2655 = tpu.vector_load %arg9[%get3A_2653, %get3A_2654] {strides = array<i32>} : memref<32x128xf32, #tpu.memory_space<vmem>>, vector<1x16xf32>,
      %get3A_2656 = vector.shape_cast %get3A_2655 : vector<1x16xf32> to vector<16xf32>
      %add3A_2657 = arith.addf %get3A_2656, %add3A_693 : vector<16xf32>
      %add3A_2658 = arith.constant 128 : i32
      %add3A_2659 = arith.addi %add3A_2658, %scan3A_2593 : i32
      %swap3A_2660 = arith.index_cast %add3A_2659 : i32 to index
      %swap3A_2661 = arith.constant 80 : index
      %swap3A_2662 = tpu.vector_load %arg11[%swap3A_2660, %swap3A_2661] {strides = array<i32>} : memref<192x128xf32, #tpu.memory_space<vmem>>, vector<1x16xf32>,
      %swap3A_2663 = vector.shape_cast %swap3A_2662 : vector<1x16xf32> to vector<16xf32>
      %swap3A_2664 = vector.shape_cast %add3A_2657 : vector<16xf32> to vector<1x16xf32>
      tpu.vector_store %arg11[%swap3A_2660, %swap3A_2661], %swap3A_2664 {strides = array<i32>} : memref<192x128xf32, #tpu.memory_space<vmem>>, vector<1x16xf32>,
      %get3A_2665 = arith.index_cast %scan3A_2593 : i32 to index
      %get3A_2666 = arith.constant 96 : index
      %get3A_2667 = tpu.vector_load %arg9[%get3A_2665, %get3A_2666] {strides = array<i32>} : memref<32x128xf32, #tpu.memory_space<vmem>>, vector<1x16xf32>,
      %get3A_2668 = vector.shape_cast %get3A_2667 : vector<1x16xf32> to vector<16xf32>
      %add3A_2669 = arith.addf %get3A_2668, %add3A_702 : vector<16xf32>
      %add3A_2670 = arith.constant 128 : i32
      %add3A_2671 = arith.addi %add3A_2670, %scan3A_2593 : i32
      %swap3A_2672 = arith.index_cast %add3A_2671 : i32 to index
      %swap3A_2673 = arith.constant 96 : index
      %swap3A_2674 = tpu.vector_load %arg11[%swap3A_2672, %swap3A_2673] {strides = array<i32>} : memref<192x128xf32, #tpu.memory_space<vmem>>, vector<1x16xf32>,
      %swap3A_2675 = vector.shape_cast %swap3A_2674 : vector<1x16xf32> to vector<16xf32>
      %swap3A_2676 = vector.shape_cast %add3A_2669 : vector<16xf32> to vector<1x16xf32>
      tpu.vector_store %arg11[%swap3A_2672, %swap3A_2673], %swap3A_2676 {strides = array<i32>} : memref<192x128xf32, #tpu.memory_space<vmem>>, vector<1x16xf32>,
      %get3A_2677 = arith.index_cast %scan3A_2593 : i32 to index
      %get3A_2678 = arith.constant 112 : index
      %get3A_2679 = tpu.vector_load %arg9[%get3A_2677, %get3A_2678] {strides = array<i32>} : memref<32x128xf32, #tpu.memory_space<vmem>>, vector<1x16xf32>,
      %get3A_2680 = vector.shape_cast %get3A_2679 : vector<1x16xf32> to vector<16xf32>
      %add3A_2681 = arith.addf %get3A_2680, %add3A_711 : vector<16xf32>
      %add3A_2682 = arith.constant 128 : i32
      %add3A_2683 = arith.addi %add3A_2682, %scan3A_2593 : i32
      %swap3A_2684 = arith.index_cast %add3A_2683 : i32 to index
      %swap3A_2685 = arith.constant 112 : index
      %swap3A_2686 = tpu.vector_load %arg11[%swap3A_2684, %swap3A_2685] {strides = array<i32>} : memref<192x128xf32, #tpu.memory_space<vmem>>, vector<1x16xf32>,
      %swap3A_2687 = vector.shape_cast %swap3A_2686 : vector<1x16xf32> to vector<16xf32>
      %swap3A_2688 = vector.shape_cast %add3A_2681 : vector<16xf32> to vector<1x16xf32>
      tpu.vector_store %arg11[%swap3A_2684, %swap3A_2685], %swap3A_2688 {strides = array<i32>} : memref<192x128xf32, #tpu.memory_space<vmem>>, vector<1x16xf32>,
    }
    %scan3A_717 = arith.constant 32 : i32
    %add3A_718 = arith.constant 160 : i32
    %add3A_719 = arith.addi %mul3A_9, %add3A_718 : i32
    %jit3A_720 = arith.constant 1024 : i32
    %div3A_721 = arith.divsi %add3A_719, %jit3A_720 : i32
    %sign3A_722 = arith.constant 0 : i32
    %sign3A_723 = arith.cmpi sgt, %add3A_719, %sign3A_722 : i32
    %sign3A_724 = arith.extui %sign3A_723 : i1 to i32
    %sign3A_725 = arith.constant 0 : i32
    %sign3A_726 = arith.cmpi slt, %add3A_719, %sign3A_725 : i32
    %sign3A_727 = arith.extui %sign3A_726 : i1 to i32
    %sign3A_728 = arith.subi %sign3A_724, %sign3A_727 : i32
    %sign3A_729 = arith.constant 0 : i32
    %sign3A_730 = arith.cmpi sgt, %jit3A_720, %sign3A_729 : i32
    %sign3A_731 = arith.extui %sign3A_730 : i1 to i32
    %sign3A_732 = arith.constant 0 : i32
    %sign3A_733 = arith.cmpi slt, %jit3A_720, %sign3A_732 : i32
    %sign3A_734 = arith.extui %sign3A_733 : i1 to i32
    %sign3A_735 = arith.subi %sign3A_731, %sign3A_734 : i32
    %ne3A_736 = arith.cmpi ne, %sign3A_728, %sign3A_735 : i32
    %rem3A_737 = arith.remsi %add3A_719, %jit3A_720 : i32
    %ne3A_738 = arith.constant 0 : i32
    %ne3A_739 = arith.cmpi ne, %rem3A_737, %ne3A_738 : i32
    %and3A_740 = arith.andi %ne3A_736, %ne3A_739 : i1
    %sub3A_741 = arith.constant 1 : i32
    %sub3A_742 = arith.subi %div3A_721, %sub3A_741 : i32
    %select_n3A_743 = arith.select %and3A_740, %sub3A_742, %div3A_721 : i32
    %jit3A_744 = arith.constant 1024 : i32
    %eq3A_745 = arith.constant 0 : i32
    %eq3A_746 = arith.cmpi eq, %jit3A_744, %eq3A_745 : i32
    %jit3A_747 = arith.constant 1 : i32
    %select_n3A_748 = arith.select %eq3A_746, %jit3A_747, %jit3A_744 : i32
    %rem3A_749 = arith.remsi %add3A_719, %select_n3A_748 : i32
    %ne3A_750 = arith.constant 0 : i32
    %ne3A_751 = arith.cmpi ne, %rem3A_749, %ne3A_750 : i32
    %lt3A_752 = arith.constant 0 : i32
    %lt3A_753 = arith.cmpi slt, %rem3A_749, %lt3A_752 : i32
    %lt3A_754 = arith.constant 0 : i32
    %lt3A_755 = arith.cmpi slt, %select_n3A_748, %lt3A_754 : i32
    %ne3A_756 = arith.xori %lt3A_753, %lt3A_755 : i1
    %and3A_757 = arith.andi %ne3A_756, %ne3A_751 : i1
    %add3A_758 = arith.addi %rem3A_749, %select_n3A_748 : i32
    %select_n3A_759 = arith.select %and3A_757, %add3A_758, %rem3A_749 : i32
    %jit3A_760 = arith.constant 32 : i32
    %div3A_761 = arith.divsi %select_n3A_759, %jit3A_760 : i32
    %sign3A_762 = arith.constant 0 : i32
    %sign3A_763 = arith.cmpi sgt, %select_n3A_759, %sign3A_762 : i32
    %sign3A_764 = arith.extui %sign3A_763 : i1 to i32
    %sign3A_765 = arith.constant 0 : i32
    %sign3A_766 = arith.cmpi slt, %select_n3A_759, %sign3A_765 : i32
    %sign3A_767 = arith.extui %sign3A_766 : i1 to i32
    %sign3A_768 = arith.subi %sign3A_764, %sign3A_767 : i32
    %sign3A_769 = arith.constant 0 : i32
    %sign3A_770 = arith.cmpi sgt, %jit3A_760, %sign3A_769 : i32
    %sign3A_771 = arith.extui %sign3A_770 : i1 to i32
    %sign3A_772 = arith.constant 0 : i32
    %sign3A_773 = arith.cmpi slt, %jit3A_760, %sign3A_772 : i32
    %sign3A_774 = arith.extui %sign3A_773 : i1 to i32
    %sign3A_775 = arith.subi %sign3A_771, %sign3A_774 : i32
    %ne3A_776 = arith.cmpi ne, %sign3A_768, %sign3A_775 : i32
    %rem3A_777 = arith.remsi %select_n3A_759, %jit3A_760 : i32
    %ne3A_778 = arith.constant 0 : i32
    %ne3A_779 = arith.cmpi ne, %rem3A_777, %ne3A_778 : i32
    %and3A_780 = arith.andi %ne3A_776, %ne3A_779 : i1
    %sub3A_781 = arith.constant 1 : i32
    %sub3A_782 = arith.subi %div3A_761, %sub3A_781 : i32
    %select_n3A_783 = arith.select %and3A_780, %sub3A_782, %div3A_761 : i32
    %get3A_784 = arith.index_cast %select_n3A_783 : i32 to index
    %get3A_785 = arith.constant 0 : index
    %get3A_786 = tpu.vector_load %arg8[%get3A_784, %get3A_785] {strides = array<i32>} : memref<32x128xf32, #tpu.memory_space<vmem>>, vector<1x16xf32>,
    %get3A_787 = vector.shape_cast %get3A_786 : vector<1x16xf32> to vector<16xf32>
    %get3A_788 = arith.index_cast %select_n3A_743 : i32 to index
    %get3A_789 = arith.constant 0 : index
    %get3A_790 = tpu.vector_load %arg10[%get3A_788, %get3A_789] {strides = array<i32>} : memref<3x128xf32, #tpu.memory_space<vmem>>, vector<1x16xf32>,
    %get3A_791 = vector.shape_cast %get3A_790 : vector<1x16xf32> to vector<16xf32>
    %add3A_792 = arith.addf %get3A_787, %get3A_791 : vector<16xf32>
    %get3A_793 = arith.index_cast %select_n3A_783 : i32 to index
    %get3A_794 = arith.constant 16 : index
    %get3A_795 = tpu.vector_load %arg8[%get3A_793, %get3A_794] {strides = array<i32>} : memref<32x128xf32, #tpu.memory_space<vmem>>, vector<1x16xf32>,
    %get3A_796 = vector.shape_cast %get3A_795 : vector<1x16xf32> to vector<16xf32>
    %get3A_797 = arith.index_cast %select_n3A_743 : i32 to index
    %get3A_798 = arith.constant 16 : index
    %get3A_799 = tpu.vector_load %arg10[%get3A_797, %get3A_798] {strides = array<i32>} : memref<3x128xf32, #tpu.memory_space<vmem>>, vector<1x16xf32>,
    %get3A_800 = vector.shape_cast %get3A_799 : vector<1x16xf32> to vector<16xf32>
    %add3A_801 = arith.addf %get3A_796, %get3A_800 : vector<16xf32>
    %get3A_802 = arith.index_cast %select_n3A_783 : i32 to index
    %get3A_803 = arith.constant 32 : index
    %get3A_804 = tpu.vector_load %arg8[%get3A_802, %get3A_803] {strides = array<i32>} : memref<32x128xf32, #tpu.memory_space<vmem>>, vector<1x16xf32>,
    %get3A_805 = vector.shape_cast %get3A_804 : vector<1x16xf32> to vector<16xf32>
    %get3A_806 = arith.index_cast %select_n3A_743 : i32 to index
    %get3A_807 = arith.constant 32 : index
    %get3A_808 = tpu.vector_load %arg10[%get3A_806, %get3A_807] {strides = array<i32>} : memref<3x128xf32, #tpu.memory_space<vmem>>, vector<1x16xf32>,
    %get3A_809 = vector.shape_cast %get3A_808 : vector<1x16xf32> to vector<16xf32>
    %add3A_810 = arith.addf %get3A_805, %get3A_809 : vector<16xf32>
    %get3A_811 = arith.index_cast %select_n3A_783 : i32 to index
    %get3A_812 = arith.constant 48 : index
    %get3A_813 = tpu.vector_load %arg8[%get3A_811, %get3A_812] {strides = array<i32>} : memref<32x128xf32, #tpu.memory_space<vmem>>, vector<1x16xf32>,
    %get3A_814 = vector.shape_cast %get3A_813 : vector<1x16xf32> to vector<16xf32>
    %get3A_815 = arith.index_cast %select_n3A_743 : i32 to index
    %get3A_816 = arith.constant 48 : index
    %get3A_817 = tpu.vector_load %arg10[%get3A_815, %get3A_816] {strides = array<i32>} : memref<3x128xf32, #tpu.memory_space<vmem>>, vector<1x16xf32>,
    %get3A_818 = vector.shape_cast %get3A_817 : vector<1x16xf32> to vector<16xf32>
    %add3A_819 = arith.addf %get3A_814, %get3A_818 : vector<16xf32>
    %get3A_820 = arith.index_cast %select_n3A_783 : i32 to index
    %get3A_821 = arith.constant 64 : index
    %get3A_822 = tpu.vector_load %arg8[%get3A_820, %get3A_821] {strides = array<i32>} : memref<32x128xf32, #tpu.memory_space<vmem>>, vector<1x16xf32>,
    %get3A_823 = vector.shape_cast %get3A_822 : vector<1x16xf32> to vector<16xf32>
    %get3A_824 = arith.index_cast %select_n3A_743 : i32 to index
    %get3A_825 = arith.constant 64 : index
    %get3A_826 = tpu.vector_load %arg10[%get3A_824, %get3A_825] {strides = array<i32>} : memref<3x128xf32, #tpu.memory_space<vmem>>, vector<1x16xf32>,
    %get3A_827 = vector.shape_cast %get3A_826 : vector<1x16xf32> to vector<16xf32>
    %add3A_828 = arith.addf %get3A_823, %get3A_827 : vector<16xf32>
    %get3A_829 = arith.index_cast %select_n3A_783 : i32 to index
    %get3A_830 = arith.constant 80 : index
    %get3A_831 = tpu.vector_load %arg8[%get3A_829, %get3A_830] {strides = array<i32>} : memref<32x128xf32, #tpu.memory_space<vmem>>, vector<1x16xf32>,
    %get3A_832 = vector.shape_cast %get3A_831 : vector<1x16xf32> to vector<16xf32>
    %get3A_833 = arith.index_cast %select_n3A_743 : i32 to index
    %get3A_834 = arith.constant 80 : index
    %get3A_835 = tpu.vector_load %arg10[%get3A_833, %get3A_834] {strides = array<i32>} : memref<3x128xf32, #tpu.memory_space<vmem>>, vector<1x16xf32>,
    %get3A_836 = vector.shape_cast %get3A_835 : vector<1x16xf32> to vector<16xf32>
    %add3A_837 = arith.addf %get3A_832, %get3A_836 : vector<16xf32>
    %get3A_838 = arith.index_cast %select_n3A_783 : i32 to index
    %get3A_839 = arith.constant 96 : index
    %get3A_840 = tpu.vector_load %arg8[%get3A_838, %get3A_839] {strides = array<i32>} : memref<32x128xf32, #tpu.memory_space<vmem>>, vector<1x16xf32>,
    %get3A_841 = vector.shape_cast %get3A_840 : vector<1x16xf32> to vector<16xf32>
    %get3A_842 = arith.index_cast %select_n3A_743 : i32 to index
    %get3A_843 = arith.constant 96 : index
    %get3A_844 = tpu.vector_load %arg10[%get3A_842, %get3A_843] {strides = array<i32>} : memref<3x128xf32, #tpu.memory_space<vmem>>, vector<1x16xf32>,
    %get3A_845 = vector.shape_cast %get3A_844 : vector<1x16xf32> to vector<16xf32>
    %add3A_846 = arith.addf %get3A_841, %get3A_845 : vector<16xf32>
    %get3A_847 = arith.index_cast %select_n3A_783 : i32 to index
    %get3A_848 = arith.constant 112 : index
    %get3A_849 = tpu.vector_load %arg8[%get3A_847, %get3A_848] {strides = array<i32>} : memref<32x128xf32, #tpu.memory_space<vmem>>, vector<1x16xf32>,
    %get3A_850 = vector.shape_cast %get3A_849 : vector<1x16xf32> to vector<16xf32>
    %get3A_851 = arith.index_cast %select_n3A_743 : i32 to index
    %get3A_852 = arith.constant 112 : index
    %get3A_853 = tpu.vector_load %arg10[%get3A_851, %get3A_852] {strides = array<i32>} : memref<3x128xf32, #tpu.memory_space<vmem>>, vector<1x16xf32>,
    %get3A_854 = vector.shape_cast %get3A_853 : vector<1x16xf32> to vector<16xf32>
    %add3A_855 = arith.addf %get3A_850, %get3A_854 : vector<16xf32>
    %scan3A_856 = arith.constant 0 : i32
    %scan3A_857 = arith.constant 0 : i32
    %scan3A_858 = arith.constant 32 : i32
    %scan3A_859 = arith.addi %scan3A_857, %scan3A_858 : i32
    %scan3A_860 = arith.constant 1 : i32
    scf.for %scan3A_2593 = %scan3A_857 to %scan3A_859 step %scan3A_860  : i32 {
      %get3A_2594 = arith.index_cast %scan3A_2593 : i32 to index
      %get3A_2595 = arith.constant 0 : index
      %get3A_2596 = tpu.vector_load %arg9[%get3A_2594, %get3A_2595] {strides = array<i32>} : memref<32x128xf32, #tpu.memory_space<vmem>>, vector<1x16xf32>,
      %get3A_2597 = vector.shape_cast %get3A_2596 : vector<1x16xf32> to vector<16xf32>
      %add3A_2598 = arith.addf %get3A_2597, %add3A_792 : vector<16xf32>
      %add3A_2599 = arith.constant 160 : i32
      %add3A_2600 = arith.addi %add3A_2599, %scan3A_2593 : i32
      %swap3A = arith.index_cast %add3A_2600 : i32 to index
      %swap3A_2601 = arith.constant 0 : index
      %swap3A_2602 = tpu.vector_load %arg11[%swap3A, %swap3A_2601] {strides = array<i32>} : memref<192x128xf32, #tpu.memory_space<vmem>>, vector<1x16xf32>,
      %swap3A_2603 = vector.shape_cast %swap3A_2602 : vector<1x16xf32> to vector<16xf32>
      %swap3A_2604 = vector.shape_cast %add3A_2598 : vector<16xf32> to vector<1x16xf32>
      tpu.vector_store %arg11[%swap3A, %swap3A_2601], %swap3A_2604 {strides = array<i32>} : memref<192x128xf32, #tpu.memory_space<vmem>>, vector<1x16xf32>,
      %get3A_2605 = arith.index_cast %scan3A_2593 : i32 to index
      %get3A_2606 = arith.constant 16 : index
      %get3A_2607 = tpu.vector_load %arg9[%get3A_2605, %get3A_2606] {strides = array<i32>} : memref<32x128xf32, #tpu.memory_space<vmem>>, vector<1x16xf32>,
      %get3A_2608 = vector.shape_cast %get3A_2607 : vector<1x16xf32> to vector<16xf32>
      %add3A_2609 = arith.addf %get3A_2608, %add3A_801 : vector<16xf32>
      %add3A_2610 = arith.constant 160 : i32
      %add3A_2611 = arith.addi %add3A_2610, %scan3A_2593 : i32
      %swap3A_2612 = arith.index_cast %add3A_2611 : i32 to index
      %swap3A_2613 = arith.constant 16 : index
      %swap3A_2614 = tpu.vector_load %arg11[%swap3A_2612, %swap3A_2613] {strides = array<i32>} : memref<192x128xf32, #tpu.memory_space<vmem>>, vector<1x16xf32>,
      %swap3A_2615 = vector.shape_cast %swap3A_2614 : vector<1x16xf32> to vector<16xf32>
      %swap3A_2616 = vector.shape_cast %add3A_2609 : vector<16xf32> to vector<1x16xf32>
      tpu.vector_store %arg11[%swap3A_2612, %swap3A_2613], %swap3A_2616 {strides = array<i32>} : memref<192x128xf32, #tpu.memory_space<vmem>>, vector<1x16xf32>,
      %get3A_2617 = arith.index_cast %scan3A_2593 : i32 to index
      %get3A_2618 = arith.constant 32 : index
      %get3A_2619 = tpu.vector_load %arg9[%get3A_2617, %get3A_2618] {strides = array<i32>} : memref<32x128xf32, #tpu.memory_space<vmem>>, vector<1x16xf32>,
      %get3A_2620 = vector.shape_cast %get3A_2619 : vector<1x16xf32> to vector<16xf32>
      %add3A_2621 = arith.addf %get3A_2620, %add3A_810 : vector<16xf32>
      %add3A_2622 = arith.constant 160 : i32
      %add3A_2623 = arith.addi %add3A_2622, %scan3A_2593 : i32
      %swap3A_2624 = arith.index_cast %add3A_2623 : i32 to index
      %swap3A_2625 = arith.constant 32 : index
      %swap3A_2626 = tpu.vector_load %arg11[%swap3A_2624, %swap3A_2625] {strides = array<i32>} : memref<192x128xf32, #tpu.memory_space<vmem>>, vector<1x16xf32>,
      %swap3A_2627 = vector.shape_cast %swap3A_2626 : vector<1x16xf32> to vector<16xf32>
      %swap3A_2628 = vector.shape_cast %add3A_2621 : vector<16xf32> to vector<1x16xf32>
      tpu.vector_store %arg11[%swap3A_2624, %swap3A_2625], %swap3A_2628 {strides = array<i32>} : memref<192x128xf32, #tpu.memory_space<vmem>>, vector<1x16xf32>,
      %get3A_2629 = arith.index_cast %scan3A_2593 : i32 to index
      %get3A_2630 = arith.constant 48 : index
      %get3A_2631 = tpu.vector_load %arg9[%get3A_2629, %get3A_2630] {strides = array<i32>} : memref<32x128xf32, #tpu.memory_space<vmem>>, vector<1x16xf32>,
      %get3A_2632 = vector.shape_cast %get3A_2631 : vector<1x16xf32> to vector<16xf32>
      %add3A_2633 = arith.addf %get3A_2632, %add3A_819 : vector<16xf32>
      %add3A_2634 = arith.constant 160 : i32
      %add3A_2635 = arith.addi %add3A_2634, %scan3A_2593 : i32
      %swap3A_2636 = arith.index_cast %add3A_2635 : i32 to index
      %swap3A_2637 = arith.constant 48 : index
      %swap3A_2638 = tpu.vector_load %arg11[%swap3A_2636, %swap3A_2637] {strides = array<i32>} : memref<192x128xf32, #tpu.memory_space<vmem>>, vector<1x16xf32>,
      %swap3A_2639 = vector.shape_cast %swap3A_2638 : vector<1x16xf32> to vector<16xf32>
      %swap3A_2640 = vector.shape_cast %add3A_2633 : vector<16xf32> to vector<1x16xf32>
      tpu.vector_store %arg11[%swap3A_2636, %swap3A_2637], %swap3A_2640 {strides = array<i32>} : memref<192x128xf32, #tpu.memory_space<vmem>>, vector<1x16xf32>,
      %get3A_2641 = arith.index_cast %scan3A_2593 : i32 to index
      %get3A_2642 = arith.constant 64 : index
      %get3A_2643 = tpu.vector_load %arg9[%get3A_2641, %get3A_2642] {strides = array<i32>} : memref<32x128xf32, #tpu.memory_space<vmem>>, vector<1x16xf32>,
      %get3A_2644 = vector.shape_cast %get3A_2643 : vector<1x16xf32> to vector<16xf32>
      %add3A_2645 = arith.addf %get3A_2644, %add3A_828 : vector<16xf32>
      %add3A_2646 = arith.constant 160 : i32
      %add3A_2647 = arith.addi %add3A_2646, %scan3A_2593 : i32
      %swap3A_2648 = arith.index_cast %add3A_2647 : i32 to index
      %swap3A_2649 = arith.constant 64 : index
      %swap3A_2650 = tpu.vector_load %arg11[%swap3A_2648, %swap3A_2649] {strides = array<i32>} : memref<192x128xf32, #tpu.memory_space<vmem>>, vector<1x16xf32>,
      %swap3A_2651 = vector.shape_cast %swap3A_2650 : vector<1x16xf32> to vector<16xf32>
      %swap3A_2652 = vector.shape_cast %add3A_2645 : vector<16xf32> to vector<1x16xf32>
      tpu.vector_store %arg11[%swap3A_2648, %swap3A_2649], %swap3A_2652 {strides = array<i32>} : memref<192x128xf32, #tpu.memory_space<vmem>>, vector<1x16xf32>,
      %get3A_2653 = arith.index_cast %scan3A_2593 : i32 to index
      %get3A_2654 = arith.constant 80 : index
      %get3A_2655 = tpu.vector_load %arg9[%get3A_2653, %get3A_2654] {strides = array<i32>} : memref<32x128xf32, #tpu.memory_space<vmem>>, vector<1x16xf32>,
      %get3A_2656 = vector.shape_cast %get3A_2655 : vector<1x16xf32> to vector<16xf32>
      %add3A_2657 = arith.addf %get3A_2656, %add3A_837 : vector<16xf32>
      %add3A_2658 = arith.constant 160 : i32
      %add3A_2659 = arith.addi %add3A_2658, %scan3A_2593 : i32
      %swap3A_2660 = arith.index_cast %add3A_2659 : i32 to index
      %swap3A_2661 = arith.constant 80 : index
      %swap3A_2662 = tpu.vector_load %arg11[%swap3A_2660, %swap3A_2661] {strides = array<i32>} : memref<192x128xf32, #tpu.memory_space<vmem>>, vector<1x16xf32>,
      %swap3A_2663 = vector.shape_cast %swap3A_2662 : vector<1x16xf32> to vector<16xf32>
      %swap3A_2664 = vector.shape_cast %add3A_2657 : vector<16xf32> to vector<1x16xf32>
      tpu.vector_store %arg11[%swap3A_2660, %swap3A_2661], %swap3A_2664 {strides = array<i32>} : memref<192x128xf32, #tpu.memory_space<vmem>>, vector<1x16xf32>,
      %get3A_2665 = arith.index_cast %scan3A_2593 : i32 to index
      %get3A_2666 = arith.constant 96 : index
      %get3A_2667 = tpu.vector_load %arg9[%get3A_2665, %get3A_2666] {strides = array<i32>} : memref<32x128xf32, #tpu.memory_space<vmem>>, vector<1x16xf32>,
      %get3A_2668 = vector.shape_cast %get3A_2667 : vector<1x16xf32> to vector<16xf32>
      %add3A_2669 = arith.addf %get3A_2668, %add3A_846 : vector<16xf32>
      %add3A_2670 = arith.constant 160 : i32
      %add3A_2671 = arith.addi %add3A_2670, %scan3A_2593 : i32
      %swap3A_2672 = arith.index_cast %add3A_2671 : i32 to index
      %swap3A_2673 = arith.constant 96 : index
      %swap3A_2674 = tpu.vector_load %arg11[%swap3A_2672, %swap3A_2673] {strides = array<i32>} : memref<192x128xf32, #tpu.memory_space<vmem>>, vector<1x16xf32>,
      %swap3A_2675 = vector.shape_cast %swap3A_2674 : vector<1x16xf32> to vector<16xf32>
      %swap3A_2676 = vector.shape_cast %add3A_2669 : vector<16xf32> to vector<1x16xf32>
      tpu.vector_store %arg11[%swap3A_2672, %swap3A_2673], %swap3A_2676 {strides = array<i32>} : memref<192x128xf32, #tpu.memory_space<vmem>>, vector<1x16xf32>,
      %get3A_2677 = arith.index_cast %scan3A_2593 : i32 to index
      %get3A_2678 = arith.constant 112 : index
      %get3A_2679 = tpu.vector_load %arg9[%get3A_2677, %get3A_2678] {strides = array<i32>} : memref<32x128xf32, #tpu.memory_space<vmem>>, vector<1x16xf32>,
      %get3A_2680 = vector.shape_cast %get3A_2679 : vector<1x16xf32> to vector<16xf32>
      %add3A_2681 = arith.addf %get3A_2680, %add3A_855 : vector<16xf32>
      %add3A_2682 = arith.constant 160 : i32
      %add3A_2683 = arith.addi %add3A_2682, %scan3A_2593 : i32
      %swap3A_2684 = arith.index_cast %add3A_2683 : i32 to index
      %swap3A_2685 = arith.constant 112 : index
      %swap3A_2686 = tpu.vector_load %arg11[%swap3A_2684, %swap3A_2685] {strides = array<i32>} : memref<192x128xf32, #tpu.memory_space<vmem>>, vector<1x16xf32>,
      %swap3A_2687 = vector.shape_cast %swap3A_2686 : vector<1x16xf32> to vector<16xf32>
      %swap3A_2688 = vector.shape_cast %add3A_2681 : vector<16xf32> to vector<1x16xf32>
      tpu.vector_store %arg11[%swap3A_2684, %swap3A_2685], %swap3A_2688 {strides = array<i32>} : memref<192x128xf32, #tpu.memory_space<vmem>>, vector<1x16xf32>,
    }
    %scan3A_861 = arith.constant 32 : i32
    "tpu.region"() ({
      %run_scoped3A = tpu.sem_alloc : memref<!tpu.dma_semaphore, #tpu.memory_space<semaphore_mem>>
      %dma_start3A_2593 = arith.constant 0 : i32
      %dma_start3A_2594 = tpu.memref_slice %arg12[%mul3A_9, %dma_start3A_2593] : memref<3072x128xf32, #tpu.memory_space<vmem_shared>> -> memref<192x128xf32, #tpu.memory_space<vmem_shared>>
      %dma_start3A_2595 = arith.constant 0 : i32
      %dma_start3A_2596 = tpu.memref_slice %arg12[%mul3A_9, %dma_start3A_2595] : memref<3072x128xf32, #tpu.memory_space<vmem_shared>> -> memref<192x128xf32, #tpu.memory_space<vmem_shared>>
      tpu.enqueue_dma source(%arg11 : memref<192x128xf32, #tpu.memory_space<vmem>>) target(%dma_start3A_2596 : memref<192x128xf32, #tpu.memory_space<vmem_shared>>) target_semaphore(%run_scoped3A : memref<!tpu.dma_semaphore, #tpu.memory_space<semaphore_mem>>)
      %dma_wait3A_2597 = arith.constant 0 : i32
      %dma_wait3A_2598 = tpu.memref_slice %arg12[%mul3A_9, %dma_wait3A_2597] : memref<3072x128xf32, #tpu.memory_space<vmem_shared>> -> memref<192x128xf32, #tpu.memory_space<vmem_shared>>
      %dma_wait3A_2599 = arith.constant 0 : i32
      %dma_wait3A_2600 = tpu.memref_slice %arg12[%mul3A_9, %dma_wait3A_2599] : memref<3072x128xf32, #tpu.memory_space<vmem_shared>> -> memref<192x128xf32, #tpu.memory_space<vmem_shared>>
      tpu.wait_dma2 semaphore(%run_scoped3A : memref<!tpu.dma_semaphore, #tpu.memory_space<semaphore_mem>>) src(%arg11 : memref<192x128xf32, #tpu.memory_space<vmem>>) dst(%dma_wait3A_2600 : memref<192x128xf32, #tpu.memory_space<vmem_shared>>)
      tpu.yield
    }) : () -> ()
    %dma_wait3A = arith.constant 0 : i32
    %dma_wait3A_862 = tpu.memref_slice %arg2[%mul3A_4, %dma_wait3A] : memref<1536x128xi32, #tpu.memory_space<hbm>> -> memref<48x128xi32, #tpu.memory_space<hbm>>
    %dma_wait3A_863 = arith.constant 0 : i32
    %dma_wait3A_864 = tpu.memref_slice %arg2[%mul3A_4, %dma_wait3A_863] : memref<1536x128xi32, #tpu.memory_space<hbm>> -> memref<48x128xi32, #tpu.memory_space<hbm>>
    tpu.wait_dma2 semaphore(%arg21 : memref<!tpu.dma_semaphore, #tpu.memory_space<semaphore_mem>>) src(%dma_wait3A_864 : memref<48x128xi32, #tpu.memory_space<hbm>>) dst(%arg13 : memref<48x128xi32, #tpu.memory_space<vmem>>)
    %barrier3A = arith.constant 0 : index
    tpu.barrier barrier_id(%barrier3A)
    %dma_start3A_865 = arith.constant 0 : i32
    %dma_start3A_866 = arith.constant 0 : i32
    %dma_start3A_867 = tpu.memref_slice %arg12[%dma_start3A_865, %dma_start3A_866] : memref<3072x128xf32, #tpu.memory_space<vmem_shared>> -> memref<128x128xf32, #tpu.memory_space<vmem_shared>>
    %dma_start3A_868 = arith.constant 0 : i32
    %dma_start3A_869 = arith.constant 0 : i32
    %dma_start3A_870 = tpu.memref_slice %arg12[%dma_start3A_868, %dma_start3A_869] : memref<3072x128xf32, #tpu.memory_space<vmem_shared>> -> memref<128x128xf32, #tpu.memory_space<vmem_shared>>
    tpu.enqueue_dma source(%dma_start3A_870 : memref<128x128xf32, #tpu.memory_space<vmem_shared>>) target(%arg14 : memref<128x128xf32, #tpu.memory_space<vmem>>) target_semaphore(%arg18 : memref<!tpu.dma_semaphore, #tpu.memory_space<semaphore_mem>>)
    %dma_start3A_871 = arith.constant 128 : i32
    %dma_start3A_872 = arith.constant 0 : i32
    %dma_start3A_873 = tpu.memref_slice %arg12[%dma_start3A_871, %dma_start3A_872] : memref<3072x128xf32, #tpu.memory_space<vmem_shared>> -> memref<128x128xf32, #tpu.memory_space<vmem_shared>>
    %dma_start3A_874 = arith.constant 128 : i32
    %dma_start3A_875 = arith.constant 0 : i32
    %dma_start3A_876 = tpu.memref_slice %arg12[%dma_start3A_874, %dma_start3A_875] : memref<3072x128xf32, #tpu.memory_space<vmem_shared>> -> memref<128x128xf32, #tpu.memory_space<vmem_shared>>
    tpu.enqueue_dma source(%dma_start3A_876 : memref<128x128xf32, #tpu.memory_space<vmem_shared>>) target(%arg15 : memref<128x128xf32, #tpu.memory_space<vmem>>) target_semaphore(%arg19 : memref<!tpu.dma_semaphore, #tpu.memory_space<semaphore_mem>>)
    %dma_wait3A_877 = arith.constant 0 : i32
    %dma_wait3A_878 = arith.constant 0 : i32
    %dma_wait3A_879 = tpu.memref_slice %arg12[%dma_wait3A_877, %dma_wait3A_878] : memref<3072x128xf32, #tpu.memory_space<vmem_shared>> -> memref<128x128xf32, #tpu.memory_space<vmem_shared>>
    %dma_wait3A_880 = arith.constant 0 : i32
    %dma_wait3A_881 = arith.constant 0 : i32
    %dma_wait3A_882 = tpu.memref_slice %arg12[%dma_wait3A_880, %dma_wait3A_881] : memref<3072x128xf32, #tpu.memory_space<vmem_shared>> -> memref<128x128xf32, #tpu.memory_space<vmem_shared>>
    tpu.wait_dma2 semaphore(%arg18 : memref<!tpu.dma_semaphore, #tpu.memory_space<semaphore_mem>>) src(%dma_wait3A_882 : memref<128x128xf32, #tpu.memory_space<vmem_shared>>) dst(%arg14 : memref<128x128xf32, #tpu.memory_space<vmem>>)
    %dma_start3A_883 = arith.constant 0 : i32
    %dma_start3A_884 = arith.constant 0 : i32
    %dma_start3A_885 = tpu.memref_slice %arg13[%dma_start3A_883, %dma_start3A_884] : memref<48x128xi32, #tpu.memory_space<vmem>> -> memref<1x128xi32, #tpu.memory_space<vmem>>
    %dma_start3A_886 = tpu.memref_squeeze %dma_start3A_885 : memref<1x128xi32, #tpu.memory_space<vmem>> -> memref<128xi32, #tpu.memory_space<vmem>>
    %dma_start3A_887 = arith.constant 0 : i32
    %dma_start3A_888 = arith.constant 0 : i32
    %dma_start3A_889 = tpu.memref_slice %arg3[%dma_start3A_887, %dma_start3A_888] : memref<100000x128xf32, #tpu.memory_space<hbm>> -> memref<100000x128xf32, #tpu.memory_space<hbm>>
    tpu.enqueue_indirect_dma source(%dma_start3A_889 : memref<100000x128xf32, #tpu.memory_space<hbm>>) target(%arg14 : memref<128x128xf32, #tpu.memory_space<vmem>>) offsets(%dma_start3A_886 : memref<128xi32, #tpu.memory_space<vmem>>) semaphore(%arg22 : memref<!tpu.dma_semaphore, #tpu.memory_space<semaphore_mem>>) {add = true}
    %dma_start3A_890 = arith.constant 256 : i32
    %dma_start3A_891 = arith.constant 0 : i32
    %dma_start3A_892 = tpu.memref_slice %arg12[%dma_start3A_890, %dma_start3A_891] : memref<3072x128xf32, #tpu.memory_space<vmem_shared>> -> memref<128x128xf32, #tpu.memory_space<vmem_shared>>
    %dma_start3A_893 = arith.constant 256 : i32
    %dma_start3A_894 = arith.constant 0 : i32
    %dma_start3A_895 = tpu.memref_slice %arg12[%dma_start3A_893, %dma_start3A_894] : memref<3072x128xf32, #tpu.memory_space<vmem_shared>> -> memref<128x128xf32, #tpu.memory_space<vmem_shared>>
    tpu.enqueue_dma source(%dma_start3A_895 : memref<128x128xf32, #tpu.memory_space<vmem_shared>>) target(%arg16 : memref<128x128xf32, #tpu.memory_space<vmem>>) target_semaphore(%arg20 : memref<!tpu.dma_semaphore, #tpu.memory_space<semaphore_mem>>)
    %dma_wait3A_896 = arith.constant 128 : i32
    %dma_wait3A_897 = arith.constant 0 : i32
    %dma_wait3A_898 = tpu.memref_slice %arg12[%dma_wait3A_896, %dma_wait3A_897] : memref<3072x128xf32, #tpu.memory_space<vmem_shared>> -> memref<128x128xf32, #tpu.memory_space<vmem_shared>>
    %dma_wait3A_899 = arith.constant 128 : i32
    %dma_wait3A_900 = arith.constant 0 : i32
    %dma_wait3A_901 = tpu.memref_slice %arg12[%dma_wait3A_899, %dma_wait3A_900] : memref<3072x128xf32, #tpu.memory_space<vmem_shared>> -> memref<128x128xf32, #tpu.memory_space<vmem_shared>>
    tpu.wait_dma2 semaphore(%arg19 : memref<!tpu.dma_semaphore, #tpu.memory_space<semaphore_mem>>) src(%dma_wait3A_901 : memref<128x128xf32, #tpu.memory_space<vmem_shared>>) dst(%arg15 : memref<128x128xf32, #tpu.memory_space<vmem>>)
    %dma_start3A_902 = arith.constant 1 : i32
    %dma_start3A_903 = arith.constant 0 : i32
    %dma_start3A_904 = tpu.memref_slice %arg13[%dma_start3A_902, %dma_start3A_903] : memref<48x128xi32, #tpu.memory_space<vmem>> -> memref<1x128xi32, #tpu.memory_space<vmem>>
    %dma_start3A_905 = tpu.memref_squeeze %dma_start3A_904 : memref<1x128xi32, #tpu.memory_space<vmem>> -> memref<128xi32, #tpu.memory_space<vmem>>
    %dma_start3A_906 = arith.constant 0 : i32
    %dma_start3A_907 = arith.constant 0 : i32
    %dma_start3A_908 = tpu.memref_slice %arg3[%dma_start3A_906, %dma_start3A_907] : memref<100000x128xf32, #tpu.memory_space<hbm>> -> memref<100000x128xf32, #tpu.memory_space<hbm>>
    tpu.enqueue_indirect_dma source(%dma_start3A_908 : memref<100000x128xf32, #tpu.memory_space<hbm>>) target(%arg15 : memref<128x128xf32, #tpu.memory_space<vmem>>) offsets(%dma_start3A_905 : memref<128xi32, #tpu.memory_space<vmem>>) semaphore(%arg23 : memref<!tpu.dma_semaphore, #tpu.memory_space<semaphore_mem>>) {add = true}
    %dma_wait3A_909 = arith.constant 0 : i32
    %dma_wait3A_910 = arith.constant 0 : i32
    %dma_wait3A_911 = tpu.memref_slice %arg13[%dma_wait3A_909, %dma_wait3A_910] : memref<48x128xi32, #tpu.memory_space<vmem>> -> memref<1x128xi32, #tpu.memory_space<vmem>>
    %dma_wait3A_912 = tpu.memref_squeeze %dma_wait3A_911 : memref<1x128xi32, #tpu.memory_space<vmem>> -> memref<128xi32, #tpu.memory_space<vmem>>
    %dma_wait3A_913 = arith.constant 0 : i32
    %dma_wait3A_914 = arith.constant 0 : i32
    %dma_wait3A_915 = tpu.memref_slice %arg3[%dma_wait3A_913, %dma_wait3A_914] : memref<100000x128xf32, #tpu.memory_space<hbm>> -> memref<100000x128xf32, #tpu.memory_space<hbm>>
    tpu.wait_indirect_dma semaphore(%arg22 : memref<!tpu.dma_semaphore, #tpu.memory_space<semaphore_mem>>) src(%dma_wait3A_915 : memref<100000x128xf32, #tpu.memory_space<hbm>>) dst(%arg14 : memref<128x128xf32, #tpu.memory_space<vmem>>)
    %add3A_916 = arith.constant 0 : i32
    %add3A_917 = arith.addi %mul3A_2, %add3A_916 : i32
    %dma_start3A_918 = arith.constant 0 : i32
    %dma_start3A_919 = tpu.memref_slice %arg7[%add3A_917, %dma_start3A_918] : memref<196608x128xf32, #tpu.memory_space<hbm>> -> memref<128x128xf32, #tpu.memory_space<hbm>>
    %dma_start3A_920 = arith.constant 0 : i32
    %dma_start3A_921 = tpu.memref_slice %arg7[%add3A_917, %dma_start3A_920] : memref<196608x128xf32, #tpu.memory_space<hbm>> -> memref<128x128xf32, #tpu.memory_space<hbm>>
    tpu.enqueue_dma source(%arg14 : memref<128x128xf32, #tpu.memory_space<vmem>>) target(%dma_start3A_921 : memref<128x128xf32, #tpu.memory_space<hbm>>) target_semaphore(%arg26 : memref<!tpu.dma_semaphore, #tpu.memory_space<semaphore_mem>>)
    %dma_start3A_922 = arith.constant 384 : i32
    %dma_start3A_923 = arith.constant 0 : i32
    %dma_start3A_924 = tpu.memref_slice %arg12[%dma_start3A_922, %dma_start3A_923] : memref<3072x128xf32, #tpu.memory_space<vmem_shared>> -> memref<128x128xf32, #tpu.memory_space<vmem_shared>>
    %dma_start3A_925 = arith.constant 384 : i32
    %dma_start3A_926 = arith.constant 0 : i32
    %dma_start3A_927 = tpu.memref_slice %arg12[%dma_start3A_925, %dma_start3A_926] : memref<3072x128xf32, #tpu.memory_space<vmem_shared>> -> memref<128x128xf32, #tpu.memory_space<vmem_shared>>
    tpu.enqueue_dma source(%dma_start3A_927 : memref<128x128xf32, #tpu.memory_space<vmem_shared>>) target(%arg17 : memref<128x128xf32, #tpu.memory_space<vmem>>) target_semaphore(%arg21 : memref<!tpu.dma_semaphore, #tpu.memory_space<semaphore_mem>>)
    %dma_wait3A_928 = arith.constant 256 : i32
    %dma_wait3A_929 = arith.constant 0 : i32
    %dma_wait3A_930 = tpu.memref_slice %arg12[%dma_wait3A_928, %dma_wait3A_929] : memref<3072x128xf32, #tpu.memory_space<vmem_shared>> -> memref<128x128xf32, #tpu.memory_space<vmem_shared>>
    %dma_wait3A_931 = arith.constant 256 : i32
    %dma_wait3A_932 = arith.constant 0 : i32
    %dma_wait3A_933 = tpu.memref_slice %arg12[%dma_wait3A_931, %dma_wait3A_932] : memref<3072x128xf32, #tpu.memory_space<vmem_shared>> -> memref<128x128xf32, #tpu.memory_space<vmem_shared>>
    tpu.wait_dma2 semaphore(%arg20 : memref<!tpu.dma_semaphore, #tpu.memory_space<semaphore_mem>>) src(%dma_wait3A_933 : memref<128x128xf32, #tpu.memory_space<vmem_shared>>) dst(%arg16 : memref<128x128xf32, #tpu.memory_space<vmem>>)
    %dma_start3A_934 = arith.constant 2 : i32
    %dma_start3A_935 = arith.constant 0 : i32
    %dma_start3A_936 = tpu.memref_slice %arg13[%dma_start3A_934, %dma_start3A_935] : memref<48x128xi32, #tpu.memory_space<vmem>> -> memref<1x128xi32, #tpu.memory_space<vmem>>
    %dma_start3A_937 = tpu.memref_squeeze %dma_start3A_936 : memref<1x128xi32, #tpu.memory_space<vmem>> -> memref<128xi32, #tpu.memory_space<vmem>>
    %dma_start3A_938 = arith.constant 0 : i32
    %dma_start3A_939 = arith.constant 0 : i32
    %dma_start3A_940 = tpu.memref_slice %arg3[%dma_start3A_938, %dma_start3A_939] : memref<100000x128xf32, #tpu.memory_space<hbm>> -> memref<100000x128xf32, #tpu.memory_space<hbm>>
    tpu.enqueue_indirect_dma source(%dma_start3A_940 : memref<100000x128xf32, #tpu.memory_space<hbm>>) target(%arg16 : memref<128x128xf32, #tpu.memory_space<vmem>>) offsets(%dma_start3A_937 : memref<128xi32, #tpu.memory_space<vmem>>) semaphore(%arg24 : memref<!tpu.dma_semaphore, #tpu.memory_space<semaphore_mem>>) {add = true}
    %dma_wait3A_941 = arith.constant 1 : i32
    %dma_wait3A_942 = arith.constant 0 : i32
    %dma_wait3A_943 = tpu.memref_slice %arg13[%dma_wait3A_941, %dma_wait3A_942] : memref<48x128xi32, #tpu.memory_space<vmem>> -> memref<1x128xi32, #tpu.memory_space<vmem>>
    %dma_wait3A_944 = tpu.memref_squeeze %dma_wait3A_943 : memref<1x128xi32, #tpu.memory_space<vmem>> -> memref<128xi32, #tpu.memory_space<vmem>>
    %dma_wait3A_945 = arith.constant 0 : i32
    %dma_wait3A_946 = arith.constant 0 : i32
    %dma_wait3A_947 = tpu.memref_slice %arg3[%dma_wait3A_945, %dma_wait3A_946] : memref<100000x128xf32, #tpu.memory_space<hbm>> -> memref<100000x128xf32, #tpu.memory_space<hbm>>
    tpu.wait_indirect_dma semaphore(%arg23 : memref<!tpu.dma_semaphore, #tpu.memory_space<semaphore_mem>>) src(%dma_wait3A_947 : memref<100000x128xf32, #tpu.memory_space<hbm>>) dst(%arg15 : memref<128x128xf32, #tpu.memory_space<vmem>>)
    %add3A_948 = arith.constant 128 : i32
    %add3A_949 = arith.addi %mul3A_2, %add3A_948 : i32
    %dma_start3A_950 = arith.constant 0 : i32
    %dma_start3A_951 = tpu.memref_slice %arg7[%add3A_949, %dma_start3A_950] : memref<196608x128xf32, #tpu.memory_space<hbm>> -> memref<128x128xf32, #tpu.memory_space<hbm>>
    %dma_start3A_952 = arith.constant 0 : i32
    %dma_start3A_953 = tpu.memref_slice %arg7[%add3A_949, %dma_start3A_952] : memref<196608x128xf32, #tpu.memory_space<hbm>> -> memref<128x128xf32, #tpu.memory_space<hbm>>
    tpu.enqueue_dma source(%arg15 : memref<128x128xf32, #tpu.memory_space<vmem>>) target(%dma_start3A_953 : memref<128x128xf32, #tpu.memory_space<hbm>>) target_semaphore(%arg27 : memref<!tpu.dma_semaphore, #tpu.memory_space<semaphore_mem>>)
    %dma_wait3A_954 = arith.constant 0 : i32
    %dma_wait3A_955 = tpu.memref_slice %arg7[%add3A_917, %dma_wait3A_954] : memref<196608x128xf32, #tpu.memory_space<hbm>> -> memref<128x128xf32, #tpu.memory_space<hbm>>
    %dma_wait3A_956 = arith.constant 0 : i32
    %dma_wait3A_957 = tpu.memref_slice %arg7[%add3A_917, %dma_wait3A_956] : memref<196608x128xf32, #tpu.memory_space<hbm>> -> memref<128x128xf32, #tpu.memory_space<hbm>>
    tpu.wait_dma2 semaphore(%arg26 : memref<!tpu.dma_semaphore, #tpu.memory_space<semaphore_mem>>) src(%arg14 : memref<128x128xf32, #tpu.memory_space<vmem>>) dst(%dma_wait3A_957 : memref<128x128xf32, #tpu.memory_space<hbm>>)
    %dma_start3A_958 = arith.constant 512 : i32
    %dma_start3A_959 = arith.constant 0 : i32
    %dma_start3A_960 = tpu.memref_slice %arg12[%dma_start3A_958, %dma_start3A_959] : memref<3072x128xf32, #tpu.memory_space<vmem_shared>> -> memref<128x128xf32, #tpu.memory_space<vmem_shared>>
    %dma_start3A_961 = arith.constant 512 : i32
    %dma_start3A_962 = arith.constant 0 : i32
    %dma_start3A_963 = tpu.memref_slice %arg12[%dma_start3A_961, %dma_start3A_962] : memref<3072x128xf32, #tpu.memory_space<vmem_shared>> -> memref<128x128xf32, #tpu.memory_space<vmem_shared>>
    tpu.enqueue_dma source(%dma_start3A_963 : memref<128x128xf32, #tpu.memory_space<vmem_shared>>) target(%arg14 : memref<128x128xf32, #tpu.memory_space<vmem>>) target_semaphore(%arg18 : memref<!tpu.dma_semaphore, #tpu.memory_space<semaphore_mem>>)
    %dma_wait3A_964 = arith.constant 384 : i32
    %dma_wait3A_965 = arith.constant 0 : i32
    %dma_wait3A_966 = tpu.memref_slice %arg12[%dma_wait3A_964, %dma_wait3A_965] : memref<3072x128xf32, #tpu.memory_space<vmem_shared>> -> memref<128x128xf32, #tpu.memory_space<vmem_shared>>
    %dma_wait3A_967 = arith.constant 384 : i32
    %dma_wait3A_968 = arith.constant 0 : i32
    %dma_wait3A_969 = tpu.memref_slice %arg12[%dma_wait3A_967, %dma_wait3A_968] : memref<3072x128xf32, #tpu.memory_space<vmem_shared>> -> memref<128x128xf32, #tpu.memory_space<vmem_shared>>
    tpu.wait_dma2 semaphore(%arg21 : memref<!tpu.dma_semaphore, #tpu.memory_space<semaphore_mem>>) src(%dma_wait3A_969 : memref<128x128xf32, #tpu.memory_space<vmem_shared>>) dst(%arg17 : memref<128x128xf32, #tpu.memory_space<vmem>>)
    %dma_start3A_970 = arith.constant 3 : i32
    %dma_start3A_971 = arith.constant 0 : i32
    %dma_start3A_972 = tpu.memref_slice %arg13[%dma_start3A_970, %dma_start3A_971] : memref<48x128xi32, #tpu.memory_space<vmem>> -> memref<1x128xi32, #tpu.memory_space<vmem>>
    %dma_start3A_973 = tpu.memref_squeeze %dma_start3A_972 : memref<1x128xi32, #tpu.memory_space<vmem>> -> memref<128xi32, #tpu.memory_space<vmem>>
    %dma_start3A_974 = arith.constant 0 : i32
    %dma_start3A_975 = arith.constant 0 : i32
    %dma_start3A_976 = tpu.memref_slice %arg3[%dma_start3A_974, %dma_start3A_975] : memref<100000x128xf32, #tpu.memory_space<hbm>> -> memref<100000x128xf32, #tpu.memory_space<hbm>>
    tpu.enqueue_indirect_dma source(%dma_start3A_976 : memref<100000x128xf32, #tpu.memory_space<hbm>>) target(%arg17 : memref<128x128xf32, #tpu.memory_space<vmem>>) offsets(%dma_start3A_973 : memref<128xi32, #tpu.memory_space<vmem>>) semaphore(%arg25 : memref<!tpu.dma_semaphore, #tpu.memory_space<semaphore_mem>>) {add = true}
    %dma_wait3A_977 = arith.constant 2 : i32
    %dma_wait3A_978 = arith.constant 0 : i32
    %dma_wait3A_979 = tpu.memref_slice %arg13[%dma_wait3A_977, %dma_wait3A_978] : memref<48x128xi32, #tpu.memory_space<vmem>> -> memref<1x128xi32, #tpu.memory_space<vmem>>
    %dma_wait3A_980 = tpu.memref_squeeze %dma_wait3A_979 : memref<1x128xi32, #tpu.memory_space<vmem>> -> memref<128xi32, #tpu.memory_space<vmem>>
    %dma_wait3A_981 = arith.constant 0 : i32
    %dma_wait3A_982 = arith.constant 0 : i32
    %dma_wait3A_983 = tpu.memref_slice %arg3[%dma_wait3A_981, %dma_wait3A_982] : memref<100000x128xf32, #tpu.memory_space<hbm>> -> memref<100000x128xf32, #tpu.memory_space<hbm>>
    tpu.wait_indirect_dma semaphore(%arg24 : memref<!tpu.dma_semaphore, #tpu.memory_space<semaphore_mem>>) src(%dma_wait3A_983 : memref<100000x128xf32, #tpu.memory_space<hbm>>) dst(%arg16 : memref<128x128xf32, #tpu.memory_space<vmem>>)
    %add3A_984 = arith.constant 256 : i32
    %add3A_985 = arith.addi %mul3A_2, %add3A_984 : i32
    %dma_start3A_986 = arith.constant 0 : i32
    %dma_start3A_987 = tpu.memref_slice %arg7[%add3A_985, %dma_start3A_986] : memref<196608x128xf32, #tpu.memory_space<hbm>> -> memref<128x128xf32, #tpu.memory_space<hbm>>
    %dma_start3A_988 = arith.constant 0 : i32
    %dma_start3A_989 = tpu.memref_slice %arg7[%add3A_985, %dma_start3A_988] : memref<196608x128xf32, #tpu.memory_space<hbm>> -> memref<128x128xf32, #tpu.memory_space<hbm>>
    tpu.enqueue_dma source(%arg16 : memref<128x128xf32, #tpu.memory_space<vmem>>) target(%dma_start3A_989 : memref<128x128xf32, #tpu.memory_space<hbm>>) target_semaphore(%arg28 : memref<!tpu.dma_semaphore, #tpu.memory_space<semaphore_mem>>)
    %dma_wait3A_990 = arith.constant 0 : i32
    %dma_wait3A_991 = tpu.memref_slice %arg7[%add3A_949, %dma_wait3A_990] : memref<196608x128xf32, #tpu.memory_space<hbm>> -> memref<128x128xf32, #tpu.memory_space<hbm>>
    %dma_wait3A_992 = arith.constant 0 : i32
    %dma_wait3A_993 = tpu.memref_slice %arg7[%add3A_949, %dma_wait3A_992] : memref<196608x128xf32, #tpu.memory_space<hbm>> -> memref<128x128xf32, #tpu.memory_space<hbm>>
    tpu.wait_dma2 semaphore(%arg27 : memref<!tpu.dma_semaphore, #tpu.memory_space<semaphore_mem>>) src(%arg15 : memref<128x128xf32, #tpu.memory_space<vmem>>) dst(%dma_wait3A_993 : memref<128x128xf32, #tpu.memory_space<hbm>>)
    %dma_start3A_994 = arith.constant 640 : i32
    %dma_start3A_995 = arith.constant 0 : i32
    %dma_start3A_996 = tpu.memref_slice %arg12[%dma_start3A_994, %dma_start3A_995] : memref<3072x128xf32, #tpu.memory_space<vmem_shared>> -> memref<128x128xf32, #tpu.memory_space<vmem_shared>>
    %dma_start3A_997 = arith.constant 640 : i32
    %dma_start3A_998 = arith.constant 0 : i32
    %dma_start3A_999 = tpu.memref_slice %arg12[%dma_start3A_997, %dma_start3A_998] : memref<3072x128xf32, #tpu.memory_space<vmem_shared>> -> memref<128x128xf32, #tpu.memory_space<vmem_shared>>
    tpu.enqueue_dma source(%dma_start3A_999 : memref<128x128xf32, #tpu.memory_space<vmem_shared>>) target(%arg15 : memref<128x128xf32, #tpu.memory_space<vmem>>) target_semaphore(%arg19 : memref<!tpu.dma_semaphore, #tpu.memory_space<semaphore_mem>>)
    %dma_wait3A_1000 = arith.constant 512 : i32
    %dma_wait3A_1001 = arith.constant 0 : i32
    %dma_wait3A_1002 = tpu.memref_slice %arg12[%dma_wait3A_1000, %dma_wait3A_1001] : memref<3072x128xf32, #tpu.memory_space<vmem_shared>> -> memref<128x128xf32, #tpu.memory_space<vmem_shared>>
    %dma_wait3A_1003 = arith.constant 512 : i32
    %dma_wait3A_1004 = arith.constant 0 : i32
    %dma_wait3A_1005 = tpu.memref_slice %arg12[%dma_wait3A_1003, %dma_wait3A_1004] : memref<3072x128xf32, #tpu.memory_space<vmem_shared>> -> memref<128x128xf32, #tpu.memory_space<vmem_shared>>
    tpu.wait_dma2 semaphore(%arg18 : memref<!tpu.dma_semaphore, #tpu.memory_space<semaphore_mem>>) src(%dma_wait3A_1005 : memref<128x128xf32, #tpu.memory_space<vmem_shared>>) dst(%arg14 : memref<128x128xf32, #tpu.memory_space<vmem>>)
    %dma_start3A_1006 = arith.constant 4 : i32
    %dma_start3A_1007 = arith.constant 0 : i32
    %dma_start3A_1008 = tpu.memref_slice %arg13[%dma_start3A_1006, %dma_start3A_1007] : memref<48x128xi32, #tpu.memory_space<vmem>> -> memref<1x128xi32, #tpu.memory_space<vmem>>
    %dma_start3A_1009 = tpu.memref_squeeze %dma_start3A_1008 : memref<1x128xi32, #tpu.memory_space<vmem>> -> memref<128xi32, #tpu.memory_space<vmem>>
    %dma_start3A_1010 = arith.constant 0 : i32
    %dma_start3A_1011 = arith.constant 0 : i32
    %dma_start3A_1012 = tpu.memref_slice %arg3[%dma_start3A_1010, %dma_start3A_1011] : memref<100000x128xf32, #tpu.memory_space<hbm>> -> memref<100000x128xf32, #tpu.memory_space<hbm>>
    tpu.enqueue_indirect_dma source(%dma_start3A_1012 : memref<100000x128xf32, #tpu.memory_space<hbm>>) target(%arg14 : memref<128x128xf32, #tpu.memory_space<vmem>>) offsets(%dma_start3A_1009 : memref<128xi32, #tpu.memory_space<vmem>>) semaphore(%arg22 : memref<!tpu.dma_semaphore, #tpu.memory_space<semaphore_mem>>) {add = true}
    %dma_wait3A_1013 = arith.constant 3 : i32
    %dma_wait3A_1014 = arith.constant 0 : i32
    %dma_wait3A_1015 = tpu.memref_slice %arg13[%dma_wait3A_1013, %dma_wait3A_1014] : memref<48x128xi32, #tpu.memory_space<vmem>> -> memref<1x128xi32, #tpu.memory_space<vmem>>
    %dma_wait3A_1016 = tpu.memref_squeeze %dma_wait3A_1015 : memref<1x128xi32, #tpu.memory_space<vmem>> -> memref<128xi32, #tpu.memory_space<vmem>>
    %dma_wait3A_1017 = arith.constant 0 : i32
    %dma_wait3A_1018 = arith.constant 0 : i32
    %dma_wait3A_1019 = tpu.memref_slice %arg3[%dma_wait3A_1017, %dma_wait3A_1018] : memref<100000x128xf32, #tpu.memory_space<hbm>> -> memref<100000x128xf32, #tpu.memory_space<hbm>>
    tpu.wait_indirect_dma semaphore(%arg25 : memref<!tpu.dma_semaphore, #tpu.memory_space<semaphore_mem>>) src(%dma_wait3A_1019 : memref<100000x128xf32, #tpu.memory_space<hbm>>) dst(%arg17 : memref<128x128xf32, #tpu.memory_space<vmem>>)
    %add3A_1020 = arith.constant 384 : i32
    %add3A_1021 = arith.addi %mul3A_2, %add3A_1020 : i32
    %dma_start3A_1022 = arith.constant 0 : i32
    %dma_start3A_1023 = tpu.memref_slice %arg7[%add3A_1021, %dma_start3A_1022] : memref<196608x128xf32, #tpu.memory_space<hbm>> -> memref<128x128xf32, #tpu.memory_space<hbm>>
    %dma_start3A_1024 = arith.constant 0 : i32
    %dma_start3A_1025 = tpu.memref_slice %arg7[%add3A_1021, %dma_start3A_1024] : memref<196608x128xf32, #tpu.memory_space<hbm>> -> memref<128x128xf32, #tpu.memory_space<hbm>>
    tpu.enqueue_dma source(%arg17 : memref<128x128xf32, #tpu.memory_space<vmem>>) target(%dma_start3A_1025 : memref<128x128xf32, #tpu.memory_space<hbm>>) target_semaphore(%arg29 : memref<!tpu.dma_semaphore, #tpu.memory_space<semaphore_mem>>)
    %dma_wait3A_1026 = arith.constant 0 : i32
    %dma_wait3A_1027 = tpu.memref_slice %arg7[%add3A_985, %dma_wait3A_1026] : memref<196608x128xf32, #tpu.memory_space<hbm>> -> memref<128x128xf32, #tpu.memory_space<hbm>>
    %dma_wait3A_1028 = arith.constant 0 : i32
    %dma_wait3A_1029 = tpu.memref_slice %arg7[%add3A_985, %dma_wait3A_1028] : memref<196608x128xf32, #tpu.memory_space<hbm>> -> memref<128x128xf32, #tpu.memory_space<hbm>>
    tpu.wait_dma2 semaphore(%arg28 : memref<!tpu.dma_semaphore, #tpu.memory_space<semaphore_mem>>) src(%arg16 : memref<128x128xf32, #tpu.memory_space<vmem>>) dst(%dma_wait3A_1029 : memref<128x128xf32, #tpu.memory_space<hbm>>)
    %dma_start3A_1030 = arith.constant 768 : i32
    %dma_start3A_1031 = arith.constant 0 : i32
    %dma_start3A_1032 = tpu.memref_slice %arg12[%dma_start3A_1030, %dma_start3A_1031] : memref<3072x128xf32, #tpu.memory_space<vmem_shared>> -> memref<128x128xf32, #tpu.memory_space<vmem_shared>>
    %dma_start3A_1033 = arith.constant 768 : i32
    %dma_start3A_1034 = arith.constant 0 : i32
    %dma_start3A_1035 = tpu.memref_slice %arg12[%dma_start3A_1033, %dma_start3A_1034] : memref<3072x128xf32, #tpu.memory_space<vmem_shared>> -> memref<128x128xf32, #tpu.memory_space<vmem_shared>>
    tpu.enqueue_dma source(%dma_start3A_1035 : memref<128x128xf32, #tpu.memory_space<vmem_shared>>) target(%arg16 : memref<128x128xf32, #tpu.memory_space<vmem>>) target_semaphore(%arg20 : memref<!tpu.dma_semaphore, #tpu.memory_space<semaphore_mem>>)
    %dma_wait3A_1036 = arith.constant 640 : i32
    %dma_wait3A_1037 = arith.constant 0 : i32
    %dma_wait3A_1038 = tpu.memref_slice %arg12[%dma_wait3A_1036, %dma_wait3A_1037] : memref<3072x128xf32, #tpu.memory_space<vmem_shared>> -> memref<128x128xf32, #tpu.memory_space<vmem_shared>>
    %dma_wait3A_1039 = arith.constant 640 : i32
    %dma_wait3A_1040 = arith.constant 0 : i32
    %dma_wait3A_1041 = tpu.memref_slice %arg12[%dma_wait3A_1039, %dma_wait3A_1040] : memref<3072x128xf32, #tpu.memory_space<vmem_shared>> -> memref<128x128xf32, #tpu.memory_space<vmem_shared>>
    tpu.wait_dma2 semaphore(%arg19 : memref<!tpu.dma_semaphore, #tpu.memory_space<semaphore_mem>>) src(%dma_wait3A_1041 : memref<128x128xf32, #tpu.memory_space<vmem_shared>>) dst(%arg15 : memref<128x128xf32, #tpu.memory_space<vmem>>)
    %dma_start3A_1042 = arith.constant 5 : i32
    %dma_start3A_1043 = arith.constant 0 : i32
    %dma_start3A_1044 = tpu.memref_slice %arg13[%dma_start3A_1042, %dma_start3A_1043] : memref<48x128xi32, #tpu.memory_space<vmem>> -> memref<1x128xi32, #tpu.memory_space<vmem>>
    %dma_start3A_1045 = tpu.memref_squeeze %dma_start3A_1044 : memref<1x128xi32, #tpu.memory_space<vmem>> -> memref<128xi32, #tpu.memory_space<vmem>>
    %dma_start3A_1046 = arith.constant 0 : i32
    %dma_start3A_1047 = arith.constant 0 : i32
    %dma_start3A_1048 = tpu.memref_slice %arg3[%dma_start3A_1046, %dma_start3A_1047] : memref<100000x128xf32, #tpu.memory_space<hbm>> -> memref<100000x128xf32, #tpu.memory_space<hbm>>
    tpu.enqueue_indirect_dma source(%dma_start3A_1048 : memref<100000x128xf32, #tpu.memory_space<hbm>>) target(%arg15 : memref<128x128xf32, #tpu.memory_space<vmem>>) offsets(%dma_start3A_1045 : memref<128xi32, #tpu.memory_space<vmem>>) semaphore(%arg23 : memref<!tpu.dma_semaphore, #tpu.memory_space<semaphore_mem>>) {add = true}
    %dma_wait3A_1049 = arith.constant 4 : i32
    %dma_wait3A_1050 = arith.constant 0 : i32
    %dma_wait3A_1051 = tpu.memref_slice %arg13[%dma_wait3A_1049, %dma_wait3A_1050] : memref<48x128xi32, #tpu.memory_space<vmem>> -> memref<1x128xi32, #tpu.memory_space<vmem>>
    %dma_wait3A_1052 = tpu.memref_squeeze %dma_wait3A_1051 : memref<1x128xi32, #tpu.memory_space<vmem>> -> memref<128xi32, #tpu.memory_space<vmem>>
    %dma_wait3A_1053 = arith.constant 0 : i32
    %dma_wait3A_1054 = arith.constant 0 : i32
    %dma_wait3A_1055 = tpu.memref_slice %arg3[%dma_wait3A_1053, %dma_wait3A_1054] : memref<100000x128xf32, #tpu.memory_space<hbm>> -> memref<100000x128xf32, #tpu.memory_space<hbm>>
    tpu.wait_indirect_dma semaphore(%arg22 : memref<!tpu.dma_semaphore, #tpu.memory_space<semaphore_mem>>) src(%dma_wait3A_1055 : memref<100000x128xf32, #tpu.memory_space<hbm>>) dst(%arg14 : memref<128x128xf32, #tpu.memory_space<vmem>>)
    %add3A_1056 = arith.constant 512 : i32
    %add3A_1057 = arith.addi %mul3A_2, %add3A_1056 : i32
    %dma_start3A_1058 = arith.constant 0 : i32
    %dma_start3A_1059 = tpu.memref_slice %arg7[%add3A_1057, %dma_start3A_1058] : memref<196608x128xf32, #tpu.memory_space<hbm>> -> memref<128x128xf32, #tpu.memory_space<hbm>>
    %dma_start3A_1060 = arith.constant 0 : i32
    %dma_start3A_1061 = tpu.memref_slice %arg7[%add3A_1057, %dma_start3A_1060] : memref<196608x128xf32, #tpu.memory_space<hbm>> -> memref<128x128xf32, #tpu.memory_space<hbm>>
    tpu.enqueue_dma source(%arg14 : memref<128x128xf32, #tpu.memory_space<vmem>>) target(%dma_start3A_1061 : memref<128x128xf32, #tpu.memory_space<hbm>>) target_semaphore(%arg26 : memref<!tpu.dma_semaphore, #tpu.memory_space<semaphore_mem>>)
    %dma_wait3A_1062 = arith.constant 0 : i32
    %dma_wait3A_1063 = tpu.memref_slice %arg7[%add3A_1021, %dma_wait3A_1062] : memref<196608x128xf32, #tpu.memory_space<hbm>> -> memref<128x128xf32, #tpu.memory_space<hbm>>
    %dma_wait3A_1064 = arith.constant 0 : i32
    %dma_wait3A_1065 = tpu.memref_slice %arg7[%add3A_1021, %dma_wait3A_1064] : memref<196608x128xf32, #tpu.memory_space<hbm>> -> memref<128x128xf32, #tpu.memory_space<hbm>>
    tpu.wait_dma2 semaphore(%arg29 : memref<!tpu.dma_semaphore, #tpu.memory_space<semaphore_mem>>) src(%arg17 : memref<128x128xf32, #tpu.memory_space<vmem>>) dst(%dma_wait3A_1065 : memref<128x128xf32, #tpu.memory_space<hbm>>)
    %dma_start3A_1066 = arith.constant 896 : i32
    %dma_start3A_1067 = arith.constant 0 : i32
    %dma_start3A_1068 = tpu.memref_slice %arg12[%dma_start3A_1066, %dma_start3A_1067] : memref<3072x128xf32, #tpu.memory_space<vmem_shared>> -> memref<128x128xf32, #tpu.memory_space<vmem_shared>>
    %dma_start3A_1069 = arith.constant 896 : i32
    %dma_start3A_1070 = arith.constant 0 : i32
    %dma_start3A_1071 = tpu.memref_slice %arg12[%dma_start3A_1069, %dma_start3A_1070] : memref<3072x128xf32, #tpu.memory_space<vmem_shared>> -> memref<128x128xf32, #tpu.memory_space<vmem_shared>>
    tpu.enqueue_dma source(%dma_start3A_1071 : memref<128x128xf32, #tpu.memory_space<vmem_shared>>) target(%arg17 : memref<128x128xf32, #tpu.memory_space<vmem>>) target_semaphore(%arg21 : memref<!tpu.dma_semaphore, #tpu.memory_space<semaphore_mem>>)
    %dma_wait3A_1072 = arith.constant 768 : i32
    %dma_wait3A_1073 = arith.constant 0 : i32
    %dma_wait3A_1074 = tpu.memref_slice %arg12[%dma_wait3A_1072, %dma_wait3A_1073] : memref<3072x128xf32, #tpu.memory_space<vmem_shared>> -> memref<128x128xf32, #tpu.memory_space<vmem_shared>>
    %dma_wait3A_1075 = arith.constant 768 : i32
    %dma_wait3A_1076 = arith.constant 0 : i32
    %dma_wait3A_1077 = tpu.memref_slice %arg12[%dma_wait3A_1075, %dma_wait3A_1076] : memref<3072x128xf32, #tpu.memory_space<vmem_shared>> -> memref<128x128xf32, #tpu.memory_space<vmem_shared>>
    tpu.wait_dma2 semaphore(%arg20 : memref<!tpu.dma_semaphore, #tpu.memory_space<semaphore_mem>>) src(%dma_wait3A_1077 : memref<128x128xf32, #tpu.memory_space<vmem_shared>>) dst(%arg16 : memref<128x128xf32, #tpu.memory_space<vmem>>)
    %dma_start3A_1078 = arith.constant 6 : i32
    %dma_start3A_1079 = arith.constant 0 : i32
    %dma_start3A_1080 = tpu.memref_slice %arg13[%dma_start3A_1078, %dma_start3A_1079] : memref<48x128xi32, #tpu.memory_space<vmem>> -> memref<1x128xi32, #tpu.memory_space<vmem>>
    %dma_start3A_1081 = tpu.memref_squeeze %dma_start3A_1080 : memref<1x128xi32, #tpu.memory_space<vmem>> -> memref<128xi32, #tpu.memory_space<vmem>>
    %dma_start3A_1082 = arith.constant 0 : i32
    %dma_start3A_1083 = arith.constant 0 : i32
    %dma_start3A_1084 = tpu.memref_slice %arg3[%dma_start3A_1082, %dma_start3A_1083] : memref<100000x128xf32, #tpu.memory_space<hbm>> -> memref<100000x128xf32, #tpu.memory_space<hbm>>
    tpu.enqueue_indirect_dma source(%dma_start3A_1084 : memref<100000x128xf32, #tpu.memory_space<hbm>>) target(%arg16 : memref<128x128xf32, #tpu.memory_space<vmem>>) offsets(%dma_start3A_1081 : memref<128xi32, #tpu.memory_space<vmem>>) semaphore(%arg24 : memref<!tpu.dma_semaphore, #tpu.memory_space<semaphore_mem>>) {add = true}
    %dma_wait3A_1085 = arith.constant 5 : i32
    %dma_wait3A_1086 = arith.constant 0 : i32
    %dma_wait3A_1087 = tpu.memref_slice %arg13[%dma_wait3A_1085, %dma_wait3A_1086] : memref<48x128xi32, #tpu.memory_space<vmem>> -> memref<1x128xi32, #tpu.memory_space<vmem>>
    %dma_wait3A_1088 = tpu.memref_squeeze %dma_wait3A_1087 : memref<1x128xi32, #tpu.memory_space<vmem>> -> memref<128xi32, #tpu.memory_space<vmem>>
    %dma_wait3A_1089 = arith.constant 0 : i32
    %dma_wait3A_1090 = arith.constant 0 : i32
    %dma_wait3A_1091 = tpu.memref_slice %arg3[%dma_wait3A_1089, %dma_wait3A_1090] : memref<100000x128xf32, #tpu.memory_space<hbm>> -> memref<100000x128xf32, #tpu.memory_space<hbm>>
    tpu.wait_indirect_dma semaphore(%arg23 : memref<!tpu.dma_semaphore, #tpu.memory_space<semaphore_mem>>) src(%dma_wait3A_1091 : memref<100000x128xf32, #tpu.memory_space<hbm>>) dst(%arg15 : memref<128x128xf32, #tpu.memory_space<vmem>>)
    %add3A_1092 = arith.constant 640 : i32
    %add3A_1093 = arith.addi %mul3A_2, %add3A_1092 : i32
    %dma_start3A_1094 = arith.constant 0 : i32
    %dma_start3A_1095 = tpu.memref_slice %arg7[%add3A_1093, %dma_start3A_1094] : memref<196608x128xf32, #tpu.memory_space<hbm>> -> memref<128x128xf32, #tpu.memory_space<hbm>>
    %dma_start3A_1096 = arith.constant 0 : i32
    %dma_start3A_1097 = tpu.memref_slice %arg7[%add3A_1093, %dma_start3A_1096] : memref<196608x128xf32, #tpu.memory_space<hbm>> -> memref<128x128xf32, #tpu.memory_space<hbm>>
    tpu.enqueue_dma source(%arg15 : memref<128x128xf32, #tpu.memory_space<vmem>>) target(%dma_start3A_1097 : memref<128x128xf32, #tpu.memory_space<hbm>>) target_semaphore(%arg27 : memref<!tpu.dma_semaphore, #tpu.memory_space<semaphore_mem>>)
    %dma_wait3A_1098 = arith.constant 0 : i32
    %dma_wait3A_1099 = tpu.memref_slice %arg7[%add3A_1057, %dma_wait3A_1098] : memref<196608x128xf32, #tpu.memory_space<hbm>> -> memref<128x128xf32, #tpu.memory_space<hbm>>
    %dma_wait3A_1100 = arith.constant 0 : i32
    %dma_wait3A_1101 = tpu.memref_slice %arg7[%add3A_1057, %dma_wait3A_1100] : memref<196608x128xf32, #tpu.memory_space<hbm>> -> memref<128x128xf32, #tpu.memory_space<hbm>>
    tpu.wait_dma2 semaphore(%arg26 : memref<!tpu.dma_semaphore, #tpu.memory_space<semaphore_mem>>) src(%arg14 : memref<128x128xf32, #tpu.memory_space<vmem>>) dst(%dma_wait3A_1101 : memref<128x128xf32, #tpu.memory_space<hbm>>)
    %dma_start3A_1102 = arith.constant 1024 : i32
    %dma_start3A_1103 = arith.constant 0 : i32
    %dma_start3A_1104 = tpu.memref_slice %arg12[%dma_start3A_1102, %dma_start3A_1103] : memref<3072x128xf32, #tpu.memory_space<vmem_shared>> -> memref<128x128xf32, #tpu.memory_space<vmem_shared>>
    %dma_start3A_1105 = arith.constant 1024 : i32
    %dma_start3A_1106 = arith.constant 0 : i32
    %dma_start3A_1107 = tpu.memref_slice %arg12[%dma_start3A_1105, %dma_start3A_1106] : memref<3072x128xf32, #tpu.memory_space<vmem_shared>> -> memref<128x128xf32, #tpu.memory_space<vmem_shared>>
    tpu.enqueue_dma source(%dma_start3A_1107 : memref<128x128xf32, #tpu.memory_space<vmem_shared>>) target(%arg14 : memref<128x128xf32, #tpu.memory_space<vmem>>) target_semaphore(%arg18 : memref<!tpu.dma_semaphore, #tpu.memory_space<semaphore_mem>>)
    %dma_wait3A_1108 = arith.constant 896 : i32
    %dma_wait3A_1109 = arith.constant 0 : i32
    %dma_wait3A_1110 = tpu.memref_slice %arg12[%dma_wait3A_1108, %dma_wait3A_1109] : memref<3072x128xf32, #tpu.memory_space<vmem_shared>> -> memref<128x128xf32, #tpu.memory_space<vmem_shared>>
    %dma_wait3A_1111 = arith.constant 896 : i32
    %dma_wait3A_1112 = arith.constant 0 : i32
    %dma_wait3A_1113 = tpu.memref_slice %arg12[%dma_wait3A_1111, %dma_wait3A_1112] : memref<3072x128xf32, #tpu.memory_space<vmem_shared>> -> memref<128x128xf32, #tpu.memory_space<vmem_shared>>
    tpu.wait_dma2 semaphore(%arg21 : memref<!tpu.dma_semaphore, #tpu.memory_space<semaphore_mem>>) src(%dma_wait3A_1113 : memref<128x128xf32, #tpu.memory_space<vmem_shared>>) dst(%arg17 : memref<128x128xf32, #tpu.memory_space<vmem>>)
    %dma_start3A_1114 = arith.constant 7 : i32
    %dma_start3A_1115 = arith.constant 0 : i32
    %dma_start3A_1116 = tpu.memref_slice %arg13[%dma_start3A_1114, %dma_start3A_1115] : memref<48x128xi32, #tpu.memory_space<vmem>> -> memref<1x128xi32, #tpu.memory_space<vmem>>
    %dma_start3A_1117 = tpu.memref_squeeze %dma_start3A_1116 : memref<1x128xi32, #tpu.memory_space<vmem>> -> memref<128xi32, #tpu.memory_space<vmem>>
    %dma_start3A_1118 = arith.constant 0 : i32
    %dma_start3A_1119 = arith.constant 0 : i32
    %dma_start3A_1120 = tpu.memref_slice %arg3[%dma_start3A_1118, %dma_start3A_1119] : memref<100000x128xf32, #tpu.memory_space<hbm>> -> memref<100000x128xf32, #tpu.memory_space<hbm>>
    tpu.enqueue_indirect_dma source(%dma_start3A_1120 : memref<100000x128xf32, #tpu.memory_space<hbm>>) target(%arg17 : memref<128x128xf32, #tpu.memory_space<vmem>>) offsets(%dma_start3A_1117 : memref<128xi32, #tpu.memory_space<vmem>>) semaphore(%arg25 : memref<!tpu.dma_semaphore, #tpu.memory_space<semaphore_mem>>) {add = true}
    %dma_wait3A_1121 = arith.constant 6 : i32
    %dma_wait3A_1122 = arith.constant 0 : i32
    %dma_wait3A_1123 = tpu.memref_slice %arg13[%dma_wait3A_1121, %dma_wait3A_1122] : memref<48x128xi32, #tpu.memory_space<vmem>> -> memref<1x128xi32, #tpu.memory_space<vmem>>
    %dma_wait3A_1124 = tpu.memref_squeeze %dma_wait3A_1123 : memref<1x128xi32, #tpu.memory_space<vmem>> -> memref<128xi32, #tpu.memory_space<vmem>>
    %dma_wait3A_1125 = arith.constant 0 : i32
    %dma_wait3A_1126 = arith.constant 0 : i32
    %dma_wait3A_1127 = tpu.memref_slice %arg3[%dma_wait3A_1125, %dma_wait3A_1126] : memref<100000x128xf32, #tpu.memory_space<hbm>> -> memref<100000x128xf32, #tpu.memory_space<hbm>>
    tpu.wait_indirect_dma semaphore(%arg24 : memref<!tpu.dma_semaphore, #tpu.memory_space<semaphore_mem>>) src(%dma_wait3A_1127 : memref<100000x128xf32, #tpu.memory_space<hbm>>) dst(%arg16 : memref<128x128xf32, #tpu.memory_space<vmem>>)
    %add3A_1128 = arith.constant 768 : i32
    %add3A_1129 = arith.addi %mul3A_2, %add3A_1128 : i32
    %dma_start3A_1130 = arith.constant 0 : i32
    %dma_start3A_1131 = tpu.memref_slice %arg7[%add3A_1129, %dma_start3A_1130] : memref<196608x128xf32, #tpu.memory_space<hbm>> -> memref<128x128xf32, #tpu.memory_space<hbm>>
    %dma_start3A_1132 = arith.constant 0 : i32
    %dma_start3A_1133 = tpu.memref_slice %arg7[%add3A_1129, %dma_start3A_1132] : memref<196608x128xf32, #tpu.memory_space<hbm>> -> memref<128x128xf32, #tpu.memory_space<hbm>>
    tpu.enqueue_dma source(%arg16 : memref<128x128xf32, #tpu.memory_space<vmem>>) target(%dma_start3A_1133 : memref<128x128xf32, #tpu.memory_space<hbm>>) target_semaphore(%arg28 : memref<!tpu.dma_semaphore, #tpu.memory_space<semaphore_mem>>)
    %dma_wait3A_1134 = arith.constant 0 : i32
    %dma_wait3A_1135 = tpu.memref_slice %arg7[%add3A_1093, %dma_wait3A_1134] : memref<196608x128xf32, #tpu.memory_space<hbm>> -> memref<128x128xf32, #tpu.memory_space<hbm>>
    %dma_wait3A_1136 = arith.constant 0 : i32
    %dma_wait3A_1137 = tpu.memref_slice %arg7[%add3A_1093, %dma_wait3A_1136] : memref<196608x128xf32, #tpu.memory_space<hbm>> -> memref<128x128xf32, #tpu.memory_space<hbm>>
    tpu.wait_dma2 semaphore(%arg27 : memref<!tpu.dma_semaphore, #tpu.memory_space<semaphore_mem>>) src(%arg15 : memref<128x128xf32, #tpu.memory_space<vmem>>) dst(%dma_wait3A_1137 : memref<128x128xf32, #tpu.memory_space<hbm>>)
    %dma_start3A_1138 = arith.constant 1152 : i32
    %dma_start3A_1139 = arith.constant 0 : i32
    %dma_start3A_1140 = tpu.memref_slice %arg12[%dma_start3A_1138, %dma_start3A_1139] : memref<3072x128xf32, #tpu.memory_space<vmem_shared>> -> memref<128x128xf32, #tpu.memory_space<vmem_shared>>
    %dma_start3A_1141 = arith.constant 1152 : i32
    %dma_start3A_1142 = arith.constant 0 : i32
    %dma_start3A_1143 = tpu.memref_slice %arg12[%dma_start3A_1141, %dma_start3A_1142] : memref<3072x128xf32, #tpu.memory_space<vmem_shared>> -> memref<128x128xf32, #tpu.memory_space<vmem_shared>>
    tpu.enqueue_dma source(%dma_start3A_1143 : memref<128x128xf32, #tpu.memory_space<vmem_shared>>) target(%arg15 : memref<128x128xf32, #tpu.memory_space<vmem>>) target_semaphore(%arg19 : memref<!tpu.dma_semaphore, #tpu.memory_space<semaphore_mem>>)
    %dma_wait3A_1144 = arith.constant 1024 : i32
    %dma_wait3A_1145 = arith.constant 0 : i32
    %dma_wait3A_1146 = tpu.memref_slice %arg12[%dma_wait3A_1144, %dma_wait3A_1145] : memref<3072x128xf32, #tpu.memory_space<vmem_shared>> -> memref<128x128xf32, #tpu.memory_space<vmem_shared>>
    %dma_wait3A_1147 = arith.constant 1024 : i32
    %dma_wait3A_1148 = arith.constant 0 : i32
    %dma_wait3A_1149 = tpu.memref_slice %arg12[%dma_wait3A_1147, %dma_wait3A_1148] : memref<3072x128xf32, #tpu.memory_space<vmem_shared>> -> memref<128x128xf32, #tpu.memory_space<vmem_shared>>
    tpu.wait_dma2 semaphore(%arg18 : memref<!tpu.dma_semaphore, #tpu.memory_space<semaphore_mem>>) src(%dma_wait3A_1149 : memref<128x128xf32, #tpu.memory_space<vmem_shared>>) dst(%arg14 : memref<128x128xf32, #tpu.memory_space<vmem>>)
    %dma_start3A_1150 = arith.constant 8 : i32
    %dma_start3A_1151 = arith.constant 0 : i32
    %dma_start3A_1152 = tpu.memref_slice %arg13[%dma_start3A_1150, %dma_start3A_1151] : memref<48x128xi32, #tpu.memory_space<vmem>> -> memref<1x128xi32, #tpu.memory_space<vmem>>
    %dma_start3A_1153 = tpu.memref_squeeze %dma_start3A_1152 : memref<1x128xi32, #tpu.memory_space<vmem>> -> memref<128xi32, #tpu.memory_space<vmem>>
    %dma_start3A_1154 = arith.constant 0 : i32
    %dma_start3A_1155 = arith.constant 0 : i32
    %dma_start3A_1156 = tpu.memref_slice %arg3[%dma_start3A_1154, %dma_start3A_1155] : memref<100000x128xf32, #tpu.memory_space<hbm>> -> memref<100000x128xf32, #tpu.memory_space<hbm>>
    tpu.enqueue_indirect_dma source(%dma_start3A_1156 : memref<100000x128xf32, #tpu.memory_space<hbm>>) target(%arg14 : memref<128x128xf32, #tpu.memory_space<vmem>>) offsets(%dma_start3A_1153 : memref<128xi32, #tpu.memory_space<vmem>>) semaphore(%arg22 : memref<!tpu.dma_semaphore, #tpu.memory_space<semaphore_mem>>) {add = true}
    %dma_wait3A_1157 = arith.constant 7 : i32
    %dma_wait3A_1158 = arith.constant 0 : i32
    %dma_wait3A_1159 = tpu.memref_slice %arg13[%dma_wait3A_1157, %dma_wait3A_1158] : memref<48x128xi32, #tpu.memory_space<vmem>> -> memref<1x128xi32, #tpu.memory_space<vmem>>
    %dma_wait3A_1160 = tpu.memref_squeeze %dma_wait3A_1159 : memref<1x128xi32, #tpu.memory_space<vmem>> -> memref<128xi32, #tpu.memory_space<vmem>>
    %dma_wait3A_1161 = arith.constant 0 : i32
    %dma_wait3A_1162 = arith.constant 0 : i32
    %dma_wait3A_1163 = tpu.memref_slice %arg3[%dma_wait3A_1161, %dma_wait3A_1162] : memref<100000x128xf32, #tpu.memory_space<hbm>> -> memref<100000x128xf32, #tpu.memory_space<hbm>>
    tpu.wait_indirect_dma semaphore(%arg25 : memref<!tpu.dma_semaphore, #tpu.memory_space<semaphore_mem>>) src(%dma_wait3A_1163 : memref<100000x128xf32, #tpu.memory_space<hbm>>) dst(%arg17 : memref<128x128xf32, #tpu.memory_space<vmem>>)
    %add3A_1164 = arith.constant 896 : i32
    %add3A_1165 = arith.addi %mul3A_2, %add3A_1164 : i32
    %dma_start3A_1166 = arith.constant 0 : i32
    %dma_start3A_1167 = tpu.memref_slice %arg7[%add3A_1165, %dma_start3A_1166] : memref<196608x128xf32, #tpu.memory_space<hbm>> -> memref<128x128xf32, #tpu.memory_space<hbm>>
    %dma_start3A_1168 = arith.constant 0 : i32
    %dma_start3A_1169 = tpu.memref_slice %arg7[%add3A_1165, %dma_start3A_1168] : memref<196608x128xf32, #tpu.memory_space<hbm>> -> memref<128x128xf32, #tpu.memory_space<hbm>>
    tpu.enqueue_dma source(%arg17 : memref<128x128xf32, #tpu.memory_space<vmem>>) target(%dma_start3A_1169 : memref<128x128xf32, #tpu.memory_space<hbm>>) target_semaphore(%arg29 : memref<!tpu.dma_semaphore, #tpu.memory_space<semaphore_mem>>)
    %dma_wait3A_1170 = arith.constant 0 : i32
    %dma_wait3A_1171 = tpu.memref_slice %arg7[%add3A_1129, %dma_wait3A_1170] : memref<196608x128xf32, #tpu.memory_space<hbm>> -> memref<128x128xf32, #tpu.memory_space<hbm>>
    %dma_wait3A_1172 = arith.constant 0 : i32
    %dma_wait3A_1173 = tpu.memref_slice %arg7[%add3A_1129, %dma_wait3A_1172] : memref<196608x128xf32, #tpu.memory_space<hbm>> -> memref<128x128xf32, #tpu.memory_space<hbm>>
    tpu.wait_dma2 semaphore(%arg28 : memref<!tpu.dma_semaphore, #tpu.memory_space<semaphore_mem>>) src(%arg16 : memref<128x128xf32, #tpu.memory_space<vmem>>) dst(%dma_wait3A_1173 : memref<128x128xf32, #tpu.memory_space<hbm>>)
    %dma_start3A_1174 = arith.constant 1280 : i32
    %dma_start3A_1175 = arith.constant 0 : i32
    %dma_start3A_1176 = tpu.memref_slice %arg12[%dma_start3A_1174, %dma_start3A_1175] : memref<3072x128xf32, #tpu.memory_space<vmem_shared>> -> memref<128x128xf32, #tpu.memory_space<vmem_shared>>
    %dma_start3A_1177 = arith.constant 1280 : i32
    %dma_start3A_1178 = arith.constant 0 : i32
    %dma_start3A_1179 = tpu.memref_slice %arg12[%dma_start3A_1177, %dma_start3A_1178] : memref<3072x128xf32, #tpu.memory_space<vmem_shared>> -> memref<128x128xf32, #tpu.memory_space<vmem_shared>>
    tpu.enqueue_dma source(%dma_start3A_1179 : memref<128x128xf32, #tpu.memory_space<vmem_shared>>) target(%arg16 : memref<128x128xf32, #tpu.memory_space<vmem>>) target_semaphore(%arg20 : memref<!tpu.dma_semaphore, #tpu.memory_space<semaphore_mem>>)
    %dma_wait3A_1180 = arith.constant 1152 : i32
    %dma_wait3A_1181 = arith.constant 0 : i32
    %dma_wait3A_1182 = tpu.memref_slice %arg12[%dma_wait3A_1180, %dma_wait3A_1181] : memref<3072x128xf32, #tpu.memory_space<vmem_shared>> -> memref<128x128xf32, #tpu.memory_space<vmem_shared>>
    %dma_wait3A_1183 = arith.constant 1152 : i32
    %dma_wait3A_1184 = arith.constant 0 : i32
    %dma_wait3A_1185 = tpu.memref_slice %arg12[%dma_wait3A_1183, %dma_wait3A_1184] : memref<3072x128xf32, #tpu.memory_space<vmem_shared>> -> memref<128x128xf32, #tpu.memory_space<vmem_shared>>
    tpu.wait_dma2 semaphore(%arg19 : memref<!tpu.dma_semaphore, #tpu.memory_space<semaphore_mem>>) src(%dma_wait3A_1185 : memref<128x128xf32, #tpu.memory_space<vmem_shared>>) dst(%arg15 : memref<128x128xf32, #tpu.memory_space<vmem>>)
    %dma_start3A_1186 = arith.constant 9 : i32
    %dma_start3A_1187 = arith.constant 0 : i32
    %dma_start3A_1188 = tpu.memref_slice %arg13[%dma_start3A_1186, %dma_start3A_1187] : memref<48x128xi32, #tpu.memory_space<vmem>> -> memref<1x128xi32, #tpu.memory_space<vmem>>
    %dma_start3A_1189 = tpu.memref_squeeze %dma_start3A_1188 : memref<1x128xi32, #tpu.memory_space<vmem>> -> memref<128xi32, #tpu.memory_space<vmem>>
    %dma_start3A_1190 = arith.constant 0 : i32
    %dma_start3A_1191 = arith.constant 0 : i32
    %dma_start3A_1192 = tpu.memref_slice %arg3[%dma_start3A_1190, %dma_start3A_1191] : memref<100000x128xf32, #tpu.memory_space<hbm>> -> memref<100000x128xf32, #tpu.memory_space<hbm>>
    tpu.enqueue_indirect_dma source(%dma_start3A_1192 : memref<100000x128xf32, #tpu.memory_space<hbm>>) target(%arg15 : memref<128x128xf32, #tpu.memory_space<vmem>>) offsets(%dma_start3A_1189 : memref<128xi32, #tpu.memory_space<vmem>>) semaphore(%arg23 : memref<!tpu.dma_semaphore, #tpu.memory_space<semaphore_mem>>) {add = true}
    %dma_wait3A_1193 = arith.constant 8 : i32
    %dma_wait3A_1194 = arith.constant 0 : i32
    %dma_wait3A_1195 = tpu.memref_slice %arg13[%dma_wait3A_1193, %dma_wait3A_1194] : memref<48x128xi32, #tpu.memory_space<vmem>> -> memref<1x128xi32, #tpu.memory_space<vmem>>
    %dma_wait3A_1196 = tpu.memref_squeeze %dma_wait3A_1195 : memref<1x128xi32, #tpu.memory_space<vmem>> -> memref<128xi32, #tpu.memory_space<vmem>>
    %dma_wait3A_1197 = arith.constant 0 : i32
    %dma_wait3A_1198 = arith.constant 0 : i32
    %dma_wait3A_1199 = tpu.memref_slice %arg3[%dma_wait3A_1197, %dma_wait3A_1198] : memref<100000x128xf32, #tpu.memory_space<hbm>> -> memref<100000x128xf32, #tpu.memory_space<hbm>>
    tpu.wait_indirect_dma semaphore(%arg22 : memref<!tpu.dma_semaphore, #tpu.memory_space<semaphore_mem>>) src(%dma_wait3A_1199 : memref<100000x128xf32, #tpu.memory_space<hbm>>) dst(%arg14 : memref<128x128xf32, #tpu.memory_space<vmem>>)
    %add3A_1200 = arith.constant 1024 : i32
    %add3A_1201 = arith.addi %mul3A_2, %add3A_1200 : i32
    %dma_start3A_1202 = arith.constant 0 : i32
    %dma_start3A_1203 = tpu.memref_slice %arg7[%add3A_1201, %dma_start3A_1202] : memref<196608x128xf32, #tpu.memory_space<hbm>> -> memref<128x128xf32, #tpu.memory_space<hbm>>
    %dma_start3A_1204 = arith.constant 0 : i32
    %dma_start3A_1205 = tpu.memref_slice %arg7[%add3A_1201, %dma_start3A_1204] : memref<196608x128xf32, #tpu.memory_space<hbm>> -> memref<128x128xf32, #tpu.memory_space<hbm>>
    tpu.enqueue_dma source(%arg14 : memref<128x128xf32, #tpu.memory_space<vmem>>) target(%dma_start3A_1205 : memref<128x128xf32, #tpu.memory_space<hbm>>) target_semaphore(%arg26 : memref<!tpu.dma_semaphore, #tpu.memory_space<semaphore_mem>>)
    %dma_wait3A_1206 = arith.constant 0 : i32
    %dma_wait3A_1207 = tpu.memref_slice %arg7[%add3A_1165, %dma_wait3A_1206] : memref<196608x128xf32, #tpu.memory_space<hbm>> -> memref<128x128xf32, #tpu.memory_space<hbm>>
    %dma_wait3A_1208 = arith.constant 0 : i32
    %dma_wait3A_1209 = tpu.memref_slice %arg7[%add3A_1165, %dma_wait3A_1208] : memref<196608x128xf32, #tpu.memory_space<hbm>> -> memref<128x128xf32, #tpu.memory_space<hbm>>
    tpu.wait_dma2 semaphore(%arg29 : memref<!tpu.dma_semaphore, #tpu.memory_space<semaphore_mem>>) src(%arg17 : memref<128x128xf32, #tpu.memory_space<vmem>>) dst(%dma_wait3A_1209 : memref<128x128xf32, #tpu.memory_space<hbm>>)
    %dma_start3A_1210 = arith.constant 1408 : i32
    %dma_start3A_1211 = arith.constant 0 : i32
    %dma_start3A_1212 = tpu.memref_slice %arg12[%dma_start3A_1210, %dma_start3A_1211] : memref<3072x128xf32, #tpu.memory_space<vmem_shared>> -> memref<128x128xf32, #tpu.memory_space<vmem_shared>>
    %dma_start3A_1213 = arith.constant 1408 : i32
    %dma_start3A_1214 = arith.constant 0 : i32
    %dma_start3A_1215 = tpu.memref_slice %arg12[%dma_start3A_1213, %dma_start3A_1214] : memref<3072x128xf32, #tpu.memory_space<vmem_shared>> -> memref<128x128xf32, #tpu.memory_space<vmem_shared>>
    tpu.enqueue_dma source(%dma_start3A_1215 : memref<128x128xf32, #tpu.memory_space<vmem_shared>>) target(%arg17 : memref<128x128xf32, #tpu.memory_space<vmem>>) target_semaphore(%arg21 : memref<!tpu.dma_semaphore, #tpu.memory_space<semaphore_mem>>)
    %dma_wait3A_1216 = arith.constant 1280 : i32
    %dma_wait3A_1217 = arith.constant 0 : i32
    %dma_wait3A_1218 = tpu.memref_slice %arg12[%dma_wait3A_1216, %dma_wait3A_1217] : memref<3072x128xf32, #tpu.memory_space<vmem_shared>> -> memref<128x128xf32, #tpu.memory_space<vmem_shared>>
    %dma_wait3A_1219 = arith.constant 1280 : i32
    %dma_wait3A_1220 = arith.constant 0 : i32
    %dma_wait3A_1221 = tpu.memref_slice %arg12[%dma_wait3A_1219, %dma_wait3A_1220] : memref<3072x128xf32, #tpu.memory_space<vmem_shared>> -> memref<128x128xf32, #tpu.memory_space<vmem_shared>>
    tpu.wait_dma2 semaphore(%arg20 : memref<!tpu.dma_semaphore, #tpu.memory_space<semaphore_mem>>) src(%dma_wait3A_1221 : memref<128x128xf32, #tpu.memory_space<vmem_shared>>) dst(%arg16 : memref<128x128xf32, #tpu.memory_space<vmem>>)
    %dma_start3A_1222 = arith.constant 10 : i32
    %dma_start3A_1223 = arith.constant 0 : i32
    %dma_start3A_1224 = tpu.memref_slice %arg13[%dma_start3A_1222, %dma_start3A_1223] : memref<48x128xi32, #tpu.memory_space<vmem>> -> memref<1x128xi32, #tpu.memory_space<vmem>>
    %dma_start3A_1225 = tpu.memref_squeeze %dma_start3A_1224 : memref<1x128xi32, #tpu.memory_space<vmem>> -> memref<128xi32, #tpu.memory_space<vmem>>
    %dma_start3A_1226 = arith.constant 0 : i32
    %dma_start3A_1227 = arith.constant 0 : i32
    %dma_start3A_1228 = tpu.memref_slice %arg3[%dma_start3A_1226, %dma_start3A_1227] : memref<100000x128xf32, #tpu.memory_space<hbm>> -> memref<100000x128xf32, #tpu.memory_space<hbm>>
    tpu.enqueue_indirect_dma source(%dma_start3A_1228 : memref<100000x128xf32, #tpu.memory_space<hbm>>) target(%arg16 : memref<128x128xf32, #tpu.memory_space<vmem>>) offsets(%dma_start3A_1225 : memref<128xi32, #tpu.memory_space<vmem>>) semaphore(%arg24 : memref<!tpu.dma_semaphore, #tpu.memory_space<semaphore_mem>>) {add = true}
    %dma_wait3A_1229 = arith.constant 9 : i32
    %dma_wait3A_1230 = arith.constant 0 : i32
    %dma_wait3A_1231 = tpu.memref_slice %arg13[%dma_wait3A_1229, %dma_wait3A_1230] : memref<48x128xi32, #tpu.memory_space<vmem>> -> memref<1x128xi32, #tpu.memory_space<vmem>>
    %dma_wait3A_1232 = tpu.memref_squeeze %dma_wait3A_1231 : memref<1x128xi32, #tpu.memory_space<vmem>> -> memref<128xi32, #tpu.memory_space<vmem>>
    %dma_wait3A_1233 = arith.constant 0 : i32
    %dma_wait3A_1234 = arith.constant 0 : i32
    %dma_wait3A_1235 = tpu.memref_slice %arg3[%dma_wait3A_1233, %dma_wait3A_1234] : memref<100000x128xf32, #tpu.memory_space<hbm>> -> memref<100000x128xf32, #tpu.memory_space<hbm>>
    tpu.wait_indirect_dma semaphore(%arg23 : memref<!tpu.dma_semaphore, #tpu.memory_space<semaphore_mem>>) src(%dma_wait3A_1235 : memref<100000x128xf32, #tpu.memory_space<hbm>>) dst(%arg15 : memref<128x128xf32, #tpu.memory_space<vmem>>)
    %add3A_1236 = arith.constant 1152 : i32
    %add3A_1237 = arith.addi %mul3A_2, %add3A_1236 : i32
    %dma_start3A_1238 = arith.constant 0 : i32
    %dma_start3A_1239 = tpu.memref_slice %arg7[%add3A_1237, %dma_start3A_1238] : memref<196608x128xf32, #tpu.memory_space<hbm>> -> memref<128x128xf32, #tpu.memory_space<hbm>>
    %dma_start3A_1240 = arith.constant 0 : i32
    %dma_start3A_1241 = tpu.memref_slice %arg7[%add3A_1237, %dma_start3A_1240] : memref<196608x128xf32, #tpu.memory_space<hbm>> -> memref<128x128xf32, #tpu.memory_space<hbm>>
    tpu.enqueue_dma source(%arg15 : memref<128x128xf32, #tpu.memory_space<vmem>>) target(%dma_start3A_1241 : memref<128x128xf32, #tpu.memory_space<hbm>>) target_semaphore(%arg27 : memref<!tpu.dma_semaphore, #tpu.memory_space<semaphore_mem>>)
    %dma_wait3A_1242 = arith.constant 0 : i32
    %dma_wait3A_1243 = tpu.memref_slice %arg7[%add3A_1201, %dma_wait3A_1242] : memref<196608x128xf32, #tpu.memory_space<hbm>> -> memref<128x128xf32, #tpu.memory_space<hbm>>
    %dma_wait3A_1244 = arith.constant 0 : i32
    %dma_wait3A_1245 = tpu.memref_slice %arg7[%add3A_1201, %dma_wait3A_1244] : memref<196608x128xf32, #tpu.memory_space<hbm>> -> memref<128x128xf32, #tpu.memory_space<hbm>>
    tpu.wait_dma2 semaphore(%arg26 : memref<!tpu.dma_semaphore, #tpu.memory_space<semaphore_mem>>) src(%arg14 : memref<128x128xf32, #tpu.memory_space<vmem>>) dst(%dma_wait3A_1245 : memref<128x128xf32, #tpu.memory_space<hbm>>)
    %dma_start3A_1246 = arith.constant 1536 : i32
    %dma_start3A_1247 = arith.constant 0 : i32
    %dma_start3A_1248 = tpu.memref_slice %arg12[%dma_start3A_1246, %dma_start3A_1247] : memref<3072x128xf32, #tpu.memory_space<vmem_shared>> -> memref<128x128xf32, #tpu.memory_space<vmem_shared>>
    %dma_start3A_1249 = arith.constant 1536 : i32
    %dma_start3A_1250 = arith.constant 0 : i32
    %dma_start3A_1251 = tpu.memref_slice %arg12[%dma_start3A_1249, %dma_start3A_1250] : memref<3072x128xf32, #tpu.memory_space<vmem_shared>> -> memref<128x128xf32, #tpu.memory_space<vmem_shared>>
    tpu.enqueue_dma source(%dma_start3A_1251 : memref<128x128xf32, #tpu.memory_space<vmem_shared>>) target(%arg14 : memref<128x128xf32, #tpu.memory_space<vmem>>) target_semaphore(%arg18 : memref<!tpu.dma_semaphore, #tpu.memory_space<semaphore_mem>>)
    %dma_wait3A_1252 = arith.constant 1408 : i32
    %dma_wait3A_1253 = arith.constant 0 : i32
    %dma_wait3A_1254 = tpu.memref_slice %arg12[%dma_wait3A_1252, %dma_wait3A_1253] : memref<3072x128xf32, #tpu.memory_space<vmem_shared>> -> memref<128x128xf32, #tpu.memory_space<vmem_shared>>
    %dma_wait3A_1255 = arith.constant 1408 : i32
    %dma_wait3A_1256 = arith.constant 0 : i32
    %dma_wait3A_1257 = tpu.memref_slice %arg12[%dma_wait3A_1255, %dma_wait3A_1256] : memref<3072x128xf32, #tpu.memory_space<vmem_shared>> -> memref<128x128xf32, #tpu.memory_space<vmem_shared>>
    tpu.wait_dma2 semaphore(%arg21 : memref<!tpu.dma_semaphore, #tpu.memory_space<semaphore_mem>>) src(%dma_wait3A_1257 : memref<128x128xf32, #tpu.memory_space<vmem_shared>>) dst(%arg17 : memref<128x128xf32, #tpu.memory_space<vmem>>)
    %dma_start3A_1258 = arith.constant 11 : i32
    %dma_start3A_1259 = arith.constant 0 : i32
    %dma_start3A_1260 = tpu.memref_slice %arg13[%dma_start3A_1258, %dma_start3A_1259] : memref<48x128xi32, #tpu.memory_space<vmem>> -> memref<1x128xi32, #tpu.memory_space<vmem>>
    %dma_start3A_1261 = tpu.memref_squeeze %dma_start3A_1260 : memref<1x128xi32, #tpu.memory_space<vmem>> -> memref<128xi32, #tpu.memory_space<vmem>>
    %dma_start3A_1262 = arith.constant 0 : i32
    %dma_start3A_1263 = arith.constant 0 : i32
    %dma_start3A_1264 = tpu.memref_slice %arg3[%dma_start3A_1262, %dma_start3A_1263] : memref<100000x128xf32, #tpu.memory_space<hbm>> -> memref<100000x128xf32, #tpu.memory_space<hbm>>
    tpu.enqueue_indirect_dma source(%dma_start3A_1264 : memref<100000x128xf32, #tpu.memory_space<hbm>>) target(%arg17 : memref<128x128xf32, #tpu.memory_space<vmem>>) offsets(%dma_start3A_1261 : memref<128xi32, #tpu.memory_space<vmem>>) semaphore(%arg25 : memref<!tpu.dma_semaphore, #tpu.memory_space<semaphore_mem>>) {add = true}
    %dma_wait3A_1265 = arith.constant 10 : i32
    %dma_wait3A_1266 = arith.constant 0 : i32
    %dma_wait3A_1267 = tpu.memref_slice %arg13[%dma_wait3A_1265, %dma_wait3A_1266] : memref<48x128xi32, #tpu.memory_space<vmem>> -> memref<1x128xi32, #tpu.memory_space<vmem>>
    %dma_wait3A_1268 = tpu.memref_squeeze %dma_wait3A_1267 : memref<1x128xi32, #tpu.memory_space<vmem>> -> memref<128xi32, #tpu.memory_space<vmem>>
    %dma_wait3A_1269 = arith.constant 0 : i32
    %dma_wait3A_1270 = arith.constant 0 : i32
    %dma_wait3A_1271 = tpu.memref_slice %arg3[%dma_wait3A_1269, %dma_wait3A_1270] : memref<100000x128xf32, #tpu.memory_space<hbm>> -> memref<100000x128xf32, #tpu.memory_space<hbm>>
    tpu.wait_indirect_dma semaphore(%arg24 : memref<!tpu.dma_semaphore, #tpu.memory_space<semaphore_mem>>) src(%dma_wait3A_1271 : memref<100000x128xf32, #tpu.memory_space<hbm>>) dst(%arg16 : memref<128x128xf32, #tpu.memory_space<vmem>>)
    %add3A_1272 = arith.constant 1280 : i32
    %add3A_1273 = arith.addi %mul3A_2, %add3A_1272 : i32
    %dma_start3A_1274 = arith.constant 0 : i32
    %dma_start3A_1275 = tpu.memref_slice %arg7[%add3A_1273, %dma_start3A_1274] : memref<196608x128xf32, #tpu.memory_space<hbm>> -> memref<128x128xf32, #tpu.memory_space<hbm>>
    %dma_start3A_1276 = arith.constant 0 : i32
    %dma_start3A_1277 = tpu.memref_slice %arg7[%add3A_1273, %dma_start3A_1276] : memref<196608x128xf32, #tpu.memory_space<hbm>> -> memref<128x128xf32, #tpu.memory_space<hbm>>
    tpu.enqueue_dma source(%arg16 : memref<128x128xf32, #tpu.memory_space<vmem>>) target(%dma_start3A_1277 : memref<128x128xf32, #tpu.memory_space<hbm>>) target_semaphore(%arg28 : memref<!tpu.dma_semaphore, #tpu.memory_space<semaphore_mem>>)
    %dma_wait3A_1278 = arith.constant 0 : i32
    %dma_wait3A_1279 = tpu.memref_slice %arg7[%add3A_1237, %dma_wait3A_1278] : memref<196608x128xf32, #tpu.memory_space<hbm>> -> memref<128x128xf32, #tpu.memory_space<hbm>>
    %dma_wait3A_1280 = arith.constant 0 : i32
    %dma_wait3A_1281 = tpu.memref_slice %arg7[%add3A_1237, %dma_wait3A_1280] : memref<196608x128xf32, #tpu.memory_space<hbm>> -> memref<128x128xf32, #tpu.memory_space<hbm>>
    tpu.wait_dma2 semaphore(%arg27 : memref<!tpu.dma_semaphore, #tpu.memory_space<semaphore_mem>>) src(%arg15 : memref<128x128xf32, #tpu.memory_space<vmem>>) dst(%dma_wait3A_1281 : memref<128x128xf32, #tpu.memory_space<hbm>>)
    %dma_start3A_1282 = arith.constant 1664 : i32
    %dma_start3A_1283 = arith.constant 0 : i32
    %dma_start3A_1284 = tpu.memref_slice %arg12[%dma_start3A_1282, %dma_start3A_1283] : memref<3072x128xf32, #tpu.memory_space<vmem_shared>> -> memref<128x128xf32, #tpu.memory_space<vmem_shared>>
    %dma_start3A_1285 = arith.constant 1664 : i32
    %dma_start3A_1286 = arith.constant 0 : i32
    %dma_start3A_1287 = tpu.memref_slice %arg12[%dma_start3A_1285, %dma_start3A_1286] : memref<3072x128xf32, #tpu.memory_space<vmem_shared>> -> memref<128x128xf32, #tpu.memory_space<vmem_shared>>
    tpu.enqueue_dma source(%dma_start3A_1287 : memref<128x128xf32, #tpu.memory_space<vmem_shared>>) target(%arg15 : memref<128x128xf32, #tpu.memory_space<vmem>>) target_semaphore(%arg19 : memref<!tpu.dma_semaphore, #tpu.memory_space<semaphore_mem>>)
    %dma_wait3A_1288 = arith.constant 1536 : i32
    %dma_wait3A_1289 = arith.constant 0 : i32
    %dma_wait3A_1290 = tpu.memref_slice %arg12[%dma_wait3A_1288, %dma_wait3A_1289] : memref<3072x128xf32, #tpu.memory_space<vmem_shared>> -> memref<128x128xf32, #tpu.memory_space<vmem_shared>>
    %dma_wait3A_1291 = arith.constant 1536 : i32
    %dma_wait3A_1292 = arith.constant 0 : i32
    %dma_wait3A_1293 = tpu.memref_slice %arg12[%dma_wait3A_1291, %dma_wait3A_1292] : memref<3072x128xf32, #tpu.memory_space<vmem_shared>> -> memref<128x128xf32, #tpu.memory_space<vmem_shared>>
    tpu.wait_dma2 semaphore(%arg18 : memref<!tpu.dma_semaphore, #tpu.memory_space<semaphore_mem>>) src(%dma_wait3A_1293 : memref<128x128xf32, #tpu.memory_space<vmem_shared>>) dst(%arg14 : memref<128x128xf32, #tpu.memory_space<vmem>>)
    %dma_start3A_1294 = arith.constant 12 : i32
    %dma_start3A_1295 = arith.constant 0 : i32
    %dma_start3A_1296 = tpu.memref_slice %arg13[%dma_start3A_1294, %dma_start3A_1295] : memref<48x128xi32, #tpu.memory_space<vmem>> -> memref<1x128xi32, #tpu.memory_space<vmem>>
    %dma_start3A_1297 = tpu.memref_squeeze %dma_start3A_1296 : memref<1x128xi32, #tpu.memory_space<vmem>> -> memref<128xi32, #tpu.memory_space<vmem>>
    %dma_start3A_1298 = arith.constant 0 : i32
    %dma_start3A_1299 = arith.constant 0 : i32
    %dma_start3A_1300 = tpu.memref_slice %arg3[%dma_start3A_1298, %dma_start3A_1299] : memref<100000x128xf32, #tpu.memory_space<hbm>> -> memref<100000x128xf32, #tpu.memory_space<hbm>>
    tpu.enqueue_indirect_dma source(%dma_start3A_1300 : memref<100000x128xf32, #tpu.memory_space<hbm>>) target(%arg14 : memref<128x128xf32, #tpu.memory_space<vmem>>) offsets(%dma_start3A_1297 : memref<128xi32, #tpu.memory_space<vmem>>) semaphore(%arg22 : memref<!tpu.dma_semaphore, #tpu.memory_space<semaphore_mem>>) {add = true}
    %dma_wait3A_1301 = arith.constant 11 : i32
    %dma_wait3A_1302 = arith.constant 0 : i32
    %dma_wait3A_1303 = tpu.memref_slice %arg13[%dma_wait3A_1301, %dma_wait3A_1302] : memref<48x128xi32, #tpu.memory_space<vmem>> -> memref<1x128xi32, #tpu.memory_space<vmem>>
    %dma_wait3A_1304 = tpu.memref_squeeze %dma_wait3A_1303 : memref<1x128xi32, #tpu.memory_space<vmem>> -> memref<128xi32, #tpu.memory_space<vmem>>
    %dma_wait3A_1305 = arith.constant 0 : i32
    %dma_wait3A_1306 = arith.constant 0 : i32
    %dma_wait3A_1307 = tpu.memref_slice %arg3[%dma_wait3A_1305, %dma_wait3A_1306] : memref<100000x128xf32, #tpu.memory_space<hbm>> -> memref<100000x128xf32, #tpu.memory_space<hbm>>
    tpu.wait_indirect_dma semaphore(%arg25 : memref<!tpu.dma_semaphore, #tpu.memory_space<semaphore_mem>>) src(%dma_wait3A_1307 : memref<100000x128xf32, #tpu.memory_space<hbm>>) dst(%arg17 : memref<128x128xf32, #tpu.memory_space<vmem>>)
    %add3A_1308 = arith.constant 1408 : i32
    %add3A_1309 = arith.addi %mul3A_2, %add3A_1308 : i32
    %dma_start3A_1310 = arith.constant 0 : i32
    %dma_start3A_1311 = tpu.memref_slice %arg7[%add3A_1309, %dma_start3A_1310] : memref<196608x128xf32, #tpu.memory_space<hbm>> -> memref<128x128xf32, #tpu.memory_space<hbm>>
    %dma_start3A_1312 = arith.constant 0 : i32
    %dma_start3A_1313 = tpu.memref_slice %arg7[%add3A_1309, %dma_start3A_1312] : memref<196608x128xf32, #tpu.memory_space<hbm>> -> memref<128x128xf32, #tpu.memory_space<hbm>>
    tpu.enqueue_dma source(%arg17 : memref<128x128xf32, #tpu.memory_space<vmem>>) target(%dma_start3A_1313 : memref<128x128xf32, #tpu.memory_space<hbm>>) target_semaphore(%arg29 : memref<!tpu.dma_semaphore, #tpu.memory_space<semaphore_mem>>)
    %dma_wait3A_1314 = arith.constant 0 : i32
    %dma_wait3A_1315 = tpu.memref_slice %arg7[%add3A_1273, %dma_wait3A_1314] : memref<196608x128xf32, #tpu.memory_space<hbm>> -> memref<128x128xf32, #tpu.memory_space<hbm>>
    %dma_wait3A_1316 = arith.constant 0 : i32
    %dma_wait3A_1317 = tpu.memref_slice %arg7[%add3A_1273, %dma_wait3A_1316] : memref<196608x128xf32, #tpu.memory_space<hbm>> -> memref<128x128xf32, #tpu.memory_space<hbm>>
    tpu.wait_dma2 semaphore(%arg28 : memref<!tpu.dma_semaphore, #tpu.memory_space<semaphore_mem>>) src(%arg16 : memref<128x128xf32, #tpu.memory_space<vmem>>) dst(%dma_wait3A_1317 : memref<128x128xf32, #tpu.memory_space<hbm>>)
    %dma_start3A_1318 = arith.constant 1792 : i32
    %dma_start3A_1319 = arith.constant 0 : i32
    %dma_start3A_1320 = tpu.memref_slice %arg12[%dma_start3A_1318, %dma_start3A_1319] : memref<3072x128xf32, #tpu.memory_space<vmem_shared>> -> memref<128x128xf32, #tpu.memory_space<vmem_shared>>
    %dma_start3A_1321 = arith.constant 1792 : i32
    %dma_start3A_1322 = arith.constant 0 : i32
    %dma_start3A_1323 = tpu.memref_slice %arg12[%dma_start3A_1321, %dma_start3A_1322] : memref<3072x128xf32, #tpu.memory_space<vmem_shared>> -> memref<128x128xf32, #tpu.memory_space<vmem_shared>>
    tpu.enqueue_dma source(%dma_start3A_1323 : memref<128x128xf32, #tpu.memory_space<vmem_shared>>) target(%arg16 : memref<128x128xf32, #tpu.memory_space<vmem>>) target_semaphore(%arg20 : memref<!tpu.dma_semaphore, #tpu.memory_space<semaphore_mem>>)
    %dma_wait3A_1324 = arith.constant 1664 : i32
    %dma_wait3A_1325 = arith.constant 0 : i32
    %dma_wait3A_1326 = tpu.memref_slice %arg12[%dma_wait3A_1324, %dma_wait3A_1325] : memref<3072x128xf32, #tpu.memory_space<vmem_shared>> -> memref<128x128xf32, #tpu.memory_space<vmem_shared>>
    %dma_wait3A_1327 = arith.constant 1664 : i32
    %dma_wait3A_1328 = arith.constant 0 : i32
    %dma_wait3A_1329 = tpu.memref_slice %arg12[%dma_wait3A_1327, %dma_wait3A_1328] : memref<3072x128xf32, #tpu.memory_space<vmem_shared>> -> memref<128x128xf32, #tpu.memory_space<vmem_shared>>
    tpu.wait_dma2 semaphore(%arg19 : memref<!tpu.dma_semaphore, #tpu.memory_space<semaphore_mem>>) src(%dma_wait3A_1329 : memref<128x128xf32, #tpu.memory_space<vmem_shared>>) dst(%arg15 : memref<128x128xf32, #tpu.memory_space<vmem>>)
    %dma_start3A_1330 = arith.constant 13 : i32
    %dma_start3A_1331 = arith.constant 0 : i32
    %dma_start3A_1332 = tpu.memref_slice %arg13[%dma_start3A_1330, %dma_start3A_1331] : memref<48x128xi32, #tpu.memory_space<vmem>> -> memref<1x128xi32, #tpu.memory_space<vmem>>
    %dma_start3A_1333 = tpu.memref_squeeze %dma_start3A_1332 : memref<1x128xi32, #tpu.memory_space<vmem>> -> memref<128xi32, #tpu.memory_space<vmem>>
    %dma_start3A_1334 = arith.constant 0 : i32
    %dma_start3A_1335 = arith.constant 0 : i32
    %dma_start3A_1336 = tpu.memref_slice %arg3[%dma_start3A_1334, %dma_start3A_1335] : memref<100000x128xf32, #tpu.memory_space<hbm>> -> memref<100000x128xf32, #tpu.memory_space<hbm>>
    tpu.enqueue_indirect_dma source(%dma_start3A_1336 : memref<100000x128xf32, #tpu.memory_space<hbm>>) target(%arg15 : memref<128x128xf32, #tpu.memory_space<vmem>>) offsets(%dma_start3A_1333 : memref<128xi32, #tpu.memory_space<vmem>>) semaphore(%arg23 : memref<!tpu.dma_semaphore, #tpu.memory_space<semaphore_mem>>) {add = true}
    %dma_wait3A_1337 = arith.constant 12 : i32
    %dma_wait3A_1338 = arith.constant 0 : i32
    %dma_wait3A_1339 = tpu.memref_slice %arg13[%dma_wait3A_1337, %dma_wait3A_1338] : memref<48x128xi32, #tpu.memory_space<vmem>> -> memref<1x128xi32, #tpu.memory_space<vmem>>
    %dma_wait3A_1340 = tpu.memref_squeeze %dma_wait3A_1339 : memref<1x128xi32, #tpu.memory_space<vmem>> -> memref<128xi32, #tpu.memory_space<vmem>>
    %dma_wait3A_1341 = arith.constant 0 : i32
    %dma_wait3A_1342 = arith.constant 0 : i32
    %dma_wait3A_1343 = tpu.memref_slice %arg3[%dma_wait3A_1341, %dma_wait3A_1342] : memref<100000x128xf32, #tpu.memory_space<hbm>> -> memref<100000x128xf32, #tpu.memory_space<hbm>>
    tpu.wait_indirect_dma semaphore(%arg22 : memref<!tpu.dma_semaphore, #tpu.memory_space<semaphore_mem>>) src(%dma_wait3A_1343 : memref<100000x128xf32, #tpu.memory_space<hbm>>) dst(%arg14 : memref<128x128xf32, #tpu.memory_space<vmem>>)
    %add3A_1344 = arith.constant 1536 : i32
    %add3A_1345 = arith.addi %mul3A_2, %add3A_1344 : i32
    %dma_start3A_1346 = arith.constant 0 : i32
    %dma_start3A_1347 = tpu.memref_slice %arg7[%add3A_1345, %dma_start3A_1346] : memref<196608x128xf32, #tpu.memory_space<hbm>> -> memref<128x128xf32, #tpu.memory_space<hbm>>
    %dma_start3A_1348 = arith.constant 0 : i32
    %dma_start3A_1349 = tpu.memref_slice %arg7[%add3A_1345, %dma_start3A_1348] : memref<196608x128xf32, #tpu.memory_space<hbm>> -> memref<128x128xf32, #tpu.memory_space<hbm>>
    tpu.enqueue_dma source(%arg14 : memref<128x128xf32, #tpu.memory_space<vmem>>) target(%dma_start3A_1349 : memref<128x128xf32, #tpu.memory_space<hbm>>) target_semaphore(%arg26 : memref<!tpu.dma_semaphore, #tpu.memory_space<semaphore_mem>>)
    %dma_wait3A_1350 = arith.constant 0 : i32
    %dma_wait3A_1351 = tpu.memref_slice %arg7[%add3A_1309, %dma_wait3A_1350] : memref<196608x128xf32, #tpu.memory_space<hbm>> -> memref<128x128xf32, #tpu.memory_space<hbm>>
    %dma_wait3A_1352 = arith.constant 0 : i32
    %dma_wait3A_1353 = tpu.memref_slice %arg7[%add3A_1309, %dma_wait3A_1352] : memref<196608x128xf32, #tpu.memory_space<hbm>> -> memref<128x128xf32, #tpu.memory_space<hbm>>
    tpu.wait_dma2 semaphore(%arg29 : memref<!tpu.dma_semaphore, #tpu.memory_space<semaphore_mem>>) src(%arg17 : memref<128x128xf32, #tpu.memory_space<vmem>>) dst(%dma_wait3A_1353 : memref<128x128xf32, #tpu.memory_space<hbm>>)
    %dma_start3A_1354 = arith.constant 1920 : i32
    %dma_start3A_1355 = arith.constant 0 : i32
    %dma_start3A_1356 = tpu.memref_slice %arg12[%dma_start3A_1354, %dma_start3A_1355] : memref<3072x128xf32, #tpu.memory_space<vmem_shared>> -> memref<128x128xf32, #tpu.memory_space<vmem_shared>>
    %dma_start3A_1357 = arith.constant 1920 : i32
    %dma_start3A_1358 = arith.constant 0 : i32
    %dma_start3A_1359 = tpu.memref_slice %arg12[%dma_start3A_1357, %dma_start3A_1358] : memref<3072x128xf32, #tpu.memory_space<vmem_shared>> -> memref<128x128xf32, #tpu.memory_space<vmem_shared>>
    tpu.enqueue_dma source(%dma_start3A_1359 : memref<128x128xf32, #tpu.memory_space<vmem_shared>>) target(%arg17 : memref<128x128xf32, #tpu.memory_space<vmem>>) target_semaphore(%arg21 : memref<!tpu.dma_semaphore, #tpu.memory_space<semaphore_mem>>)
    %dma_wait3A_1360 = arith.constant 1792 : i32
    %dma_wait3A_1361 = arith.constant 0 : i32
    %dma_wait3A_1362 = tpu.memref_slice %arg12[%dma_wait3A_1360, %dma_wait3A_1361] : memref<3072x128xf32, #tpu.memory_space<vmem_shared>> -> memref<128x128xf32, #tpu.memory_space<vmem_shared>>
    %dma_wait3A_1363 = arith.constant 1792 : i32
    %dma_wait3A_1364 = arith.constant 0 : i32
    %dma_wait3A_1365 = tpu.memref_slice %arg12[%dma_wait3A_1363, %dma_wait3A_1364] : memref<3072x128xf32, #tpu.memory_space<vmem_shared>> -> memref<128x128xf32, #tpu.memory_space<vmem_shared>>
    tpu.wait_dma2 semaphore(%arg20 : memref<!tpu.dma_semaphore, #tpu.memory_space<semaphore_mem>>) src(%dma_wait3A_1365 : memref<128x128xf32, #tpu.memory_space<vmem_shared>>) dst(%arg16 : memref<128x128xf32, #tpu.memory_space<vmem>>)
    %dma_start3A_1366 = arith.constant 14 : i32
    %dma_start3A_1367 = arith.constant 0 : i32
    %dma_start3A_1368 = tpu.memref_slice %arg13[%dma_start3A_1366, %dma_start3A_1367] : memref<48x128xi32, #tpu.memory_space<vmem>> -> memref<1x128xi32, #tpu.memory_space<vmem>>
    %dma_start3A_1369 = tpu.memref_squeeze %dma_start3A_1368 : memref<1x128xi32, #tpu.memory_space<vmem>> -> memref<128xi32, #tpu.memory_space<vmem>>
    %dma_start3A_1370 = arith.constant 0 : i32
    %dma_start3A_1371 = arith.constant 0 : i32
    %dma_start3A_1372 = tpu.memref_slice %arg3[%dma_start3A_1370, %dma_start3A_1371] : memref<100000x128xf32, #tpu.memory_space<hbm>> -> memref<100000x128xf32, #tpu.memory_space<hbm>>
    tpu.enqueue_indirect_dma source(%dma_start3A_1372 : memref<100000x128xf32, #tpu.memory_space<hbm>>) target(%arg16 : memref<128x128xf32, #tpu.memory_space<vmem>>) offsets(%dma_start3A_1369 : memref<128xi32, #tpu.memory_space<vmem>>) semaphore(%arg24 : memref<!tpu.dma_semaphore, #tpu.memory_space<semaphore_mem>>) {add = true}
    %dma_wait3A_1373 = arith.constant 13 : i32
    %dma_wait3A_1374 = arith.constant 0 : i32
    %dma_wait3A_1375 = tpu.memref_slice %arg13[%dma_wait3A_1373, %dma_wait3A_1374] : memref<48x128xi32, #tpu.memory_space<vmem>> -> memref<1x128xi32, #tpu.memory_space<vmem>>
    %dma_wait3A_1376 = tpu.memref_squeeze %dma_wait3A_1375 : memref<1x128xi32, #tpu.memory_space<vmem>> -> memref<128xi32, #tpu.memory_space<vmem>>
    %dma_wait3A_1377 = arith.constant 0 : i32
    %dma_wait3A_1378 = arith.constant 0 : i32
    %dma_wait3A_1379 = tpu.memref_slice %arg3[%dma_wait3A_1377, %dma_wait3A_1378] : memref<100000x128xf32, #tpu.memory_space<hbm>> -> memref<100000x128xf32, #tpu.memory_space<hbm>>
    tpu.wait_indirect_dma semaphore(%arg23 : memref<!tpu.dma_semaphore, #tpu.memory_space<semaphore_mem>>) src(%dma_wait3A_1379 : memref<100000x128xf32, #tpu.memory_space<hbm>>) dst(%arg15 : memref<128x128xf32, #tpu.memory_space<vmem>>)
    %add3A_1380 = arith.constant 1664 : i32
    %add3A_1381 = arith.addi %mul3A_2, %add3A_1380 : i32
    %dma_start3A_1382 = arith.constant 0 : i32
    %dma_start3A_1383 = tpu.memref_slice %arg7[%add3A_1381, %dma_start3A_1382] : memref<196608x128xf32, #tpu.memory_space<hbm>> -> memref<128x128xf32, #tpu.memory_space<hbm>>
    %dma_start3A_1384 = arith.constant 0 : i32
    %dma_start3A_1385 = tpu.memref_slice %arg7[%add3A_1381, %dma_start3A_1384] : memref<196608x128xf32, #tpu.memory_space<hbm>> -> memref<128x128xf32, #tpu.memory_space<hbm>>
    tpu.enqueue_dma source(%arg15 : memref<128x128xf32, #tpu.memory_space<vmem>>) target(%dma_start3A_1385 : memref<128x128xf32, #tpu.memory_space<hbm>>) target_semaphore(%arg27 : memref<!tpu.dma_semaphore, #tpu.memory_space<semaphore_mem>>)
    %dma_wait3A_1386 = arith.constant 0 : i32
    %dma_wait3A_1387 = tpu.memref_slice %arg7[%add3A_1345, %dma_wait3A_1386] : memref<196608x128xf32, #tpu.memory_space<hbm>> -> memref<128x128xf32, #tpu.memory_space<hbm>>
    %dma_wait3A_1388 = arith.constant 0 : i32
    %dma_wait3A_1389 = tpu.memref_slice %arg7[%add3A_1345, %dma_wait3A_1388] : memref<196608x128xf32, #tpu.memory_space<hbm>> -> memref<128x128xf32, #tpu.memory_space<hbm>>
    tpu.wait_dma2 semaphore(%arg26 : memref<!tpu.dma_semaphore, #tpu.memory_space<semaphore_mem>>) src(%arg14 : memref<128x128xf32, #tpu.memory_space<vmem>>) dst(%dma_wait3A_1389 : memref<128x128xf32, #tpu.memory_space<hbm>>)
    %dma_start3A_1390 = arith.constant 2048 : i32
    %dma_start3A_1391 = arith.constant 0 : i32
    %dma_start3A_1392 = tpu.memref_slice %arg12[%dma_start3A_1390, %dma_start3A_1391] : memref<3072x128xf32, #tpu.memory_space<vmem_shared>> -> memref<128x128xf32, #tpu.memory_space<vmem_shared>>
    %dma_start3A_1393 = arith.constant 2048 : i32
    %dma_start3A_1394 = arith.constant 0 : i32
    %dma_start3A_1395 = tpu.memref_slice %arg12[%dma_start3A_1393, %dma_start3A_1394] : memref<3072x128xf32, #tpu.memory_space<vmem_shared>> -> memref<128x128xf32, #tpu.memory_space<vmem_shared>>
    tpu.enqueue_dma source(%dma_start3A_1395 : memref<128x128xf32, #tpu.memory_space<vmem_shared>>) target(%arg14 : memref<128x128xf32, #tpu.memory_space<vmem>>) target_semaphore(%arg18 : memref<!tpu.dma_semaphore, #tpu.memory_space<semaphore_mem>>)
    %dma_wait3A_1396 = arith.constant 1920 : i32
    %dma_wait3A_1397 = arith.constant 0 : i32
    %dma_wait3A_1398 = tpu.memref_slice %arg12[%dma_wait3A_1396, %dma_wait3A_1397] : memref<3072x128xf32, #tpu.memory_space<vmem_shared>> -> memref<128x128xf32, #tpu.memory_space<vmem_shared>>
    %dma_wait3A_1399 = arith.constant 1920 : i32
    %dma_wait3A_1400 = arith.constant 0 : i32
    %dma_wait3A_1401 = tpu.memref_slice %arg12[%dma_wait3A_1399, %dma_wait3A_1400] : memref<3072x128xf32, #tpu.memory_space<vmem_shared>> -> memref<128x128xf32, #tpu.memory_space<vmem_shared>>
    tpu.wait_dma2 semaphore(%arg21 : memref<!tpu.dma_semaphore, #tpu.memory_space<semaphore_mem>>) src(%dma_wait3A_1401 : memref<128x128xf32, #tpu.memory_space<vmem_shared>>) dst(%arg17 : memref<128x128xf32, #tpu.memory_space<vmem>>)
    %dma_start3A_1402 = arith.constant 15 : i32
    %dma_start3A_1403 = arith.constant 0 : i32
    %dma_start3A_1404 = tpu.memref_slice %arg13[%dma_start3A_1402, %dma_start3A_1403] : memref<48x128xi32, #tpu.memory_space<vmem>> -> memref<1x128xi32, #tpu.memory_space<vmem>>
    %dma_start3A_1405 = tpu.memref_squeeze %dma_start3A_1404 : memref<1x128xi32, #tpu.memory_space<vmem>> -> memref<128xi32, #tpu.memory_space<vmem>>
    %dma_start3A_1406 = arith.constant 0 : i32
    %dma_start3A_1407 = arith.constant 0 : i32
    %dma_start3A_1408 = tpu.memref_slice %arg3[%dma_start3A_1406, %dma_start3A_1407] : memref<100000x128xf32, #tpu.memory_space<hbm>> -> memref<100000x128xf32, #tpu.memory_space<hbm>>
    tpu.enqueue_indirect_dma source(%dma_start3A_1408 : memref<100000x128xf32, #tpu.memory_space<hbm>>) target(%arg17 : memref<128x128xf32, #tpu.memory_space<vmem>>) offsets(%dma_start3A_1405 : memref<128xi32, #tpu.memory_space<vmem>>) semaphore(%arg25 : memref<!tpu.dma_semaphore, #tpu.memory_space<semaphore_mem>>) {add = true}
    %dma_wait3A_1409 = arith.constant 14 : i32
    %dma_wait3A_1410 = arith.constant 0 : i32
    %dma_wait3A_1411 = tpu.memref_slice %arg13[%dma_wait3A_1409, %dma_wait3A_1410] : memref<48x128xi32, #tpu.memory_space<vmem>> -> memref<1x128xi32, #tpu.memory_space<vmem>>
    %dma_wait3A_1412 = tpu.memref_squeeze %dma_wait3A_1411 : memref<1x128xi32, #tpu.memory_space<vmem>> -> memref<128xi32, #tpu.memory_space<vmem>>
    %dma_wait3A_1413 = arith.constant 0 : i32
    %dma_wait3A_1414 = arith.constant 0 : i32
    %dma_wait3A_1415 = tpu.memref_slice %arg3[%dma_wait3A_1413, %dma_wait3A_1414] : memref<100000x128xf32, #tpu.memory_space<hbm>> -> memref<100000x128xf32, #tpu.memory_space<hbm>>
    tpu.wait_indirect_dma semaphore(%arg24 : memref<!tpu.dma_semaphore, #tpu.memory_space<semaphore_mem>>) src(%dma_wait3A_1415 : memref<100000x128xf32, #tpu.memory_space<hbm>>) dst(%arg16 : memref<128x128xf32, #tpu.memory_space<vmem>>)
    %add3A_1416 = arith.constant 1792 : i32
    %add3A_1417 = arith.addi %mul3A_2, %add3A_1416 : i32
    %dma_start3A_1418 = arith.constant 0 : i32
    %dma_start3A_1419 = tpu.memref_slice %arg7[%add3A_1417, %dma_start3A_1418] : memref<196608x128xf32, #tpu.memory_space<hbm>> -> memref<128x128xf32, #tpu.memory_space<hbm>>
    %dma_start3A_1420 = arith.constant 0 : i32
    %dma_start3A_1421 = tpu.memref_slice %arg7[%add3A_1417, %dma_start3A_1420] : memref<196608x128xf32, #tpu.memory_space<hbm>> -> memref<128x128xf32, #tpu.memory_space<hbm>>
    tpu.enqueue_dma source(%arg16 : memref<128x128xf32, #tpu.memory_space<vmem>>) target(%dma_start3A_1421 : memref<128x128xf32, #tpu.memory_space<hbm>>) target_semaphore(%arg28 : memref<!tpu.dma_semaphore, #tpu.memory_space<semaphore_mem>>)
    %dma_wait3A_1422 = arith.constant 0 : i32
    %dma_wait3A_1423 = tpu.memref_slice %arg7[%add3A_1381, %dma_wait3A_1422] : memref<196608x128xf32, #tpu.memory_space<hbm>> -> memref<128x128xf32, #tpu.memory_space<hbm>>
    %dma_wait3A_1424 = arith.constant 0 : i32
    %dma_wait3A_1425 = tpu.memref_slice %arg7[%add3A_1381, %dma_wait3A_1424] : memref<196608x128xf32, #tpu.memory_space<hbm>> -> memref<128x128xf32, #tpu.memory_space<hbm>>
    tpu.wait_dma2 semaphore(%arg27 : memref<!tpu.dma_semaphore, #tpu.memory_space<semaphore_mem>>) src(%arg15 : memref<128x128xf32, #tpu.memory_space<vmem>>) dst(%dma_wait3A_1425 : memref<128x128xf32, #tpu.memory_space<hbm>>)
    %dma_start3A_1426 = arith.constant 2176 : i32
    %dma_start3A_1427 = arith.constant 0 : i32
    %dma_start3A_1428 = tpu.memref_slice %arg12[%dma_start3A_1426, %dma_start3A_1427] : memref<3072x128xf32, #tpu.memory_space<vmem_shared>> -> memref<128x128xf32, #tpu.memory_space<vmem_shared>>
    %dma_start3A_1429 = arith.constant 2176 : i32
    %dma_start3A_1430 = arith.constant 0 : i32
    %dma_start3A_1431 = tpu.memref_slice %arg12[%dma_start3A_1429, %dma_start3A_1430] : memref<3072x128xf32, #tpu.memory_space<vmem_shared>> -> memref<128x128xf32, #tpu.memory_space<vmem_shared>>
    tpu.enqueue_dma source(%dma_start3A_1431 : memref<128x128xf32, #tpu.memory_space<vmem_shared>>) target(%arg15 : memref<128x128xf32, #tpu.memory_space<vmem>>) target_semaphore(%arg19 : memref<!tpu.dma_semaphore, #tpu.memory_space<semaphore_mem>>)
    %dma_wait3A_1432 = arith.constant 2048 : i32
    %dma_wait3A_1433 = arith.constant 0 : i32
    %dma_wait3A_1434 = tpu.memref_slice %arg12[%dma_wait3A_1432, %dma_wait3A_1433] : memref<3072x128xf32, #tpu.memory_space<vmem_shared>> -> memref<128x128xf32, #tpu.memory_space<vmem_shared>>
    %dma_wait3A_1435 = arith.constant 2048 : i32
    %dma_wait3A_1436 = arith.constant 0 : i32
    %dma_wait3A_1437 = tpu.memref_slice %arg12[%dma_wait3A_1435, %dma_wait3A_1436] : memref<3072x128xf32, #tpu.memory_space<vmem_shared>> -> memref<128x128xf32, #tpu.memory_space<vmem_shared>>
    tpu.wait_dma2 semaphore(%arg18 : memref<!tpu.dma_semaphore, #tpu.memory_space<semaphore_mem>>) src(%dma_wait3A_1437 : memref<128x128xf32, #tpu.memory_space<vmem_shared>>) dst(%arg14 : memref<128x128xf32, #tpu.memory_space<vmem>>)
    %dma_start3A_1438 = arith.constant 16 : i32
    %dma_start3A_1439 = arith.constant 0 : i32
    %dma_start3A_1440 = tpu.memref_slice %arg13[%dma_start3A_1438, %dma_start3A_1439] : memref<48x128xi32, #tpu.memory_space<vmem>> -> memref<1x128xi32, #tpu.memory_space<vmem>>
    %dma_start3A_1441 = tpu.memref_squeeze %dma_start3A_1440 : memref<1x128xi32, #tpu.memory_space<vmem>> -> memref<128xi32, #tpu.memory_space<vmem>>
    %dma_start3A_1442 = arith.constant 0 : i32
    %dma_start3A_1443 = arith.constant 0 : i32
    %dma_start3A_1444 = tpu.memref_slice %arg3[%dma_start3A_1442, %dma_start3A_1443] : memref<100000x128xf32, #tpu.memory_space<hbm>> -> memref<100000x128xf32, #tpu.memory_space<hbm>>
    tpu.enqueue_indirect_dma source(%dma_start3A_1444 : memref<100000x128xf32, #tpu.memory_space<hbm>>) target(%arg14 : memref<128x128xf32, #tpu.memory_space<vmem>>) offsets(%dma_start3A_1441 : memref<128xi32, #tpu.memory_space<vmem>>) semaphore(%arg22 : memref<!tpu.dma_semaphore, #tpu.memory_space<semaphore_mem>>) {add = true}
    %dma_wait3A_1445 = arith.constant 15 : i32
    %dma_wait3A_1446 = arith.constant 0 : i32
    %dma_wait3A_1447 = tpu.memref_slice %arg13[%dma_wait3A_1445, %dma_wait3A_1446] : memref<48x128xi32, #tpu.memory_space<vmem>> -> memref<1x128xi32, #tpu.memory_space<vmem>>
    %dma_wait3A_1448 = tpu.memref_squeeze %dma_wait3A_1447 : memref<1x128xi32, #tpu.memory_space<vmem>> -> memref<128xi32, #tpu.memory_space<vmem>>
    %dma_wait3A_1449 = arith.constant 0 : i32
    %dma_wait3A_1450 = arith.constant 0 : i32
    %dma_wait3A_1451 = tpu.memref_slice %arg3[%dma_wait3A_1449, %dma_wait3A_1450] : memref<100000x128xf32, #tpu.memory_space<hbm>> -> memref<100000x128xf32, #tpu.memory_space<hbm>>
    tpu.wait_indirect_dma semaphore(%arg25 : memref<!tpu.dma_semaphore, #tpu.memory_space<semaphore_mem>>) src(%dma_wait3A_1451 : memref<100000x128xf32, #tpu.memory_space<hbm>>) dst(%arg17 : memref<128x128xf32, #tpu.memory_space<vmem>>)
    %add3A_1452 = arith.constant 1920 : i32
    %add3A_1453 = arith.addi %mul3A_2, %add3A_1452 : i32
    %dma_start3A_1454 = arith.constant 0 : i32
    %dma_start3A_1455 = tpu.memref_slice %arg7[%add3A_1453, %dma_start3A_1454] : memref<196608x128xf32, #tpu.memory_space<hbm>> -> memref<128x128xf32, #tpu.memory_space<hbm>>
    %dma_start3A_1456 = arith.constant 0 : i32
    %dma_start3A_1457 = tpu.memref_slice %arg7[%add3A_1453, %dma_start3A_1456] : memref<196608x128xf32, #tpu.memory_space<hbm>> -> memref<128x128xf32, #tpu.memory_space<hbm>>
    tpu.enqueue_dma source(%arg17 : memref<128x128xf32, #tpu.memory_space<vmem>>) target(%dma_start3A_1457 : memref<128x128xf32, #tpu.memory_space<hbm>>) target_semaphore(%arg29 : memref<!tpu.dma_semaphore, #tpu.memory_space<semaphore_mem>>)
    %dma_wait3A_1458 = arith.constant 0 : i32
    %dma_wait3A_1459 = tpu.memref_slice %arg7[%add3A_1417, %dma_wait3A_1458] : memref<196608x128xf32, #tpu.memory_space<hbm>> -> memref<128x128xf32, #tpu.memory_space<hbm>>
    %dma_wait3A_1460 = arith.constant 0 : i32
    %dma_wait3A_1461 = tpu.memref_slice %arg7[%add3A_1417, %dma_wait3A_1460] : memref<196608x128xf32, #tpu.memory_space<hbm>> -> memref<128x128xf32, #tpu.memory_space<hbm>>
    tpu.wait_dma2 semaphore(%arg28 : memref<!tpu.dma_semaphore, #tpu.memory_space<semaphore_mem>>) src(%arg16 : memref<128x128xf32, #tpu.memory_space<vmem>>) dst(%dma_wait3A_1461 : memref<128x128xf32, #tpu.memory_space<hbm>>)
    %dma_start3A_1462 = arith.constant 2304 : i32
    %dma_start3A_1463 = arith.constant 0 : i32
    %dma_start3A_1464 = tpu.memref_slice %arg12[%dma_start3A_1462, %dma_start3A_1463] : memref<3072x128xf32, #tpu.memory_space<vmem_shared>> -> memref<128x128xf32, #tpu.memory_space<vmem_shared>>
    %dma_start3A_1465 = arith.constant 2304 : i32
    %dma_start3A_1466 = arith.constant 0 : i32
    %dma_start3A_1467 = tpu.memref_slice %arg12[%dma_start3A_1465, %dma_start3A_1466] : memref<3072x128xf32, #tpu.memory_space<vmem_shared>> -> memref<128x128xf32, #tpu.memory_space<vmem_shared>>
    tpu.enqueue_dma source(%dma_start3A_1467 : memref<128x128xf32, #tpu.memory_space<vmem_shared>>) target(%arg16 : memref<128x128xf32, #tpu.memory_space<vmem>>) target_semaphore(%arg20 : memref<!tpu.dma_semaphore, #tpu.memory_space<semaphore_mem>>)
    %dma_wait3A_1468 = arith.constant 2176 : i32
    %dma_wait3A_1469 = arith.constant 0 : i32
    %dma_wait3A_1470 = tpu.memref_slice %arg12[%dma_wait3A_1468, %dma_wait3A_1469] : memref<3072x128xf32, #tpu.memory_space<vmem_shared>> -> memref<128x128xf32, #tpu.memory_space<vmem_shared>>
    %dma_wait3A_1471 = arith.constant 2176 : i32
    %dma_wait3A_1472 = arith.constant 0 : i32
    %dma_wait3A_1473 = tpu.memref_slice %arg12[%dma_wait3A_1471, %dma_wait3A_1472] : memref<3072x128xf32, #tpu.memory_space<vmem_shared>> -> memref<128x128xf32, #tpu.memory_space<vmem_shared>>
    tpu.wait_dma2 semaphore(%arg19 : memref<!tpu.dma_semaphore, #tpu.memory_space<semaphore_mem>>) src(%dma_wait3A_1473 : memref<128x128xf32, #tpu.memory_space<vmem_shared>>) dst(%arg15 : memref<128x128xf32, #tpu.memory_space<vmem>>)
    %dma_start3A_1474 = arith.constant 17 : i32
    %dma_start3A_1475 = arith.constant 0 : i32
    %dma_start3A_1476 = tpu.memref_slice %arg13[%dma_start3A_1474, %dma_start3A_1475] : memref<48x128xi32, #tpu.memory_space<vmem>> -> memref<1x128xi32, #tpu.memory_space<vmem>>
    %dma_start3A_1477 = tpu.memref_squeeze %dma_start3A_1476 : memref<1x128xi32, #tpu.memory_space<vmem>> -> memref<128xi32, #tpu.memory_space<vmem>>
    %dma_start3A_1478 = arith.constant 0 : i32
    %dma_start3A_1479 = arith.constant 0 : i32
    %dma_start3A_1480 = tpu.memref_slice %arg3[%dma_start3A_1478, %dma_start3A_1479] : memref<100000x128xf32, #tpu.memory_space<hbm>> -> memref<100000x128xf32, #tpu.memory_space<hbm>>
    tpu.enqueue_indirect_dma source(%dma_start3A_1480 : memref<100000x128xf32, #tpu.memory_space<hbm>>) target(%arg15 : memref<128x128xf32, #tpu.memory_space<vmem>>) offsets(%dma_start3A_1477 : memref<128xi32, #tpu.memory_space<vmem>>) semaphore(%arg23 : memref<!tpu.dma_semaphore, #tpu.memory_space<semaphore_mem>>) {add = true}
    %dma_wait3A_1481 = arith.constant 16 : i32
    %dma_wait3A_1482 = arith.constant 0 : i32
    %dma_wait3A_1483 = tpu.memref_slice %arg13[%dma_wait3A_1481, %dma_wait3A_1482] : memref<48x128xi32, #tpu.memory_space<vmem>> -> memref<1x128xi32, #tpu.memory_space<vmem>>
    %dma_wait3A_1484 = tpu.memref_squeeze %dma_wait3A_1483 : memref<1x128xi32, #tpu.memory_space<vmem>> -> memref<128xi32, #tpu.memory_space<vmem>>
    %dma_wait3A_1485 = arith.constant 0 : i32
    %dma_wait3A_1486 = arith.constant 0 : i32
    %dma_wait3A_1487 = tpu.memref_slice %arg3[%dma_wait3A_1485, %dma_wait3A_1486] : memref<100000x128xf32, #tpu.memory_space<hbm>> -> memref<100000x128xf32, #tpu.memory_space<hbm>>
    tpu.wait_indirect_dma semaphore(%arg22 : memref<!tpu.dma_semaphore, #tpu.memory_space<semaphore_mem>>) src(%dma_wait3A_1487 : memref<100000x128xf32, #tpu.memory_space<hbm>>) dst(%arg14 : memref<128x128xf32, #tpu.memory_space<vmem>>)
    %add3A_1488 = arith.constant 2048 : i32
    %add3A_1489 = arith.addi %mul3A_2, %add3A_1488 : i32
    %dma_start3A_1490 = arith.constant 0 : i32
    %dma_start3A_1491 = tpu.memref_slice %arg7[%add3A_1489, %dma_start3A_1490] : memref<196608x128xf32, #tpu.memory_space<hbm>> -> memref<128x128xf32, #tpu.memory_space<hbm>>
    %dma_start3A_1492 = arith.constant 0 : i32
    %dma_start3A_1493 = tpu.memref_slice %arg7[%add3A_1489, %dma_start3A_1492] : memref<196608x128xf32, #tpu.memory_space<hbm>> -> memref<128x128xf32, #tpu.memory_space<hbm>>
    tpu.enqueue_dma source(%arg14 : memref<128x128xf32, #tpu.memory_space<vmem>>) target(%dma_start3A_1493 : memref<128x128xf32, #tpu.memory_space<hbm>>) target_semaphore(%arg26 : memref<!tpu.dma_semaphore, #tpu.memory_space<semaphore_mem>>)
    %dma_wait3A_1494 = arith.constant 0 : i32
    %dma_wait3A_1495 = tpu.memref_slice %arg7[%add3A_1453, %dma_wait3A_1494] : memref<196608x128xf32, #tpu.memory_space<hbm>> -> memref<128x128xf32, #tpu.memory_space<hbm>>
    %dma_wait3A_1496 = arith.constant 0 : i32
    %dma_wait3A_1497 = tpu.memref_slice %arg7[%add3A_1453, %dma_wait3A_1496] : memref<196608x128xf32, #tpu.memory_space<hbm>> -> memref<128x128xf32, #tpu.memory_space<hbm>>
    tpu.wait_dma2 semaphore(%arg29 : memref<!tpu.dma_semaphore, #tpu.memory_space<semaphore_mem>>) src(%arg17 : memref<128x128xf32, #tpu.memory_space<vmem>>) dst(%dma_wait3A_1497 : memref<128x128xf32, #tpu.memory_space<hbm>>)
    %dma_start3A_1498 = arith.constant 2432 : i32
    %dma_start3A_1499 = arith.constant 0 : i32
    %dma_start3A_1500 = tpu.memref_slice %arg12[%dma_start3A_1498, %dma_start3A_1499] : memref<3072x128xf32, #tpu.memory_space<vmem_shared>> -> memref<128x128xf32, #tpu.memory_space<vmem_shared>>
    %dma_start3A_1501 = arith.constant 2432 : i32
    %dma_start3A_1502 = arith.constant 0 : i32
    %dma_start3A_1503 = tpu.memref_slice %arg12[%dma_start3A_1501, %dma_start3A_1502] : memref<3072x128xf32, #tpu.memory_space<vmem_shared>> -> memref<128x128xf32, #tpu.memory_space<vmem_shared>>
    tpu.enqueue_dma source(%dma_start3A_1503 : memref<128x128xf32, #tpu.memory_space<vmem_shared>>) target(%arg17 : memref<128x128xf32, #tpu.memory_space<vmem>>) target_semaphore(%arg21 : memref<!tpu.dma_semaphore, #tpu.memory_space<semaphore_mem>>)
    %dma_wait3A_1504 = arith.constant 2304 : i32
    %dma_wait3A_1505 = arith.constant 0 : i32
    %dma_wait3A_1506 = tpu.memref_slice %arg12[%dma_wait3A_1504, %dma_wait3A_1505] : memref<3072x128xf32, #tpu.memory_space<vmem_shared>> -> memref<128x128xf32, #tpu.memory_space<vmem_shared>>
    %dma_wait3A_1507 = arith.constant 2304 : i32
    %dma_wait3A_1508 = arith.constant 0 : i32
    %dma_wait3A_1509 = tpu.memref_slice %arg12[%dma_wait3A_1507, %dma_wait3A_1508] : memref<3072x128xf32, #tpu.memory_space<vmem_shared>> -> memref<128x128xf32, #tpu.memory_space<vmem_shared>>
    tpu.wait_dma2 semaphore(%arg20 : memref<!tpu.dma_semaphore, #tpu.memory_space<semaphore_mem>>) src(%dma_wait3A_1509 : memref<128x128xf32, #tpu.memory_space<vmem_shared>>) dst(%arg16 : memref<128x128xf32, #tpu.memory_space<vmem>>)
    %dma_start3A_1510 = arith.constant 18 : i32
    %dma_start3A_1511 = arith.constant 0 : i32
    %dma_start3A_1512 = tpu.memref_slice %arg13[%dma_start3A_1510, %dma_start3A_1511] : memref<48x128xi32, #tpu.memory_space<vmem>> -> memref<1x128xi32, #tpu.memory_space<vmem>>
    %dma_start3A_1513 = tpu.memref_squeeze %dma_start3A_1512 : memref<1x128xi32, #tpu.memory_space<vmem>> -> memref<128xi32, #tpu.memory_space<vmem>>
    %dma_start3A_1514 = arith.constant 0 : i32
    %dma_start3A_1515 = arith.constant 0 : i32
    %dma_start3A_1516 = tpu.memref_slice %arg3[%dma_start3A_1514, %dma_start3A_1515] : memref<100000x128xf32, #tpu.memory_space<hbm>> -> memref<100000x128xf32, #tpu.memory_space<hbm>>
    tpu.enqueue_indirect_dma source(%dma_start3A_1516 : memref<100000x128xf32, #tpu.memory_space<hbm>>) target(%arg16 : memref<128x128xf32, #tpu.memory_space<vmem>>) offsets(%dma_start3A_1513 : memref<128xi32, #tpu.memory_space<vmem>>) semaphore(%arg24 : memref<!tpu.dma_semaphore, #tpu.memory_space<semaphore_mem>>) {add = true}
    %dma_wait3A_1517 = arith.constant 17 : i32
    %dma_wait3A_1518 = arith.constant 0 : i32
    %dma_wait3A_1519 = tpu.memref_slice %arg13[%dma_wait3A_1517, %dma_wait3A_1518] : memref<48x128xi32, #tpu.memory_space<vmem>> -> memref<1x128xi32, #tpu.memory_space<vmem>>
    %dma_wait3A_1520 = tpu.memref_squeeze %dma_wait3A_1519 : memref<1x128xi32, #tpu.memory_space<vmem>> -> memref<128xi32, #tpu.memory_space<vmem>>
    %dma_wait3A_1521 = arith.constant 0 : i32
    %dma_wait3A_1522 = arith.constant 0 : i32
    %dma_wait3A_1523 = tpu.memref_slice %arg3[%dma_wait3A_1521, %dma_wait3A_1522] : memref<100000x128xf32, #tpu.memory_space<hbm>> -> memref<100000x128xf32, #tpu.memory_space<hbm>>
    tpu.wait_indirect_dma semaphore(%arg23 : memref<!tpu.dma_semaphore, #tpu.memory_space<semaphore_mem>>) src(%dma_wait3A_1523 : memref<100000x128xf32, #tpu.memory_space<hbm>>) dst(%arg15 : memref<128x128xf32, #tpu.memory_space<vmem>>)
    %add3A_1524 = arith.constant 2176 : i32
    %add3A_1525 = arith.addi %mul3A_2, %add3A_1524 : i32
    %dma_start3A_1526 = arith.constant 0 : i32
    %dma_start3A_1527 = tpu.memref_slice %arg7[%add3A_1525, %dma_start3A_1526] : memref<196608x128xf32, #tpu.memory_space<hbm>> -> memref<128x128xf32, #tpu.memory_space<hbm>>
    %dma_start3A_1528 = arith.constant 0 : i32
    %dma_start3A_1529 = tpu.memref_slice %arg7[%add3A_1525, %dma_start3A_1528] : memref<196608x128xf32, #tpu.memory_space<hbm>> -> memref<128x128xf32, #tpu.memory_space<hbm>>
    tpu.enqueue_dma source(%arg15 : memref<128x128xf32, #tpu.memory_space<vmem>>) target(%dma_start3A_1529 : memref<128x128xf32, #tpu.memory_space<hbm>>) target_semaphore(%arg27 : memref<!tpu.dma_semaphore, #tpu.memory_space<semaphore_mem>>)
    %dma_wait3A_1530 = arith.constant 0 : i32
    %dma_wait3A_1531 = tpu.memref_slice %arg7[%add3A_1489, %dma_wait3A_1530] : memref<196608x128xf32, #tpu.memory_space<hbm>> -> memref<128x128xf32, #tpu.memory_space<hbm>>
    %dma_wait3A_1532 = arith.constant 0 : i32
    %dma_wait3A_1533 = tpu.memref_slice %arg7[%add3A_1489, %dma_wait3A_1532] : memref<196608x128xf32, #tpu.memory_space<hbm>> -> memref<128x128xf32, #tpu.memory_space<hbm>>
    tpu.wait_dma2 semaphore(%arg26 : memref<!tpu.dma_semaphore, #tpu.memory_space<semaphore_mem>>) src(%arg14 : memref<128x128xf32, #tpu.memory_space<vmem>>) dst(%dma_wait3A_1533 : memref<128x128xf32, #tpu.memory_space<hbm>>)
    %dma_start3A_1534 = arith.constant 2560 : i32
    %dma_start3A_1535 = arith.constant 0 : i32
    %dma_start3A_1536 = tpu.memref_slice %arg12[%dma_start3A_1534, %dma_start3A_1535] : memref<3072x128xf32, #tpu.memory_space<vmem_shared>> -> memref<128x128xf32, #tpu.memory_space<vmem_shared>>
    %dma_start3A_1537 = arith.constant 2560 : i32
    %dma_start3A_1538 = arith.constant 0 : i32
    %dma_start3A_1539 = tpu.memref_slice %arg12[%dma_start3A_1537, %dma_start3A_1538] : memref<3072x128xf32, #tpu.memory_space<vmem_shared>> -> memref<128x128xf32, #tpu.memory_space<vmem_shared>>
    tpu.enqueue_dma source(%dma_start3A_1539 : memref<128x128xf32, #tpu.memory_space<vmem_shared>>) target(%arg14 : memref<128x128xf32, #tpu.memory_space<vmem>>) target_semaphore(%arg18 : memref<!tpu.dma_semaphore, #tpu.memory_space<semaphore_mem>>)
    %dma_wait3A_1540 = arith.constant 2432 : i32
    %dma_wait3A_1541 = arith.constant 0 : i32
    %dma_wait3A_1542 = tpu.memref_slice %arg12[%dma_wait3A_1540, %dma_wait3A_1541] : memref<3072x128xf32, #tpu.memory_space<vmem_shared>> -> memref<128x128xf32, #tpu.memory_space<vmem_shared>>
    %dma_wait3A_1543 = arith.constant 2432 : i32
    %dma_wait3A_1544 = arith.constant 0 : i32
    %dma_wait3A_1545 = tpu.memref_slice %arg12[%dma_wait3A_1543, %dma_wait3A_1544] : memref<3072x128xf32, #tpu.memory_space<vmem_shared>> -> memref<128x128xf32, #tpu.memory_space<vmem_shared>>
    tpu.wait_dma2 semaphore(%arg21 : memref<!tpu.dma_semaphore, #tpu.memory_space<semaphore_mem>>) src(%dma_wait3A_1545 : memref<128x128xf32, #tpu.memory_space<vmem_shared>>) dst(%arg17 : memref<128x128xf32, #tpu.memory_space<vmem>>)
    %dma_start3A_1546 = arith.constant 19 : i32
    %dma_start3A_1547 = arith.constant 0 : i32
    %dma_start3A_1548 = tpu.memref_slice %arg13[%dma_start3A_1546, %dma_start3A_1547] : memref<48x128xi32, #tpu.memory_space<vmem>> -> memref<1x128xi32, #tpu.memory_space<vmem>>
    %dma_start3A_1549 = tpu.memref_squeeze %dma_start3A_1548 : memref<1x128xi32, #tpu.memory_space<vmem>> -> memref<128xi32, #tpu.memory_space<vmem>>
    %dma_start3A_1550 = arith.constant 0 : i32
    %dma_start3A_1551 = arith.constant 0 : i32
    %dma_start3A_1552 = tpu.memref_slice %arg3[%dma_start3A_1550, %dma_start3A_1551] : memref<100000x128xf32, #tpu.memory_space<hbm>> -> memref<100000x128xf32, #tpu.memory_space<hbm>>
    tpu.enqueue_indirect_dma source(%dma_start3A_1552 : memref<100000x128xf32, #tpu.memory_space<hbm>>) target(%arg17 : memref<128x128xf32, #tpu.memory_space<vmem>>) offsets(%dma_start3A_1549 : memref<128xi32, #tpu.memory_space<vmem>>) semaphore(%arg25 : memref<!tpu.dma_semaphore, #tpu.memory_space<semaphore_mem>>) {add = true}
    %dma_wait3A_1553 = arith.constant 18 : i32
    %dma_wait3A_1554 = arith.constant 0 : i32
    %dma_wait3A_1555 = tpu.memref_slice %arg13[%dma_wait3A_1553, %dma_wait3A_1554] : memref<48x128xi32, #tpu.memory_space<vmem>> -> memref<1x128xi32, #tpu.memory_space<vmem>>
    %dma_wait3A_1556 = tpu.memref_squeeze %dma_wait3A_1555 : memref<1x128xi32, #tpu.memory_space<vmem>> -> memref<128xi32, #tpu.memory_space<vmem>>
    %dma_wait3A_1557 = arith.constant 0 : i32
    %dma_wait3A_1558 = arith.constant 0 : i32
    %dma_wait3A_1559 = tpu.memref_slice %arg3[%dma_wait3A_1557, %dma_wait3A_1558] : memref<100000x128xf32, #tpu.memory_space<hbm>> -> memref<100000x128xf32, #tpu.memory_space<hbm>>
    tpu.wait_indirect_dma semaphore(%arg24 : memref<!tpu.dma_semaphore, #tpu.memory_space<semaphore_mem>>) src(%dma_wait3A_1559 : memref<100000x128xf32, #tpu.memory_space<hbm>>) dst(%arg16 : memref<128x128xf32, #tpu.memory_space<vmem>>)
    %add3A_1560 = arith.constant 2304 : i32
    %add3A_1561 = arith.addi %mul3A_2, %add3A_1560 : i32
    %dma_start3A_1562 = arith.constant 0 : i32
    %dma_start3A_1563 = tpu.memref_slice %arg7[%add3A_1561, %dma_start3A_1562] : memref<196608x128xf32, #tpu.memory_space<hbm>> -> memref<128x128xf32, #tpu.memory_space<hbm>>
    %dma_start3A_1564 = arith.constant 0 : i32
    %dma_start3A_1565 = tpu.memref_slice %arg7[%add3A_1561, %dma_start3A_1564] : memref<196608x128xf32, #tpu.memory_space<hbm>> -> memref<128x128xf32, #tpu.memory_space<hbm>>
    tpu.enqueue_dma source(%arg16 : memref<128x128xf32, #tpu.memory_space<vmem>>) target(%dma_start3A_1565 : memref<128x128xf32, #tpu.memory_space<hbm>>) target_semaphore(%arg28 : memref<!tpu.dma_semaphore, #tpu.memory_space<semaphore_mem>>)
    %dma_wait3A_1566 = arith.constant 0 : i32
    %dma_wait3A_1567 = tpu.memref_slice %arg7[%add3A_1525, %dma_wait3A_1566] : memref<196608x128xf32, #tpu.memory_space<hbm>> -> memref<128x128xf32, #tpu.memory_space<hbm>>
    %dma_wait3A_1568 = arith.constant 0 : i32
    %dma_wait3A_1569 = tpu.memref_slice %arg7[%add3A_1525, %dma_wait3A_1568] : memref<196608x128xf32, #tpu.memory_space<hbm>> -> memref<128x128xf32, #tpu.memory_space<hbm>>
    tpu.wait_dma2 semaphore(%arg27 : memref<!tpu.dma_semaphore, #tpu.memory_space<semaphore_mem>>) src(%arg15 : memref<128x128xf32, #tpu.memory_space<vmem>>) dst(%dma_wait3A_1569 : memref<128x128xf32, #tpu.memory_space<hbm>>)
    %dma_start3A_1570 = arith.constant 2688 : i32
    %dma_start3A_1571 = arith.constant 0 : i32
    %dma_start3A_1572 = tpu.memref_slice %arg12[%dma_start3A_1570, %dma_start3A_1571] : memref<3072x128xf32, #tpu.memory_space<vmem_shared>> -> memref<128x128xf32, #tpu.memory_space<vmem_shared>>
    %dma_start3A_1573 = arith.constant 2688 : i32
    %dma_start3A_1574 = arith.constant 0 : i32
    %dma_start3A_1575 = tpu.memref_slice %arg12[%dma_start3A_1573, %dma_start3A_1574] : memref<3072x128xf32, #tpu.memory_space<vmem_shared>> -> memref<128x128xf32, #tpu.memory_space<vmem_shared>>
    tpu.enqueue_dma source(%dma_start3A_1575 : memref<128x128xf32, #tpu.memory_space<vmem_shared>>) target(%arg15 : memref<128x128xf32, #tpu.memory_space<vmem>>) target_semaphore(%arg19 : memref<!tpu.dma_semaphore, #tpu.memory_space<semaphore_mem>>)
    %dma_wait3A_1576 = arith.constant 2560 : i32
    %dma_wait3A_1577 = arith.constant 0 : i32
    %dma_wait3A_1578 = tpu.memref_slice %arg12[%dma_wait3A_1576, %dma_wait3A_1577] : memref<3072x128xf32, #tpu.memory_space<vmem_shared>> -> memref<128x128xf32, #tpu.memory_space<vmem_shared>>
    %dma_wait3A_1579 = arith.constant 2560 : i32
    %dma_wait3A_1580 = arith.constant 0 : i32
    %dma_wait3A_1581 = tpu.memref_slice %arg12[%dma_wait3A_1579, %dma_wait3A_1580] : memref<3072x128xf32, #tpu.memory_space<vmem_shared>> -> memref<128x128xf32, #tpu.memory_space<vmem_shared>>
    tpu.wait_dma2 semaphore(%arg18 : memref<!tpu.dma_semaphore, #tpu.memory_space<semaphore_mem>>) src(%dma_wait3A_1581 : memref<128x128xf32, #tpu.memory_space<vmem_shared>>) dst(%arg14 : memref<128x128xf32, #tpu.memory_space<vmem>>)
    %dma_start3A_1582 = arith.constant 20 : i32
    %dma_start3A_1583 = arith.constant 0 : i32
    %dma_start3A_1584 = tpu.memref_slice %arg13[%dma_start3A_1582, %dma_start3A_1583] : memref<48x128xi32, #tpu.memory_space<vmem>> -> memref<1x128xi32, #tpu.memory_space<vmem>>
    %dma_start3A_1585 = tpu.memref_squeeze %dma_start3A_1584 : memref<1x128xi32, #tpu.memory_space<vmem>> -> memref<128xi32, #tpu.memory_space<vmem>>
    %dma_start3A_1586 = arith.constant 0 : i32
    %dma_start3A_1587 = arith.constant 0 : i32
    %dma_start3A_1588 = tpu.memref_slice %arg3[%dma_start3A_1586, %dma_start3A_1587] : memref<100000x128xf32, #tpu.memory_space<hbm>> -> memref<100000x128xf32, #tpu.memory_space<hbm>>
    tpu.enqueue_indirect_dma source(%dma_start3A_1588 : memref<100000x128xf32, #tpu.memory_space<hbm>>) target(%arg14 : memref<128x128xf32, #tpu.memory_space<vmem>>) offsets(%dma_start3A_1585 : memref<128xi32, #tpu.memory_space<vmem>>) semaphore(%arg22 : memref<!tpu.dma_semaphore, #tpu.memory_space<semaphore_mem>>) {add = true}
    %dma_wait3A_1589 = arith.constant 19 : i32
    %dma_wait3A_1590 = arith.constant 0 : i32
    %dma_wait3A_1591 = tpu.memref_slice %arg13[%dma_wait3A_1589, %dma_wait3A_1590] : memref<48x128xi32, #tpu.memory_space<vmem>> -> memref<1x128xi32, #tpu.memory_space<vmem>>
    %dma_wait3A_1592 = tpu.memref_squeeze %dma_wait3A_1591 : memref<1x128xi32, #tpu.memory_space<vmem>> -> memref<128xi32, #tpu.memory_space<vmem>>
    %dma_wait3A_1593 = arith.constant 0 : i32
    %dma_wait3A_1594 = arith.constant 0 : i32
    %dma_wait3A_1595 = tpu.memref_slice %arg3[%dma_wait3A_1593, %dma_wait3A_1594] : memref<100000x128xf32, #tpu.memory_space<hbm>> -> memref<100000x128xf32, #tpu.memory_space<hbm>>
    tpu.wait_indirect_dma semaphore(%arg25 : memref<!tpu.dma_semaphore, #tpu.memory_space<semaphore_mem>>) src(%dma_wait3A_1595 : memref<100000x128xf32, #tpu.memory_space<hbm>>) dst(%arg17 : memref<128x128xf32, #tpu.memory_space<vmem>>)
    %add3A_1596 = arith.constant 2432 : i32
    %add3A_1597 = arith.addi %mul3A_2, %add3A_1596 : i32
    %dma_start3A_1598 = arith.constant 0 : i32
    %dma_start3A_1599 = tpu.memref_slice %arg7[%add3A_1597, %dma_start3A_1598] : memref<196608x128xf32, #tpu.memory_space<hbm>> -> memref<128x128xf32, #tpu.memory_space<hbm>>
    %dma_start3A_1600 = arith.constant 0 : i32
    %dma_start3A_1601 = tpu.memref_slice %arg7[%add3A_1597, %dma_start3A_1600] : memref<196608x128xf32, #tpu.memory_space<hbm>> -> memref<128x128xf32, #tpu.memory_space<hbm>>
    tpu.enqueue_dma source(%arg17 : memref<128x128xf32, #tpu.memory_space<vmem>>) target(%dma_start3A_1601 : memref<128x128xf32, #tpu.memory_space<hbm>>) target_semaphore(%arg29 : memref<!tpu.dma_semaphore, #tpu.memory_space<semaphore_mem>>)
    %dma_wait3A_1602 = arith.constant 0 : i32
    %dma_wait3A_1603 = tpu.memref_slice %arg7[%add3A_1561, %dma_wait3A_1602] : memref<196608x128xf32, #tpu.memory_space<hbm>> -> memref<128x128xf32, #tpu.memory_space<hbm>>
    %dma_wait3A_1604 = arith.constant 0 : i32
    %dma_wait3A_1605 = tpu.memref_slice %arg7[%add3A_1561, %dma_wait3A_1604] : memref<196608x128xf32, #tpu.memory_space<hbm>> -> memref<128x128xf32, #tpu.memory_space<hbm>>
    tpu.wait_dma2 semaphore(%arg28 : memref<!tpu.dma_semaphore, #tpu.memory_space<semaphore_mem>>) src(%arg16 : memref<128x128xf32, #tpu.memory_space<vmem>>) dst(%dma_wait3A_1605 : memref<128x128xf32, #tpu.memory_space<hbm>>)
    %dma_start3A_1606 = arith.constant 2816 : i32
    %dma_start3A_1607 = arith.constant 0 : i32
    %dma_start3A_1608 = tpu.memref_slice %arg12[%dma_start3A_1606, %dma_start3A_1607] : memref<3072x128xf32, #tpu.memory_space<vmem_shared>> -> memref<128x128xf32, #tpu.memory_space<vmem_shared>>
    %dma_start3A_1609 = arith.constant 2816 : i32
    %dma_start3A_1610 = arith.constant 0 : i32
    %dma_start3A_1611 = tpu.memref_slice %arg12[%dma_start3A_1609, %dma_start3A_1610] : memref<3072x128xf32, #tpu.memory_space<vmem_shared>> -> memref<128x128xf32, #tpu.memory_space<vmem_shared>>
    tpu.enqueue_dma source(%dma_start3A_1611 : memref<128x128xf32, #tpu.memory_space<vmem_shared>>) target(%arg16 : memref<128x128xf32, #tpu.memory_space<vmem>>) target_semaphore(%arg20 : memref<!tpu.dma_semaphore, #tpu.memory_space<semaphore_mem>>)
    %dma_wait3A_1612 = arith.constant 2688 : i32
    %dma_wait3A_1613 = arith.constant 0 : i32
    %dma_wait3A_1614 = tpu.memref_slice %arg12[%dma_wait3A_1612, %dma_wait3A_1613] : memref<3072x128xf32, #tpu.memory_space<vmem_shared>> -> memref<128x128xf32, #tpu.memory_space<vmem_shared>>
    %dma_wait3A_1615 = arith.constant 2688 : i32
    %dma_wait3A_1616 = arith.constant 0 : i32
    %dma_wait3A_1617 = tpu.memref_slice %arg12[%dma_wait3A_1615, %dma_wait3A_1616] : memref<3072x128xf32, #tpu.memory_space<vmem_shared>> -> memref<128x128xf32, #tpu.memory_space<vmem_shared>>
    tpu.wait_dma2 semaphore(%arg19 : memref<!tpu.dma_semaphore, #tpu.memory_space<semaphore_mem>>) src(%dma_wait3A_1617 : memref<128x128xf32, #tpu.memory_space<vmem_shared>>) dst(%arg15 : memref<128x128xf32, #tpu.memory_space<vmem>>)
    %dma_start3A_1618 = arith.constant 21 : i32
    %dma_start3A_1619 = arith.constant 0 : i32
    %dma_start3A_1620 = tpu.memref_slice %arg13[%dma_start3A_1618, %dma_start3A_1619] : memref<48x128xi32, #tpu.memory_space<vmem>> -> memref<1x128xi32, #tpu.memory_space<vmem>>
    %dma_start3A_1621 = tpu.memref_squeeze %dma_start3A_1620 : memref<1x128xi32, #tpu.memory_space<vmem>> -> memref<128xi32, #tpu.memory_space<vmem>>
    %dma_start3A_1622 = arith.constant 0 : i32
    %dma_start3A_1623 = arith.constant 0 : i32
    %dma_start3A_1624 = tpu.memref_slice %arg3[%dma_start3A_1622, %dma_start3A_1623] : memref<100000x128xf32, #tpu.memory_space<hbm>> -> memref<100000x128xf32, #tpu.memory_space<hbm>>
    tpu.enqueue_indirect_dma source(%dma_start3A_1624 : memref<100000x128xf32, #tpu.memory_space<hbm>>) target(%arg15 : memref<128x128xf32, #tpu.memory_space<vmem>>) offsets(%dma_start3A_1621 : memref<128xi32, #tpu.memory_space<vmem>>) semaphore(%arg23 : memref<!tpu.dma_semaphore, #tpu.memory_space<semaphore_mem>>) {add = true}
    %dma_wait3A_1625 = arith.constant 20 : i32
    %dma_wait3A_1626 = arith.constant 0 : i32
    %dma_wait3A_1627 = tpu.memref_slice %arg13[%dma_wait3A_1625, %dma_wait3A_1626] : memref<48x128xi32, #tpu.memory_space<vmem>> -> memref<1x128xi32, #tpu.memory_space<vmem>>
    %dma_wait3A_1628 = tpu.memref_squeeze %dma_wait3A_1627 : memref<1x128xi32, #tpu.memory_space<vmem>> -> memref<128xi32, #tpu.memory_space<vmem>>
    %dma_wait3A_1629 = arith.constant 0 : i32
    %dma_wait3A_1630 = arith.constant 0 : i32
    %dma_wait3A_1631 = tpu.memref_slice %arg3[%dma_wait3A_1629, %dma_wait3A_1630] : memref<100000x128xf32, #tpu.memory_space<hbm>> -> memref<100000x128xf32, #tpu.memory_space<hbm>>
    tpu.wait_indirect_dma semaphore(%arg22 : memref<!tpu.dma_semaphore, #tpu.memory_space<semaphore_mem>>) src(%dma_wait3A_1631 : memref<100000x128xf32, #tpu.memory_space<hbm>>) dst(%arg14 : memref<128x128xf32, #tpu.memory_space<vmem>>)
    %add3A_1632 = arith.constant 2560 : i32
    %add3A_1633 = arith.addi %mul3A_2, %add3A_1632 : i32
    %dma_start3A_1634 = arith.constant 0 : i32
    %dma_start3A_1635 = tpu.memref_slice %arg7[%add3A_1633, %dma_start3A_1634] : memref<196608x128xf32, #tpu.memory_space<hbm>> -> memref<128x128xf32, #tpu.memory_space<hbm>>
    %dma_start3A_1636 = arith.constant 0 : i32
    %dma_start3A_1637 = tpu.memref_slice %arg7[%add3A_1633, %dma_start3A_1636] : memref<196608x128xf32, #tpu.memory_space<hbm>> -> memref<128x128xf32, #tpu.memory_space<hbm>>
    tpu.enqueue_dma source(%arg14 : memref<128x128xf32, #tpu.memory_space<vmem>>) target(%dma_start3A_1637 : memref<128x128xf32, #tpu.memory_space<hbm>>) target_semaphore(%arg26 : memref<!tpu.dma_semaphore, #tpu.memory_space<semaphore_mem>>)
    %dma_wait3A_1638 = arith.constant 0 : i32
    %dma_wait3A_1639 = tpu.memref_slice %arg7[%add3A_1597, %dma_wait3A_1638] : memref<196608x128xf32, #tpu.memory_space<hbm>> -> memref<128x128xf32, #tpu.memory_space<hbm>>
    %dma_wait3A_1640 = arith.constant 0 : i32
    %dma_wait3A_1641 = tpu.memref_slice %arg7[%add3A_1597, %dma_wait3A_1640] : memref<196608x128xf32, #tpu.memory_space<hbm>> -> memref<128x128xf32, #tpu.memory_space<hbm>>
    tpu.wait_dma2 semaphore(%arg29 : memref<!tpu.dma_semaphore, #tpu.memory_space<semaphore_mem>>) src(%arg17 : memref<128x128xf32, #tpu.memory_space<vmem>>) dst(%dma_wait3A_1641 : memref<128x128xf32, #tpu.memory_space<hbm>>)
    %dma_start3A_1642 = arith.constant 2944 : i32
    %dma_start3A_1643 = arith.constant 0 : i32
    %dma_start3A_1644 = tpu.memref_slice %arg12[%dma_start3A_1642, %dma_start3A_1643] : memref<3072x128xf32, #tpu.memory_space<vmem_shared>> -> memref<128x128xf32, #tpu.memory_space<vmem_shared>>
    %dma_start3A_1645 = arith.constant 2944 : i32
    %dma_start3A_1646 = arith.constant 0 : i32
    %dma_start3A_1647 = tpu.memref_slice %arg12[%dma_start3A_1645, %dma_start3A_1646] : memref<3072x128xf32, #tpu.memory_space<vmem_shared>> -> memref<128x128xf32, #tpu.memory_space<vmem_shared>>
    tpu.enqueue_dma source(%dma_start3A_1647 : memref<128x128xf32, #tpu.memory_space<vmem_shared>>) target(%arg17 : memref<128x128xf32, #tpu.memory_space<vmem>>) target_semaphore(%arg21 : memref<!tpu.dma_semaphore, #tpu.memory_space<semaphore_mem>>)
    %dma_wait3A_1648 = arith.constant 2816 : i32
    %dma_wait3A_1649 = arith.constant 0 : i32
    %dma_wait3A_1650 = tpu.memref_slice %arg12[%dma_wait3A_1648, %dma_wait3A_1649] : memref<3072x128xf32, #tpu.memory_space<vmem_shared>> -> memref<128x128xf32, #tpu.memory_space<vmem_shared>>
    %dma_wait3A_1651 = arith.constant 2816 : i32
    %dma_wait3A_1652 = arith.constant 0 : i32
    %dma_wait3A_1653 = tpu.memref_slice %arg12[%dma_wait3A_1651, %dma_wait3A_1652] : memref<3072x128xf32, #tpu.memory_space<vmem_shared>> -> memref<128x128xf32, #tpu.memory_space<vmem_shared>>
    tpu.wait_dma2 semaphore(%arg20 : memref<!tpu.dma_semaphore, #tpu.memory_space<semaphore_mem>>) src(%dma_wait3A_1653 : memref<128x128xf32, #tpu.memory_space<vmem_shared>>) dst(%arg16 : memref<128x128xf32, #tpu.memory_space<vmem>>)
    %dma_start3A_1654 = arith.constant 22 : i32
    %dma_start3A_1655 = arith.constant 0 : i32
    %dma_start3A_1656 = tpu.memref_slice %arg13[%dma_start3A_1654, %dma_start3A_1655] : memref<48x128xi32, #tpu.memory_space<vmem>> -> memref<1x128xi32, #tpu.memory_space<vmem>>
    %dma_start3A_1657 = tpu.memref_squeeze %dma_start3A_1656 : memref<1x128xi32, #tpu.memory_space<vmem>> -> memref<128xi32, #tpu.memory_space<vmem>>
    %dma_start3A_1658 = arith.constant 0 : i32
    %dma_start3A_1659 = arith.constant 0 : i32
    %dma_start3A_1660 = tpu.memref_slice %arg3[%dma_start3A_1658, %dma_start3A_1659] : memref<100000x128xf32, #tpu.memory_space<hbm>> -> memref<100000x128xf32, #tpu.memory_space<hbm>>
    tpu.enqueue_indirect_dma source(%dma_start3A_1660 : memref<100000x128xf32, #tpu.memory_space<hbm>>) target(%arg16 : memref<128x128xf32, #tpu.memory_space<vmem>>) offsets(%dma_start3A_1657 : memref<128xi32, #tpu.memory_space<vmem>>) semaphore(%arg24 : memref<!tpu.dma_semaphore, #tpu.memory_space<semaphore_mem>>) {add = true}
    %dma_wait3A_1661 = arith.constant 21 : i32
    %dma_wait3A_1662 = arith.constant 0 : i32
    %dma_wait3A_1663 = tpu.memref_slice %arg13[%dma_wait3A_1661, %dma_wait3A_1662] : memref<48x128xi32, #tpu.memory_space<vmem>> -> memref<1x128xi32, #tpu.memory_space<vmem>>
    %dma_wait3A_1664 = tpu.memref_squeeze %dma_wait3A_1663 : memref<1x128xi32, #tpu.memory_space<vmem>> -> memref<128xi32, #tpu.memory_space<vmem>>
    %dma_wait3A_1665 = arith.constant 0 : i32
    %dma_wait3A_1666 = arith.constant 0 : i32
    %dma_wait3A_1667 = tpu.memref_slice %arg3[%dma_wait3A_1665, %dma_wait3A_1666] : memref<100000x128xf32, #tpu.memory_space<hbm>> -> memref<100000x128xf32, #tpu.memory_space<hbm>>
    tpu.wait_indirect_dma semaphore(%arg23 : memref<!tpu.dma_semaphore, #tpu.memory_space<semaphore_mem>>) src(%dma_wait3A_1667 : memref<100000x128xf32, #tpu.memory_space<hbm>>) dst(%arg15 : memref<128x128xf32, #tpu.memory_space<vmem>>)
    %add3A_1668 = arith.constant 2688 : i32
    %add3A_1669 = arith.addi %mul3A_2, %add3A_1668 : i32
    %dma_start3A_1670 = arith.constant 0 : i32
    %dma_start3A_1671 = tpu.memref_slice %arg7[%add3A_1669, %dma_start3A_1670] : memref<196608x128xf32, #tpu.memory_space<hbm>> -> memref<128x128xf32, #tpu.memory_space<hbm>>
    %dma_start3A_1672 = arith.constant 0 : i32
    %dma_start3A_1673 = tpu.memref_slice %arg7[%add3A_1669, %dma_start3A_1672] : memref<196608x128xf32, #tpu.memory_space<hbm>> -> memref<128x128xf32, #tpu.memory_space<hbm>>
    tpu.enqueue_dma source(%arg15 : memref<128x128xf32, #tpu.memory_space<vmem>>) target(%dma_start3A_1673 : memref<128x128xf32, #tpu.memory_space<hbm>>) target_semaphore(%arg27 : memref<!tpu.dma_semaphore, #tpu.memory_space<semaphore_mem>>)
    %dma_wait3A_1674 = arith.constant 0 : i32
    %dma_wait3A_1675 = tpu.memref_slice %arg7[%add3A_1633, %dma_wait3A_1674] : memref<196608x128xf32, #tpu.memory_space<hbm>> -> memref<128x128xf32, #tpu.memory_space<hbm>>
    %dma_wait3A_1676 = arith.constant 0 : i32
    %dma_wait3A_1677 = tpu.memref_slice %arg7[%add3A_1633, %dma_wait3A_1676] : memref<196608x128xf32, #tpu.memory_space<hbm>> -> memref<128x128xf32, #tpu.memory_space<hbm>>
    tpu.wait_dma2 semaphore(%arg26 : memref<!tpu.dma_semaphore, #tpu.memory_space<semaphore_mem>>) src(%arg14 : memref<128x128xf32, #tpu.memory_space<vmem>>) dst(%dma_wait3A_1677 : memref<128x128xf32, #tpu.memory_space<hbm>>)
    %dma_start3A_1678 = arith.constant 0 : i32
    %dma_start3A_1679 = arith.constant 0 : i32
    %dma_start3A_1680 = tpu.memref_slice %arg12[%dma_start3A_1678, %dma_start3A_1679] : memref<3072x128xf32, #tpu.memory_space<vmem_shared>> -> memref<128x128xf32, #tpu.memory_space<vmem_shared>>
    %dma_start3A_1681 = arith.constant 0 : i32
    %dma_start3A_1682 = arith.constant 0 : i32
    %dma_start3A_1683 = tpu.memref_slice %arg12[%dma_start3A_1681, %dma_start3A_1682] : memref<3072x128xf32, #tpu.memory_space<vmem_shared>> -> memref<128x128xf32, #tpu.memory_space<vmem_shared>>
    tpu.enqueue_dma source(%dma_start3A_1683 : memref<128x128xf32, #tpu.memory_space<vmem_shared>>) target(%arg14 : memref<128x128xf32, #tpu.memory_space<vmem>>) target_semaphore(%arg18 : memref<!tpu.dma_semaphore, #tpu.memory_space<semaphore_mem>>)
    %dma_wait3A_1684 = arith.constant 2944 : i32
    %dma_wait3A_1685 = arith.constant 0 : i32
    %dma_wait3A_1686 = tpu.memref_slice %arg12[%dma_wait3A_1684, %dma_wait3A_1685] : memref<3072x128xf32, #tpu.memory_space<vmem_shared>> -> memref<128x128xf32, #tpu.memory_space<vmem_shared>>
    %dma_wait3A_1687 = arith.constant 2944 : i32
    %dma_wait3A_1688 = arith.constant 0 : i32
    %dma_wait3A_1689 = tpu.memref_slice %arg12[%dma_wait3A_1687, %dma_wait3A_1688] : memref<3072x128xf32, #tpu.memory_space<vmem_shared>> -> memref<128x128xf32, #tpu.memory_space<vmem_shared>>
    tpu.wait_dma2 semaphore(%arg21 : memref<!tpu.dma_semaphore, #tpu.memory_space<semaphore_mem>>) src(%dma_wait3A_1689 : memref<128x128xf32, #tpu.memory_space<vmem_shared>>) dst(%arg17 : memref<128x128xf32, #tpu.memory_space<vmem>>)
    %dma_start3A_1690 = arith.constant 23 : i32
    %dma_start3A_1691 = arith.constant 0 : i32
    %dma_start3A_1692 = tpu.memref_slice %arg13[%dma_start3A_1690, %dma_start3A_1691] : memref<48x128xi32, #tpu.memory_space<vmem>> -> memref<1x128xi32, #tpu.memory_space<vmem>>
    %dma_start3A_1693 = tpu.memref_squeeze %dma_start3A_1692 : memref<1x128xi32, #tpu.memory_space<vmem>> -> memref<128xi32, #tpu.memory_space<vmem>>
    %dma_start3A_1694 = arith.constant 0 : i32
    %dma_start3A_1695 = arith.constant 0 : i32
    %dma_start3A_1696 = tpu.memref_slice %arg3[%dma_start3A_1694, %dma_start3A_1695] : memref<100000x128xf32, #tpu.memory_space<hbm>> -> memref<100000x128xf32, #tpu.memory_space<hbm>>
    tpu.enqueue_indirect_dma source(%dma_start3A_1696 : memref<100000x128xf32, #tpu.memory_space<hbm>>) target(%arg17 : memref<128x128xf32, #tpu.memory_space<vmem>>) offsets(%dma_start3A_1693 : memref<128xi32, #tpu.memory_space<vmem>>) semaphore(%arg25 : memref<!tpu.dma_semaphore, #tpu.memory_space<semaphore_mem>>) {add = true}
    %dma_wait3A_1697 = arith.constant 22 : i32
    %dma_wait3A_1698 = arith.constant 0 : i32
    %dma_wait3A_1699 = tpu.memref_slice %arg13[%dma_wait3A_1697, %dma_wait3A_1698] : memref<48x128xi32, #tpu.memory_space<vmem>> -> memref<1x128xi32, #tpu.memory_space<vmem>>
    %dma_wait3A_1700 = tpu.memref_squeeze %dma_wait3A_1699 : memref<1x128xi32, #tpu.memory_space<vmem>> -> memref<128xi32, #tpu.memory_space<vmem>>
    %dma_wait3A_1701 = arith.constant 0 : i32
    %dma_wait3A_1702 = arith.constant 0 : i32
    %dma_wait3A_1703 = tpu.memref_slice %arg3[%dma_wait3A_1701, %dma_wait3A_1702] : memref<100000x128xf32, #tpu.memory_space<hbm>> -> memref<100000x128xf32, #tpu.memory_space<hbm>>
    tpu.wait_indirect_dma semaphore(%arg24 : memref<!tpu.dma_semaphore, #tpu.memory_space<semaphore_mem>>) src(%dma_wait3A_1703 : memref<100000x128xf32, #tpu.memory_space<hbm>>) dst(%arg16 : memref<128x128xf32, #tpu.memory_space<vmem>>)
    %add3A_1704 = arith.constant 2816 : i32
    %add3A_1705 = arith.addi %mul3A_2, %add3A_1704 : i32
    %dma_start3A_1706 = arith.constant 0 : i32
    %dma_start3A_1707 = tpu.memref_slice %arg7[%add3A_1705, %dma_start3A_1706] : memref<196608x128xf32, #tpu.memory_space<hbm>> -> memref<128x128xf32, #tpu.memory_space<hbm>>
    %dma_start3A_1708 = arith.constant 0 : i32
    %dma_start3A_1709 = tpu.memref_slice %arg7[%add3A_1705, %dma_start3A_1708] : memref<196608x128xf32, #tpu.memory_space<hbm>> -> memref<128x128xf32, #tpu.memory_space<hbm>>
    tpu.enqueue_dma source(%arg16 : memref<128x128xf32, #tpu.memory_space<vmem>>) target(%dma_start3A_1709 : memref<128x128xf32, #tpu.memory_space<hbm>>) target_semaphore(%arg28 : memref<!tpu.dma_semaphore, #tpu.memory_space<semaphore_mem>>)
    %dma_wait3A_1710 = arith.constant 0 : i32
    %dma_wait3A_1711 = tpu.memref_slice %arg7[%add3A_1669, %dma_wait3A_1710] : memref<196608x128xf32, #tpu.memory_space<hbm>> -> memref<128x128xf32, #tpu.memory_space<hbm>>
    %dma_wait3A_1712 = arith.constant 0 : i32
    %dma_wait3A_1713 = tpu.memref_slice %arg7[%add3A_1669, %dma_wait3A_1712] : memref<196608x128xf32, #tpu.memory_space<hbm>> -> memref<128x128xf32, #tpu.memory_space<hbm>>
    tpu.wait_dma2 semaphore(%arg27 : memref<!tpu.dma_semaphore, #tpu.memory_space<semaphore_mem>>) src(%arg15 : memref<128x128xf32, #tpu.memory_space<vmem>>) dst(%dma_wait3A_1713 : memref<128x128xf32, #tpu.memory_space<hbm>>)
    %dma_start3A_1714 = arith.constant 128 : i32
    %dma_start3A_1715 = arith.constant 0 : i32
    %dma_start3A_1716 = tpu.memref_slice %arg12[%dma_start3A_1714, %dma_start3A_1715] : memref<3072x128xf32, #tpu.memory_space<vmem_shared>> -> memref<128x128xf32, #tpu.memory_space<vmem_shared>>
    %dma_start3A_1717 = arith.constant 128 : i32
    %dma_start3A_1718 = arith.constant 0 : i32
    %dma_start3A_1719 = tpu.memref_slice %arg12[%dma_start3A_1717, %dma_start3A_1718] : memref<3072x128xf32, #tpu.memory_space<vmem_shared>> -> memref<128x128xf32, #tpu.memory_space<vmem_shared>>
    tpu.enqueue_dma source(%dma_start3A_1719 : memref<128x128xf32, #tpu.memory_space<vmem_shared>>) target(%arg15 : memref<128x128xf32, #tpu.memory_space<vmem>>) target_semaphore(%arg19 : memref<!tpu.dma_semaphore, #tpu.memory_space<semaphore_mem>>)
    %dma_wait3A_1720 = arith.constant 0 : i32
    %dma_wait3A_1721 = arith.constant 0 : i32
    %dma_wait3A_1722 = tpu.memref_slice %arg12[%dma_wait3A_1720, %dma_wait3A_1721] : memref<3072x128xf32, #tpu.memory_space<vmem_shared>> -> memref<128x128xf32, #tpu.memory_space<vmem_shared>>
    %dma_wait3A_1723 = arith.constant 0 : i32
    %dma_wait3A_1724 = arith.constant 0 : i32
    %dma_wait3A_1725 = tpu.memref_slice %arg12[%dma_wait3A_1723, %dma_wait3A_1724] : memref<3072x128xf32, #tpu.memory_space<vmem_shared>> -> memref<128x128xf32, #tpu.memory_space<vmem_shared>>
    tpu.wait_dma2 semaphore(%arg18 : memref<!tpu.dma_semaphore, #tpu.memory_space<semaphore_mem>>) src(%dma_wait3A_1725 : memref<128x128xf32, #tpu.memory_space<vmem_shared>>) dst(%arg14 : memref<128x128xf32, #tpu.memory_space<vmem>>)
    %dma_start3A_1726 = arith.constant 24 : i32
    %dma_start3A_1727 = arith.constant 0 : i32
    %dma_start3A_1728 = tpu.memref_slice %arg13[%dma_start3A_1726, %dma_start3A_1727] : memref<48x128xi32, #tpu.memory_space<vmem>> -> memref<1x128xi32, #tpu.memory_space<vmem>>
    %dma_start3A_1729 = tpu.memref_squeeze %dma_start3A_1728 : memref<1x128xi32, #tpu.memory_space<vmem>> -> memref<128xi32, #tpu.memory_space<vmem>>
    %dma_start3A_1730 = arith.constant 0 : i32
    %dma_start3A_1731 = arith.constant 0 : i32
    %dma_start3A_1732 = tpu.memref_slice %arg3[%dma_start3A_1730, %dma_start3A_1731] : memref<100000x128xf32, #tpu.memory_space<hbm>> -> memref<100000x128xf32, #tpu.memory_space<hbm>>
    tpu.enqueue_indirect_dma source(%dma_start3A_1732 : memref<100000x128xf32, #tpu.memory_space<hbm>>) target(%arg14 : memref<128x128xf32, #tpu.memory_space<vmem>>) offsets(%dma_start3A_1729 : memref<128xi32, #tpu.memory_space<vmem>>) semaphore(%arg22 : memref<!tpu.dma_semaphore, #tpu.memory_space<semaphore_mem>>) {add = true}
    %dma_wait3A_1733 = arith.constant 23 : i32
    %dma_wait3A_1734 = arith.constant 0 : i32
    %dma_wait3A_1735 = tpu.memref_slice %arg13[%dma_wait3A_1733, %dma_wait3A_1734] : memref<48x128xi32, #tpu.memory_space<vmem>> -> memref<1x128xi32, #tpu.memory_space<vmem>>
    %dma_wait3A_1736 = tpu.memref_squeeze %dma_wait3A_1735 : memref<1x128xi32, #tpu.memory_space<vmem>> -> memref<128xi32, #tpu.memory_space<vmem>>
    %dma_wait3A_1737 = arith.constant 0 : i32
    %dma_wait3A_1738 = arith.constant 0 : i32
    %dma_wait3A_1739 = tpu.memref_slice %arg3[%dma_wait3A_1737, %dma_wait3A_1738] : memref<100000x128xf32, #tpu.memory_space<hbm>> -> memref<100000x128xf32, #tpu.memory_space<hbm>>
    tpu.wait_indirect_dma semaphore(%arg25 : memref<!tpu.dma_semaphore, #tpu.memory_space<semaphore_mem>>) src(%dma_wait3A_1739 : memref<100000x128xf32, #tpu.memory_space<hbm>>) dst(%arg17 : memref<128x128xf32, #tpu.memory_space<vmem>>)
    %add3A_1740 = arith.constant 2944 : i32
    %add3A_1741 = arith.addi %mul3A_2, %add3A_1740 : i32
    %dma_start3A_1742 = arith.constant 0 : i32
    %dma_start3A_1743 = tpu.memref_slice %arg7[%add3A_1741, %dma_start3A_1742] : memref<196608x128xf32, #tpu.memory_space<hbm>> -> memref<128x128xf32, #tpu.memory_space<hbm>>
    %dma_start3A_1744 = arith.constant 0 : i32
    %dma_start3A_1745 = tpu.memref_slice %arg7[%add3A_1741, %dma_start3A_1744] : memref<196608x128xf32, #tpu.memory_space<hbm>> -> memref<128x128xf32, #tpu.memory_space<hbm>>
    tpu.enqueue_dma source(%arg17 : memref<128x128xf32, #tpu.memory_space<vmem>>) target(%dma_start3A_1745 : memref<128x128xf32, #tpu.memory_space<hbm>>) target_semaphore(%arg29 : memref<!tpu.dma_semaphore, #tpu.memory_space<semaphore_mem>>)
    %dma_wait3A_1746 = arith.constant 0 : i32
    %dma_wait3A_1747 = tpu.memref_slice %arg7[%add3A_1705, %dma_wait3A_1746] : memref<196608x128xf32, #tpu.memory_space<hbm>> -> memref<128x128xf32, #tpu.memory_space<hbm>>
    %dma_wait3A_1748 = arith.constant 0 : i32
    %dma_wait3A_1749 = tpu.memref_slice %arg7[%add3A_1705, %dma_wait3A_1748] : memref<196608x128xf32, #tpu.memory_space<hbm>> -> memref<128x128xf32, #tpu.memory_space<hbm>>
    tpu.wait_dma2 semaphore(%arg28 : memref<!tpu.dma_semaphore, #tpu.memory_space<semaphore_mem>>) src(%arg16 : memref<128x128xf32, #tpu.memory_space<vmem>>) dst(%dma_wait3A_1749 : memref<128x128xf32, #tpu.memory_space<hbm>>)
    %dma_start3A_1750 = arith.constant 256 : i32
    %dma_start3A_1751 = arith.constant 0 : i32
    %dma_start3A_1752 = tpu.memref_slice %arg12[%dma_start3A_1750, %dma_start3A_1751] : memref<3072x128xf32, #tpu.memory_space<vmem_shared>> -> memref<128x128xf32, #tpu.memory_space<vmem_shared>>
    %dma_start3A_1753 = arith.constant 256 : i32
    %dma_start3A_1754 = arith.constant 0 : i32
    %dma_start3A_1755 = tpu.memref_slice %arg12[%dma_start3A_1753, %dma_start3A_1754] : memref<3072x128xf32, #tpu.memory_space<vmem_shared>> -> memref<128x128xf32, #tpu.memory_space<vmem_shared>>
    tpu.enqueue_dma source(%dma_start3A_1755 : memref<128x128xf32, #tpu.memory_space<vmem_shared>>) target(%arg16 : memref<128x128xf32, #tpu.memory_space<vmem>>) target_semaphore(%arg20 : memref<!tpu.dma_semaphore, #tpu.memory_space<semaphore_mem>>)
    %dma_wait3A_1756 = arith.constant 128 : i32
    %dma_wait3A_1757 = arith.constant 0 : i32
    %dma_wait3A_1758 = tpu.memref_slice %arg12[%dma_wait3A_1756, %dma_wait3A_1757] : memref<3072x128xf32, #tpu.memory_space<vmem_shared>> -> memref<128x128xf32, #tpu.memory_space<vmem_shared>>
    %dma_wait3A_1759 = arith.constant 128 : i32
    %dma_wait3A_1760 = arith.constant 0 : i32
    %dma_wait3A_1761 = tpu.memref_slice %arg12[%dma_wait3A_1759, %dma_wait3A_1760] : memref<3072x128xf32, #tpu.memory_space<vmem_shared>> -> memref<128x128xf32, #tpu.memory_space<vmem_shared>>
    tpu.wait_dma2 semaphore(%arg19 : memref<!tpu.dma_semaphore, #tpu.memory_space<semaphore_mem>>) src(%dma_wait3A_1761 : memref<128x128xf32, #tpu.memory_space<vmem_shared>>) dst(%arg15 : memref<128x128xf32, #tpu.memory_space<vmem>>)
    %dma_start3A_1762 = arith.constant 25 : i32
    %dma_start3A_1763 = arith.constant 0 : i32
    %dma_start3A_1764 = tpu.memref_slice %arg13[%dma_start3A_1762, %dma_start3A_1763] : memref<48x128xi32, #tpu.memory_space<vmem>> -> memref<1x128xi32, #tpu.memory_space<vmem>>
    %dma_start3A_1765 = tpu.memref_squeeze %dma_start3A_1764 : memref<1x128xi32, #tpu.memory_space<vmem>> -> memref<128xi32, #tpu.memory_space<vmem>>
    %dma_start3A_1766 = arith.constant 0 : i32
    %dma_start3A_1767 = arith.constant 0 : i32
    %dma_start3A_1768 = tpu.memref_slice %arg3[%dma_start3A_1766, %dma_start3A_1767] : memref<100000x128xf32, #tpu.memory_space<hbm>> -> memref<100000x128xf32, #tpu.memory_space<hbm>>
    tpu.enqueue_indirect_dma source(%dma_start3A_1768 : memref<100000x128xf32, #tpu.memory_space<hbm>>) target(%arg15 : memref<128x128xf32, #tpu.memory_space<vmem>>) offsets(%dma_start3A_1765 : memref<128xi32, #tpu.memory_space<vmem>>) semaphore(%arg23 : memref<!tpu.dma_semaphore, #tpu.memory_space<semaphore_mem>>) {add = true}
    %dma_wait3A_1769 = arith.constant 24 : i32
    %dma_wait3A_1770 = arith.constant 0 : i32
    %dma_wait3A_1771 = tpu.memref_slice %arg13[%dma_wait3A_1769, %dma_wait3A_1770] : memref<48x128xi32, #tpu.memory_space<vmem>> -> memref<1x128xi32, #tpu.memory_space<vmem>>
    %dma_wait3A_1772 = tpu.memref_squeeze %dma_wait3A_1771 : memref<1x128xi32, #tpu.memory_space<vmem>> -> memref<128xi32, #tpu.memory_space<vmem>>
    %dma_wait3A_1773 = arith.constant 0 : i32
    %dma_wait3A_1774 = arith.constant 0 : i32
    %dma_wait3A_1775 = tpu.memref_slice %arg3[%dma_wait3A_1773, %dma_wait3A_1774] : memref<100000x128xf32, #tpu.memory_space<hbm>> -> memref<100000x128xf32, #tpu.memory_space<hbm>>
    tpu.wait_indirect_dma semaphore(%arg22 : memref<!tpu.dma_semaphore, #tpu.memory_space<semaphore_mem>>) src(%dma_wait3A_1775 : memref<100000x128xf32, #tpu.memory_space<hbm>>) dst(%arg14 : memref<128x128xf32, #tpu.memory_space<vmem>>)
    %add3A_1776 = arith.constant 3072 : i32
    %add3A_1777 = arith.addi %mul3A_2, %add3A_1776 : i32
    %dma_start3A_1778 = arith.constant 0 : i32
    %dma_start3A_1779 = tpu.memref_slice %arg7[%add3A_1777, %dma_start3A_1778] : memref<196608x128xf32, #tpu.memory_space<hbm>> -> memref<128x128xf32, #tpu.memory_space<hbm>>
    %dma_start3A_1780 = arith.constant 0 : i32
    %dma_start3A_1781 = tpu.memref_slice %arg7[%add3A_1777, %dma_start3A_1780] : memref<196608x128xf32, #tpu.memory_space<hbm>> -> memref<128x128xf32, #tpu.memory_space<hbm>>
    tpu.enqueue_dma source(%arg14 : memref<128x128xf32, #tpu.memory_space<vmem>>) target(%dma_start3A_1781 : memref<128x128xf32, #tpu.memory_space<hbm>>) target_semaphore(%arg26 : memref<!tpu.dma_semaphore, #tpu.memory_space<semaphore_mem>>)
    %dma_wait3A_1782 = arith.constant 0 : i32
    %dma_wait3A_1783 = tpu.memref_slice %arg7[%add3A_1741, %dma_wait3A_1782] : memref<196608x128xf32, #tpu.memory_space<hbm>> -> memref<128x128xf32, #tpu.memory_space<hbm>>
    %dma_wait3A_1784 = arith.constant 0 : i32
    %dma_wait3A_1785 = tpu.memref_slice %arg7[%add3A_1741, %dma_wait3A_1784] : memref<196608x128xf32, #tpu.memory_space<hbm>> -> memref<128x128xf32, #tpu.memory_space<hbm>>
    tpu.wait_dma2 semaphore(%arg29 : memref<!tpu.dma_semaphore, #tpu.memory_space<semaphore_mem>>) src(%arg17 : memref<128x128xf32, #tpu.memory_space<vmem>>) dst(%dma_wait3A_1785 : memref<128x128xf32, #tpu.memory_space<hbm>>)
    %dma_start3A_1786 = arith.constant 384 : i32
    %dma_start3A_1787 = arith.constant 0 : i32
    %dma_start3A_1788 = tpu.memref_slice %arg12[%dma_start3A_1786, %dma_start3A_1787] : memref<3072x128xf32, #tpu.memory_space<vmem_shared>> -> memref<128x128xf32, #tpu.memory_space<vmem_shared>>
    %dma_start3A_1789 = arith.constant 384 : i32
    %dma_start3A_1790 = arith.constant 0 : i32
    %dma_start3A_1791 = tpu.memref_slice %arg12[%dma_start3A_1789, %dma_start3A_1790] : memref<3072x128xf32, #tpu.memory_space<vmem_shared>> -> memref<128x128xf32, #tpu.memory_space<vmem_shared>>
    tpu.enqueue_dma source(%dma_start3A_1791 : memref<128x128xf32, #tpu.memory_space<vmem_shared>>) target(%arg17 : memref<128x128xf32, #tpu.memory_space<vmem>>) target_semaphore(%arg21 : memref<!tpu.dma_semaphore, #tpu.memory_space<semaphore_mem>>)
    %dma_wait3A_1792 = arith.constant 256 : i32
    %dma_wait3A_1793 = arith.constant 0 : i32
    %dma_wait3A_1794 = tpu.memref_slice %arg12[%dma_wait3A_1792, %dma_wait3A_1793] : memref<3072x128xf32, #tpu.memory_space<vmem_shared>> -> memref<128x128xf32, #tpu.memory_space<vmem_shared>>
    %dma_wait3A_1795 = arith.constant 256 : i32
    %dma_wait3A_1796 = arith.constant 0 : i32
    %dma_wait3A_1797 = tpu.memref_slice %arg12[%dma_wait3A_1795, %dma_wait3A_1796] : memref<3072x128xf32, #tpu.memory_space<vmem_shared>> -> memref<128x128xf32, #tpu.memory_space<vmem_shared>>
    tpu.wait_dma2 semaphore(%arg20 : memref<!tpu.dma_semaphore, #tpu.memory_space<semaphore_mem>>) src(%dma_wait3A_1797 : memref<128x128xf32, #tpu.memory_space<vmem_shared>>) dst(%arg16 : memref<128x128xf32, #tpu.memory_space<vmem>>)
    %dma_start3A_1798 = arith.constant 26 : i32
    %dma_start3A_1799 = arith.constant 0 : i32
    %dma_start3A_1800 = tpu.memref_slice %arg13[%dma_start3A_1798, %dma_start3A_1799] : memref<48x128xi32, #tpu.memory_space<vmem>> -> memref<1x128xi32, #tpu.memory_space<vmem>>
    %dma_start3A_1801 = tpu.memref_squeeze %dma_start3A_1800 : memref<1x128xi32, #tpu.memory_space<vmem>> -> memref<128xi32, #tpu.memory_space<vmem>>
    %dma_start3A_1802 = arith.constant 0 : i32
    %dma_start3A_1803 = arith.constant 0 : i32
    %dma_start3A_1804 = tpu.memref_slice %arg3[%dma_start3A_1802, %dma_start3A_1803] : memref<100000x128xf32, #tpu.memory_space<hbm>> -> memref<100000x128xf32, #tpu.memory_space<hbm>>
    tpu.enqueue_indirect_dma source(%dma_start3A_1804 : memref<100000x128xf32, #tpu.memory_space<hbm>>) target(%arg16 : memref<128x128xf32, #tpu.memory_space<vmem>>) offsets(%dma_start3A_1801 : memref<128xi32, #tpu.memory_space<vmem>>) semaphore(%arg24 : memref<!tpu.dma_semaphore, #tpu.memory_space<semaphore_mem>>) {add = true}
    %dma_wait3A_1805 = arith.constant 25 : i32
    %dma_wait3A_1806 = arith.constant 0 : i32
    %dma_wait3A_1807 = tpu.memref_slice %arg13[%dma_wait3A_1805, %dma_wait3A_1806] : memref<48x128xi32, #tpu.memory_space<vmem>> -> memref<1x128xi32, #tpu.memory_space<vmem>>
    %dma_wait3A_1808 = tpu.memref_squeeze %dma_wait3A_1807 : memref<1x128xi32, #tpu.memory_space<vmem>> -> memref<128xi32, #tpu.memory_space<vmem>>
    %dma_wait3A_1809 = arith.constant 0 : i32
    %dma_wait3A_1810 = arith.constant 0 : i32
    %dma_wait3A_1811 = tpu.memref_slice %arg3[%dma_wait3A_1809, %dma_wait3A_1810] : memref<100000x128xf32, #tpu.memory_space<hbm>> -> memref<100000x128xf32, #tpu.memory_space<hbm>>
    tpu.wait_indirect_dma semaphore(%arg23 : memref<!tpu.dma_semaphore, #tpu.memory_space<semaphore_mem>>) src(%dma_wait3A_1811 : memref<100000x128xf32, #tpu.memory_space<hbm>>) dst(%arg15 : memref<128x128xf32, #tpu.memory_space<vmem>>)
    %add3A_1812 = arith.constant 3200 : i32
    %add3A_1813 = arith.addi %mul3A_2, %add3A_1812 : i32
    %dma_start3A_1814 = arith.constant 0 : i32
    %dma_start3A_1815 = tpu.memref_slice %arg7[%add3A_1813, %dma_start3A_1814] : memref<196608x128xf32, #tpu.memory_space<hbm>> -> memref<128x128xf32, #tpu.memory_space<hbm>>
    %dma_start3A_1816 = arith.constant 0 : i32
    %dma_start3A_1817 = tpu.memref_slice %arg7[%add3A_1813, %dma_start3A_1816] : memref<196608x128xf32, #tpu.memory_space<hbm>> -> memref<128x128xf32, #tpu.memory_space<hbm>>
    tpu.enqueue_dma source(%arg15 : memref<128x128xf32, #tpu.memory_space<vmem>>) target(%dma_start3A_1817 : memref<128x128xf32, #tpu.memory_space<hbm>>) target_semaphore(%arg27 : memref<!tpu.dma_semaphore, #tpu.memory_space<semaphore_mem>>)
    %dma_wait3A_1818 = arith.constant 0 : i32
    %dma_wait3A_1819 = tpu.memref_slice %arg7[%add3A_1777, %dma_wait3A_1818] : memref<196608x128xf32, #tpu.memory_space<hbm>> -> memref<128x128xf32, #tpu.memory_space<hbm>>
    %dma_wait3A_1820 = arith.constant 0 : i32
    %dma_wait3A_1821 = tpu.memref_slice %arg7[%add3A_1777, %dma_wait3A_1820] : memref<196608x128xf32, #tpu.memory_space<hbm>> -> memref<128x128xf32, #tpu.memory_space<hbm>>
    tpu.wait_dma2 semaphore(%arg26 : memref<!tpu.dma_semaphore, #tpu.memory_space<semaphore_mem>>) src(%arg14 : memref<128x128xf32, #tpu.memory_space<vmem>>) dst(%dma_wait3A_1821 : memref<128x128xf32, #tpu.memory_space<hbm>>)
    %dma_start3A_1822 = arith.constant 512 : i32
    %dma_start3A_1823 = arith.constant 0 : i32
    %dma_start3A_1824 = tpu.memref_slice %arg12[%dma_start3A_1822, %dma_start3A_1823] : memref<3072x128xf32, #tpu.memory_space<vmem_shared>> -> memref<128x128xf32, #tpu.memory_space<vmem_shared>>
    %dma_start3A_1825 = arith.constant 512 : i32
    %dma_start3A_1826 = arith.constant 0 : i32
    %dma_start3A_1827 = tpu.memref_slice %arg12[%dma_start3A_1825, %dma_start3A_1826] : memref<3072x128xf32, #tpu.memory_space<vmem_shared>> -> memref<128x128xf32, #tpu.memory_space<vmem_shared>>
    tpu.enqueue_dma source(%dma_start3A_1827 : memref<128x128xf32, #tpu.memory_space<vmem_shared>>) target(%arg14 : memref<128x128xf32, #tpu.memory_space<vmem>>) target_semaphore(%arg18 : memref<!tpu.dma_semaphore, #tpu.memory_space<semaphore_mem>>)
    %dma_wait3A_1828 = arith.constant 384 : i32
    %dma_wait3A_1829 = arith.constant 0 : i32
    %dma_wait3A_1830 = tpu.memref_slice %arg12[%dma_wait3A_1828, %dma_wait3A_1829] : memref<3072x128xf32, #tpu.memory_space<vmem_shared>> -> memref<128x128xf32, #tpu.memory_space<vmem_shared>>
    %dma_wait3A_1831 = arith.constant 384 : i32
    %dma_wait3A_1832 = arith.constant 0 : i32
    %dma_wait3A_1833 = tpu.memref_slice %arg12[%dma_wait3A_1831, %dma_wait3A_1832] : memref<3072x128xf32, #tpu.memory_space<vmem_shared>> -> memref<128x128xf32, #tpu.memory_space<vmem_shared>>
    tpu.wait_dma2 semaphore(%arg21 : memref<!tpu.dma_semaphore, #tpu.memory_space<semaphore_mem>>) src(%dma_wait3A_1833 : memref<128x128xf32, #tpu.memory_space<vmem_shared>>) dst(%arg17 : memref<128x128xf32, #tpu.memory_space<vmem>>)
    %dma_start3A_1834 = arith.constant 27 : i32
    %dma_start3A_1835 = arith.constant 0 : i32
    %dma_start3A_1836 = tpu.memref_slice %arg13[%dma_start3A_1834, %dma_start3A_1835] : memref<48x128xi32, #tpu.memory_space<vmem>> -> memref<1x128xi32, #tpu.memory_space<vmem>>
    %dma_start3A_1837 = tpu.memref_squeeze %dma_start3A_1836 : memref<1x128xi32, #tpu.memory_space<vmem>> -> memref<128xi32, #tpu.memory_space<vmem>>
    %dma_start3A_1838 = arith.constant 0 : i32
    %dma_start3A_1839 = arith.constant 0 : i32
    %dma_start3A_1840 = tpu.memref_slice %arg3[%dma_start3A_1838, %dma_start3A_1839] : memref<100000x128xf32, #tpu.memory_space<hbm>> -> memref<100000x128xf32, #tpu.memory_space<hbm>>
    tpu.enqueue_indirect_dma source(%dma_start3A_1840 : memref<100000x128xf32, #tpu.memory_space<hbm>>) target(%arg17 : memref<128x128xf32, #tpu.memory_space<vmem>>) offsets(%dma_start3A_1837 : memref<128xi32, #tpu.memory_space<vmem>>) semaphore(%arg25 : memref<!tpu.dma_semaphore, #tpu.memory_space<semaphore_mem>>) {add = true}
    %dma_wait3A_1841 = arith.constant 26 : i32
    %dma_wait3A_1842 = arith.constant 0 : i32
    %dma_wait3A_1843 = tpu.memref_slice %arg13[%dma_wait3A_1841, %dma_wait3A_1842] : memref<48x128xi32, #tpu.memory_space<vmem>> -> memref<1x128xi32, #tpu.memory_space<vmem>>
    %dma_wait3A_1844 = tpu.memref_squeeze %dma_wait3A_1843 : memref<1x128xi32, #tpu.memory_space<vmem>> -> memref<128xi32, #tpu.memory_space<vmem>>
    %dma_wait3A_1845 = arith.constant 0 : i32
    %dma_wait3A_1846 = arith.constant 0 : i32
    %dma_wait3A_1847 = tpu.memref_slice %arg3[%dma_wait3A_1845, %dma_wait3A_1846] : memref<100000x128xf32, #tpu.memory_space<hbm>> -> memref<100000x128xf32, #tpu.memory_space<hbm>>
    tpu.wait_indirect_dma semaphore(%arg24 : memref<!tpu.dma_semaphore, #tpu.memory_space<semaphore_mem>>) src(%dma_wait3A_1847 : memref<100000x128xf32, #tpu.memory_space<hbm>>) dst(%arg16 : memref<128x128xf32, #tpu.memory_space<vmem>>)
    %add3A_1848 = arith.constant 3328 : i32
    %add3A_1849 = arith.addi %mul3A_2, %add3A_1848 : i32
    %dma_start3A_1850 = arith.constant 0 : i32
    %dma_start3A_1851 = tpu.memref_slice %arg7[%add3A_1849, %dma_start3A_1850] : memref<196608x128xf32, #tpu.memory_space<hbm>> -> memref<128x128xf32, #tpu.memory_space<hbm>>
    %dma_start3A_1852 = arith.constant 0 : i32
    %dma_start3A_1853 = tpu.memref_slice %arg7[%add3A_1849, %dma_start3A_1852] : memref<196608x128xf32, #tpu.memory_space<hbm>> -> memref<128x128xf32, #tpu.memory_space<hbm>>
    tpu.enqueue_dma source(%arg16 : memref<128x128xf32, #tpu.memory_space<vmem>>) target(%dma_start3A_1853 : memref<128x128xf32, #tpu.memory_space<hbm>>) target_semaphore(%arg28 : memref<!tpu.dma_semaphore, #tpu.memory_space<semaphore_mem>>)
    %dma_wait3A_1854 = arith.constant 0 : i32
    %dma_wait3A_1855 = tpu.memref_slice %arg7[%add3A_1813, %dma_wait3A_1854] : memref<196608x128xf32, #tpu.memory_space<hbm>> -> memref<128x128xf32, #tpu.memory_space<hbm>>
    %dma_wait3A_1856 = arith.constant 0 : i32
    %dma_wait3A_1857 = tpu.memref_slice %arg7[%add3A_1813, %dma_wait3A_1856] : memref<196608x128xf32, #tpu.memory_space<hbm>> -> memref<128x128xf32, #tpu.memory_space<hbm>>
    tpu.wait_dma2 semaphore(%arg27 : memref<!tpu.dma_semaphore, #tpu.memory_space<semaphore_mem>>) src(%arg15 : memref<128x128xf32, #tpu.memory_space<vmem>>) dst(%dma_wait3A_1857 : memref<128x128xf32, #tpu.memory_space<hbm>>)
    %dma_start3A_1858 = arith.constant 640 : i32
    %dma_start3A_1859 = arith.constant 0 : i32
    %dma_start3A_1860 = tpu.memref_slice %arg12[%dma_start3A_1858, %dma_start3A_1859] : memref<3072x128xf32, #tpu.memory_space<vmem_shared>> -> memref<128x128xf32, #tpu.memory_space<vmem_shared>>
    %dma_start3A_1861 = arith.constant 640 : i32
    %dma_start3A_1862 = arith.constant 0 : i32
    %dma_start3A_1863 = tpu.memref_slice %arg12[%dma_start3A_1861, %dma_start3A_1862] : memref<3072x128xf32, #tpu.memory_space<vmem_shared>> -> memref<128x128xf32, #tpu.memory_space<vmem_shared>>
    tpu.enqueue_dma source(%dma_start3A_1863 : memref<128x128xf32, #tpu.memory_space<vmem_shared>>) target(%arg15 : memref<128x128xf32, #tpu.memory_space<vmem>>) target_semaphore(%arg19 : memref<!tpu.dma_semaphore, #tpu.memory_space<semaphore_mem>>)
    %dma_wait3A_1864 = arith.constant 512 : i32
    %dma_wait3A_1865 = arith.constant 0 : i32
    %dma_wait3A_1866 = tpu.memref_slice %arg12[%dma_wait3A_1864, %dma_wait3A_1865] : memref<3072x128xf32, #tpu.memory_space<vmem_shared>> -> memref<128x128xf32, #tpu.memory_space<vmem_shared>>
    %dma_wait3A_1867 = arith.constant 512 : i32
    %dma_wait3A_1868 = arith.constant 0 : i32
    %dma_wait3A_1869 = tpu.memref_slice %arg12[%dma_wait3A_1867, %dma_wait3A_1868] : memref<3072x128xf32, #tpu.memory_space<vmem_shared>> -> memref<128x128xf32, #tpu.memory_space<vmem_shared>>
    tpu.wait_dma2 semaphore(%arg18 : memref<!tpu.dma_semaphore, #tpu.memory_space<semaphore_mem>>) src(%dma_wait3A_1869 : memref<128x128xf32, #tpu.memory_space<vmem_shared>>) dst(%arg14 : memref<128x128xf32, #tpu.memory_space<vmem>>)
    %dma_start3A_1870 = arith.constant 28 : i32
    %dma_start3A_1871 = arith.constant 0 : i32
    %dma_start3A_1872 = tpu.memref_slice %arg13[%dma_start3A_1870, %dma_start3A_1871] : memref<48x128xi32, #tpu.memory_space<vmem>> -> memref<1x128xi32, #tpu.memory_space<vmem>>
    %dma_start3A_1873 = tpu.memref_squeeze %dma_start3A_1872 : memref<1x128xi32, #tpu.memory_space<vmem>> -> memref<128xi32, #tpu.memory_space<vmem>>
    %dma_start3A_1874 = arith.constant 0 : i32
    %dma_start3A_1875 = arith.constant 0 : i32
    %dma_start3A_1876 = tpu.memref_slice %arg3[%dma_start3A_1874, %dma_start3A_1875] : memref<100000x128xf32, #tpu.memory_space<hbm>> -> memref<100000x128xf32, #tpu.memory_space<hbm>>
    tpu.enqueue_indirect_dma source(%dma_start3A_1876 : memref<100000x128xf32, #tpu.memory_space<hbm>>) target(%arg14 : memref<128x128xf32, #tpu.memory_space<vmem>>) offsets(%dma_start3A_1873 : memref<128xi32, #tpu.memory_space<vmem>>) semaphore(%arg22 : memref<!tpu.dma_semaphore, #tpu.memory_space<semaphore_mem>>) {add = true}
    %dma_wait3A_1877 = arith.constant 27 : i32
    %dma_wait3A_1878 = arith.constant 0 : i32
    %dma_wait3A_1879 = tpu.memref_slice %arg13[%dma_wait3A_1877, %dma_wait3A_1878] : memref<48x128xi32, #tpu.memory_space<vmem>> -> memref<1x128xi32, #tpu.memory_space<vmem>>
    %dma_wait3A_1880 = tpu.memref_squeeze %dma_wait3A_1879 : memref<1x128xi32, #tpu.memory_space<vmem>> -> memref<128xi32, #tpu.memory_space<vmem>>
    %dma_wait3A_1881 = arith.constant 0 : i32
    %dma_wait3A_1882 = arith.constant 0 : i32
    %dma_wait3A_1883 = tpu.memref_slice %arg3[%dma_wait3A_1881, %dma_wait3A_1882] : memref<100000x128xf32, #tpu.memory_space<hbm>> -> memref<100000x128xf32, #tpu.memory_space<hbm>>
    tpu.wait_indirect_dma semaphore(%arg25 : memref<!tpu.dma_semaphore, #tpu.memory_space<semaphore_mem>>) src(%dma_wait3A_1883 : memref<100000x128xf32, #tpu.memory_space<hbm>>) dst(%arg17 : memref<128x128xf32, #tpu.memory_space<vmem>>)
    %add3A_1884 = arith.constant 3456 : i32
    %add3A_1885 = arith.addi %mul3A_2, %add3A_1884 : i32
    %dma_start3A_1886 = arith.constant 0 : i32
    %dma_start3A_1887 = tpu.memref_slice %arg7[%add3A_1885, %dma_start3A_1886] : memref<196608x128xf32, #tpu.memory_space<hbm>> -> memref<128x128xf32, #tpu.memory_space<hbm>>
    %dma_start3A_1888 = arith.constant 0 : i32
    %dma_start3A_1889 = tpu.memref_slice %arg7[%add3A_1885, %dma_start3A_1888] : memref<196608x128xf32, #tpu.memory_space<hbm>> -> memref<128x128xf32, #tpu.memory_space<hbm>>
    tpu.enqueue_dma source(%arg17 : memref<128x128xf32, #tpu.memory_space<vmem>>) target(%dma_start3A_1889 : memref<128x128xf32, #tpu.memory_space<hbm>>) target_semaphore(%arg29 : memref<!tpu.dma_semaphore, #tpu.memory_space<semaphore_mem>>)
    %dma_wait3A_1890 = arith.constant 0 : i32
    %dma_wait3A_1891 = tpu.memref_slice %arg7[%add3A_1849, %dma_wait3A_1890] : memref<196608x128xf32, #tpu.memory_space<hbm>> -> memref<128x128xf32, #tpu.memory_space<hbm>>
    %dma_wait3A_1892 = arith.constant 0 : i32
    %dma_wait3A_1893 = tpu.memref_slice %arg7[%add3A_1849, %dma_wait3A_1892] : memref<196608x128xf32, #tpu.memory_space<hbm>> -> memref<128x128xf32, #tpu.memory_space<hbm>>
    tpu.wait_dma2 semaphore(%arg28 : memref<!tpu.dma_semaphore, #tpu.memory_space<semaphore_mem>>) src(%arg16 : memref<128x128xf32, #tpu.memory_space<vmem>>) dst(%dma_wait3A_1893 : memref<128x128xf32, #tpu.memory_space<hbm>>)
    %dma_start3A_1894 = arith.constant 768 : i32
    %dma_start3A_1895 = arith.constant 0 : i32
    %dma_start3A_1896 = tpu.memref_slice %arg12[%dma_start3A_1894, %dma_start3A_1895] : memref<3072x128xf32, #tpu.memory_space<vmem_shared>> -> memref<128x128xf32, #tpu.memory_space<vmem_shared>>
    %dma_start3A_1897 = arith.constant 768 : i32
    %dma_start3A_1898 = arith.constant 0 : i32
    %dma_start3A_1899 = tpu.memref_slice %arg12[%dma_start3A_1897, %dma_start3A_1898] : memref<3072x128xf32, #tpu.memory_space<vmem_shared>> -> memref<128x128xf32, #tpu.memory_space<vmem_shared>>
    tpu.enqueue_dma source(%dma_start3A_1899 : memref<128x128xf32, #tpu.memory_space<vmem_shared>>) target(%arg16 : memref<128x128xf32, #tpu.memory_space<vmem>>) target_semaphore(%arg20 : memref<!tpu.dma_semaphore, #tpu.memory_space<semaphore_mem>>)
    %dma_wait3A_1900 = arith.constant 640 : i32
    %dma_wait3A_1901 = arith.constant 0 : i32
    %dma_wait3A_1902 = tpu.memref_slice %arg12[%dma_wait3A_1900, %dma_wait3A_1901] : memref<3072x128xf32, #tpu.memory_space<vmem_shared>> -> memref<128x128xf32, #tpu.memory_space<vmem_shared>>
    %dma_wait3A_1903 = arith.constant 640 : i32
    %dma_wait3A_1904 = arith.constant 0 : i32
    %dma_wait3A_1905 = tpu.memref_slice %arg12[%dma_wait3A_1903, %dma_wait3A_1904] : memref<3072x128xf32, #tpu.memory_space<vmem_shared>> -> memref<128x128xf32, #tpu.memory_space<vmem_shared>>
    tpu.wait_dma2 semaphore(%arg19 : memref<!tpu.dma_semaphore, #tpu.memory_space<semaphore_mem>>) src(%dma_wait3A_1905 : memref<128x128xf32, #tpu.memory_space<vmem_shared>>) dst(%arg15 : memref<128x128xf32, #tpu.memory_space<vmem>>)
    %dma_start3A_1906 = arith.constant 29 : i32
    %dma_start3A_1907 = arith.constant 0 : i32
    %dma_start3A_1908 = tpu.memref_slice %arg13[%dma_start3A_1906, %dma_start3A_1907] : memref<48x128xi32, #tpu.memory_space<vmem>> -> memref<1x128xi32, #tpu.memory_space<vmem>>
    %dma_start3A_1909 = tpu.memref_squeeze %dma_start3A_1908 : memref<1x128xi32, #tpu.memory_space<vmem>> -> memref<128xi32, #tpu.memory_space<vmem>>
    %dma_start3A_1910 = arith.constant 0 : i32
    %dma_start3A_1911 = arith.constant 0 : i32
    %dma_start3A_1912 = tpu.memref_slice %arg3[%dma_start3A_1910, %dma_start3A_1911] : memref<100000x128xf32, #tpu.memory_space<hbm>> -> memref<100000x128xf32, #tpu.memory_space<hbm>>
    tpu.enqueue_indirect_dma source(%dma_start3A_1912 : memref<100000x128xf32, #tpu.memory_space<hbm>>) target(%arg15 : memref<128x128xf32, #tpu.memory_space<vmem>>) offsets(%dma_start3A_1909 : memref<128xi32, #tpu.memory_space<vmem>>) semaphore(%arg23 : memref<!tpu.dma_semaphore, #tpu.memory_space<semaphore_mem>>) {add = true}
    %dma_wait3A_1913 = arith.constant 28 : i32
    %dma_wait3A_1914 = arith.constant 0 : i32
    %dma_wait3A_1915 = tpu.memref_slice %arg13[%dma_wait3A_1913, %dma_wait3A_1914] : memref<48x128xi32, #tpu.memory_space<vmem>> -> memref<1x128xi32, #tpu.memory_space<vmem>>
    %dma_wait3A_1916 = tpu.memref_squeeze %dma_wait3A_1915 : memref<1x128xi32, #tpu.memory_space<vmem>> -> memref<128xi32, #tpu.memory_space<vmem>>
    %dma_wait3A_1917 = arith.constant 0 : i32
    %dma_wait3A_1918 = arith.constant 0 : i32
    %dma_wait3A_1919 = tpu.memref_slice %arg3[%dma_wait3A_1917, %dma_wait3A_1918] : memref<100000x128xf32, #tpu.memory_space<hbm>> -> memref<100000x128xf32, #tpu.memory_space<hbm>>
    tpu.wait_indirect_dma semaphore(%arg22 : memref<!tpu.dma_semaphore, #tpu.memory_space<semaphore_mem>>) src(%dma_wait3A_1919 : memref<100000x128xf32, #tpu.memory_space<hbm>>) dst(%arg14 : memref<128x128xf32, #tpu.memory_space<vmem>>)
    %add3A_1920 = arith.constant 3584 : i32
    %add3A_1921 = arith.addi %mul3A_2, %add3A_1920 : i32
    %dma_start3A_1922 = arith.constant 0 : i32
    %dma_start3A_1923 = tpu.memref_slice %arg7[%add3A_1921, %dma_start3A_1922] : memref<196608x128xf32, #tpu.memory_space<hbm>> -> memref<128x128xf32, #tpu.memory_space<hbm>>
    %dma_start3A_1924 = arith.constant 0 : i32
    %dma_start3A_1925 = tpu.memref_slice %arg7[%add3A_1921, %dma_start3A_1924] : memref<196608x128xf32, #tpu.memory_space<hbm>> -> memref<128x128xf32, #tpu.memory_space<hbm>>
    tpu.enqueue_dma source(%arg14 : memref<128x128xf32, #tpu.memory_space<vmem>>) target(%dma_start3A_1925 : memref<128x128xf32, #tpu.memory_space<hbm>>) target_semaphore(%arg26 : memref<!tpu.dma_semaphore, #tpu.memory_space<semaphore_mem>>)
    %dma_wait3A_1926 = arith.constant 0 : i32
    %dma_wait3A_1927 = tpu.memref_slice %arg7[%add3A_1885, %dma_wait3A_1926] : memref<196608x128xf32, #tpu.memory_space<hbm>> -> memref<128x128xf32, #tpu.memory_space<hbm>>
    %dma_wait3A_1928 = arith.constant 0 : i32
    %dma_wait3A_1929 = tpu.memref_slice %arg7[%add3A_1885, %dma_wait3A_1928] : memref<196608x128xf32, #tpu.memory_space<hbm>> -> memref<128x128xf32, #tpu.memory_space<hbm>>
    tpu.wait_dma2 semaphore(%arg29 : memref<!tpu.dma_semaphore, #tpu.memory_space<semaphore_mem>>) src(%arg17 : memref<128x128xf32, #tpu.memory_space<vmem>>) dst(%dma_wait3A_1929 : memref<128x128xf32, #tpu.memory_space<hbm>>)
    %dma_start3A_1930 = arith.constant 896 : i32
    %dma_start3A_1931 = arith.constant 0 : i32
    %dma_start3A_1932 = tpu.memref_slice %arg12[%dma_start3A_1930, %dma_start3A_1931] : memref<3072x128xf32, #tpu.memory_space<vmem_shared>> -> memref<128x128xf32, #tpu.memory_space<vmem_shared>>
    %dma_start3A_1933 = arith.constant 896 : i32
    %dma_start3A_1934 = arith.constant 0 : i32
    %dma_start3A_1935 = tpu.memref_slice %arg12[%dma_start3A_1933, %dma_start3A_1934] : memref<3072x128xf32, #tpu.memory_space<vmem_shared>> -> memref<128x128xf32, #tpu.memory_space<vmem_shared>>
    tpu.enqueue_dma source(%dma_start3A_1935 : memref<128x128xf32, #tpu.memory_space<vmem_shared>>) target(%arg17 : memref<128x128xf32, #tpu.memory_space<vmem>>) target_semaphore(%arg21 : memref<!tpu.dma_semaphore, #tpu.memory_space<semaphore_mem>>)
    %dma_wait3A_1936 = arith.constant 768 : i32
    %dma_wait3A_1937 = arith.constant 0 : i32
    %dma_wait3A_1938 = tpu.memref_slice %arg12[%dma_wait3A_1936, %dma_wait3A_1937] : memref<3072x128xf32, #tpu.memory_space<vmem_shared>> -> memref<128x128xf32, #tpu.memory_space<vmem_shared>>
    %dma_wait3A_1939 = arith.constant 768 : i32
    %dma_wait3A_1940 = arith.constant 0 : i32
    %dma_wait3A_1941 = tpu.memref_slice %arg12[%dma_wait3A_1939, %dma_wait3A_1940] : memref<3072x128xf32, #tpu.memory_space<vmem_shared>> -> memref<128x128xf32, #tpu.memory_space<vmem_shared>>
    tpu.wait_dma2 semaphore(%arg20 : memref<!tpu.dma_semaphore, #tpu.memory_space<semaphore_mem>>) src(%dma_wait3A_1941 : memref<128x128xf32, #tpu.memory_space<vmem_shared>>) dst(%arg16 : memref<128x128xf32, #tpu.memory_space<vmem>>)
    %dma_start3A_1942 = arith.constant 30 : i32
    %dma_start3A_1943 = arith.constant 0 : i32
    %dma_start3A_1944 = tpu.memref_slice %arg13[%dma_start3A_1942, %dma_start3A_1943] : memref<48x128xi32, #tpu.memory_space<vmem>> -> memref<1x128xi32, #tpu.memory_space<vmem>>
    %dma_start3A_1945 = tpu.memref_squeeze %dma_start3A_1944 : memref<1x128xi32, #tpu.memory_space<vmem>> -> memref<128xi32, #tpu.memory_space<vmem>>
    %dma_start3A_1946 = arith.constant 0 : i32
    %dma_start3A_1947 = arith.constant 0 : i32
    %dma_start3A_1948 = tpu.memref_slice %arg3[%dma_start3A_1946, %dma_start3A_1947] : memref<100000x128xf32, #tpu.memory_space<hbm>> -> memref<100000x128xf32, #tpu.memory_space<hbm>>
    tpu.enqueue_indirect_dma source(%dma_start3A_1948 : memref<100000x128xf32, #tpu.memory_space<hbm>>) target(%arg16 : memref<128x128xf32, #tpu.memory_space<vmem>>) offsets(%dma_start3A_1945 : memref<128xi32, #tpu.memory_space<vmem>>) semaphore(%arg24 : memref<!tpu.dma_semaphore, #tpu.memory_space<semaphore_mem>>) {add = true}
    %dma_wait3A_1949 = arith.constant 29 : i32
    %dma_wait3A_1950 = arith.constant 0 : i32
    %dma_wait3A_1951 = tpu.memref_slice %arg13[%dma_wait3A_1949, %dma_wait3A_1950] : memref<48x128xi32, #tpu.memory_space<vmem>> -> memref<1x128xi32, #tpu.memory_space<vmem>>
    %dma_wait3A_1952 = tpu.memref_squeeze %dma_wait3A_1951 : memref<1x128xi32, #tpu.memory_space<vmem>> -> memref<128xi32, #tpu.memory_space<vmem>>
    %dma_wait3A_1953 = arith.constant 0 : i32
    %dma_wait3A_1954 = arith.constant 0 : i32
    %dma_wait3A_1955 = tpu.memref_slice %arg3[%dma_wait3A_1953, %dma_wait3A_1954] : memref<100000x128xf32, #tpu.memory_space<hbm>> -> memref<100000x128xf32, #tpu.memory_space<hbm>>
    tpu.wait_indirect_dma semaphore(%arg23 : memref<!tpu.dma_semaphore, #tpu.memory_space<semaphore_mem>>) src(%dma_wait3A_1955 : memref<100000x128xf32, #tpu.memory_space<hbm>>) dst(%arg15 : memref<128x128xf32, #tpu.memory_space<vmem>>)
    %add3A_1956 = arith.constant 3712 : i32
    %add3A_1957 = arith.addi %mul3A_2, %add3A_1956 : i32
    %dma_start3A_1958 = arith.constant 0 : i32
    %dma_start3A_1959 = tpu.memref_slice %arg7[%add3A_1957, %dma_start3A_1958] : memref<196608x128xf32, #tpu.memory_space<hbm>> -> memref<128x128xf32, #tpu.memory_space<hbm>>
    %dma_start3A_1960 = arith.constant 0 : i32
    %dma_start3A_1961 = tpu.memref_slice %arg7[%add3A_1957, %dma_start3A_1960] : memref<196608x128xf32, #tpu.memory_space<hbm>> -> memref<128x128xf32, #tpu.memory_space<hbm>>
    tpu.enqueue_dma source(%arg15 : memref<128x128xf32, #tpu.memory_space<vmem>>) target(%dma_start3A_1961 : memref<128x128xf32, #tpu.memory_space<hbm>>) target_semaphore(%arg27 : memref<!tpu.dma_semaphore, #tpu.memory_space<semaphore_mem>>)
    %dma_wait3A_1962 = arith.constant 0 : i32
    %dma_wait3A_1963 = tpu.memref_slice %arg7[%add3A_1921, %dma_wait3A_1962] : memref<196608x128xf32, #tpu.memory_space<hbm>> -> memref<128x128xf32, #tpu.memory_space<hbm>>
    %dma_wait3A_1964 = arith.constant 0 : i32
    %dma_wait3A_1965 = tpu.memref_slice %arg7[%add3A_1921, %dma_wait3A_1964] : memref<196608x128xf32, #tpu.memory_space<hbm>> -> memref<128x128xf32, #tpu.memory_space<hbm>>
    tpu.wait_dma2 semaphore(%arg26 : memref<!tpu.dma_semaphore, #tpu.memory_space<semaphore_mem>>) src(%arg14 : memref<128x128xf32, #tpu.memory_space<vmem>>) dst(%dma_wait3A_1965 : memref<128x128xf32, #tpu.memory_space<hbm>>)
    %dma_start3A_1966 = arith.constant 1024 : i32
    %dma_start3A_1967 = arith.constant 0 : i32
    %dma_start3A_1968 = tpu.memref_slice %arg12[%dma_start3A_1966, %dma_start3A_1967] : memref<3072x128xf32, #tpu.memory_space<vmem_shared>> -> memref<128x128xf32, #tpu.memory_space<vmem_shared>>
    %dma_start3A_1969 = arith.constant 1024 : i32
    %dma_start3A_1970 = arith.constant 0 : i32
    %dma_start3A_1971 = tpu.memref_slice %arg12[%dma_start3A_1969, %dma_start3A_1970] : memref<3072x128xf32, #tpu.memory_space<vmem_shared>> -> memref<128x128xf32, #tpu.memory_space<vmem_shared>>
    tpu.enqueue_dma source(%dma_start3A_1971 : memref<128x128xf32, #tpu.memory_space<vmem_shared>>) target(%arg14 : memref<128x128xf32, #tpu.memory_space<vmem>>) target_semaphore(%arg18 : memref<!tpu.dma_semaphore, #tpu.memory_space<semaphore_mem>>)
    %dma_wait3A_1972 = arith.constant 896 : i32
    %dma_wait3A_1973 = arith.constant 0 : i32
    %dma_wait3A_1974 = tpu.memref_slice %arg12[%dma_wait3A_1972, %dma_wait3A_1973] : memref<3072x128xf32, #tpu.memory_space<vmem_shared>> -> memref<128x128xf32, #tpu.memory_space<vmem_shared>>
    %dma_wait3A_1975 = arith.constant 896 : i32
    %dma_wait3A_1976 = arith.constant 0 : i32
    %dma_wait3A_1977 = tpu.memref_slice %arg12[%dma_wait3A_1975, %dma_wait3A_1976] : memref<3072x128xf32, #tpu.memory_space<vmem_shared>> -> memref<128x128xf32, #tpu.memory_space<vmem_shared>>
    tpu.wait_dma2 semaphore(%arg21 : memref<!tpu.dma_semaphore, #tpu.memory_space<semaphore_mem>>) src(%dma_wait3A_1977 : memref<128x128xf32, #tpu.memory_space<vmem_shared>>) dst(%arg17 : memref<128x128xf32, #tpu.memory_space<vmem>>)
    %dma_start3A_1978 = arith.constant 31 : i32
    %dma_start3A_1979 = arith.constant 0 : i32
    %dma_start3A_1980 = tpu.memref_slice %arg13[%dma_start3A_1978, %dma_start3A_1979] : memref<48x128xi32, #tpu.memory_space<vmem>> -> memref<1x128xi32, #tpu.memory_space<vmem>>
    %dma_start3A_1981 = tpu.memref_squeeze %dma_start3A_1980 : memref<1x128xi32, #tpu.memory_space<vmem>> -> memref<128xi32, #tpu.memory_space<vmem>>
    %dma_start3A_1982 = arith.constant 0 : i32
    %dma_start3A_1983 = arith.constant 0 : i32
    %dma_start3A_1984 = tpu.memref_slice %arg3[%dma_start3A_1982, %dma_start3A_1983] : memref<100000x128xf32, #tpu.memory_space<hbm>> -> memref<100000x128xf32, #tpu.memory_space<hbm>>
    tpu.enqueue_indirect_dma source(%dma_start3A_1984 : memref<100000x128xf32, #tpu.memory_space<hbm>>) target(%arg17 : memref<128x128xf32, #tpu.memory_space<vmem>>) offsets(%dma_start3A_1981 : memref<128xi32, #tpu.memory_space<vmem>>) semaphore(%arg25 : memref<!tpu.dma_semaphore, #tpu.memory_space<semaphore_mem>>) {add = true}
    %dma_wait3A_1985 = arith.constant 30 : i32
    %dma_wait3A_1986 = arith.constant 0 : i32
    %dma_wait3A_1987 = tpu.memref_slice %arg13[%dma_wait3A_1985, %dma_wait3A_1986] : memref<48x128xi32, #tpu.memory_space<vmem>> -> memref<1x128xi32, #tpu.memory_space<vmem>>
    %dma_wait3A_1988 = tpu.memref_squeeze %dma_wait3A_1987 : memref<1x128xi32, #tpu.memory_space<vmem>> -> memref<128xi32, #tpu.memory_space<vmem>>
    %dma_wait3A_1989 = arith.constant 0 : i32
    %dma_wait3A_1990 = arith.constant 0 : i32
    %dma_wait3A_1991 = tpu.memref_slice %arg3[%dma_wait3A_1989, %dma_wait3A_1990] : memref<100000x128xf32, #tpu.memory_space<hbm>> -> memref<100000x128xf32, #tpu.memory_space<hbm>>
    tpu.wait_indirect_dma semaphore(%arg24 : memref<!tpu.dma_semaphore, #tpu.memory_space<semaphore_mem>>) src(%dma_wait3A_1991 : memref<100000x128xf32, #tpu.memory_space<hbm>>) dst(%arg16 : memref<128x128xf32, #tpu.memory_space<vmem>>)
    %add3A_1992 = arith.constant 3840 : i32
    %add3A_1993 = arith.addi %mul3A_2, %add3A_1992 : i32
    %dma_start3A_1994 = arith.constant 0 : i32
    %dma_start3A_1995 = tpu.memref_slice %arg7[%add3A_1993, %dma_start3A_1994] : memref<196608x128xf32, #tpu.memory_space<hbm>> -> memref<128x128xf32, #tpu.memory_space<hbm>>
    %dma_start3A_1996 = arith.constant 0 : i32
    %dma_start3A_1997 = tpu.memref_slice %arg7[%add3A_1993, %dma_start3A_1996] : memref<196608x128xf32, #tpu.memory_space<hbm>> -> memref<128x128xf32, #tpu.memory_space<hbm>>
    tpu.enqueue_dma source(%arg16 : memref<128x128xf32, #tpu.memory_space<vmem>>) target(%dma_start3A_1997 : memref<128x128xf32, #tpu.memory_space<hbm>>) target_semaphore(%arg28 : memref<!tpu.dma_semaphore, #tpu.memory_space<semaphore_mem>>)
    %dma_wait3A_1998 = arith.constant 0 : i32
    %dma_wait3A_1999 = tpu.memref_slice %arg7[%add3A_1957, %dma_wait3A_1998] : memref<196608x128xf32, #tpu.memory_space<hbm>> -> memref<128x128xf32, #tpu.memory_space<hbm>>
    %dma_wait3A_2000 = arith.constant 0 : i32
    %dma_wait3A_2001 = tpu.memref_slice %arg7[%add3A_1957, %dma_wait3A_2000] : memref<196608x128xf32, #tpu.memory_space<hbm>> -> memref<128x128xf32, #tpu.memory_space<hbm>>
    tpu.wait_dma2 semaphore(%arg27 : memref<!tpu.dma_semaphore, #tpu.memory_space<semaphore_mem>>) src(%arg15 : memref<128x128xf32, #tpu.memory_space<vmem>>) dst(%dma_wait3A_2001 : memref<128x128xf32, #tpu.memory_space<hbm>>)
    %dma_start3A_2002 = arith.constant 1152 : i32
    %dma_start3A_2003 = arith.constant 0 : i32
    %dma_start3A_2004 = tpu.memref_slice %arg12[%dma_start3A_2002, %dma_start3A_2003] : memref<3072x128xf32, #tpu.memory_space<vmem_shared>> -> memref<128x128xf32, #tpu.memory_space<vmem_shared>>
    %dma_start3A_2005 = arith.constant 1152 : i32
    %dma_start3A_2006 = arith.constant 0 : i32
    %dma_start3A_2007 = tpu.memref_slice %arg12[%dma_start3A_2005, %dma_start3A_2006] : memref<3072x128xf32, #tpu.memory_space<vmem_shared>> -> memref<128x128xf32, #tpu.memory_space<vmem_shared>>
    tpu.enqueue_dma source(%dma_start3A_2007 : memref<128x128xf32, #tpu.memory_space<vmem_shared>>) target(%arg15 : memref<128x128xf32, #tpu.memory_space<vmem>>) target_semaphore(%arg19 : memref<!tpu.dma_semaphore, #tpu.memory_space<semaphore_mem>>)
    %dma_wait3A_2008 = arith.constant 1024 : i32
    %dma_wait3A_2009 = arith.constant 0 : i32
    %dma_wait3A_2010 = tpu.memref_slice %arg12[%dma_wait3A_2008, %dma_wait3A_2009] : memref<3072x128xf32, #tpu.memory_space<vmem_shared>> -> memref<128x128xf32, #tpu.memory_space<vmem_shared>>
    %dma_wait3A_2011 = arith.constant 1024 : i32
    %dma_wait3A_2012 = arith.constant 0 : i32
    %dma_wait3A_2013 = tpu.memref_slice %arg12[%dma_wait3A_2011, %dma_wait3A_2012] : memref<3072x128xf32, #tpu.memory_space<vmem_shared>> -> memref<128x128xf32, #tpu.memory_space<vmem_shared>>
    tpu.wait_dma2 semaphore(%arg18 : memref<!tpu.dma_semaphore, #tpu.memory_space<semaphore_mem>>) src(%dma_wait3A_2013 : memref<128x128xf32, #tpu.memory_space<vmem_shared>>) dst(%arg14 : memref<128x128xf32, #tpu.memory_space<vmem>>)
    %dma_start3A_2014 = arith.constant 32 : i32
    %dma_start3A_2015 = arith.constant 0 : i32
    %dma_start3A_2016 = tpu.memref_slice %arg13[%dma_start3A_2014, %dma_start3A_2015] : memref<48x128xi32, #tpu.memory_space<vmem>> -> memref<1x128xi32, #tpu.memory_space<vmem>>
    %dma_start3A_2017 = tpu.memref_squeeze %dma_start3A_2016 : memref<1x128xi32, #tpu.memory_space<vmem>> -> memref<128xi32, #tpu.memory_space<vmem>>
    %dma_start3A_2018 = arith.constant 0 : i32
    %dma_start3A_2019 = arith.constant 0 : i32
    %dma_start3A_2020 = tpu.memref_slice %arg3[%dma_start3A_2018, %dma_start3A_2019] : memref<100000x128xf32, #tpu.memory_space<hbm>> -> memref<100000x128xf32, #tpu.memory_space<hbm>>
    tpu.enqueue_indirect_dma source(%dma_start3A_2020 : memref<100000x128xf32, #tpu.memory_space<hbm>>) target(%arg14 : memref<128x128xf32, #tpu.memory_space<vmem>>) offsets(%dma_start3A_2017 : memref<128xi32, #tpu.memory_space<vmem>>) semaphore(%arg22 : memref<!tpu.dma_semaphore, #tpu.memory_space<semaphore_mem>>) {add = true}
    %dma_wait3A_2021 = arith.constant 31 : i32
    %dma_wait3A_2022 = arith.constant 0 : i32
    %dma_wait3A_2023 = tpu.memref_slice %arg13[%dma_wait3A_2021, %dma_wait3A_2022] : memref<48x128xi32, #tpu.memory_space<vmem>> -> memref<1x128xi32, #tpu.memory_space<vmem>>
    %dma_wait3A_2024 = tpu.memref_squeeze %dma_wait3A_2023 : memref<1x128xi32, #tpu.memory_space<vmem>> -> memref<128xi32, #tpu.memory_space<vmem>>
    %dma_wait3A_2025 = arith.constant 0 : i32
    %dma_wait3A_2026 = arith.constant 0 : i32
    %dma_wait3A_2027 = tpu.memref_slice %arg3[%dma_wait3A_2025, %dma_wait3A_2026] : memref<100000x128xf32, #tpu.memory_space<hbm>> -> memref<100000x128xf32, #tpu.memory_space<hbm>>
    tpu.wait_indirect_dma semaphore(%arg25 : memref<!tpu.dma_semaphore, #tpu.memory_space<semaphore_mem>>) src(%dma_wait3A_2027 : memref<100000x128xf32, #tpu.memory_space<hbm>>) dst(%arg17 : memref<128x128xf32, #tpu.memory_space<vmem>>)
    %add3A_2028 = arith.constant 3968 : i32
    %add3A_2029 = arith.addi %mul3A_2, %add3A_2028 : i32
    %dma_start3A_2030 = arith.constant 0 : i32
    %dma_start3A_2031 = tpu.memref_slice %arg7[%add3A_2029, %dma_start3A_2030] : memref<196608x128xf32, #tpu.memory_space<hbm>> -> memref<128x128xf32, #tpu.memory_space<hbm>>
    %dma_start3A_2032 = arith.constant 0 : i32
    %dma_start3A_2033 = tpu.memref_slice %arg7[%add3A_2029, %dma_start3A_2032] : memref<196608x128xf32, #tpu.memory_space<hbm>> -> memref<128x128xf32, #tpu.memory_space<hbm>>
    tpu.enqueue_dma source(%arg17 : memref<128x128xf32, #tpu.memory_space<vmem>>) target(%dma_start3A_2033 : memref<128x128xf32, #tpu.memory_space<hbm>>) target_semaphore(%arg29 : memref<!tpu.dma_semaphore, #tpu.memory_space<semaphore_mem>>)
    %dma_wait3A_2034 = arith.constant 0 : i32
    %dma_wait3A_2035 = tpu.memref_slice %arg7[%add3A_1993, %dma_wait3A_2034] : memref<196608x128xf32, #tpu.memory_space<hbm>> -> memref<128x128xf32, #tpu.memory_space<hbm>>
    %dma_wait3A_2036 = arith.constant 0 : i32
    %dma_wait3A_2037 = tpu.memref_slice %arg7[%add3A_1993, %dma_wait3A_2036] : memref<196608x128xf32, #tpu.memory_space<hbm>> -> memref<128x128xf32, #tpu.memory_space<hbm>>
    tpu.wait_dma2 semaphore(%arg28 : memref<!tpu.dma_semaphore, #tpu.memory_space<semaphore_mem>>) src(%arg16 : memref<128x128xf32, #tpu.memory_space<vmem>>) dst(%dma_wait3A_2037 : memref<128x128xf32, #tpu.memory_space<hbm>>)
    %dma_start3A_2038 = arith.constant 1280 : i32
    %dma_start3A_2039 = arith.constant 0 : i32
    %dma_start3A_2040 = tpu.memref_slice %arg12[%dma_start3A_2038, %dma_start3A_2039] : memref<3072x128xf32, #tpu.memory_space<vmem_shared>> -> memref<128x128xf32, #tpu.memory_space<vmem_shared>>
    %dma_start3A_2041 = arith.constant 1280 : i32
    %dma_start3A_2042 = arith.constant 0 : i32
    %dma_start3A_2043 = tpu.memref_slice %arg12[%dma_start3A_2041, %dma_start3A_2042] : memref<3072x128xf32, #tpu.memory_space<vmem_shared>> -> memref<128x128xf32, #tpu.memory_space<vmem_shared>>
    tpu.enqueue_dma source(%dma_start3A_2043 : memref<128x128xf32, #tpu.memory_space<vmem_shared>>) target(%arg16 : memref<128x128xf32, #tpu.memory_space<vmem>>) target_semaphore(%arg20 : memref<!tpu.dma_semaphore, #tpu.memory_space<semaphore_mem>>)
    %dma_wait3A_2044 = arith.constant 1152 : i32
    %dma_wait3A_2045 = arith.constant 0 : i32
    %dma_wait3A_2046 = tpu.memref_slice %arg12[%dma_wait3A_2044, %dma_wait3A_2045] : memref<3072x128xf32, #tpu.memory_space<vmem_shared>> -> memref<128x128xf32, #tpu.memory_space<vmem_shared>>
    %dma_wait3A_2047 = arith.constant 1152 : i32
    %dma_wait3A_2048 = arith.constant 0 : i32
    %dma_wait3A_2049 = tpu.memref_slice %arg12[%dma_wait3A_2047, %dma_wait3A_2048] : memref<3072x128xf32, #tpu.memory_space<vmem_shared>> -> memref<128x128xf32, #tpu.memory_space<vmem_shared>>
    tpu.wait_dma2 semaphore(%arg19 : memref<!tpu.dma_semaphore, #tpu.memory_space<semaphore_mem>>) src(%dma_wait3A_2049 : memref<128x128xf32, #tpu.memory_space<vmem_shared>>) dst(%arg15 : memref<128x128xf32, #tpu.memory_space<vmem>>)
    %dma_start3A_2050 = arith.constant 33 : i32
    %dma_start3A_2051 = arith.constant 0 : i32
    %dma_start3A_2052 = tpu.memref_slice %arg13[%dma_start3A_2050, %dma_start3A_2051] : memref<48x128xi32, #tpu.memory_space<vmem>> -> memref<1x128xi32, #tpu.memory_space<vmem>>
    %dma_start3A_2053 = tpu.memref_squeeze %dma_start3A_2052 : memref<1x128xi32, #tpu.memory_space<vmem>> -> memref<128xi32, #tpu.memory_space<vmem>>
    %dma_start3A_2054 = arith.constant 0 : i32
    %dma_start3A_2055 = arith.constant 0 : i32
    %dma_start3A_2056 = tpu.memref_slice %arg3[%dma_start3A_2054, %dma_start3A_2055] : memref<100000x128xf32, #tpu.memory_space<hbm>> -> memref<100000x128xf32, #tpu.memory_space<hbm>>
    tpu.enqueue_indirect_dma source(%dma_start3A_2056 : memref<100000x128xf32, #tpu.memory_space<hbm>>) target(%arg15 : memref<128x128xf32, #tpu.memory_space<vmem>>) offsets(%dma_start3A_2053 : memref<128xi32, #tpu.memory_space<vmem>>) semaphore(%arg23 : memref<!tpu.dma_semaphore, #tpu.memory_space<semaphore_mem>>) {add = true}
    %dma_wait3A_2057 = arith.constant 32 : i32
    %dma_wait3A_2058 = arith.constant 0 : i32
    %dma_wait3A_2059 = tpu.memref_slice %arg13[%dma_wait3A_2057, %dma_wait3A_2058] : memref<48x128xi32, #tpu.memory_space<vmem>> -> memref<1x128xi32, #tpu.memory_space<vmem>>
    %dma_wait3A_2060 = tpu.memref_squeeze %dma_wait3A_2059 : memref<1x128xi32, #tpu.memory_space<vmem>> -> memref<128xi32, #tpu.memory_space<vmem>>
    %dma_wait3A_2061 = arith.constant 0 : i32
    %dma_wait3A_2062 = arith.constant 0 : i32
    %dma_wait3A_2063 = tpu.memref_slice %arg3[%dma_wait3A_2061, %dma_wait3A_2062] : memref<100000x128xf32, #tpu.memory_space<hbm>> -> memref<100000x128xf32, #tpu.memory_space<hbm>>
    tpu.wait_indirect_dma semaphore(%arg22 : memref<!tpu.dma_semaphore, #tpu.memory_space<semaphore_mem>>) src(%dma_wait3A_2063 : memref<100000x128xf32, #tpu.memory_space<hbm>>) dst(%arg14 : memref<128x128xf32, #tpu.memory_space<vmem>>)
    %add3A_2064 = arith.constant 4096 : i32
    %add3A_2065 = arith.addi %mul3A_2, %add3A_2064 : i32
    %dma_start3A_2066 = arith.constant 0 : i32
    %dma_start3A_2067 = tpu.memref_slice %arg7[%add3A_2065, %dma_start3A_2066] : memref<196608x128xf32, #tpu.memory_space<hbm>> -> memref<128x128xf32, #tpu.memory_space<hbm>>
    %dma_start3A_2068 = arith.constant 0 : i32
    %dma_start3A_2069 = tpu.memref_slice %arg7[%add3A_2065, %dma_start3A_2068] : memref<196608x128xf32, #tpu.memory_space<hbm>> -> memref<128x128xf32, #tpu.memory_space<hbm>>
    tpu.enqueue_dma source(%arg14 : memref<128x128xf32, #tpu.memory_space<vmem>>) target(%dma_start3A_2069 : memref<128x128xf32, #tpu.memory_space<hbm>>) target_semaphore(%arg26 : memref<!tpu.dma_semaphore, #tpu.memory_space<semaphore_mem>>)
    %dma_wait3A_2070 = arith.constant 0 : i32
    %dma_wait3A_2071 = tpu.memref_slice %arg7[%add3A_2029, %dma_wait3A_2070] : memref<196608x128xf32, #tpu.memory_space<hbm>> -> memref<128x128xf32, #tpu.memory_space<hbm>>
    %dma_wait3A_2072 = arith.constant 0 : i32
    %dma_wait3A_2073 = tpu.memref_slice %arg7[%add3A_2029, %dma_wait3A_2072] : memref<196608x128xf32, #tpu.memory_space<hbm>> -> memref<128x128xf32, #tpu.memory_space<hbm>>
    tpu.wait_dma2 semaphore(%arg29 : memref<!tpu.dma_semaphore, #tpu.memory_space<semaphore_mem>>) src(%arg17 : memref<128x128xf32, #tpu.memory_space<vmem>>) dst(%dma_wait3A_2073 : memref<128x128xf32, #tpu.memory_space<hbm>>)
    %dma_start3A_2074 = arith.constant 1408 : i32
    %dma_start3A_2075 = arith.constant 0 : i32
    %dma_start3A_2076 = tpu.memref_slice %arg12[%dma_start3A_2074, %dma_start3A_2075] : memref<3072x128xf32, #tpu.memory_space<vmem_shared>> -> memref<128x128xf32, #tpu.memory_space<vmem_shared>>
    %dma_start3A_2077 = arith.constant 1408 : i32
    %dma_start3A_2078 = arith.constant 0 : i32
    %dma_start3A_2079 = tpu.memref_slice %arg12[%dma_start3A_2077, %dma_start3A_2078] : memref<3072x128xf32, #tpu.memory_space<vmem_shared>> -> memref<128x128xf32, #tpu.memory_space<vmem_shared>>
    tpu.enqueue_dma source(%dma_start3A_2079 : memref<128x128xf32, #tpu.memory_space<vmem_shared>>) target(%arg17 : memref<128x128xf32, #tpu.memory_space<vmem>>) target_semaphore(%arg21 : memref<!tpu.dma_semaphore, #tpu.memory_space<semaphore_mem>>)
    %dma_wait3A_2080 = arith.constant 1280 : i32
    %dma_wait3A_2081 = arith.constant 0 : i32
    %dma_wait3A_2082 = tpu.memref_slice %arg12[%dma_wait3A_2080, %dma_wait3A_2081] : memref<3072x128xf32, #tpu.memory_space<vmem_shared>> -> memref<128x128xf32, #tpu.memory_space<vmem_shared>>
    %dma_wait3A_2083 = arith.constant 1280 : i32
    %dma_wait3A_2084 = arith.constant 0 : i32
    %dma_wait3A_2085 = tpu.memref_slice %arg12[%dma_wait3A_2083, %dma_wait3A_2084] : memref<3072x128xf32, #tpu.memory_space<vmem_shared>> -> memref<128x128xf32, #tpu.memory_space<vmem_shared>>
    tpu.wait_dma2 semaphore(%arg20 : memref<!tpu.dma_semaphore, #tpu.memory_space<semaphore_mem>>) src(%dma_wait3A_2085 : memref<128x128xf32, #tpu.memory_space<vmem_shared>>) dst(%arg16 : memref<128x128xf32, #tpu.memory_space<vmem>>)
    %dma_start3A_2086 = arith.constant 34 : i32
    %dma_start3A_2087 = arith.constant 0 : i32
    %dma_start3A_2088 = tpu.memref_slice %arg13[%dma_start3A_2086, %dma_start3A_2087] : memref<48x128xi32, #tpu.memory_space<vmem>> -> memref<1x128xi32, #tpu.memory_space<vmem>>
    %dma_start3A_2089 = tpu.memref_squeeze %dma_start3A_2088 : memref<1x128xi32, #tpu.memory_space<vmem>> -> memref<128xi32, #tpu.memory_space<vmem>>
    %dma_start3A_2090 = arith.constant 0 : i32
    %dma_start3A_2091 = arith.constant 0 : i32
    %dma_start3A_2092 = tpu.memref_slice %arg3[%dma_start3A_2090, %dma_start3A_2091] : memref<100000x128xf32, #tpu.memory_space<hbm>> -> memref<100000x128xf32, #tpu.memory_space<hbm>>
    tpu.enqueue_indirect_dma source(%dma_start3A_2092 : memref<100000x128xf32, #tpu.memory_space<hbm>>) target(%arg16 : memref<128x128xf32, #tpu.memory_space<vmem>>) offsets(%dma_start3A_2089 : memref<128xi32, #tpu.memory_space<vmem>>) semaphore(%arg24 : memref<!tpu.dma_semaphore, #tpu.memory_space<semaphore_mem>>) {add = true}
    %dma_wait3A_2093 = arith.constant 33 : i32
    %dma_wait3A_2094 = arith.constant 0 : i32
    %dma_wait3A_2095 = tpu.memref_slice %arg13[%dma_wait3A_2093, %dma_wait3A_2094] : memref<48x128xi32, #tpu.memory_space<vmem>> -> memref<1x128xi32, #tpu.memory_space<vmem>>
    %dma_wait3A_2096 = tpu.memref_squeeze %dma_wait3A_2095 : memref<1x128xi32, #tpu.memory_space<vmem>> -> memref<128xi32, #tpu.memory_space<vmem>>
    %dma_wait3A_2097 = arith.constant 0 : i32
    %dma_wait3A_2098 = arith.constant 0 : i32
    %dma_wait3A_2099 = tpu.memref_slice %arg3[%dma_wait3A_2097, %dma_wait3A_2098] : memref<100000x128xf32, #tpu.memory_space<hbm>> -> memref<100000x128xf32, #tpu.memory_space<hbm>>
    tpu.wait_indirect_dma semaphore(%arg23 : memref<!tpu.dma_semaphore, #tpu.memory_space<semaphore_mem>>) src(%dma_wait3A_2099 : memref<100000x128xf32, #tpu.memory_space<hbm>>) dst(%arg15 : memref<128x128xf32, #tpu.memory_space<vmem>>)
    %add3A_2100 = arith.constant 4224 : i32
    %add3A_2101 = arith.addi %mul3A_2, %add3A_2100 : i32
    %dma_start3A_2102 = arith.constant 0 : i32
    %dma_start3A_2103 = tpu.memref_slice %arg7[%add3A_2101, %dma_start3A_2102] : memref<196608x128xf32, #tpu.memory_space<hbm>> -> memref<128x128xf32, #tpu.memory_space<hbm>>
    %dma_start3A_2104 = arith.constant 0 : i32
    %dma_start3A_2105 = tpu.memref_slice %arg7[%add3A_2101, %dma_start3A_2104] : memref<196608x128xf32, #tpu.memory_space<hbm>> -> memref<128x128xf32, #tpu.memory_space<hbm>>
    tpu.enqueue_dma source(%arg15 : memref<128x128xf32, #tpu.memory_space<vmem>>) target(%dma_start3A_2105 : memref<128x128xf32, #tpu.memory_space<hbm>>) target_semaphore(%arg27 : memref<!tpu.dma_semaphore, #tpu.memory_space<semaphore_mem>>)
    %dma_wait3A_2106 = arith.constant 0 : i32
    %dma_wait3A_2107 = tpu.memref_slice %arg7[%add3A_2065, %dma_wait3A_2106] : memref<196608x128xf32, #tpu.memory_space<hbm>> -> memref<128x128xf32, #tpu.memory_space<hbm>>
    %dma_wait3A_2108 = arith.constant 0 : i32
    %dma_wait3A_2109 = tpu.memref_slice %arg7[%add3A_2065, %dma_wait3A_2108] : memref<196608x128xf32, #tpu.memory_space<hbm>> -> memref<128x128xf32, #tpu.memory_space<hbm>>
    tpu.wait_dma2 semaphore(%arg26 : memref<!tpu.dma_semaphore, #tpu.memory_space<semaphore_mem>>) src(%arg14 : memref<128x128xf32, #tpu.memory_space<vmem>>) dst(%dma_wait3A_2109 : memref<128x128xf32, #tpu.memory_space<hbm>>)
    %dma_start3A_2110 = arith.constant 1536 : i32
    %dma_start3A_2111 = arith.constant 0 : i32
    %dma_start3A_2112 = tpu.memref_slice %arg12[%dma_start3A_2110, %dma_start3A_2111] : memref<3072x128xf32, #tpu.memory_space<vmem_shared>> -> memref<128x128xf32, #tpu.memory_space<vmem_shared>>
    %dma_start3A_2113 = arith.constant 1536 : i32
    %dma_start3A_2114 = arith.constant 0 : i32
    %dma_start3A_2115 = tpu.memref_slice %arg12[%dma_start3A_2113, %dma_start3A_2114] : memref<3072x128xf32, #tpu.memory_space<vmem_shared>> -> memref<128x128xf32, #tpu.memory_space<vmem_shared>>
    tpu.enqueue_dma source(%dma_start3A_2115 : memref<128x128xf32, #tpu.memory_space<vmem_shared>>) target(%arg14 : memref<128x128xf32, #tpu.memory_space<vmem>>) target_semaphore(%arg18 : memref<!tpu.dma_semaphore, #tpu.memory_space<semaphore_mem>>)
    %dma_wait3A_2116 = arith.constant 1408 : i32
    %dma_wait3A_2117 = arith.constant 0 : i32
    %dma_wait3A_2118 = tpu.memref_slice %arg12[%dma_wait3A_2116, %dma_wait3A_2117] : memref<3072x128xf32, #tpu.memory_space<vmem_shared>> -> memref<128x128xf32, #tpu.memory_space<vmem_shared>>
    %dma_wait3A_2119 = arith.constant 1408 : i32
    %dma_wait3A_2120 = arith.constant 0 : i32
    %dma_wait3A_2121 = tpu.memref_slice %arg12[%dma_wait3A_2119, %dma_wait3A_2120] : memref<3072x128xf32, #tpu.memory_space<vmem_shared>> -> memref<128x128xf32, #tpu.memory_space<vmem_shared>>
    tpu.wait_dma2 semaphore(%arg21 : memref<!tpu.dma_semaphore, #tpu.memory_space<semaphore_mem>>) src(%dma_wait3A_2121 : memref<128x128xf32, #tpu.memory_space<vmem_shared>>) dst(%arg17 : memref<128x128xf32, #tpu.memory_space<vmem>>)
    %dma_start3A_2122 = arith.constant 35 : i32
    %dma_start3A_2123 = arith.constant 0 : i32
    %dma_start3A_2124 = tpu.memref_slice %arg13[%dma_start3A_2122, %dma_start3A_2123] : memref<48x128xi32, #tpu.memory_space<vmem>> -> memref<1x128xi32, #tpu.memory_space<vmem>>
    %dma_start3A_2125 = tpu.memref_squeeze %dma_start3A_2124 : memref<1x128xi32, #tpu.memory_space<vmem>> -> memref<128xi32, #tpu.memory_space<vmem>>
    %dma_start3A_2126 = arith.constant 0 : i32
    %dma_start3A_2127 = arith.constant 0 : i32
    %dma_start3A_2128 = tpu.memref_slice %arg3[%dma_start3A_2126, %dma_start3A_2127] : memref<100000x128xf32, #tpu.memory_space<hbm>> -> memref<100000x128xf32, #tpu.memory_space<hbm>>
    tpu.enqueue_indirect_dma source(%dma_start3A_2128 : memref<100000x128xf32, #tpu.memory_space<hbm>>) target(%arg17 : memref<128x128xf32, #tpu.memory_space<vmem>>) offsets(%dma_start3A_2125 : memref<128xi32, #tpu.memory_space<vmem>>) semaphore(%arg25 : memref<!tpu.dma_semaphore, #tpu.memory_space<semaphore_mem>>) {add = true}
    %dma_wait3A_2129 = arith.constant 34 : i32
    %dma_wait3A_2130 = arith.constant 0 : i32
    %dma_wait3A_2131 = tpu.memref_slice %arg13[%dma_wait3A_2129, %dma_wait3A_2130] : memref<48x128xi32, #tpu.memory_space<vmem>> -> memref<1x128xi32, #tpu.memory_space<vmem>>
    %dma_wait3A_2132 = tpu.memref_squeeze %dma_wait3A_2131 : memref<1x128xi32, #tpu.memory_space<vmem>> -> memref<128xi32, #tpu.memory_space<vmem>>
    %dma_wait3A_2133 = arith.constant 0 : i32
    %dma_wait3A_2134 = arith.constant 0 : i32
    %dma_wait3A_2135 = tpu.memref_slice %arg3[%dma_wait3A_2133, %dma_wait3A_2134] : memref<100000x128xf32, #tpu.memory_space<hbm>> -> memref<100000x128xf32, #tpu.memory_space<hbm>>
    tpu.wait_indirect_dma semaphore(%arg24 : memref<!tpu.dma_semaphore, #tpu.memory_space<semaphore_mem>>) src(%dma_wait3A_2135 : memref<100000x128xf32, #tpu.memory_space<hbm>>) dst(%arg16 : memref<128x128xf32, #tpu.memory_space<vmem>>)
    %add3A_2136 = arith.constant 4352 : i32
    %add3A_2137 = arith.addi %mul3A_2, %add3A_2136 : i32
    %dma_start3A_2138 = arith.constant 0 : i32
    %dma_start3A_2139 = tpu.memref_slice %arg7[%add3A_2137, %dma_start3A_2138] : memref<196608x128xf32, #tpu.memory_space<hbm>> -> memref<128x128xf32, #tpu.memory_space<hbm>>
    %dma_start3A_2140 = arith.constant 0 : i32
    %dma_start3A_2141 = tpu.memref_slice %arg7[%add3A_2137, %dma_start3A_2140] : memref<196608x128xf32, #tpu.memory_space<hbm>> -> memref<128x128xf32, #tpu.memory_space<hbm>>
    tpu.enqueue_dma source(%arg16 : memref<128x128xf32, #tpu.memory_space<vmem>>) target(%dma_start3A_2141 : memref<128x128xf32, #tpu.memory_space<hbm>>) target_semaphore(%arg28 : memref<!tpu.dma_semaphore, #tpu.memory_space<semaphore_mem>>)
    %dma_wait3A_2142 = arith.constant 0 : i32
    %dma_wait3A_2143 = tpu.memref_slice %arg7[%add3A_2101, %dma_wait3A_2142] : memref<196608x128xf32, #tpu.memory_space<hbm>> -> memref<128x128xf32, #tpu.memory_space<hbm>>
    %dma_wait3A_2144 = arith.constant 0 : i32
    %dma_wait3A_2145 = tpu.memref_slice %arg7[%add3A_2101, %dma_wait3A_2144] : memref<196608x128xf32, #tpu.memory_space<hbm>> -> memref<128x128xf32, #tpu.memory_space<hbm>>
    tpu.wait_dma2 semaphore(%arg27 : memref<!tpu.dma_semaphore, #tpu.memory_space<semaphore_mem>>) src(%arg15 : memref<128x128xf32, #tpu.memory_space<vmem>>) dst(%dma_wait3A_2145 : memref<128x128xf32, #tpu.memory_space<hbm>>)
    %dma_start3A_2146 = arith.constant 1664 : i32
    %dma_start3A_2147 = arith.constant 0 : i32
    %dma_start3A_2148 = tpu.memref_slice %arg12[%dma_start3A_2146, %dma_start3A_2147] : memref<3072x128xf32, #tpu.memory_space<vmem_shared>> -> memref<128x128xf32, #tpu.memory_space<vmem_shared>>
    %dma_start3A_2149 = arith.constant 1664 : i32
    %dma_start3A_2150 = arith.constant 0 : i32
    %dma_start3A_2151 = tpu.memref_slice %arg12[%dma_start3A_2149, %dma_start3A_2150] : memref<3072x128xf32, #tpu.memory_space<vmem_shared>> -> memref<128x128xf32, #tpu.memory_space<vmem_shared>>
    tpu.enqueue_dma source(%dma_start3A_2151 : memref<128x128xf32, #tpu.memory_space<vmem_shared>>) target(%arg15 : memref<128x128xf32, #tpu.memory_space<vmem>>) target_semaphore(%arg19 : memref<!tpu.dma_semaphore, #tpu.memory_space<semaphore_mem>>)
    %dma_wait3A_2152 = arith.constant 1536 : i32
    %dma_wait3A_2153 = arith.constant 0 : i32
    %dma_wait3A_2154 = tpu.memref_slice %arg12[%dma_wait3A_2152, %dma_wait3A_2153] : memref<3072x128xf32, #tpu.memory_space<vmem_shared>> -> memref<128x128xf32, #tpu.memory_space<vmem_shared>>
    %dma_wait3A_2155 = arith.constant 1536 : i32
    %dma_wait3A_2156 = arith.constant 0 : i32
    %dma_wait3A_2157 = tpu.memref_slice %arg12[%dma_wait3A_2155, %dma_wait3A_2156] : memref<3072x128xf32, #tpu.memory_space<vmem_shared>> -> memref<128x128xf32, #tpu.memory_space<vmem_shared>>
    tpu.wait_dma2 semaphore(%arg18 : memref<!tpu.dma_semaphore, #tpu.memory_space<semaphore_mem>>) src(%dma_wait3A_2157 : memref<128x128xf32, #tpu.memory_space<vmem_shared>>) dst(%arg14 : memref<128x128xf32, #tpu.memory_space<vmem>>)
    %dma_start3A_2158 = arith.constant 36 : i32
    %dma_start3A_2159 = arith.constant 0 : i32
    %dma_start3A_2160 = tpu.memref_slice %arg13[%dma_start3A_2158, %dma_start3A_2159] : memref<48x128xi32, #tpu.memory_space<vmem>> -> memref<1x128xi32, #tpu.memory_space<vmem>>
    %dma_start3A_2161 = tpu.memref_squeeze %dma_start3A_2160 : memref<1x128xi32, #tpu.memory_space<vmem>> -> memref<128xi32, #tpu.memory_space<vmem>>
    %dma_start3A_2162 = arith.constant 0 : i32
    %dma_start3A_2163 = arith.constant 0 : i32
    %dma_start3A_2164 = tpu.memref_slice %arg3[%dma_start3A_2162, %dma_start3A_2163] : memref<100000x128xf32, #tpu.memory_space<hbm>> -> memref<100000x128xf32, #tpu.memory_space<hbm>>
    tpu.enqueue_indirect_dma source(%dma_start3A_2164 : memref<100000x128xf32, #tpu.memory_space<hbm>>) target(%arg14 : memref<128x128xf32, #tpu.memory_space<vmem>>) offsets(%dma_start3A_2161 : memref<128xi32, #tpu.memory_space<vmem>>) semaphore(%arg22 : memref<!tpu.dma_semaphore, #tpu.memory_space<semaphore_mem>>) {add = true}
    %dma_wait3A_2165 = arith.constant 35 : i32
    %dma_wait3A_2166 = arith.constant 0 : i32
    %dma_wait3A_2167 = tpu.memref_slice %arg13[%dma_wait3A_2165, %dma_wait3A_2166] : memref<48x128xi32, #tpu.memory_space<vmem>> -> memref<1x128xi32, #tpu.memory_space<vmem>>
    %dma_wait3A_2168 = tpu.memref_squeeze %dma_wait3A_2167 : memref<1x128xi32, #tpu.memory_space<vmem>> -> memref<128xi32, #tpu.memory_space<vmem>>
    %dma_wait3A_2169 = arith.constant 0 : i32
    %dma_wait3A_2170 = arith.constant 0 : i32
    %dma_wait3A_2171 = tpu.memref_slice %arg3[%dma_wait3A_2169, %dma_wait3A_2170] : memref<100000x128xf32, #tpu.memory_space<hbm>> -> memref<100000x128xf32, #tpu.memory_space<hbm>>
    tpu.wait_indirect_dma semaphore(%arg25 : memref<!tpu.dma_semaphore, #tpu.memory_space<semaphore_mem>>) src(%dma_wait3A_2171 : memref<100000x128xf32, #tpu.memory_space<hbm>>) dst(%arg17 : memref<128x128xf32, #tpu.memory_space<vmem>>)
    %add3A_2172 = arith.constant 4480 : i32
    %add3A_2173 = arith.addi %mul3A_2, %add3A_2172 : i32
    %dma_start3A_2174 = arith.constant 0 : i32
    %dma_start3A_2175 = tpu.memref_slice %arg7[%add3A_2173, %dma_start3A_2174] : memref<196608x128xf32, #tpu.memory_space<hbm>> -> memref<128x128xf32, #tpu.memory_space<hbm>>
    %dma_start3A_2176 = arith.constant 0 : i32
    %dma_start3A_2177 = tpu.memref_slice %arg7[%add3A_2173, %dma_start3A_2176] : memref<196608x128xf32, #tpu.memory_space<hbm>> -> memref<128x128xf32, #tpu.memory_space<hbm>>
    tpu.enqueue_dma source(%arg17 : memref<128x128xf32, #tpu.memory_space<vmem>>) target(%dma_start3A_2177 : memref<128x128xf32, #tpu.memory_space<hbm>>) target_semaphore(%arg29 : memref<!tpu.dma_semaphore, #tpu.memory_space<semaphore_mem>>)
    %dma_wait3A_2178 = arith.constant 0 : i32
    %dma_wait3A_2179 = tpu.memref_slice %arg7[%add3A_2137, %dma_wait3A_2178] : memref<196608x128xf32, #tpu.memory_space<hbm>> -> memref<128x128xf32, #tpu.memory_space<hbm>>
    %dma_wait3A_2180 = arith.constant 0 : i32
    %dma_wait3A_2181 = tpu.memref_slice %arg7[%add3A_2137, %dma_wait3A_2180] : memref<196608x128xf32, #tpu.memory_space<hbm>> -> memref<128x128xf32, #tpu.memory_space<hbm>>
    tpu.wait_dma2 semaphore(%arg28 : memref<!tpu.dma_semaphore, #tpu.memory_space<semaphore_mem>>) src(%arg16 : memref<128x128xf32, #tpu.memory_space<vmem>>) dst(%dma_wait3A_2181 : memref<128x128xf32, #tpu.memory_space<hbm>>)
    %dma_start3A_2182 = arith.constant 1792 : i32
    %dma_start3A_2183 = arith.constant 0 : i32
    %dma_start3A_2184 = tpu.memref_slice %arg12[%dma_start3A_2182, %dma_start3A_2183] : memref<3072x128xf32, #tpu.memory_space<vmem_shared>> -> memref<128x128xf32, #tpu.memory_space<vmem_shared>>
    %dma_start3A_2185 = arith.constant 1792 : i32
    %dma_start3A_2186 = arith.constant 0 : i32
    %dma_start3A_2187 = tpu.memref_slice %arg12[%dma_start3A_2185, %dma_start3A_2186] : memref<3072x128xf32, #tpu.memory_space<vmem_shared>> -> memref<128x128xf32, #tpu.memory_space<vmem_shared>>
    tpu.enqueue_dma source(%dma_start3A_2187 : memref<128x128xf32, #tpu.memory_space<vmem_shared>>) target(%arg16 : memref<128x128xf32, #tpu.memory_space<vmem>>) target_semaphore(%arg20 : memref<!tpu.dma_semaphore, #tpu.memory_space<semaphore_mem>>)
    %dma_wait3A_2188 = arith.constant 1664 : i32
    %dma_wait3A_2189 = arith.constant 0 : i32
    %dma_wait3A_2190 = tpu.memref_slice %arg12[%dma_wait3A_2188, %dma_wait3A_2189] : memref<3072x128xf32, #tpu.memory_space<vmem_shared>> -> memref<128x128xf32, #tpu.memory_space<vmem_shared>>
    %dma_wait3A_2191 = arith.constant 1664 : i32
    %dma_wait3A_2192 = arith.constant 0 : i32
    %dma_wait3A_2193 = tpu.memref_slice %arg12[%dma_wait3A_2191, %dma_wait3A_2192] : memref<3072x128xf32, #tpu.memory_space<vmem_shared>> -> memref<128x128xf32, #tpu.memory_space<vmem_shared>>
    tpu.wait_dma2 semaphore(%arg19 : memref<!tpu.dma_semaphore, #tpu.memory_space<semaphore_mem>>) src(%dma_wait3A_2193 : memref<128x128xf32, #tpu.memory_space<vmem_shared>>) dst(%arg15 : memref<128x128xf32, #tpu.memory_space<vmem>>)
    %dma_start3A_2194 = arith.constant 37 : i32
    %dma_start3A_2195 = arith.constant 0 : i32
    %dma_start3A_2196 = tpu.memref_slice %arg13[%dma_start3A_2194, %dma_start3A_2195] : memref<48x128xi32, #tpu.memory_space<vmem>> -> memref<1x128xi32, #tpu.memory_space<vmem>>
    %dma_start3A_2197 = tpu.memref_squeeze %dma_start3A_2196 : memref<1x128xi32, #tpu.memory_space<vmem>> -> memref<128xi32, #tpu.memory_space<vmem>>
    %dma_start3A_2198 = arith.constant 0 : i32
    %dma_start3A_2199 = arith.constant 0 : i32
    %dma_start3A_2200 = tpu.memref_slice %arg3[%dma_start3A_2198, %dma_start3A_2199] : memref<100000x128xf32, #tpu.memory_space<hbm>> -> memref<100000x128xf32, #tpu.memory_space<hbm>>
    tpu.enqueue_indirect_dma source(%dma_start3A_2200 : memref<100000x128xf32, #tpu.memory_space<hbm>>) target(%arg15 : memref<128x128xf32, #tpu.memory_space<vmem>>) offsets(%dma_start3A_2197 : memref<128xi32, #tpu.memory_space<vmem>>) semaphore(%arg23 : memref<!tpu.dma_semaphore, #tpu.memory_space<semaphore_mem>>) {add = true}
    %dma_wait3A_2201 = arith.constant 36 : i32
    %dma_wait3A_2202 = arith.constant 0 : i32
    %dma_wait3A_2203 = tpu.memref_slice %arg13[%dma_wait3A_2201, %dma_wait3A_2202] : memref<48x128xi32, #tpu.memory_space<vmem>> -> memref<1x128xi32, #tpu.memory_space<vmem>>
    %dma_wait3A_2204 = tpu.memref_squeeze %dma_wait3A_2203 : memref<1x128xi32, #tpu.memory_space<vmem>> -> memref<128xi32, #tpu.memory_space<vmem>>
    %dma_wait3A_2205 = arith.constant 0 : i32
    %dma_wait3A_2206 = arith.constant 0 : i32
    %dma_wait3A_2207 = tpu.memref_slice %arg3[%dma_wait3A_2205, %dma_wait3A_2206] : memref<100000x128xf32, #tpu.memory_space<hbm>> -> memref<100000x128xf32, #tpu.memory_space<hbm>>
    tpu.wait_indirect_dma semaphore(%arg22 : memref<!tpu.dma_semaphore, #tpu.memory_space<semaphore_mem>>) src(%dma_wait3A_2207 : memref<100000x128xf32, #tpu.memory_space<hbm>>) dst(%arg14 : memref<128x128xf32, #tpu.memory_space<vmem>>)
    %add3A_2208 = arith.constant 4608 : i32
    %add3A_2209 = arith.addi %mul3A_2, %add3A_2208 : i32
    %dma_start3A_2210 = arith.constant 0 : i32
    %dma_start3A_2211 = tpu.memref_slice %arg7[%add3A_2209, %dma_start3A_2210] : memref<196608x128xf32, #tpu.memory_space<hbm>> -> memref<128x128xf32, #tpu.memory_space<hbm>>
    %dma_start3A_2212 = arith.constant 0 : i32
    %dma_start3A_2213 = tpu.memref_slice %arg7[%add3A_2209, %dma_start3A_2212] : memref<196608x128xf32, #tpu.memory_space<hbm>> -> memref<128x128xf32, #tpu.memory_space<hbm>>
    tpu.enqueue_dma source(%arg14 : memref<128x128xf32, #tpu.memory_space<vmem>>) target(%dma_start3A_2213 : memref<128x128xf32, #tpu.memory_space<hbm>>) target_semaphore(%arg26 : memref<!tpu.dma_semaphore, #tpu.memory_space<semaphore_mem>>)
    %dma_wait3A_2214 = arith.constant 0 : i32
    %dma_wait3A_2215 = tpu.memref_slice %arg7[%add3A_2173, %dma_wait3A_2214] : memref<196608x128xf32, #tpu.memory_space<hbm>> -> memref<128x128xf32, #tpu.memory_space<hbm>>
    %dma_wait3A_2216 = arith.constant 0 : i32
    %dma_wait3A_2217 = tpu.memref_slice %arg7[%add3A_2173, %dma_wait3A_2216] : memref<196608x128xf32, #tpu.memory_space<hbm>> -> memref<128x128xf32, #tpu.memory_space<hbm>>
    tpu.wait_dma2 semaphore(%arg29 : memref<!tpu.dma_semaphore, #tpu.memory_space<semaphore_mem>>) src(%arg17 : memref<128x128xf32, #tpu.memory_space<vmem>>) dst(%dma_wait3A_2217 : memref<128x128xf32, #tpu.memory_space<hbm>>)
    %dma_start3A_2218 = arith.constant 1920 : i32
    %dma_start3A_2219 = arith.constant 0 : i32
    %dma_start3A_2220 = tpu.memref_slice %arg12[%dma_start3A_2218, %dma_start3A_2219] : memref<3072x128xf32, #tpu.memory_space<vmem_shared>> -> memref<128x128xf32, #tpu.memory_space<vmem_shared>>
    %dma_start3A_2221 = arith.constant 1920 : i32
    %dma_start3A_2222 = arith.constant 0 : i32
    %dma_start3A_2223 = tpu.memref_slice %arg12[%dma_start3A_2221, %dma_start3A_2222] : memref<3072x128xf32, #tpu.memory_space<vmem_shared>> -> memref<128x128xf32, #tpu.memory_space<vmem_shared>>
    tpu.enqueue_dma source(%dma_start3A_2223 : memref<128x128xf32, #tpu.memory_space<vmem_shared>>) target(%arg17 : memref<128x128xf32, #tpu.memory_space<vmem>>) target_semaphore(%arg21 : memref<!tpu.dma_semaphore, #tpu.memory_space<semaphore_mem>>)
    %dma_wait3A_2224 = arith.constant 1792 : i32
    %dma_wait3A_2225 = arith.constant 0 : i32
    %dma_wait3A_2226 = tpu.memref_slice %arg12[%dma_wait3A_2224, %dma_wait3A_2225] : memref<3072x128xf32, #tpu.memory_space<vmem_shared>> -> memref<128x128xf32, #tpu.memory_space<vmem_shared>>
    %dma_wait3A_2227 = arith.constant 1792 : i32
    %dma_wait3A_2228 = arith.constant 0 : i32
    %dma_wait3A_2229 = tpu.memref_slice %arg12[%dma_wait3A_2227, %dma_wait3A_2228] : memref<3072x128xf32, #tpu.memory_space<vmem_shared>> -> memref<128x128xf32, #tpu.memory_space<vmem_shared>>
    tpu.wait_dma2 semaphore(%arg20 : memref<!tpu.dma_semaphore, #tpu.memory_space<semaphore_mem>>) src(%dma_wait3A_2229 : memref<128x128xf32, #tpu.memory_space<vmem_shared>>) dst(%arg16 : memref<128x128xf32, #tpu.memory_space<vmem>>)
    %dma_start3A_2230 = arith.constant 38 : i32
    %dma_start3A_2231 = arith.constant 0 : i32
    %dma_start3A_2232 = tpu.memref_slice %arg13[%dma_start3A_2230, %dma_start3A_2231] : memref<48x128xi32, #tpu.memory_space<vmem>> -> memref<1x128xi32, #tpu.memory_space<vmem>>
    %dma_start3A_2233 = tpu.memref_squeeze %dma_start3A_2232 : memref<1x128xi32, #tpu.memory_space<vmem>> -> memref<128xi32, #tpu.memory_space<vmem>>
    %dma_start3A_2234 = arith.constant 0 : i32
    %dma_start3A_2235 = arith.constant 0 : i32
    %dma_start3A_2236 = tpu.memref_slice %arg3[%dma_start3A_2234, %dma_start3A_2235] : memref<100000x128xf32, #tpu.memory_space<hbm>> -> memref<100000x128xf32, #tpu.memory_space<hbm>>
    tpu.enqueue_indirect_dma source(%dma_start3A_2236 : memref<100000x128xf32, #tpu.memory_space<hbm>>) target(%arg16 : memref<128x128xf32, #tpu.memory_space<vmem>>) offsets(%dma_start3A_2233 : memref<128xi32, #tpu.memory_space<vmem>>) semaphore(%arg24 : memref<!tpu.dma_semaphore, #tpu.memory_space<semaphore_mem>>) {add = true}
    %dma_wait3A_2237 = arith.constant 37 : i32
    %dma_wait3A_2238 = arith.constant 0 : i32
    %dma_wait3A_2239 = tpu.memref_slice %arg13[%dma_wait3A_2237, %dma_wait3A_2238] : memref<48x128xi32, #tpu.memory_space<vmem>> -> memref<1x128xi32, #tpu.memory_space<vmem>>
    %dma_wait3A_2240 = tpu.memref_squeeze %dma_wait3A_2239 : memref<1x128xi32, #tpu.memory_space<vmem>> -> memref<128xi32, #tpu.memory_space<vmem>>
    %dma_wait3A_2241 = arith.constant 0 : i32
    %dma_wait3A_2242 = arith.constant 0 : i32
    %dma_wait3A_2243 = tpu.memref_slice %arg3[%dma_wait3A_2241, %dma_wait3A_2242] : memref<100000x128xf32, #tpu.memory_space<hbm>> -> memref<100000x128xf32, #tpu.memory_space<hbm>>
    tpu.wait_indirect_dma semaphore(%arg23 : memref<!tpu.dma_semaphore, #tpu.memory_space<semaphore_mem>>) src(%dma_wait3A_2243 : memref<100000x128xf32, #tpu.memory_space<hbm>>) dst(%arg15 : memref<128x128xf32, #tpu.memory_space<vmem>>)
    %add3A_2244 = arith.constant 4736 : i32
    %add3A_2245 = arith.addi %mul3A_2, %add3A_2244 : i32
    %dma_start3A_2246 = arith.constant 0 : i32
    %dma_start3A_2247 = tpu.memref_slice %arg7[%add3A_2245, %dma_start3A_2246] : memref<196608x128xf32, #tpu.memory_space<hbm>> -> memref<128x128xf32, #tpu.memory_space<hbm>>
    %dma_start3A_2248 = arith.constant 0 : i32
    %dma_start3A_2249 = tpu.memref_slice %arg7[%add3A_2245, %dma_start3A_2248] : memref<196608x128xf32, #tpu.memory_space<hbm>> -> memref<128x128xf32, #tpu.memory_space<hbm>>
    tpu.enqueue_dma source(%arg15 : memref<128x128xf32, #tpu.memory_space<vmem>>) target(%dma_start3A_2249 : memref<128x128xf32, #tpu.memory_space<hbm>>) target_semaphore(%arg27 : memref<!tpu.dma_semaphore, #tpu.memory_space<semaphore_mem>>)
    %dma_wait3A_2250 = arith.constant 0 : i32
    %dma_wait3A_2251 = tpu.memref_slice %arg7[%add3A_2209, %dma_wait3A_2250] : memref<196608x128xf32, #tpu.memory_space<hbm>> -> memref<128x128xf32, #tpu.memory_space<hbm>>
    %dma_wait3A_2252 = arith.constant 0 : i32
    %dma_wait3A_2253 = tpu.memref_slice %arg7[%add3A_2209, %dma_wait3A_2252] : memref<196608x128xf32, #tpu.memory_space<hbm>> -> memref<128x128xf32, #tpu.memory_space<hbm>>
    tpu.wait_dma2 semaphore(%arg26 : memref<!tpu.dma_semaphore, #tpu.memory_space<semaphore_mem>>) src(%arg14 : memref<128x128xf32, #tpu.memory_space<vmem>>) dst(%dma_wait3A_2253 : memref<128x128xf32, #tpu.memory_space<hbm>>)
    %dma_start3A_2254 = arith.constant 2048 : i32
    %dma_start3A_2255 = arith.constant 0 : i32
    %dma_start3A_2256 = tpu.memref_slice %arg12[%dma_start3A_2254, %dma_start3A_2255] : memref<3072x128xf32, #tpu.memory_space<vmem_shared>> -> memref<128x128xf32, #tpu.memory_space<vmem_shared>>
    %dma_start3A_2257 = arith.constant 2048 : i32
    %dma_start3A_2258 = arith.constant 0 : i32
    %dma_start3A_2259 = tpu.memref_slice %arg12[%dma_start3A_2257, %dma_start3A_2258] : memref<3072x128xf32, #tpu.memory_space<vmem_shared>> -> memref<128x128xf32, #tpu.memory_space<vmem_shared>>
    tpu.enqueue_dma source(%dma_start3A_2259 : memref<128x128xf32, #tpu.memory_space<vmem_shared>>) target(%arg14 : memref<128x128xf32, #tpu.memory_space<vmem>>) target_semaphore(%arg18 : memref<!tpu.dma_semaphore, #tpu.memory_space<semaphore_mem>>)
    %dma_wait3A_2260 = arith.constant 1920 : i32
    %dma_wait3A_2261 = arith.constant 0 : i32
    %dma_wait3A_2262 = tpu.memref_slice %arg12[%dma_wait3A_2260, %dma_wait3A_2261] : memref<3072x128xf32, #tpu.memory_space<vmem_shared>> -> memref<128x128xf32, #tpu.memory_space<vmem_shared>>
    %dma_wait3A_2263 = arith.constant 1920 : i32
    %dma_wait3A_2264 = arith.constant 0 : i32
    %dma_wait3A_2265 = tpu.memref_slice %arg12[%dma_wait3A_2263, %dma_wait3A_2264] : memref<3072x128xf32, #tpu.memory_space<vmem_shared>> -> memref<128x128xf32, #tpu.memory_space<vmem_shared>>
    tpu.wait_dma2 semaphore(%arg21 : memref<!tpu.dma_semaphore, #tpu.memory_space<semaphore_mem>>) src(%dma_wait3A_2265 : memref<128x128xf32, #tpu.memory_space<vmem_shared>>) dst(%arg17 : memref<128x128xf32, #tpu.memory_space<vmem>>)
    %dma_start3A_2266 = arith.constant 39 : i32
    %dma_start3A_2267 = arith.constant 0 : i32
    %dma_start3A_2268 = tpu.memref_slice %arg13[%dma_start3A_2266, %dma_start3A_2267] : memref<48x128xi32, #tpu.memory_space<vmem>> -> memref<1x128xi32, #tpu.memory_space<vmem>>
    %dma_start3A_2269 = tpu.memref_squeeze %dma_start3A_2268 : memref<1x128xi32, #tpu.memory_space<vmem>> -> memref<128xi32, #tpu.memory_space<vmem>>
    %dma_start3A_2270 = arith.constant 0 : i32
    %dma_start3A_2271 = arith.constant 0 : i32
    %dma_start3A_2272 = tpu.memref_slice %arg3[%dma_start3A_2270, %dma_start3A_2271] : memref<100000x128xf32, #tpu.memory_space<hbm>> -> memref<100000x128xf32, #tpu.memory_space<hbm>>
    tpu.enqueue_indirect_dma source(%dma_start3A_2272 : memref<100000x128xf32, #tpu.memory_space<hbm>>) target(%arg17 : memref<128x128xf32, #tpu.memory_space<vmem>>) offsets(%dma_start3A_2269 : memref<128xi32, #tpu.memory_space<vmem>>) semaphore(%arg25 : memref<!tpu.dma_semaphore, #tpu.memory_space<semaphore_mem>>) {add = true}
    %dma_wait3A_2273 = arith.constant 38 : i32
    %dma_wait3A_2274 = arith.constant 0 : i32
    %dma_wait3A_2275 = tpu.memref_slice %arg13[%dma_wait3A_2273, %dma_wait3A_2274] : memref<48x128xi32, #tpu.memory_space<vmem>> -> memref<1x128xi32, #tpu.memory_space<vmem>>
    %dma_wait3A_2276 = tpu.memref_squeeze %dma_wait3A_2275 : memref<1x128xi32, #tpu.memory_space<vmem>> -> memref<128xi32, #tpu.memory_space<vmem>>
    %dma_wait3A_2277 = arith.constant 0 : i32
    %dma_wait3A_2278 = arith.constant 0 : i32
    %dma_wait3A_2279 = tpu.memref_slice %arg3[%dma_wait3A_2277, %dma_wait3A_2278] : memref<100000x128xf32, #tpu.memory_space<hbm>> -> memref<100000x128xf32, #tpu.memory_space<hbm>>
    tpu.wait_indirect_dma semaphore(%arg24 : memref<!tpu.dma_semaphore, #tpu.memory_space<semaphore_mem>>) src(%dma_wait3A_2279 : memref<100000x128xf32, #tpu.memory_space<hbm>>) dst(%arg16 : memref<128x128xf32, #tpu.memory_space<vmem>>)
    %add3A_2280 = arith.constant 4864 : i32
    %add3A_2281 = arith.addi %mul3A_2, %add3A_2280 : i32
    %dma_start3A_2282 = arith.constant 0 : i32
    %dma_start3A_2283 = tpu.memref_slice %arg7[%add3A_2281, %dma_start3A_2282] : memref<196608x128xf32, #tpu.memory_space<hbm>> -> memref<128x128xf32, #tpu.memory_space<hbm>>
    %dma_start3A_2284 = arith.constant 0 : i32
    %dma_start3A_2285 = tpu.memref_slice %arg7[%add3A_2281, %dma_start3A_2284] : memref<196608x128xf32, #tpu.memory_space<hbm>> -> memref<128x128xf32, #tpu.memory_space<hbm>>
    tpu.enqueue_dma source(%arg16 : memref<128x128xf32, #tpu.memory_space<vmem>>) target(%dma_start3A_2285 : memref<128x128xf32, #tpu.memory_space<hbm>>) target_semaphore(%arg28 : memref<!tpu.dma_semaphore, #tpu.memory_space<semaphore_mem>>)
    %dma_wait3A_2286 = arith.constant 0 : i32
    %dma_wait3A_2287 = tpu.memref_slice %arg7[%add3A_2245, %dma_wait3A_2286] : memref<196608x128xf32, #tpu.memory_space<hbm>> -> memref<128x128xf32, #tpu.memory_space<hbm>>
    %dma_wait3A_2288 = arith.constant 0 : i32
    %dma_wait3A_2289 = tpu.memref_slice %arg7[%add3A_2245, %dma_wait3A_2288] : memref<196608x128xf32, #tpu.memory_space<hbm>> -> memref<128x128xf32, #tpu.memory_space<hbm>>
    tpu.wait_dma2 semaphore(%arg27 : memref<!tpu.dma_semaphore, #tpu.memory_space<semaphore_mem>>) src(%arg15 : memref<128x128xf32, #tpu.memory_space<vmem>>) dst(%dma_wait3A_2289 : memref<128x128xf32, #tpu.memory_space<hbm>>)
    %dma_start3A_2290 = arith.constant 2176 : i32
    %dma_start3A_2291 = arith.constant 0 : i32
    %dma_start3A_2292 = tpu.memref_slice %arg12[%dma_start3A_2290, %dma_start3A_2291] : memref<3072x128xf32, #tpu.memory_space<vmem_shared>> -> memref<128x128xf32, #tpu.memory_space<vmem_shared>>
    %dma_start3A_2293 = arith.constant 2176 : i32
    %dma_start3A_2294 = arith.constant 0 : i32
    %dma_start3A_2295 = tpu.memref_slice %arg12[%dma_start3A_2293, %dma_start3A_2294] : memref<3072x128xf32, #tpu.memory_space<vmem_shared>> -> memref<128x128xf32, #tpu.memory_space<vmem_shared>>
    tpu.enqueue_dma source(%dma_start3A_2295 : memref<128x128xf32, #tpu.memory_space<vmem_shared>>) target(%arg15 : memref<128x128xf32, #tpu.memory_space<vmem>>) target_semaphore(%arg19 : memref<!tpu.dma_semaphore, #tpu.memory_space<semaphore_mem>>)
    %dma_wait3A_2296 = arith.constant 2048 : i32
    %dma_wait3A_2297 = arith.constant 0 : i32
    %dma_wait3A_2298 = tpu.memref_slice %arg12[%dma_wait3A_2296, %dma_wait3A_2297] : memref<3072x128xf32, #tpu.memory_space<vmem_shared>> -> memref<128x128xf32, #tpu.memory_space<vmem_shared>>
    %dma_wait3A_2299 = arith.constant 2048 : i32
    %dma_wait3A_2300 = arith.constant 0 : i32
    %dma_wait3A_2301 = tpu.memref_slice %arg12[%dma_wait3A_2299, %dma_wait3A_2300] : memref<3072x128xf32, #tpu.memory_space<vmem_shared>> -> memref<128x128xf32, #tpu.memory_space<vmem_shared>>
    tpu.wait_dma2 semaphore(%arg18 : memref<!tpu.dma_semaphore, #tpu.memory_space<semaphore_mem>>) src(%dma_wait3A_2301 : memref<128x128xf32, #tpu.memory_space<vmem_shared>>) dst(%arg14 : memref<128x128xf32, #tpu.memory_space<vmem>>)
    %dma_start3A_2302 = arith.constant 40 : i32
    %dma_start3A_2303 = arith.constant 0 : i32
    %dma_start3A_2304 = tpu.memref_slice %arg13[%dma_start3A_2302, %dma_start3A_2303] : memref<48x128xi32, #tpu.memory_space<vmem>> -> memref<1x128xi32, #tpu.memory_space<vmem>>
    %dma_start3A_2305 = tpu.memref_squeeze %dma_start3A_2304 : memref<1x128xi32, #tpu.memory_space<vmem>> -> memref<128xi32, #tpu.memory_space<vmem>>
    %dma_start3A_2306 = arith.constant 0 : i32
    %dma_start3A_2307 = arith.constant 0 : i32
    %dma_start3A_2308 = tpu.memref_slice %arg3[%dma_start3A_2306, %dma_start3A_2307] : memref<100000x128xf32, #tpu.memory_space<hbm>> -> memref<100000x128xf32, #tpu.memory_space<hbm>>
    tpu.enqueue_indirect_dma source(%dma_start3A_2308 : memref<100000x128xf32, #tpu.memory_space<hbm>>) target(%arg14 : memref<128x128xf32, #tpu.memory_space<vmem>>) offsets(%dma_start3A_2305 : memref<128xi32, #tpu.memory_space<vmem>>) semaphore(%arg22 : memref<!tpu.dma_semaphore, #tpu.memory_space<semaphore_mem>>) {add = true}
    %dma_wait3A_2309 = arith.constant 39 : i32
    %dma_wait3A_2310 = arith.constant 0 : i32
    %dma_wait3A_2311 = tpu.memref_slice %arg13[%dma_wait3A_2309, %dma_wait3A_2310] : memref<48x128xi32, #tpu.memory_space<vmem>> -> memref<1x128xi32, #tpu.memory_space<vmem>>
    %dma_wait3A_2312 = tpu.memref_squeeze %dma_wait3A_2311 : memref<1x128xi32, #tpu.memory_space<vmem>> -> memref<128xi32, #tpu.memory_space<vmem>>
    %dma_wait3A_2313 = arith.constant 0 : i32
    %dma_wait3A_2314 = arith.constant 0 : i32
    %dma_wait3A_2315 = tpu.memref_slice %arg3[%dma_wait3A_2313, %dma_wait3A_2314] : memref<100000x128xf32, #tpu.memory_space<hbm>> -> memref<100000x128xf32, #tpu.memory_space<hbm>>
    tpu.wait_indirect_dma semaphore(%arg25 : memref<!tpu.dma_semaphore, #tpu.memory_space<semaphore_mem>>) src(%dma_wait3A_2315 : memref<100000x128xf32, #tpu.memory_space<hbm>>) dst(%arg17 : memref<128x128xf32, #tpu.memory_space<vmem>>)
    %add3A_2316 = arith.constant 4992 : i32
    %add3A_2317 = arith.addi %mul3A_2, %add3A_2316 : i32
    %dma_start3A_2318 = arith.constant 0 : i32
    %dma_start3A_2319 = tpu.memref_slice %arg7[%add3A_2317, %dma_start3A_2318] : memref<196608x128xf32, #tpu.memory_space<hbm>> -> memref<128x128xf32, #tpu.memory_space<hbm>>
    %dma_start3A_2320 = arith.constant 0 : i32
    %dma_start3A_2321 = tpu.memref_slice %arg7[%add3A_2317, %dma_start3A_2320] : memref<196608x128xf32, #tpu.memory_space<hbm>> -> memref<128x128xf32, #tpu.memory_space<hbm>>
    tpu.enqueue_dma source(%arg17 : memref<128x128xf32, #tpu.memory_space<vmem>>) target(%dma_start3A_2321 : memref<128x128xf32, #tpu.memory_space<hbm>>) target_semaphore(%arg29 : memref<!tpu.dma_semaphore, #tpu.memory_space<semaphore_mem>>)
    %dma_wait3A_2322 = arith.constant 0 : i32
    %dma_wait3A_2323 = tpu.memref_slice %arg7[%add3A_2281, %dma_wait3A_2322] : memref<196608x128xf32, #tpu.memory_space<hbm>> -> memref<128x128xf32, #tpu.memory_space<hbm>>
    %dma_wait3A_2324 = arith.constant 0 : i32
    %dma_wait3A_2325 = tpu.memref_slice %arg7[%add3A_2281, %dma_wait3A_2324] : memref<196608x128xf32, #tpu.memory_space<hbm>> -> memref<128x128xf32, #tpu.memory_space<hbm>>
    tpu.wait_dma2 semaphore(%arg28 : memref<!tpu.dma_semaphore, #tpu.memory_space<semaphore_mem>>) src(%arg16 : memref<128x128xf32, #tpu.memory_space<vmem>>) dst(%dma_wait3A_2325 : memref<128x128xf32, #tpu.memory_space<hbm>>)
    %dma_start3A_2326 = arith.constant 2304 : i32
    %dma_start3A_2327 = arith.constant 0 : i32
    %dma_start3A_2328 = tpu.memref_slice %arg12[%dma_start3A_2326, %dma_start3A_2327] : memref<3072x128xf32, #tpu.memory_space<vmem_shared>> -> memref<128x128xf32, #tpu.memory_space<vmem_shared>>
    %dma_start3A_2329 = arith.constant 2304 : i32
    %dma_start3A_2330 = arith.constant 0 : i32
    %dma_start3A_2331 = tpu.memref_slice %arg12[%dma_start3A_2329, %dma_start3A_2330] : memref<3072x128xf32, #tpu.memory_space<vmem_shared>> -> memref<128x128xf32, #tpu.memory_space<vmem_shared>>
    tpu.enqueue_dma source(%dma_start3A_2331 : memref<128x128xf32, #tpu.memory_space<vmem_shared>>) target(%arg16 : memref<128x128xf32, #tpu.memory_space<vmem>>) target_semaphore(%arg20 : memref<!tpu.dma_semaphore, #tpu.memory_space<semaphore_mem>>)
    %dma_wait3A_2332 = arith.constant 2176 : i32
    %dma_wait3A_2333 = arith.constant 0 : i32
    %dma_wait3A_2334 = tpu.memref_slice %arg12[%dma_wait3A_2332, %dma_wait3A_2333] : memref<3072x128xf32, #tpu.memory_space<vmem_shared>> -> memref<128x128xf32, #tpu.memory_space<vmem_shared>>
    %dma_wait3A_2335 = arith.constant 2176 : i32
    %dma_wait3A_2336 = arith.constant 0 : i32
    %dma_wait3A_2337 = tpu.memref_slice %arg12[%dma_wait3A_2335, %dma_wait3A_2336] : memref<3072x128xf32, #tpu.memory_space<vmem_shared>> -> memref<128x128xf32, #tpu.memory_space<vmem_shared>>
    tpu.wait_dma2 semaphore(%arg19 : memref<!tpu.dma_semaphore, #tpu.memory_space<semaphore_mem>>) src(%dma_wait3A_2337 : memref<128x128xf32, #tpu.memory_space<vmem_shared>>) dst(%arg15 : memref<128x128xf32, #tpu.memory_space<vmem>>)
    %dma_start3A_2338 = arith.constant 41 : i32
    %dma_start3A_2339 = arith.constant 0 : i32
    %dma_start3A_2340 = tpu.memref_slice %arg13[%dma_start3A_2338, %dma_start3A_2339] : memref<48x128xi32, #tpu.memory_space<vmem>> -> memref<1x128xi32, #tpu.memory_space<vmem>>
    %dma_start3A_2341 = tpu.memref_squeeze %dma_start3A_2340 : memref<1x128xi32, #tpu.memory_space<vmem>> -> memref<128xi32, #tpu.memory_space<vmem>>
    %dma_start3A_2342 = arith.constant 0 : i32
    %dma_start3A_2343 = arith.constant 0 : i32
    %dma_start3A_2344 = tpu.memref_slice %arg3[%dma_start3A_2342, %dma_start3A_2343] : memref<100000x128xf32, #tpu.memory_space<hbm>> -> memref<100000x128xf32, #tpu.memory_space<hbm>>
    tpu.enqueue_indirect_dma source(%dma_start3A_2344 : memref<100000x128xf32, #tpu.memory_space<hbm>>) target(%arg15 : memref<128x128xf32, #tpu.memory_space<vmem>>) offsets(%dma_start3A_2341 : memref<128xi32, #tpu.memory_space<vmem>>) semaphore(%arg23 : memref<!tpu.dma_semaphore, #tpu.memory_space<semaphore_mem>>) {add = true}
    %dma_wait3A_2345 = arith.constant 40 : i32
    %dma_wait3A_2346 = arith.constant 0 : i32
    %dma_wait3A_2347 = tpu.memref_slice %arg13[%dma_wait3A_2345, %dma_wait3A_2346] : memref<48x128xi32, #tpu.memory_space<vmem>> -> memref<1x128xi32, #tpu.memory_space<vmem>>
    %dma_wait3A_2348 = tpu.memref_squeeze %dma_wait3A_2347 : memref<1x128xi32, #tpu.memory_space<vmem>> -> memref<128xi32, #tpu.memory_space<vmem>>
    %dma_wait3A_2349 = arith.constant 0 : i32
    %dma_wait3A_2350 = arith.constant 0 : i32
    %dma_wait3A_2351 = tpu.memref_slice %arg3[%dma_wait3A_2349, %dma_wait3A_2350] : memref<100000x128xf32, #tpu.memory_space<hbm>> -> memref<100000x128xf32, #tpu.memory_space<hbm>>
    tpu.wait_indirect_dma semaphore(%arg22 : memref<!tpu.dma_semaphore, #tpu.memory_space<semaphore_mem>>) src(%dma_wait3A_2351 : memref<100000x128xf32, #tpu.memory_space<hbm>>) dst(%arg14 : memref<128x128xf32, #tpu.memory_space<vmem>>)
    %add3A_2352 = arith.constant 5120 : i32
    %add3A_2353 = arith.addi %mul3A_2, %add3A_2352 : i32
    %dma_start3A_2354 = arith.constant 0 : i32
    %dma_start3A_2355 = tpu.memref_slice %arg7[%add3A_2353, %dma_start3A_2354] : memref<196608x128xf32, #tpu.memory_space<hbm>> -> memref<128x128xf32, #tpu.memory_space<hbm>>
    %dma_start3A_2356 = arith.constant 0 : i32
    %dma_start3A_2357 = tpu.memref_slice %arg7[%add3A_2353, %dma_start3A_2356] : memref<196608x128xf32, #tpu.memory_space<hbm>> -> memref<128x128xf32, #tpu.memory_space<hbm>>
    tpu.enqueue_dma source(%arg14 : memref<128x128xf32, #tpu.memory_space<vmem>>) target(%dma_start3A_2357 : memref<128x128xf32, #tpu.memory_space<hbm>>) target_semaphore(%arg26 : memref<!tpu.dma_semaphore, #tpu.memory_space<semaphore_mem>>)
    %dma_wait3A_2358 = arith.constant 0 : i32
    %dma_wait3A_2359 = tpu.memref_slice %arg7[%add3A_2317, %dma_wait3A_2358] : memref<196608x128xf32, #tpu.memory_space<hbm>> -> memref<128x128xf32, #tpu.memory_space<hbm>>
    %dma_wait3A_2360 = arith.constant 0 : i32
    %dma_wait3A_2361 = tpu.memref_slice %arg7[%add3A_2317, %dma_wait3A_2360] : memref<196608x128xf32, #tpu.memory_space<hbm>> -> memref<128x128xf32, #tpu.memory_space<hbm>>
    tpu.wait_dma2 semaphore(%arg29 : memref<!tpu.dma_semaphore, #tpu.memory_space<semaphore_mem>>) src(%arg17 : memref<128x128xf32, #tpu.memory_space<vmem>>) dst(%dma_wait3A_2361 : memref<128x128xf32, #tpu.memory_space<hbm>>)
    %dma_start3A_2362 = arith.constant 2432 : i32
    %dma_start3A_2363 = arith.constant 0 : i32
    %dma_start3A_2364 = tpu.memref_slice %arg12[%dma_start3A_2362, %dma_start3A_2363] : memref<3072x128xf32, #tpu.memory_space<vmem_shared>> -> memref<128x128xf32, #tpu.memory_space<vmem_shared>>
    %dma_start3A_2365 = arith.constant 2432 : i32
    %dma_start3A_2366 = arith.constant 0 : i32
    %dma_start3A_2367 = tpu.memref_slice %arg12[%dma_start3A_2365, %dma_start3A_2366] : memref<3072x128xf32, #tpu.memory_space<vmem_shared>> -> memref<128x128xf32, #tpu.memory_space<vmem_shared>>
    tpu.enqueue_dma source(%dma_start3A_2367 : memref<128x128xf32, #tpu.memory_space<vmem_shared>>) target(%arg17 : memref<128x128xf32, #tpu.memory_space<vmem>>) target_semaphore(%arg21 : memref<!tpu.dma_semaphore, #tpu.memory_space<semaphore_mem>>)
    %dma_wait3A_2368 = arith.constant 2304 : i32
    %dma_wait3A_2369 = arith.constant 0 : i32
    %dma_wait3A_2370 = tpu.memref_slice %arg12[%dma_wait3A_2368, %dma_wait3A_2369] : memref<3072x128xf32, #tpu.memory_space<vmem_shared>> -> memref<128x128xf32, #tpu.memory_space<vmem_shared>>
    %dma_wait3A_2371 = arith.constant 2304 : i32
    %dma_wait3A_2372 = arith.constant 0 : i32
    %dma_wait3A_2373 = tpu.memref_slice %arg12[%dma_wait3A_2371, %dma_wait3A_2372] : memref<3072x128xf32, #tpu.memory_space<vmem_shared>> -> memref<128x128xf32, #tpu.memory_space<vmem_shared>>
    tpu.wait_dma2 semaphore(%arg20 : memref<!tpu.dma_semaphore, #tpu.memory_space<semaphore_mem>>) src(%dma_wait3A_2373 : memref<128x128xf32, #tpu.memory_space<vmem_shared>>) dst(%arg16 : memref<128x128xf32, #tpu.memory_space<vmem>>)
    %dma_start3A_2374 = arith.constant 42 : i32
    %dma_start3A_2375 = arith.constant 0 : i32
    %dma_start3A_2376 = tpu.memref_slice %arg13[%dma_start3A_2374, %dma_start3A_2375] : memref<48x128xi32, #tpu.memory_space<vmem>> -> memref<1x128xi32, #tpu.memory_space<vmem>>
    %dma_start3A_2377 = tpu.memref_squeeze %dma_start3A_2376 : memref<1x128xi32, #tpu.memory_space<vmem>> -> memref<128xi32, #tpu.memory_space<vmem>>
    %dma_start3A_2378 = arith.constant 0 : i32
    %dma_start3A_2379 = arith.constant 0 : i32
    %dma_start3A_2380 = tpu.memref_slice %arg3[%dma_start3A_2378, %dma_start3A_2379] : memref<100000x128xf32, #tpu.memory_space<hbm>> -> memref<100000x128xf32, #tpu.memory_space<hbm>>
    tpu.enqueue_indirect_dma source(%dma_start3A_2380 : memref<100000x128xf32, #tpu.memory_space<hbm>>) target(%arg16 : memref<128x128xf32, #tpu.memory_space<vmem>>) offsets(%dma_start3A_2377 : memref<128xi32, #tpu.memory_space<vmem>>) semaphore(%arg24 : memref<!tpu.dma_semaphore, #tpu.memory_space<semaphore_mem>>) {add = true}
    %dma_wait3A_2381 = arith.constant 41 : i32
    %dma_wait3A_2382 = arith.constant 0 : i32
    %dma_wait3A_2383 = tpu.memref_slice %arg13[%dma_wait3A_2381, %dma_wait3A_2382] : memref<48x128xi32, #tpu.memory_space<vmem>> -> memref<1x128xi32, #tpu.memory_space<vmem>>
    %dma_wait3A_2384 = tpu.memref_squeeze %dma_wait3A_2383 : memref<1x128xi32, #tpu.memory_space<vmem>> -> memref<128xi32, #tpu.memory_space<vmem>>
    %dma_wait3A_2385 = arith.constant 0 : i32
    %dma_wait3A_2386 = arith.constant 0 : i32
    %dma_wait3A_2387 = tpu.memref_slice %arg3[%dma_wait3A_2385, %dma_wait3A_2386] : memref<100000x128xf32, #tpu.memory_space<hbm>> -> memref<100000x128xf32, #tpu.memory_space<hbm>>
    tpu.wait_indirect_dma semaphore(%arg23 : memref<!tpu.dma_semaphore, #tpu.memory_space<semaphore_mem>>) src(%dma_wait3A_2387 : memref<100000x128xf32, #tpu.memory_space<hbm>>) dst(%arg15 : memref<128x128xf32, #tpu.memory_space<vmem>>)
    %add3A_2388 = arith.constant 5248 : i32
    %add3A_2389 = arith.addi %mul3A_2, %add3A_2388 : i32
    %dma_start3A_2390 = arith.constant 0 : i32
    %dma_start3A_2391 = tpu.memref_slice %arg7[%add3A_2389, %dma_start3A_2390] : memref<196608x128xf32, #tpu.memory_space<hbm>> -> memref<128x128xf32, #tpu.memory_space<hbm>>
    %dma_start3A_2392 = arith.constant 0 : i32
    %dma_start3A_2393 = tpu.memref_slice %arg7[%add3A_2389, %dma_start3A_2392] : memref<196608x128xf32, #tpu.memory_space<hbm>> -> memref<128x128xf32, #tpu.memory_space<hbm>>
    tpu.enqueue_dma source(%arg15 : memref<128x128xf32, #tpu.memory_space<vmem>>) target(%dma_start3A_2393 : memref<128x128xf32, #tpu.memory_space<hbm>>) target_semaphore(%arg27 : memref<!tpu.dma_semaphore, #tpu.memory_space<semaphore_mem>>)
    %dma_wait3A_2394 = arith.constant 0 : i32
    %dma_wait3A_2395 = tpu.memref_slice %arg7[%add3A_2353, %dma_wait3A_2394] : memref<196608x128xf32, #tpu.memory_space<hbm>> -> memref<128x128xf32, #tpu.memory_space<hbm>>
    %dma_wait3A_2396 = arith.constant 0 : i32
    %dma_wait3A_2397 = tpu.memref_slice %arg7[%add3A_2353, %dma_wait3A_2396] : memref<196608x128xf32, #tpu.memory_space<hbm>> -> memref<128x128xf32, #tpu.memory_space<hbm>>
    tpu.wait_dma2 semaphore(%arg26 : memref<!tpu.dma_semaphore, #tpu.memory_space<semaphore_mem>>) src(%arg14 : memref<128x128xf32, #tpu.memory_space<vmem>>) dst(%dma_wait3A_2397 : memref<128x128xf32, #tpu.memory_space<hbm>>)
    %dma_start3A_2398 = arith.constant 2560 : i32
    %dma_start3A_2399 = arith.constant 0 : i32
    %dma_start3A_2400 = tpu.memref_slice %arg12[%dma_start3A_2398, %dma_start3A_2399] : memref<3072x128xf32, #tpu.memory_space<vmem_shared>> -> memref<128x128xf32, #tpu.memory_space<vmem_shared>>
    %dma_start3A_2401 = arith.constant 2560 : i32
    %dma_start3A_2402 = arith.constant 0 : i32
    %dma_start3A_2403 = tpu.memref_slice %arg12[%dma_start3A_2401, %dma_start3A_2402] : memref<3072x128xf32, #tpu.memory_space<vmem_shared>> -> memref<128x128xf32, #tpu.memory_space<vmem_shared>>
    tpu.enqueue_dma source(%dma_start3A_2403 : memref<128x128xf32, #tpu.memory_space<vmem_shared>>) target(%arg14 : memref<128x128xf32, #tpu.memory_space<vmem>>) target_semaphore(%arg18 : memref<!tpu.dma_semaphore, #tpu.memory_space<semaphore_mem>>)
    %dma_wait3A_2404 = arith.constant 2432 : i32
    %dma_wait3A_2405 = arith.constant 0 : i32
    %dma_wait3A_2406 = tpu.memref_slice %arg12[%dma_wait3A_2404, %dma_wait3A_2405] : memref<3072x128xf32, #tpu.memory_space<vmem_shared>> -> memref<128x128xf32, #tpu.memory_space<vmem_shared>>
    %dma_wait3A_2407 = arith.constant 2432 : i32
    %dma_wait3A_2408 = arith.constant 0 : i32
    %dma_wait3A_2409 = tpu.memref_slice %arg12[%dma_wait3A_2407, %dma_wait3A_2408] : memref<3072x128xf32, #tpu.memory_space<vmem_shared>> -> memref<128x128xf32, #tpu.memory_space<vmem_shared>>
    tpu.wait_dma2 semaphore(%arg21 : memref<!tpu.dma_semaphore, #tpu.memory_space<semaphore_mem>>) src(%dma_wait3A_2409 : memref<128x128xf32, #tpu.memory_space<vmem_shared>>) dst(%arg17 : memref<128x128xf32, #tpu.memory_space<vmem>>)
    %dma_start3A_2410 = arith.constant 43 : i32
    %dma_start3A_2411 = arith.constant 0 : i32
    %dma_start3A_2412 = tpu.memref_slice %arg13[%dma_start3A_2410, %dma_start3A_2411] : memref<48x128xi32, #tpu.memory_space<vmem>> -> memref<1x128xi32, #tpu.memory_space<vmem>>
    %dma_start3A_2413 = tpu.memref_squeeze %dma_start3A_2412 : memref<1x128xi32, #tpu.memory_space<vmem>> -> memref<128xi32, #tpu.memory_space<vmem>>
    %dma_start3A_2414 = arith.constant 0 : i32
    %dma_start3A_2415 = arith.constant 0 : i32
    %dma_start3A_2416 = tpu.memref_slice %arg3[%dma_start3A_2414, %dma_start3A_2415] : memref<100000x128xf32, #tpu.memory_space<hbm>> -> memref<100000x128xf32, #tpu.memory_space<hbm>>
    tpu.enqueue_indirect_dma source(%dma_start3A_2416 : memref<100000x128xf32, #tpu.memory_space<hbm>>) target(%arg17 : memref<128x128xf32, #tpu.memory_space<vmem>>) offsets(%dma_start3A_2413 : memref<128xi32, #tpu.memory_space<vmem>>) semaphore(%arg25 : memref<!tpu.dma_semaphore, #tpu.memory_space<semaphore_mem>>) {add = true}
    %dma_wait3A_2417 = arith.constant 42 : i32
    %dma_wait3A_2418 = arith.constant 0 : i32
    %dma_wait3A_2419 = tpu.memref_slice %arg13[%dma_wait3A_2417, %dma_wait3A_2418] : memref<48x128xi32, #tpu.memory_space<vmem>> -> memref<1x128xi32, #tpu.memory_space<vmem>>
    %dma_wait3A_2420 = tpu.memref_squeeze %dma_wait3A_2419 : memref<1x128xi32, #tpu.memory_space<vmem>> -> memref<128xi32, #tpu.memory_space<vmem>>
    %dma_wait3A_2421 = arith.constant 0 : i32
    %dma_wait3A_2422 = arith.constant 0 : i32
    %dma_wait3A_2423 = tpu.memref_slice %arg3[%dma_wait3A_2421, %dma_wait3A_2422] : memref<100000x128xf32, #tpu.memory_space<hbm>> -> memref<100000x128xf32, #tpu.memory_space<hbm>>
    tpu.wait_indirect_dma semaphore(%arg24 : memref<!tpu.dma_semaphore, #tpu.memory_space<semaphore_mem>>) src(%dma_wait3A_2423 : memref<100000x128xf32, #tpu.memory_space<hbm>>) dst(%arg16 : memref<128x128xf32, #tpu.memory_space<vmem>>)
    %add3A_2424 = arith.constant 5376 : i32
    %add3A_2425 = arith.addi %mul3A_2, %add3A_2424 : i32
    %dma_start3A_2426 = arith.constant 0 : i32
    %dma_start3A_2427 = tpu.memref_slice %arg7[%add3A_2425, %dma_start3A_2426] : memref<196608x128xf32, #tpu.memory_space<hbm>> -> memref<128x128xf32, #tpu.memory_space<hbm>>
    %dma_start3A_2428 = arith.constant 0 : i32
    %dma_start3A_2429 = tpu.memref_slice %arg7[%add3A_2425, %dma_start3A_2428] : memref<196608x128xf32, #tpu.memory_space<hbm>> -> memref<128x128xf32, #tpu.memory_space<hbm>>
    tpu.enqueue_dma source(%arg16 : memref<128x128xf32, #tpu.memory_space<vmem>>) target(%dma_start3A_2429 : memref<128x128xf32, #tpu.memory_space<hbm>>) target_semaphore(%arg28 : memref<!tpu.dma_semaphore, #tpu.memory_space<semaphore_mem>>)
    %dma_wait3A_2430 = arith.constant 0 : i32
    %dma_wait3A_2431 = tpu.memref_slice %arg7[%add3A_2389, %dma_wait3A_2430] : memref<196608x128xf32, #tpu.memory_space<hbm>> -> memref<128x128xf32, #tpu.memory_space<hbm>>
    %dma_wait3A_2432 = arith.constant 0 : i32
    %dma_wait3A_2433 = tpu.memref_slice %arg7[%add3A_2389, %dma_wait3A_2432] : memref<196608x128xf32, #tpu.memory_space<hbm>> -> memref<128x128xf32, #tpu.memory_space<hbm>>
    tpu.wait_dma2 semaphore(%arg27 : memref<!tpu.dma_semaphore, #tpu.memory_space<semaphore_mem>>) src(%arg15 : memref<128x128xf32, #tpu.memory_space<vmem>>) dst(%dma_wait3A_2433 : memref<128x128xf32, #tpu.memory_space<hbm>>)
    %dma_start3A_2434 = arith.constant 2688 : i32
    %dma_start3A_2435 = arith.constant 0 : i32
    %dma_start3A_2436 = tpu.memref_slice %arg12[%dma_start3A_2434, %dma_start3A_2435] : memref<3072x128xf32, #tpu.memory_space<vmem_shared>> -> memref<128x128xf32, #tpu.memory_space<vmem_shared>>
    %dma_start3A_2437 = arith.constant 2688 : i32
    %dma_start3A_2438 = arith.constant 0 : i32
    %dma_start3A_2439 = tpu.memref_slice %arg12[%dma_start3A_2437, %dma_start3A_2438] : memref<3072x128xf32, #tpu.memory_space<vmem_shared>> -> memref<128x128xf32, #tpu.memory_space<vmem_shared>>
    tpu.enqueue_dma source(%dma_start3A_2439 : memref<128x128xf32, #tpu.memory_space<vmem_shared>>) target(%arg15 : memref<128x128xf32, #tpu.memory_space<vmem>>) target_semaphore(%arg19 : memref<!tpu.dma_semaphore, #tpu.memory_space<semaphore_mem>>)
    %dma_wait3A_2440 = arith.constant 2560 : i32
    %dma_wait3A_2441 = arith.constant 0 : i32
    %dma_wait3A_2442 = tpu.memref_slice %arg12[%dma_wait3A_2440, %dma_wait3A_2441] : memref<3072x128xf32, #tpu.memory_space<vmem_shared>> -> memref<128x128xf32, #tpu.memory_space<vmem_shared>>
    %dma_wait3A_2443 = arith.constant 2560 : i32
    %dma_wait3A_2444 = arith.constant 0 : i32
    %dma_wait3A_2445 = tpu.memref_slice %arg12[%dma_wait3A_2443, %dma_wait3A_2444] : memref<3072x128xf32, #tpu.memory_space<vmem_shared>> -> memref<128x128xf32, #tpu.memory_space<vmem_shared>>
    tpu.wait_dma2 semaphore(%arg18 : memref<!tpu.dma_semaphore, #tpu.memory_space<semaphore_mem>>) src(%dma_wait3A_2445 : memref<128x128xf32, #tpu.memory_space<vmem_shared>>) dst(%arg14 : memref<128x128xf32, #tpu.memory_space<vmem>>)
    %dma_start3A_2446 = arith.constant 44 : i32
    %dma_start3A_2447 = arith.constant 0 : i32
    %dma_start3A_2448 = tpu.memref_slice %arg13[%dma_start3A_2446, %dma_start3A_2447] : memref<48x128xi32, #tpu.memory_space<vmem>> -> memref<1x128xi32, #tpu.memory_space<vmem>>
    %dma_start3A_2449 = tpu.memref_squeeze %dma_start3A_2448 : memref<1x128xi32, #tpu.memory_space<vmem>> -> memref<128xi32, #tpu.memory_space<vmem>>
    %dma_start3A_2450 = arith.constant 0 : i32
    %dma_start3A_2451 = arith.constant 0 : i32
    %dma_start3A_2452 = tpu.memref_slice %arg3[%dma_start3A_2450, %dma_start3A_2451] : memref<100000x128xf32, #tpu.memory_space<hbm>> -> memref<100000x128xf32, #tpu.memory_space<hbm>>
    tpu.enqueue_indirect_dma source(%dma_start3A_2452 : memref<100000x128xf32, #tpu.memory_space<hbm>>) target(%arg14 : memref<128x128xf32, #tpu.memory_space<vmem>>) offsets(%dma_start3A_2449 : memref<128xi32, #tpu.memory_space<vmem>>) semaphore(%arg22 : memref<!tpu.dma_semaphore, #tpu.memory_space<semaphore_mem>>) {add = true}
    %dma_wait3A_2453 = arith.constant 43 : i32
    %dma_wait3A_2454 = arith.constant 0 : i32
    %dma_wait3A_2455 = tpu.memref_slice %arg13[%dma_wait3A_2453, %dma_wait3A_2454] : memref<48x128xi32, #tpu.memory_space<vmem>> -> memref<1x128xi32, #tpu.memory_space<vmem>>
    %dma_wait3A_2456 = tpu.memref_squeeze %dma_wait3A_2455 : memref<1x128xi32, #tpu.memory_space<vmem>> -> memref<128xi32, #tpu.memory_space<vmem>>
    %dma_wait3A_2457 = arith.constant 0 : i32
    %dma_wait3A_2458 = arith.constant 0 : i32
    %dma_wait3A_2459 = tpu.memref_slice %arg3[%dma_wait3A_2457, %dma_wait3A_2458] : memref<100000x128xf32, #tpu.memory_space<hbm>> -> memref<100000x128xf32, #tpu.memory_space<hbm>>
    tpu.wait_indirect_dma semaphore(%arg25 : memref<!tpu.dma_semaphore, #tpu.memory_space<semaphore_mem>>) src(%dma_wait3A_2459 : memref<100000x128xf32, #tpu.memory_space<hbm>>) dst(%arg17 : memref<128x128xf32, #tpu.memory_space<vmem>>)
    %add3A_2460 = arith.constant 5504 : i32
    %add3A_2461 = arith.addi %mul3A_2, %add3A_2460 : i32
    %dma_start3A_2462 = arith.constant 0 : i32
    %dma_start3A_2463 = tpu.memref_slice %arg7[%add3A_2461, %dma_start3A_2462] : memref<196608x128xf32, #tpu.memory_space<hbm>> -> memref<128x128xf32, #tpu.memory_space<hbm>>
    %dma_start3A_2464 = arith.constant 0 : i32
    %dma_start3A_2465 = tpu.memref_slice %arg7[%add3A_2461, %dma_start3A_2464] : memref<196608x128xf32, #tpu.memory_space<hbm>> -> memref<128x128xf32, #tpu.memory_space<hbm>>
    tpu.enqueue_dma source(%arg17 : memref<128x128xf32, #tpu.memory_space<vmem>>) target(%dma_start3A_2465 : memref<128x128xf32, #tpu.memory_space<hbm>>) target_semaphore(%arg29 : memref<!tpu.dma_semaphore, #tpu.memory_space<semaphore_mem>>)
    %dma_wait3A_2466 = arith.constant 0 : i32
    %dma_wait3A_2467 = tpu.memref_slice %arg7[%add3A_2425, %dma_wait3A_2466] : memref<196608x128xf32, #tpu.memory_space<hbm>> -> memref<128x128xf32, #tpu.memory_space<hbm>>
    %dma_wait3A_2468 = arith.constant 0 : i32
    %dma_wait3A_2469 = tpu.memref_slice %arg7[%add3A_2425, %dma_wait3A_2468] : memref<196608x128xf32, #tpu.memory_space<hbm>> -> memref<128x128xf32, #tpu.memory_space<hbm>>
    tpu.wait_dma2 semaphore(%arg28 : memref<!tpu.dma_semaphore, #tpu.memory_space<semaphore_mem>>) src(%arg16 : memref<128x128xf32, #tpu.memory_space<vmem>>) dst(%dma_wait3A_2469 : memref<128x128xf32, #tpu.memory_space<hbm>>)
    %dma_start3A_2470 = arith.constant 2816 : i32
    %dma_start3A_2471 = arith.constant 0 : i32
    %dma_start3A_2472 = tpu.memref_slice %arg12[%dma_start3A_2470, %dma_start3A_2471] : memref<3072x128xf32, #tpu.memory_space<vmem_shared>> -> memref<128x128xf32, #tpu.memory_space<vmem_shared>>
    %dma_start3A_2473 = arith.constant 2816 : i32
    %dma_start3A_2474 = arith.constant 0 : i32
    %dma_start3A_2475 = tpu.memref_slice %arg12[%dma_start3A_2473, %dma_start3A_2474] : memref<3072x128xf32, #tpu.memory_space<vmem_shared>> -> memref<128x128xf32, #tpu.memory_space<vmem_shared>>
    tpu.enqueue_dma source(%dma_start3A_2475 : memref<128x128xf32, #tpu.memory_space<vmem_shared>>) target(%arg16 : memref<128x128xf32, #tpu.memory_space<vmem>>) target_semaphore(%arg20 : memref<!tpu.dma_semaphore, #tpu.memory_space<semaphore_mem>>)
    %dma_wait3A_2476 = arith.constant 2688 : i32
    %dma_wait3A_2477 = arith.constant 0 : i32
    %dma_wait3A_2478 = tpu.memref_slice %arg12[%dma_wait3A_2476, %dma_wait3A_2477] : memref<3072x128xf32, #tpu.memory_space<vmem_shared>> -> memref<128x128xf32, #tpu.memory_space<vmem_shared>>
    %dma_wait3A_2479 = arith.constant 2688 : i32
    %dma_wait3A_2480 = arith.constant 0 : i32
    %dma_wait3A_2481 = tpu.memref_slice %arg12[%dma_wait3A_2479, %dma_wait3A_2480] : memref<3072x128xf32, #tpu.memory_space<vmem_shared>> -> memref<128x128xf32, #tpu.memory_space<vmem_shared>>
    tpu.wait_dma2 semaphore(%arg19 : memref<!tpu.dma_semaphore, #tpu.memory_space<semaphore_mem>>) src(%dma_wait3A_2481 : memref<128x128xf32, #tpu.memory_space<vmem_shared>>) dst(%arg15 : memref<128x128xf32, #tpu.memory_space<vmem>>)
    %dma_start3A_2482 = arith.constant 45 : i32
    %dma_start3A_2483 = arith.constant 0 : i32
    %dma_start3A_2484 = tpu.memref_slice %arg13[%dma_start3A_2482, %dma_start3A_2483] : memref<48x128xi32, #tpu.memory_space<vmem>> -> memref<1x128xi32, #tpu.memory_space<vmem>>
    %dma_start3A_2485 = tpu.memref_squeeze %dma_start3A_2484 : memref<1x128xi32, #tpu.memory_space<vmem>> -> memref<128xi32, #tpu.memory_space<vmem>>
    %dma_start3A_2486 = arith.constant 0 : i32
    %dma_start3A_2487 = arith.constant 0 : i32
    %dma_start3A_2488 = tpu.memref_slice %arg3[%dma_start3A_2486, %dma_start3A_2487] : memref<100000x128xf32, #tpu.memory_space<hbm>> -> memref<100000x128xf32, #tpu.memory_space<hbm>>
    tpu.enqueue_indirect_dma source(%dma_start3A_2488 : memref<100000x128xf32, #tpu.memory_space<hbm>>) target(%arg15 : memref<128x128xf32, #tpu.memory_space<vmem>>) offsets(%dma_start3A_2485 : memref<128xi32, #tpu.memory_space<vmem>>) semaphore(%arg23 : memref<!tpu.dma_semaphore, #tpu.memory_space<semaphore_mem>>) {add = true}
    %dma_wait3A_2489 = arith.constant 44 : i32
    %dma_wait3A_2490 = arith.constant 0 : i32
    %dma_wait3A_2491 = tpu.memref_slice %arg13[%dma_wait3A_2489, %dma_wait3A_2490] : memref<48x128xi32, #tpu.memory_space<vmem>> -> memref<1x128xi32, #tpu.memory_space<vmem>>
    %dma_wait3A_2492 = tpu.memref_squeeze %dma_wait3A_2491 : memref<1x128xi32, #tpu.memory_space<vmem>> -> memref<128xi32, #tpu.memory_space<vmem>>
    %dma_wait3A_2493 = arith.constant 0 : i32
    %dma_wait3A_2494 = arith.constant 0 : i32
    %dma_wait3A_2495 = tpu.memref_slice %arg3[%dma_wait3A_2493, %dma_wait3A_2494] : memref<100000x128xf32, #tpu.memory_space<hbm>> -> memref<100000x128xf32, #tpu.memory_space<hbm>>
    tpu.wait_indirect_dma semaphore(%arg22 : memref<!tpu.dma_semaphore, #tpu.memory_space<semaphore_mem>>) src(%dma_wait3A_2495 : memref<100000x128xf32, #tpu.memory_space<hbm>>) dst(%arg14 : memref<128x128xf32, #tpu.memory_space<vmem>>)
    %add3A_2496 = arith.constant 5632 : i32
    %add3A_2497 = arith.addi %mul3A_2, %add3A_2496 : i32
    %dma_start3A_2498 = arith.constant 0 : i32
    %dma_start3A_2499 = tpu.memref_slice %arg7[%add3A_2497, %dma_start3A_2498] : memref<196608x128xf32, #tpu.memory_space<hbm>> -> memref<128x128xf32, #tpu.memory_space<hbm>>
    %dma_start3A_2500 = arith.constant 0 : i32
    %dma_start3A_2501 = tpu.memref_slice %arg7[%add3A_2497, %dma_start3A_2500] : memref<196608x128xf32, #tpu.memory_space<hbm>> -> memref<128x128xf32, #tpu.memory_space<hbm>>
    tpu.enqueue_dma source(%arg14 : memref<128x128xf32, #tpu.memory_space<vmem>>) target(%dma_start3A_2501 : memref<128x128xf32, #tpu.memory_space<hbm>>) target_semaphore(%arg26 : memref<!tpu.dma_semaphore, #tpu.memory_space<semaphore_mem>>)
    %dma_wait3A_2502 = arith.constant 0 : i32
    %dma_wait3A_2503 = tpu.memref_slice %arg7[%add3A_2461, %dma_wait3A_2502] : memref<196608x128xf32, #tpu.memory_space<hbm>> -> memref<128x128xf32, #tpu.memory_space<hbm>>
    %dma_wait3A_2504 = arith.constant 0 : i32
    %dma_wait3A_2505 = tpu.memref_slice %arg7[%add3A_2461, %dma_wait3A_2504] : memref<196608x128xf32, #tpu.memory_space<hbm>> -> memref<128x128xf32, #tpu.memory_space<hbm>>
    tpu.wait_dma2 semaphore(%arg29 : memref<!tpu.dma_semaphore, #tpu.memory_space<semaphore_mem>>) src(%arg17 : memref<128x128xf32, #tpu.memory_space<vmem>>) dst(%dma_wait3A_2505 : memref<128x128xf32, #tpu.memory_space<hbm>>)
    %dma_start3A_2506 = arith.constant 2944 : i32
    %dma_start3A_2507 = arith.constant 0 : i32
    %dma_start3A_2508 = tpu.memref_slice %arg12[%dma_start3A_2506, %dma_start3A_2507] : memref<3072x128xf32, #tpu.memory_space<vmem_shared>> -> memref<128x128xf32, #tpu.memory_space<vmem_shared>>
    %dma_start3A_2509 = arith.constant 2944 : i32
    %dma_start3A_2510 = arith.constant 0 : i32
    %dma_start3A_2511 = tpu.memref_slice %arg12[%dma_start3A_2509, %dma_start3A_2510] : memref<3072x128xf32, #tpu.memory_space<vmem_shared>> -> memref<128x128xf32, #tpu.memory_space<vmem_shared>>
    tpu.enqueue_dma source(%dma_start3A_2511 : memref<128x128xf32, #tpu.memory_space<vmem_shared>>) target(%arg17 : memref<128x128xf32, #tpu.memory_space<vmem>>) target_semaphore(%arg21 : memref<!tpu.dma_semaphore, #tpu.memory_space<semaphore_mem>>)
    %dma_wait3A_2512 = arith.constant 2816 : i32
    %dma_wait3A_2513 = arith.constant 0 : i32
    %dma_wait3A_2514 = tpu.memref_slice %arg12[%dma_wait3A_2512, %dma_wait3A_2513] : memref<3072x128xf32, #tpu.memory_space<vmem_shared>> -> memref<128x128xf32, #tpu.memory_space<vmem_shared>>
    %dma_wait3A_2515 = arith.constant 2816 : i32
    %dma_wait3A_2516 = arith.constant 0 : i32
    %dma_wait3A_2517 = tpu.memref_slice %arg12[%dma_wait3A_2515, %dma_wait3A_2516] : memref<3072x128xf32, #tpu.memory_space<vmem_shared>> -> memref<128x128xf32, #tpu.memory_space<vmem_shared>>
    tpu.wait_dma2 semaphore(%arg20 : memref<!tpu.dma_semaphore, #tpu.memory_space<semaphore_mem>>) src(%dma_wait3A_2517 : memref<128x128xf32, #tpu.memory_space<vmem_shared>>) dst(%arg16 : memref<128x128xf32, #tpu.memory_space<vmem>>)
    %dma_start3A_2518 = arith.constant 46 : i32
    %dma_start3A_2519 = arith.constant 0 : i32
    %dma_start3A_2520 = tpu.memref_slice %arg13[%dma_start3A_2518, %dma_start3A_2519] : memref<48x128xi32, #tpu.memory_space<vmem>> -> memref<1x128xi32, #tpu.memory_space<vmem>>
    %dma_start3A_2521 = tpu.memref_squeeze %dma_start3A_2520 : memref<1x128xi32, #tpu.memory_space<vmem>> -> memref<128xi32, #tpu.memory_space<vmem>>
    %dma_start3A_2522 = arith.constant 0 : i32
    %dma_start3A_2523 = arith.constant 0 : i32
    %dma_start3A_2524 = tpu.memref_slice %arg3[%dma_start3A_2522, %dma_start3A_2523] : memref<100000x128xf32, #tpu.memory_space<hbm>> -> memref<100000x128xf32, #tpu.memory_space<hbm>>
    tpu.enqueue_indirect_dma source(%dma_start3A_2524 : memref<100000x128xf32, #tpu.memory_space<hbm>>) target(%arg16 : memref<128x128xf32, #tpu.memory_space<vmem>>) offsets(%dma_start3A_2521 : memref<128xi32, #tpu.memory_space<vmem>>) semaphore(%arg24 : memref<!tpu.dma_semaphore, #tpu.memory_space<semaphore_mem>>) {add = true}
    %dma_wait3A_2525 = arith.constant 45 : i32
    %dma_wait3A_2526 = arith.constant 0 : i32
    %dma_wait3A_2527 = tpu.memref_slice %arg13[%dma_wait3A_2525, %dma_wait3A_2526] : memref<48x128xi32, #tpu.memory_space<vmem>> -> memref<1x128xi32, #tpu.memory_space<vmem>>
    %dma_wait3A_2528 = tpu.memref_squeeze %dma_wait3A_2527 : memref<1x128xi32, #tpu.memory_space<vmem>> -> memref<128xi32, #tpu.memory_space<vmem>>
    %dma_wait3A_2529 = arith.constant 0 : i32
    %dma_wait3A_2530 = arith.constant 0 : i32
    %dma_wait3A_2531 = tpu.memref_slice %arg3[%dma_wait3A_2529, %dma_wait3A_2530] : memref<100000x128xf32, #tpu.memory_space<hbm>> -> memref<100000x128xf32, #tpu.memory_space<hbm>>
    tpu.wait_indirect_dma semaphore(%arg23 : memref<!tpu.dma_semaphore, #tpu.memory_space<semaphore_mem>>) src(%dma_wait3A_2531 : memref<100000x128xf32, #tpu.memory_space<hbm>>) dst(%arg15 : memref<128x128xf32, #tpu.memory_space<vmem>>)
    %add3A_2532 = arith.constant 5760 : i32
    %add3A_2533 = arith.addi %mul3A_2, %add3A_2532 : i32
    %dma_start3A_2534 = arith.constant 0 : i32
    %dma_start3A_2535 = tpu.memref_slice %arg7[%add3A_2533, %dma_start3A_2534] : memref<196608x128xf32, #tpu.memory_space<hbm>> -> memref<128x128xf32, #tpu.memory_space<hbm>>
    %dma_start3A_2536 = arith.constant 0 : i32
    %dma_start3A_2537 = tpu.memref_slice %arg7[%add3A_2533, %dma_start3A_2536] : memref<196608x128xf32, #tpu.memory_space<hbm>> -> memref<128x128xf32, #tpu.memory_space<hbm>>
    tpu.enqueue_dma source(%arg15 : memref<128x128xf32, #tpu.memory_space<vmem>>) target(%dma_start3A_2537 : memref<128x128xf32, #tpu.memory_space<hbm>>) target_semaphore(%arg27 : memref<!tpu.dma_semaphore, #tpu.memory_space<semaphore_mem>>)
    %dma_wait3A_2538 = arith.constant 2944 : i32
    %dma_wait3A_2539 = arith.constant 0 : i32
    %dma_wait3A_2540 = tpu.memref_slice %arg12[%dma_wait3A_2538, %dma_wait3A_2539] : memref<3072x128xf32, #tpu.memory_space<vmem_shared>> -> memref<128x128xf32, #tpu.memory_space<vmem_shared>>
    %dma_wait3A_2541 = arith.constant 2944 : i32
    %dma_wait3A_2542 = arith.constant 0 : i32
    %dma_wait3A_2543 = tpu.memref_slice %arg12[%dma_wait3A_2541, %dma_wait3A_2542] : memref<3072x128xf32, #tpu.memory_space<vmem_shared>> -> memref<128x128xf32, #tpu.memory_space<vmem_shared>>
    tpu.wait_dma2 semaphore(%arg21 : memref<!tpu.dma_semaphore, #tpu.memory_space<semaphore_mem>>) src(%dma_wait3A_2543 : memref<128x128xf32, #tpu.memory_space<vmem_shared>>) dst(%arg17 : memref<128x128xf32, #tpu.memory_space<vmem>>)
    %dma_start3A_2544 = arith.constant 47 : i32
    %dma_start3A_2545 = arith.constant 0 : i32
    %dma_start3A_2546 = tpu.memref_slice %arg13[%dma_start3A_2544, %dma_start3A_2545] : memref<48x128xi32, #tpu.memory_space<vmem>> -> memref<1x128xi32, #tpu.memory_space<vmem>>
    %dma_start3A_2547 = tpu.memref_squeeze %dma_start3A_2546 : memref<1x128xi32, #tpu.memory_space<vmem>> -> memref<128xi32, #tpu.memory_space<vmem>>
    %dma_start3A_2548 = arith.constant 0 : i32
    %dma_start3A_2549 = arith.constant 0 : i32
    %dma_start3A_2550 = tpu.memref_slice %arg3[%dma_start3A_2548, %dma_start3A_2549] : memref<100000x128xf32, #tpu.memory_space<hbm>> -> memref<100000x128xf32, #tpu.memory_space<hbm>>
    tpu.enqueue_indirect_dma source(%dma_start3A_2550 : memref<100000x128xf32, #tpu.memory_space<hbm>>) target(%arg17 : memref<128x128xf32, #tpu.memory_space<vmem>>) offsets(%dma_start3A_2547 : memref<128xi32, #tpu.memory_space<vmem>>) semaphore(%arg25 : memref<!tpu.dma_semaphore, #tpu.memory_space<semaphore_mem>>) {add = true}
    %dma_wait3A_2551 = arith.constant 46 : i32
    %dma_wait3A_2552 = arith.constant 0 : i32
    %dma_wait3A_2553 = tpu.memref_slice %arg13[%dma_wait3A_2551, %dma_wait3A_2552] : memref<48x128xi32, #tpu.memory_space<vmem>> -> memref<1x128xi32, #tpu.memory_space<vmem>>
    %dma_wait3A_2554 = tpu.memref_squeeze %dma_wait3A_2553 : memref<1x128xi32, #tpu.memory_space<vmem>> -> memref<128xi32, #tpu.memory_space<vmem>>
    %dma_wait3A_2555 = arith.constant 0 : i32
    %dma_wait3A_2556 = arith.constant 0 : i32
    %dma_wait3A_2557 = tpu.memref_slice %arg3[%dma_wait3A_2555, %dma_wait3A_2556] : memref<100000x128xf32, #tpu.memory_space<hbm>> -> memref<100000x128xf32, #tpu.memory_space<hbm>>
    tpu.wait_indirect_dma semaphore(%arg24 : memref<!tpu.dma_semaphore, #tpu.memory_space<semaphore_mem>>) src(%dma_wait3A_2557 : memref<100000x128xf32, #tpu.memory_space<hbm>>) dst(%arg16 : memref<128x128xf32, #tpu.memory_space<vmem>>)
    %add3A_2558 = arith.constant 5888 : i32
    %add3A_2559 = arith.addi %mul3A_2, %add3A_2558 : i32
    %dma_start3A_2560 = arith.constant 0 : i32
    %dma_start3A_2561 = tpu.memref_slice %arg7[%add3A_2559, %dma_start3A_2560] : memref<196608x128xf32, #tpu.memory_space<hbm>> -> memref<128x128xf32, #tpu.memory_space<hbm>>
    %dma_start3A_2562 = arith.constant 0 : i32
    %dma_start3A_2563 = tpu.memref_slice %arg7[%add3A_2559, %dma_start3A_2562] : memref<196608x128xf32, #tpu.memory_space<hbm>> -> memref<128x128xf32, #tpu.memory_space<hbm>>
    tpu.enqueue_dma source(%arg16 : memref<128x128xf32, #tpu.memory_space<vmem>>) target(%dma_start3A_2563 : memref<128x128xf32, #tpu.memory_space<hbm>>) target_semaphore(%arg28 : memref<!tpu.dma_semaphore, #tpu.memory_space<semaphore_mem>>)
    %dma_wait3A_2564 = arith.constant 47 : i32
    %dma_wait3A_2565 = arith.constant 0 : i32
    %dma_wait3A_2566 = tpu.memref_slice %arg13[%dma_wait3A_2564, %dma_wait3A_2565] : memref<48x128xi32, #tpu.memory_space<vmem>> -> memref<1x128xi32, #tpu.memory_space<vmem>>
    %dma_wait3A_2567 = tpu.memref_squeeze %dma_wait3A_2566 : memref<1x128xi32, #tpu.memory_space<vmem>> -> memref<128xi32, #tpu.memory_space<vmem>>
    %dma_wait3A_2568 = arith.constant 0 : i32
    %dma_wait3A_2569 = arith.constant 0 : i32
    %dma_wait3A_2570 = tpu.memref_slice %arg3[%dma_wait3A_2568, %dma_wait3A_2569] : memref<100000x128xf32, #tpu.memory_space<hbm>> -> memref<100000x128xf32, #tpu.memory_space<hbm>>
    tpu.wait_indirect_dma semaphore(%arg25 : memref<!tpu.dma_semaphore, #tpu.memory_space<semaphore_mem>>) src(%dma_wait3A_2570 : memref<100000x128xf32, #tpu.memory_space<hbm>>) dst(%arg17 : memref<128x128xf32, #tpu.memory_space<vmem>>)
    %add3A_2571 = arith.constant 6016 : i32
    %add3A_2572 = arith.addi %mul3A_2, %add3A_2571 : i32
    %dma_start3A_2573 = arith.constant 0 : i32
    %dma_start3A_2574 = tpu.memref_slice %arg7[%add3A_2572, %dma_start3A_2573] : memref<196608x128xf32, #tpu.memory_space<hbm>> -> memref<128x128xf32, #tpu.memory_space<hbm>>
    %dma_start3A_2575 = arith.constant 0 : i32
    %dma_start3A_2576 = tpu.memref_slice %arg7[%add3A_2572, %dma_start3A_2575] : memref<196608x128xf32, #tpu.memory_space<hbm>> -> memref<128x128xf32, #tpu.memory_space<hbm>>
    tpu.enqueue_dma source(%arg17 : memref<128x128xf32, #tpu.memory_space<vmem>>) target(%dma_start3A_2576 : memref<128x128xf32, #tpu.memory_space<hbm>>) target_semaphore(%arg29 : memref<!tpu.dma_semaphore, #tpu.memory_space<semaphore_mem>>)
    %dma_wait3A_2577 = arith.constant 0 : i32
    %dma_wait3A_2578 = tpu.memref_slice %arg7[%add3A_2497, %dma_wait3A_2577] : memref<196608x128xf32, #tpu.memory_space<hbm>> -> memref<128x128xf32, #tpu.memory_space<hbm>>
    %dma_wait3A_2579 = arith.constant 0 : i32
    %dma_wait3A_2580 = tpu.memref_slice %arg7[%add3A_2497, %dma_wait3A_2579] : memref<196608x128xf32, #tpu.memory_space<hbm>> -> memref<128x128xf32, #tpu.memory_space<hbm>>
    tpu.wait_dma2 semaphore(%arg26 : memref<!tpu.dma_semaphore, #tpu.memory_space<semaphore_mem>>) src(%arg14 : memref<128x128xf32, #tpu.memory_space<vmem>>) dst(%dma_wait3A_2580 : memref<128x128xf32, #tpu.memory_space<hbm>>)
    %dma_wait3A_2581 = arith.constant 0 : i32
    %dma_wait3A_2582 = tpu.memref_slice %arg7[%add3A_2533, %dma_wait3A_2581] : memref<196608x128xf32, #tpu.memory_space<hbm>> -> memref<128x128xf32, #tpu.memory_space<hbm>>
    %dma_wait3A_2583 = arith.constant 0 : i32
    %dma_wait3A_2584 = tpu.memref_slice %arg7[%add3A_2533, %dma_wait3A_2583] : memref<196608x128xf32, #tpu.memory_space<hbm>> -> memref<128x128xf32, #tpu.memory_space<hbm>>
    tpu.wait_dma2 semaphore(%arg27 : memref<!tpu.dma_semaphore, #tpu.memory_space<semaphore_mem>>) src(%arg15 : memref<128x128xf32, #tpu.memory_space<vmem>>) dst(%dma_wait3A_2584 : memref<128x128xf32, #tpu.memory_space<hbm>>)
    %dma_wait3A_2585 = arith.constant 0 : i32
    %dma_wait3A_2586 = tpu.memref_slice %arg7[%add3A_2559, %dma_wait3A_2585] : memref<196608x128xf32, #tpu.memory_space<hbm>> -> memref<128x128xf32, #tpu.memory_space<hbm>>
    %dma_wait3A_2587 = arith.constant 0 : i32
    %dma_wait3A_2588 = tpu.memref_slice %arg7[%add3A_2559, %dma_wait3A_2587] : memref<196608x128xf32, #tpu.memory_space<hbm>> -> memref<128x128xf32, #tpu.memory_space<hbm>>
    tpu.wait_dma2 semaphore(%arg28 : memref<!tpu.dma_semaphore, #tpu.memory_space<semaphore_mem>>) src(%arg16 : memref<128x128xf32, #tpu.memory_space<vmem>>) dst(%dma_wait3A_2588 : memref<128x128xf32, #tpu.memory_space<hbm>>)
    %dma_wait3A_2589 = arith.constant 0 : i32
    %dma_wait3A_2590 = tpu.memref_slice %arg7[%add3A_2572, %dma_wait3A_2589] : memref<196608x128xf32, #tpu.memory_space<hbm>> -> memref<128x128xf32, #tpu.memory_space<hbm>>
    %dma_wait3A_2591 = arith.constant 0 : i32
    %dma_wait3A_2592 = tpu.memref_slice %arg7[%add3A_2572, %dma_wait3A_2591] : memref<196608x128xf32, #tpu.memory_space<hbm>> -> memref<128x128xf32, #tpu.memory_space<hbm>>
    tpu.wait_dma2 semaphore(%arg29 : memref<!tpu.dma_semaphore, #tpu.memory_space<semaphore_mem>>) src(%arg17 : memref<128x128xf32, #tpu.memory_space<vmem>>) dst(%dma_wait3A_2592 : memref<128x128xf32, #tpu.memory_space<hbm>>)
    return
  }
}

</mosaic_0001>

<sc_bundles>
// kernel: _run.3.cloned.1.call-start
scs
__scs_entry_jumppad:
0x0: {  	(pc) =	sbr.rel $0x88, $3  }
0x1: {  	(tag) =	ssettag $0x0;
	lr =	simm.s32 $0x1  }
0x2: {  	[smem:$0x3F9C] =	sst lr;
	_ =	strace $0xD0000000  }
0x3: {  	_ = 	snop  }
0x4: {  	_ = 	snop  }
0x5: {  	_ = 	snop  }
0x6: {  	_ = 	snop  }
0x7: {  	_ = 	snop  }
__scs_overlays_trampoline_lowered:
0x8: {  	[smem:$0x3FAB] =	sst s0  }
0x9: {  	[smem:$0x3FAC] =	sst s1  }
0xa: {  	[smem:$0x3FAD] =	sst s2  }
0xb: {  	[smem:$0x3FAE] =	sst s3  }
0xc: {  	[smem:$0x3FAF] =	sst s4  }
0xd: {  	[smem:$0x3FB0] =	sst s5  }
0xe: {  	[smem:$0x3FB1] =	sst s6  }
0xf: {  	[smem:$0x3FB2] =	sst s7  }
0x10: {  	[smem:$0x3FB3] =	sst s8  }
0x11: {  	[smem:$0x3FB4] =	sst s9;
	s0 =	simm.s32 @!p0 $0x0  }
0x12: {  	s1 =	sld [smem:$0x3F9A];
	s0 =	simm.s32 @p0 $0x1  }
0x13: {  	[smem:$0x3FB5] =	sst s0;
	s0 =	simm.s32 @!p1 $0x0  }
0x14: {  	s2 =	sld [smem:$0x3F99];
	s0 =	simm.s32 @p1 $0x1  }
0x15: {  	[smem:$0x3FB6] =	sst s0;
	s0 =	simm.s32 @!p2 $0x0  }
0x16: {  	s3 =	sld [smem:$0x3FDB];
	s0 =	simm.s32 @p2 $0x1  }
0x17: {  	s4 =	simm.s32 $0x1BF5;
	[smem:$0x3FB8] =	sst s0  }
0x18: {  	s0 =	sld [smem:$0x3F9B];
	_ =	swait.ge [sflag:s4], $0x0  }
0x19: {  	s7 =	sld [smem:$0x3F9C]  }
0x1a: {  	s8 =	sadd.s32 $0xFFFFE003, lr  }
0x1b: {  	s9 =	sadd.s32 $0xFFFFFEF7, lr;
	s5 =	simm.s32 $0xFFFFFFFF;
	p2 =	slt.u32 s8, $0xFFFFF086  }
0x1c: {  	p1 =	slt.u32 s9, $0xF7A;
	s5 =	simm.s32 @!p2 $0x0  }
0x1d: {  	s5 =	simm.s32 @p1 $0x1;
	p0 =	seq.s32 s7, s2  }
0x1e: {  	s7 =	smul.u32 @!p0 $0xF7A, s2;
	p2 =	seq.s32 @!p0 s5, $0x0  }
0x1f: {  	s9 =	smul.u32 $0xF7A, s1;
	s8 =	simm.s32 @!p0 $0x1BF5;
	p2 =	por !p2, p0  }
0x20: {  	[sflag:s8] =	ssyncset.s32 @!p0 $0xFFFFF086;
	s6 =	sadd.s32 @!p0 s3, s7;
	s7 =	simm.s32 @!p0 $0x108  }
0x21: {  	s3 =	sadd.s32 s3, s9;
	s6 =	sadd.s32 @!p0 $0x88, s6;
	s7 =	simm.s32 @p2 $0x1082  }
0x22: {  	[simem:s7], [sflag:s8] =	dma.local @!p0 [hbm:s6], $0xF7A  }
0x23: {  	s9 =	sor.u32 $0xD0000000, s2;
	s6 =	simm.s32 $0x108;
	_ =	swait.ge @!p0 [sflag:s8], $0x0  }
0x24: {  	s3 =	sadd.s32 $0x88, s3;
	s6 =	simm.s32 @!p1 $0x1082;
	[sflag:s4] =	ssyncset.s32 $0xFFFFF086  }
0x25: {  	[simem:s6], [sflag:s4] =	dma.local [hbm:s3], $0xF7A  }
0x26: {  	[smem:$0x3F9C] =	sst s1;
	(tag) =	ssettag s2;
	_ =	strace s9  }
0x27: {  	s1 =	sld [smem:$0x3FAC]  }
0x28: {  	s2 =	sld [smem:$0x3FAD]  }
0x29: {  	s4 =	sld [smem:$0x3FAF]  }
0x2a: {  	p0 =	seq.s32 s5, $0x0;
	s5 =	sld [smem:$0x3FB0]  }
0x2b: {  	s6 =	sld [smem:$0x3FB1]  }
0x2c: {  	s7 =	sld [smem:$0x3FB2]  }
0x2d: {  	s3 =	simm.s32 $0x108;
	s8 =	sld [smem:$0x3FB3]  }
0x2e: {  	s3 =	simm.s32 @!p0 $0x1082;
	s9 =	sld [smem:$0x3FB4]  }
0x2f: {  	lr =	sadd.s32 s0, s3;
	s0 =	sld [smem:$0x3FAB]  }
0x30: {  	s3 =	sld [smem:$0x3FAE]  }
0x31: {  	[smem:$0x3FB7] =	sst s10  }
0x32: {  	s10 =	sld [smem:$0x3FB5];
	_ =	sdelay $0x3  }
0x33: {  	p0 =	seq.s32 s10, $0x1;
	s10 =	sld [smem:$0x3FB7];
	_ =	sdelay $0x3  }
0x34: {  	[smem:$0x3FB7] =	sst s10  }
0x35: {  	s10 =	sld [smem:$0x3FB6];
	_ =	sdelay $0x3  }
0x36: {  	p1 =	seq.s32 s10, $0x1;
	s10 =	sld [smem:$0x3FB7];
	_ =	sdelay $0x3  }
0x37: {  	[smem:$0x3FB7] =	sst s10  }
0x38: {  	s10 =	sld [smem:$0x3FB8]  }
0x39: {  	_ = 	snop;
	(pc) =	sbr.ind lr, $3  }
0x3a: {  	_ = 	snop  }
0x3b: {  	_ = 	snop  }
0x3c: {  	p2 =	seq.s32 s10, $0x1;
	s10 =	sld [smem:$0x3FB7]  }
0x3d: {  	_ =	shalt  }
0x3e: {  	_ =	shalt  }
0x3f: {  	_ =	shalt  }
0x40: {  	_ =	shalt  }
0x41: {  	_ =	shalt  }
0x42: {  	_ =	shalt  }
0x43: {  	_ =	shalt  }
0x44: {  	_ =	shalt  }
0x45: {  	_ =	shalt  }
0x46: {  	_ =	shalt  }
0x47: {  	_ =	shalt  }
0x48: {  	_ =	shalt  }
0x49: {  	_ =	shalt  }
0x4a: {  	_ =	shalt  }
0x4b: {  	_ =	shalt  }
0x4c: {  	_ =	shalt  }
0x4d: {  	_ =	shalt  }
0x4e: {  	_ =	shalt  }
0x4f: {  	_ =	shalt  }
0x50: {  	_ =	shalt  }
0x51: {  	_ =	shalt  }
0x52: {  	_ =	shalt  }
0x53: {  	_ =	shalt  }
0x54: {  	_ =	shalt  }
0x55: {  	_ =	shalt  }
0x56: {  	_ =	shalt  }
0x57: {  	_ =	shalt  }
0x58: {  	_ =	shalt  }
0x59: {  	_ =	shalt  }
0x5a: {  	_ =	shalt  }
0x5b: {  	_ =	shalt  }
0x5c: {  	_ =	shalt  }
0x5d: {  	_ =	shalt  }
0x5e: {  	_ =	shalt  }
0x5f: {  	_ =	shalt  }
0x60: {  	_ =	shalt  }
0x61: {  	_ =	shalt  }
0x62: {  	_ =	shalt  }
0x63: {  	_ =	shalt  }
0x64: {  	_ =	shalt  }
0x65: {  	_ =	shalt  }
0x66: {  	_ =	shalt  }
0x67: {  	_ =	shalt  }
0x68: {  	_ =	shalt  }
0x69: {  	_ =	shalt  }
0x6a: {  	_ =	shalt  }
0x6b: {  	_ =	shalt  }
0x6c: {  	_ =	shalt  }
0x6d: {  	_ =	shalt  }
0x6e: {  	_ =	shalt  }
0x6f: {  	_ =	shalt  }
0x70: {  	_ =	shalt  }
0x71: {  	_ =	shalt  }
0x72: {  	_ =	shalt  }
0x73: {  	_ =	shalt  }
0x74: {  	_ =	shalt  }
0x75: {  	_ =	shalt  }
0x76: {  	_ =	shalt  }
0x77: {  	_ =	shalt  }
0x78: {  	_ =	shalt  }
0x79: {  	_ =	shalt  }
0x7a: {  	_ =	shalt  }
0x7b: {  	_ =	shalt  }
0x7c: {  	_ =	shalt  }
0x7d: {  	_ =	shalt  }
0x7e: {  	_ =	shalt  }
0x7f: {  	_ =	shalt  }
0x80: {  	_ =	shalt  }
0x81: {  	_ =	shalt  }
0x82: {  	_ =	shalt  }
0x83: {  	_ =	shalt  }
0x84: {  	_ =	shalt  }
0x85: {  	_ =	shalt  }
0x86: {  	_ =	shalt  }
0x87: {  	_ =	shalt  }
.Lfunc_end0:
.L_simem_size_0:
called_computation_lowered:
.L_overlay_start_0:
0x88: {  	s2 =	sld [smem:$0x3FD9]  }
0x89: {  	s3 =	sld [smem:$0x3FFE];
	_ =	sdelay $0x1  }
0x8a: {  	s1 =	srdreg.scid  }
0x8b: {  	s0 =	sand.u32 $0x1, s1  }
0x8c: {  	s18 =	sshll.u32 s0, $0xA;
	s2 =	sadd.s32 s3, s2  }
0x8d: {  	s2 =	sadd.s32 s2, s18  }
0x8e: {  	[smem:$0x3FC3] =	sst s2  }
0x8f: {  	_ = 	snop  }
0x90: {  	s2 =	sld [smem:$0x3FC9]  }
0x91: {  	s19 =	sld [smem:$0x3FC8]  }
0x92: {  	s4 =	sld [smem:$0x3FC7]  }
0x93: {  	s5 =	sld [smem:$0x3FC6]  }
0x94: {  	s6 =	sld [smem:$0x3FC5]  }
0x95: {  	s7 =	sld [smem:$0x3FD0];
	(tm) =	ssettm $0x1  }
0x96: {  	s8 =	sld [smem:$0x3FFB];
	_ =	sdelay $0x3  }
0x97: {  	_ =	strace s8  }
0x98: {  	s8 =	sld [smem:$0x3FFC];
	_ =	sdelay $0x3  }
0x99: {  	_ =	strace s8  }
0x9a: {  	s8 =	sld [smem:$0x3FFD];
	_ =	sdelay $0x3  }
0x9b: {  	_ =	strace s8  }
0x9c: {  	_ =	strace $0x8FFFFFFF  }
0x9d: {  	s20 =	sld [smem:$0x3FDB];
	_ =	sdelay $0x1  }
0x9e: {  	s9 =	simm.s32 $_scs_section_size  }
0x9f: {  	s10 =	simm.s32 $_size__tile_overlayer_lowered;
	s11 =	simm.s32 $_tile_overlayer_lowered  }
0xa0: {  	s23 =	simm.s32 $0x1BFF;
	s22 =	sshll.u32 s11, $0x1;
	s8 =	sadd.s32 s9, s20  }
0xa1: {  	s12 =	simm.s32 $0x0;
	s21 =	sshll.u32 s10, $0x1;
	s10 =	sadd.s32 s22, s8  }
0xa2: {  	[timem:s12], [sflag:s23] =	dma.local [hbm:s10], s21  }
0xa3: {  	_ =	swait.ge [sflag:s23], s21  }
0xa4: {  	s9 =	ssub.s32 $0x0, s21;
	[sflag:s23] =	ssyncset.done $0x0  }
0xa5: {  	[sflag:s23] =	ssyncadd.s32 s9;
	_ =	sdelay $0x1  }
0xa6: {  	s24 =	simm.s32 $0x1B8B  }
0xa7: {  	_ =	swait.ge [sflag:s24], $0x1  }
0xa8: {  	[sflag:s24] =	ssyncset.done $0x0  }
0xa9: {  	s25 =	simm.s32 $0x1B8E;
	[sflag:s24] =	ssyncadd.s32 $0xFFFFFFFF  }
0xaa: {  	s26 =	simm.s32 $execute0_lowered;
	[smem:$0x3FD2] =	sst s25  }
0xab: {  	s9 =	sshll.u32 s26, $0x1;
	_ =	strace $0x80000046;
	[dreg:$0x1] =	wrdreg $0xFFFFFFFF  }
0xac: {  	s28 =	simm.s32 $_size_execute0_lowered;
	s8 =	sadd.s32 s8, s9;
	[dreg:$0x0] =	wrdreg $0x0  }
0xad: {  	s9 =	sshll.u32 s28, $0x1;
	[dreg:$0x2] =	wrdreg s8  }
0xae: {  	[dreg:$0x3] =	wrdreg s9  }
0xaf: {  	[dreg:$0x4] =	wrdreg $0xC0  }
0xb0: {  	_ =	task [dreg:s12], $0x5FFFF  }
0xb1: {  	[dreg:$0x1] =	wrdreg $0xFFFFFFFF  }
0xb2: {  	[dreg:$0x0] =	wrdreg $0x60  }
0xb3: {  	[dreg:$0x2] =	wrdreg s2  }
0xb4: {  	[dreg:$0x3] =	wrdreg s19  }
0xb5: {  	[dreg:$0x4] =	wrdreg s4  }
0xb6: {  	[dreg:$0x5] =	wrdreg s5  }
0xb7: {  	[dreg:$0x6] =	wrdreg s6  }
0xb8: {  	[dreg:$0x7] =	wrdreg s7  }
0xb9: {  	[dreg:$0x8] =	wrdreg $0x82000  }
0xba: {  	[dreg:$0x9] =	wrdreg $0x9  }
0xbb: {  	_ =	task.clear_ibuf [dreg:s12], $0xAFFFF;
	_ =	strace $0x90000046  }
0xbc: {  	s29 =	simm.s32 $0x9;
	_ =	strace $0x80000048  }
0xbd: {  	_ =	swait.ge [sflag:s29], $0x1  }
0xbe: {  	[sflag:s29] =	ssyncadd.s32 $0xFFFFFFFF  }
0xbf: {  	_ =	strace $0x90000048  }
0xc0: {  	_ =	sfence  }
0xc1: {  	s30 =	sld [smem:$0x0];
	_ =	sdelay $0x2  }
0xc2: {  	s31 =	sshll.u32 s1, $0xD;
	s1 =	sshrl.u32 s1, $0x2  }
0xc3: {  	s3 =	sand.u32 $0x4000, s31;
	s1 =	sadd.s32 s1, s30  }
0xc4: {  	s0 =	sor.u32 s3, s0;
	s1 =	sshll.u32 s1, $0x11  }
0xc5: {  	s0 =	sor.u32 s1, s0  }
0xc6: {  	s0 =	sadd.s32 $0x8F2B, s0  }
0xc7: {  	[sflag:s0] =	ssyncadd.remote.s32 $0x1  }
0xc8: {  	_ =	sfence.sel $0xFFFF  }
0xc9: {  	[dreg:$0x0] =	wrdreg $0xFFFFFFFF;
	(pc) =	sbr.abs _section_cstart, $3  }
0xca: {  	[dreg:$0x1] =	wrdreg $0xFFFFFFFF  }
0xcb: {  	_ =	task.clear_ibuf [dreg:s12], $0x2FFFF;
	_ =	strace $0x9FFFFFFF  }
0xcc: {  	(tm) =	ssettm $0x7FFFFFFF  }
0xcd: {  	_ =	shalt  }
tec
execute0_lowered:
.L_overlay_start_1:
0x0: {  	(tag) =	ssettag $0x1  }
0x1: {  	s2 =	rddreg [dreg:$0x0]  }
0x2: {  	s0 =	rddreg [dreg:$0x1]  }
0x3: {  	s1 =	srdreg.scid;
	s3 =	rddreg [dreg:$0x5]  }
0x4: {  	s16 =	stileid.u32;
	s19 =	rddreg [dreg:$0x6]  }
0x5: {  	s7 =	simm.s32 $0x0;
	s1 =	sand.u32 $0x1, s1;
	s6 =	smul.u32 $0xC0, s16  }
0x6: {  	s4 =	sshll.u32 s16, $0x1;
	[smem:$0x7FF] =	sst s7;
	s24 =	smul.u32 $0x18000, s16  }
0x7: {  	s4 =	sor.u32 s1, s4;
	s1 =	ssub.s32 $0x2, s1;
	_ =	strace $0x80000047  }
0x8: {  	s5 =	smul.u32 $0x300, s4;
	s8 =	sshrl.u32 s1, $0x1;
	s12 =	sadd.s32 $0x40, s6  }
0x9: {  	s13 =	sshrl.u32 s6, $0x3;
	s17 =	sadd.s32 $0x60, s6;
	s26 =	smul.u32 $0xC0000, s4  }
0xa: {  	s18 =	sadd.s32 $0x80, s6;
	s23 =	sadd.s32 $0xA0, s6;
	s4 =	smul.u32 $0x18000, s4  }
0xb: {  	s1 =	ssub.s32 s1, s8;
	s14 =	sshll.u32 s12, $0x2;
	s2 =	sadd.s32 s2, s5  }
0xc: {  	s20 =	sshll.u32 s17, $0x2;
	s15 =	sand.u32 $0xF00, s14;
	[dreg:$0x8] =	wrdreg s2  }
0xd: {  	s11 =	sshll.u32 s18, $0x2;
	s8 =	sand.u32 $0xF80, s20;
	[dreg:$0x9] =	wrdreg s15  }
0xe: {  	s21 =	sand.u32 $0xF00, s11;
	s2 =	sshrl.u32 s12, $0x3;
	[smem:$0x7C5] =	sst s8  }
0xf: {  	s10 =	sand.u32 $0x180, s13;
	[smem:$0x7C7] =	sst s21;
	s2 =	sand.u32 $0x380, s2  }
0x10: {  	s1 =	smax.u32 s1, $0x1;
	[smem:$0x7C4] =	sst s2;
	s2 =	sshrl.u32 s17, $0x3  }
0x11: {  	s22 =	sshrl.u32 s18, $0x3;
	[smem:$0x7D7] =	sst s1;
	s2 =	sand.u32 $0x380, s2  }
0x12: {  	s25 =	sshll.u32 s23, $0x2;
	[smem:$0x7C6] =	sst s2;
	s2 =	sand.u32 $0x380, s22  }
0x13: {  	s11 =	sshrl.u32 s23, $0x3;
	[smem:$0x7C8] =	sst s2;
	s2 =	sand.u32 $0xF80, s25  }
0x14: {  	s12 =	sshrl.u32 s24, $0x2;
	[smem:$0x7C9] =	sst s2;
	s2 =	sand.u32 $0x380, s11  }
0x15: {  	s13 =	sshrl.u32 s26, $0x3;
	[smem:$0x7CA] =	sst s2;
	s2 =	sadd.s32 s12, s19  }
0x16: {  	s4 =	sadd.s32 s3, s4;
	[dreg:$0xa] =	wrdreg s2;
	s2 =	sadd.s32 s3, s13  }
0x17: {  	[dreg:$0xb] =	wrdreg s4;
	s3 =	sadd.s32 $0x8000, s2  }
0x18: {  	s14 =	sadd.s32 $0x8800, s2;
	[dreg:$0xc] =	wrdreg s3  }
0x19: {  	s15 =	sadd.s32 $0x9000, s2;
	[dreg:$0xd] =	wrdreg s14  }
0x1a: {  	s9 =	smul.u32 $0x300, s16;
	s16 =	sadd.s32 $0x9800, s2;
	[dreg:$0xe] =	wrdreg s15  }
0x1b: {  	s17 =	sadd.s32 $0xA000, s2;
	[dreg:$0xf] =	wrdreg s16  }
0x1c: {  	s18 =	sadd.s32 $0xA800, s2;
	[dreg:$0x10] =	wrdreg s17  }
0x1d: {  	s20 =	sadd.s32 $0xB000, s2;
	[dreg:$0x11] =	wrdreg s18  }
0x1e: {  	s21 =	sadd.s32 $0xB800, s2;
	[dreg:$0x12] =	wrdreg s20  }
0x1f: {  	s22 =	sadd.s32 $0xC000, s2;
	[dreg:$0x13] =	wrdreg s21  }
0x20: {  	s23 =	sadd.s32 $0xC800, s2;
	[dreg:$0x14] =	wrdreg s22  }
0x21: {  	s24 =	sadd.s32 $0xD000, s2;
	[dreg:$0x15] =	wrdreg s23  }
0x22: {  	s25 =	sadd.s32 $0xD800, s2;
	[dreg:$0x16] =	wrdreg s24  }
0x23: {  	s26 =	sadd.s32 $0xE000, s2;
	[dreg:$0x17] =	wrdreg s25  }
0x24: {  	s5 =	sadd.s32 $0xE800, s2;
	[dreg:$0x18] =	wrdreg s26  }
0x25: {  	s6 =	sadd.s32 $0xF000, s2;
	[dreg:$0x19] =	wrdreg s5  }
0x26: {  	s8 =	sadd.s32 $0xF800, s2;
	[dreg:$0x1a] =	wrdreg s6  }
0x27: {  	s11 =	sadd.s32 $0x10000, s2;
	[dreg:$0x1b] =	wrdreg s8  }
0x28: {  	s12 =	sadd.s32 $0x10800, s2;
	[dreg:$0x1c] =	wrdreg s11  }
0x29: {  	s13 =	sadd.s32 $0x11000, s2;
	[dreg:$0x1d] =	wrdreg s12  }
0x2a: {  	[dreg:$0x1e] =	wrdreg s13;
	s14 =	sadd.s32 $0x11800, s2  }
0x2b: {  	s15 =	sadd.s32 $0x12000, s2;
	[dreg:$0x1f] =	wrdreg s14  }
0x2c: {  	s16 =	sadd.s32 $0x12800, s2;
	[smem:$0x7CB] =	sst s15  }
0x2d: {  	s17 =	sadd.s32 $0x13000, s2;
	[smem:$0x7CC] =	sst s16  }
0x2e: {  	s18 =	sadd.s32 $0x13800, s2;
	[smem:$0x7CD] =	sst s17  }
0x2f: {  	s20 =	sadd.s32 $0x14000, s2;
	[smem:$0x7CE] =	sst s18  }
0x30: {  	s21 =	sadd.s32 $0x14800, s2;
	[smem:$0x7CF] =	sst s20  }
0x31: {  	s22 =	sadd.s32 $0x15000, s2;
	[smem:$0x7D0] =	sst s21  }
0x32: {  	s23 =	sadd.s32 $0x15800, s2;
	[smem:$0x7D1] =	sst s22  }
0x33: {  	s24 =	sadd.s32 $0x16000, s2;
	[smem:$0x7D2] =	sst s23  }
0x34: {  	s25 =	sadd.s32 $0x16800, s2;
	[smem:$0x7D3] =	sst s24  }
0x35: {  	s26 =	sadd.s32 $0x17000, s2;
	[smem:$0x7D4] =	sst s25  }
0x36: {  	s2 =	sadd.s32 $0x17800, s2;
	[smem:$0x7D5] =	sst s26  }
0x37: {  	s5 =	sadd.s32 $0x4000, s19;
	[smem:$0x7D6] =	sst s2  }
0x38: {  	s6 =	sadd.s32 $0x8000, s19;
	[smem:$0x7D8] =	sst s5  }
0x39: {  	s8 =	sadd.s32 $0xC000, s19;
	[smem:$0x7D9] =	sst s6  }
0x3a: {  	s11 =	sadd.s32 $0x800, s4;
	[smem:$0x7DA] =	sst s8  }
0x3b: {  	s12 =	sadd.s32 $0x10000, s19;
	[smem:$0x7DB] =	sst s11  }
0x3c: {  	s13 =	sadd.s32 $0x1000, s4;
	[smem:$0x7DC] =	sst s12  }
0x3d: {  	s3 =	sadd.s32 $0x4800, s4;
	[smem:$0x7DD] =	sst s13  }
0x3e: {  	s14 =	sadd.s32 $0x14000, s19;
	[smem:$0x7EB] =	sst s3  }
0x3f: {  	s15 =	sadd.s32 $0x1800, s4;
	[smem:$0x7DE] =	sst s14  }
0x40: {  	s16 =	sadd.s32 $0x18000, s19;
	[smem:$0x7DF] =	sst s15  }
0x41: {  	s17 =	sadd.s32 $0x2000, s4;
	[smem:$0x7E0] =	sst s16  }
0x42: {  	s18 =	sadd.s32 $0x1C000, s19;
	[smem:$0x7E1] =	sst s17  }
0x43: {  	s20 =	sadd.s32 $0x2800, s4;
	[smem:$0x7E2] =	sst s18  }
0x44: {  	s21 =	sadd.s32 $0x20000, s19;
	[smem:$0x7E3] =	sst s20  }
0x45: {  	s22 =	sadd.s32 $0x3000, s4;
	[smem:$0x7E4] =	sst s21  }
0x46: {  	s23 =	sadd.s32 $0x24000, s19;
	[smem:$0x7E5] =	sst s22  }
0x47: {  	s24 =	sadd.s32 $0x3800, s4;
	[smem:$0x7E6] =	sst s23  }
0x48: {  	s25 =	sadd.s32 $0x28000, s19;
	[smem:$0x7E7] =	sst s24  }
0x49: {  	s26 =	sadd.s32 $0x4000, s4;
	[smem:$0x7E8] =	sst s25  }
0x4a: {  	s2 =	sadd.s32 $0x2C000, s19;
	[smem:$0x7E9] =	sst s26  }
0x4b: {  	s5 =	sadd.s32 $0x30000, s19;
	[smem:$0x7EA] =	sst s2  }
0x4c: {  	s6 =	sadd.s32 $0x5000, s4;
	[smem:$0x7EC] =	sst s5  }
0x4d: {  	s8 =	sadd.s32 $0x34000, s19;
	[smem:$0x7ED] =	sst s6  }
0x4e: {  	s29 =	simm.s32 $0x2;
	s11 =	sadd.s32 $0x5800, s4;
	[smem:$0x7EE] =	sst s8  }
0x4f: {  	s31 =	simm.s32 $0x3;
	s12 =	sadd.s32 $0x38000, s19;
	[smem:$0x7EF] =	sst s11  }
0x50: {  	s30 =	simm.s32 $0x17A00;
	s13 =	sadd.s32 $0x6000, s4;
	[smem:$0x7F0] =	sst s12  }
0x51: {  	s28 =	simm.s32 $0x9;
	[smem:$0x7F1] =	sst s13;
	s14 =	sadd.s32 $0x3C000, s19  }
0x52: {  	s9 =	sand.u32 $0xF00, s9;
	s15 =	sadd.s32 $0x6800, s4;
	[smem:$0x7F2] =	sst s14  }
0x53: {  	s1 =	simm.s32 $0x4;
	s16 =	sadd.s32 $0x40000, s19;
	[smem:$0x7F3] =	sst s15  }
0x54: {  	s3 =	simm.s32 $0xFA00;
	s17 =	sadd.s32 $0x7000, s4;
	[smem:$0x7F4] =	sst s16  }
0x55: {  	s18 =	sadd.s32 $0x44000, s19;
	s20 =	sadd.s32 $0x7800, s4;
	[smem:$0x7F5] =	sst s17  }
0x56: {  	s21 =	sadd.s32 $0x48000, s19;
	s22 =	sadd.s32 $0x4C000, s19;
	[smem:$0x7F6] =	sst s18  }
0x57: {  	s23 =	sadd.s32 $0x50000, s19;
	s24 =	sadd.s32 $0x54000, s19;
	[smem:$0x7F7] =	sst s20  }
0x58: {  	s25 =	sadd.s32 $0x58000, s19;
	s26 =	sadd.s32 $0x5C000, s19;
	[smem:$0x7F8] =	sst s21  }
0x59: {  	s13 =	simm.s32 $0xE200;
	s8 =	simm.s32 $0x13A00;
	[smem:$0x7F9] =	sst s22  }
0x5a: {  	s2 =	simm.s32 $0x5;
	s5 =	simm.s32 $0x6;
	[smem:$0x7FA] =	sst s23  }
0x5b: {  	s4 =	simm.s32 $0x7;
	s6 =	simm.s32 $0xA;
	[smem:$0x7FB] =	sst s24  }
0x5c: {  	s19 =	simm.s32 $0xB;
	s12 =	simm.s32 $0x0;
	[smem:$0x7FC] =	sst s25  }
0x5d: {  	[smem:$0x7FD] =	sst s26;
	s26 =	simm.s32 $0x1;
	s25 =	simm.s32 $0x80  }
0x5e: {  	s23 =	simm.s32 $0x1BA00;
	s20 =	simm.s32 $0x8;
	s21 =	simm.s32 $0xC  }
.LBB2_1:
0x5f: {  	[smem:$0x7C3] =	sst s12  }
0x60: {  	s11 =	rddreg [dreg:$0x2]  }
0x61: {  	[tilespmem:s7], [sflag:$0x1] =	stream.linear.gather [hbm4b:s11+s7], $0x1000, $0x38;
	[tilespmem:$0x1FA00] =	vst v63  }
0x62: {  	s16 =	rddreg [dreg:$0x3];
	s17 =	simm.s32 $0x1000  }
0x63: {  	[tilespmem:s17], [sflag:$0x2] =	stream.linear.gather [hbm4b:s16+s7], $0x1000, $0x38;
	[tilespmem:$0x1FA00] =	vst v63  }
0x64: {  	s18 =	rddreg [dreg:$0x4];
	s22 =	simm.s32 $0x2000  }
0x65: {  	[tilespmem:s22], [sflag:$0x3] =	stream.linear.gather [hbm4b:s18+s7], $0x180, $0x38;
	[tilespmem:$0x1FA00] =	vst v63  }
0x66: {  	s24 =	rddreg [dreg:$0x8]  }
0x67: {  	[tilespmem:s13], [sflag:$0x4] =	stream.linear.gather [hbm4b:s24+s7], $0x1800, $0x38;
	[tilespmem:$0x1FA00] =	vst v63  }
0x68: {  	_ =	swait.ge [sflag:s26], $0x1000  }
0x69: {  	[sflag:s26] =	ssyncset.done $0x0  }
0x6a: {  	[sflag:s26] =	ssyncadd.s32 $0xFFFFF000  }
0x6b: {  	_ =	swait.ge [sflag:s29], $0x1000  }
0x6c: {  	[sflag:s29] =	ssyncset.done $0x0  }
0x6d: {  	[sflag:s29] =	ssyncadd.s32 $0xFFFFF000  }
0x6e: {  	_ =	swait.ge [sflag:s31], $0x180  }
0x6f: {  	[sflag:s31] =	ssyncset.done $0x0  }
0x70: {  	[sflag:s31] =	ssyncadd.s32 $0xFFFFFE80  }
0x71: {  	v0 =	vld [tilespmem:s9+$0x0]  }
0x72: {  	v1 =	vld [tilespmem:s10+$0x2000]  }
0x73: {  	v2 =	vld [tilespmem:s9+$0x10]  }
0x74: {  	v4 =	vld [tilespmem:s10+$0x2010]  }
0x75: {  	v5 =	vld [tilespmem:s9+$0x20]  }
0x76: {  	v6 =	vld [tilespmem:s10+$0x2020]  }
0x77: {  	v10 =	vld [tilespmem:s9+$0x30]  }
0x78: {  	v11 =	vld [tilespmem:s10+$0x2030]  }
0x79: {  	v12 =	vld [tilespmem:s9+$0x40]  }
0x7a: {  	v13 =	vld [tilespmem:s10+$0x2040]  }
0x7b: {  	v14 =	vld [tilespmem:s9+$0x50]  }
0x7c: {  	v15 =	vld [tilespmem:s10+$0x2050]  }
0x7d: {  	v16 =	vld [tilespmem:s9+$0x60]  }
0x7e: {  	v7 =	vld [tilespmem:s9+$0x70]  }
0x7f: {  	v9 =	vld [tilespmem:s10+$0x2070]  }
0x80: {  	s24 =	simm.s32 $0x0;
	v17 =	vld [tilespmem:s10+$0x2060]  }
0x81: {  	v18 =	vld [tilespmem:s24+$0x1070]  }
0x82: {  	v19 =	vld [tilespmem:s24+$0x1000]  }
0x83: {  	v20 =	vld [tilespmem:s24+$0x1010];
	v3 =	vadd.f32 v1, v0  }
0x84: {  	v8 =	vld [tilespmem:s24+$0x1020];
	v4 =	vadd.f32 v4, v2;
	v7 =	vadd.f32 v9, v7  }
0x85: {  	v9 =	vld [tilespmem:s24+$0x1030];
	v5 =	vadd.f32 v6, v5;
	v0 =	vadd.f32 v11, v10  }
0x86: {  	v10 =	vld [tilespmem:s24+$0x1040];
	v1 =	vadd.f32 v13, v12;
	v18 =	vadd.f32 v18, v7  }
0x87: {  	v11 =	vld [tilespmem:s24+$0x1050];
	v6 =	vadd.f32 v15, v14;
	v13 =	vadd.f32 v19, v3  }
0x88: {  	s11 =	simm.s32 $0x400;
	s22 =	simm.s32 $0x80;
	v2 =	vadd.f32 v17, v16;
	v12 =	vld [tilespmem:s24+$0x1060];
	v14 =	vadd.f32 v20, v4;
	[tilespmem:s24+$0x2270] =	vst v18  }
.LBB2_2:
0x89: {  	p0 =	sne.s32 s11, $0x3E00;
	v15 =	vld [tilespmem:s22+$0x1070];
	[tilespmem:s24+$0x2200] =	vst v13;
	v8 =	vadd.f32 v8, v5  }
0x8a: {  	v13 =	vld [tilespmem:s22+$0x1000];
	[tilespmem:s24+$0x2210] =	vst v14;
	v9 =	vadd.f32 v9, v0  }
0x8b: {  	v14 =	vld [tilespmem:s22+$0x1010];
	[tilespmem:s24+$0x2220] =	vst v8;
	v10 =	vadd.f32 v10, v1  }
.Ltmp0:
0x8c: {  	v8 =	vld [tilespmem:s22+$0x1020];
	[tilespmem:s24+$0x2230] =	vst v9;
	v11 =	vadd.f32 v11, v6;
	(pc) =	sbr.rel @p0 .LBB2_2-.Ltmp0, $4  }
0x8d: {  	v9 =	vld [tilespmem:s22+$0x1030];
	[tilespmem:s24+$0x2240] =	vst v10;
	v12 =	vadd.f32 v12, v2  }
0x8e: {  	v10 =	vld [tilespmem:s22+$0x1040];
	v15 =	vadd.f32 v15, v7;
	[tilespmem:s24+$0x2250] =	vst v11  }
0x8f: {  	v13 =	vadd.f32 v13, v3;
	v11 =	vld [tilespmem:s22+$0x1050];
	[tilespmem:s24+$0x2260] =	vst v12;
	s24 =	smov.u32 s22  }
0x90: {  	s22 =	sshra.s32 s11, $0x2;
	s11 =	sadd.s32 $0x200, s11;
	v14 =	vadd.f32 v14, v4;
	v12 =	vld [tilespmem:s24+$0x1060];
	[tilespmem:s24+$0x2270] =	vst v15  }
0x91: {  	v15 =	vld [tilespmem:s22+$0x1070];
	[tilespmem:s24+$0x2200] =	vst v13;
	v8 =	vadd.f32 v8, v5  }
0x92: {  	v13 =	vld [tilespmem:s22+$0x1000];
	[tilespmem:s24+$0x2210] =	vst v14;
	v9 =	vadd.f32 v9, v0  }
0x93: {  	v14 =	vld [tilespmem:s22+$0x1010];
	[tilespmem:s24+$0x2220] =	vst v8;
	v10 =	vadd.f32 v10, v1  }
0x94: {  	v8 =	vld [tilespmem:s22+$0x1020];
	[tilespmem:s24+$0x2230] =	vst v9;
	v11 =	vadd.f32 v11, v6  }
0x95: {  	v9 =	vld [tilespmem:s22+$0x1030];
	[tilespmem:s24+$0x2240] =	vst v10;
	v12 =	vadd.f32 v12, v2  }
0x96: {  	v10 =	vld [tilespmem:s22+$0x1040];
	[tilespmem:s24+$0x2250] =	vst v11;
	v7 =	vadd.f32 v15, v7  }
0x97: {  	v11 =	vld [tilespmem:s22+$0x1050];
	[tilespmem:s24+$0x2260] =	vst v12;
	v3 =	vadd.f32 v13, v3  }
0x98: {  	v12 =	vld [tilespmem:s22+$0x1060];
	v4 =	vadd.f32 v14, v4;
	[tilespmem:s22+$0x2270] =	vst v7  }
0x99: {  	[tilespmem:s22+$0x2200] =	vst v3;
	v3 =	vadd.f32 v8, v5  }
0x9a: {  	[tilespmem:s22+$0x2210] =	vst v4;
	v0 =	vadd.f32 v9, v0  }
0x9b: {  	[tilespmem:s22+$0x2220] =	vst v3;
	v1 =	vadd.f32 v10, v1  }
0x9c: {  	[tilespmem:s22+$0x2230] =	vst v0;
	v0 =	vadd.f32 v11, v6  }
0x9d: {  	[tilespmem:s22+$0x2240] =	vst v1;
	v1 =	vadd.f32 v12, v2  }
0x9e: {  	[tilespmem:s22+$0x2250] =	vst v0  }
0x9f: {  	[tilespmem:s22+$0x2260] =	vst v1  }
0xa0: {  	v0 =	vld [tilespmem:s9+$0x80]  }
0xa1: {  	v1 =	vld [tilespmem:s10+$0x2000]  }
0xa2: {  	v2 =	vld [tilespmem:s9+$0x90]  }
0xa3: {  	v4 =	vld [tilespmem:s10+$0x2010]  }
0xa4: {  	v5 =	vld [tilespmem:s9+$0xA0]  }
0xa5: {  	v6 =	vld [tilespmem:s10+$0x2020]  }
0xa6: {  	v10 =	vld [tilespmem:s9+$0xB0]  }
0xa7: {  	v11 =	vld [tilespmem:s10+$0x2030]  }
0xa8: {  	v12 =	vld [tilespmem:s9+$0xC0]  }
0xa9: {  	v13 =	vld [tilespmem:s10+$0x2040]  }
0xaa: {  	v14 =	vld [tilespmem:s9+$0xD0]  }
0xab: {  	v15 =	vld [tilespmem:s10+$0x2050]  }
0xac: {  	v16 =	vld [tilespmem:s9+$0xE0]  }
0xad: {  	v7 =	vld [tilespmem:s9+$0xF0]  }
0xae: {  	v9 =	vld [tilespmem:s10+$0x2070]  }
0xaf: {  	s24 =	simm.s32 $0x0;
	v17 =	vld [tilespmem:s10+$0x2060]  }
0xb0: {  	v18 =	vld [tilespmem:s24+$0x1070]  }
0xb1: {  	v19 =	vld [tilespmem:s24+$0x1000]  }
0xb2: {  	v20 =	vld [tilespmem:s24+$0x1010];
	v3 =	vadd.f32 v1, v0  }
0xb3: {  	v8 =	vld [tilespmem:s24+$0x1020];
	v4 =	vadd.f32 v4, v2;
	v7 =	vadd.f32 v9, v7  }
0xb4: {  	v9 =	vld [tilespmem:s24+$0x1030];
	v5 =	vadd.f32 v6, v5;
	v0 =	vadd.f32 v11, v10  }
0xb5: {  	v10 =	vld [tilespmem:s24+$0x1040];
	v1 =	vadd.f32 v13, v12;
	v18 =	vadd.f32 v18, v7  }
0xb6: {  	v11 =	vld [tilespmem:s24+$0x1050];
	v6 =	vadd.f32 v15, v14;
	v13 =	vadd.f32 v19, v3  }
0xb7: {  	s11 =	simm.s32 $0x400;
	s22 =	simm.s32 $0x80;
	v2 =	vadd.f32 v17, v16;
	v12 =	vld [tilespmem:s24+$0x1060];
	v14 =	vadd.f32 v20, v4;
	[tilespmem:s24+$0x3270] =	vst v18  }
.LBB2_4:
0xb8: {  	p0 =	sne.s32 s11, $0x3E00;
	v15 =	vld [tilespmem:s22+$0x1070];
	[tilespmem:s24+$0x3200] =	vst v13;
	v8 =	vadd.f32 v8, v5  }
0xb9: {  	v13 =	vld [tilespmem:s22+$0x1000];
	[tilespmem:s24+$0x3210] =	vst v14;
	v9 =	vadd.f32 v9, v0  }
0xba: {  	v14 =	vld [tilespmem:s22+$0x1010];
	[tilespmem:s24+$0x3220] =	vst v8;
	v10 =	vadd.f32 v10, v1  }
.Ltmp1:
0xbb: {  	v8 =	vld [tilespmem:s22+$0x1020];
	[tilespmem:s24+$0x3230] =	vst v9;
	v11 =	vadd.f32 v11, v6;
	(pc) =	sbr.rel @p0 .LBB2_4-.Ltmp1, $4  }
0xbc: {  	v9 =	vld [tilespmem:s22+$0x1030];
	[tilespmem:s24+$0x3240] =	vst v10;
	v12 =	vadd.f32 v12, v2  }
0xbd: {  	v10 =	vld [tilespmem:s22+$0x1040];
	v15 =	vadd.f32 v15, v7;
	[tilespmem:s24+$0x3250] =	vst v11  }
0xbe: {  	v13 =	vadd.f32 v13, v3;
	v11 =	vld [tilespmem:s22+$0x1050];
	[tilespmem:s24+$0x3260] =	vst v12;
	s24 =	smov.u32 s22  }
0xbf: {  	s22 =	sshra.s32 s11, $0x2;
	s11 =	sadd.s32 $0x200, s11;
	v14 =	vadd.f32 v14, v4;
	v12 =	vld [tilespmem:s24+$0x1060];
	[tilespmem:s24+$0x3270] =	vst v15  }
0xc0: {  	v15 =	vld [tilespmem:s22+$0x1070];
	[tilespmem:s24+$0x3200] =	vst v13;
	v8 =	vadd.f32 v8, v5  }
0xc1: {  	v13 =	vld [tilespmem:s22+$0x1000];
	[tilespmem:s24+$0x3210] =	vst v14;
	v9 =	vadd.f32 v9, v0  }
0xc2: {  	v14 =	vld [tilespmem:s22+$0x1010];
	[tilespmem:s24+$0x3220] =	vst v8;
	v10 =	vadd.f32 v10, v1  }
0xc3: {  	v8 =	vld [tilespmem:s22+$0x1020];
	[tilespmem:s24+$0x3230] =	vst v9;
	v11 =	vadd.f32 v11, v6  }
0xc4: {  	v9 =	vld [tilespmem:s22+$0x1030];
	[tilespmem:s24+$0x3240] =	vst v10;
	v12 =	vadd.f32 v12, v2  }
0xc5: {  	v10 =	vld [tilespmem:s22+$0x1040];
	[tilespmem:s24+$0x3250] =	vst v11;
	v7 =	vadd.f32 v15, v7  }
0xc6: {  	v11 =	vld [tilespmem:s22+$0x1050];
	[tilespmem:s24+$0x3260] =	vst v12;
	v3 =	vadd.f32 v13, v3  }
0xc7: {  	v12 =	vld [tilespmem:s22+$0x1060];
	v4 =	vadd.f32 v14, v4;
	[tilespmem:s22+$0x3270] =	vst v7  }
0xc8: {  	[tilespmem:s22+$0x3200] =	vst v3;
	v3 =	vadd.f32 v8, v5  }
0xc9: {  	[tilespmem:s22+$0x3210] =	vst v4;
	v0 =	vadd.f32 v9, v0  }
0xca: {  	[tilespmem:s22+$0x3220] =	vst v3;
	v1 =	vadd.f32 v10, v1  }
0xcb: {  	[tilespmem:s22+$0x3230] =	vst v0;
	v0 =	vadd.f32 v11, v6  }
0xcc: {  	[tilespmem:s22+$0x3240] =	vst v1;
	v1 =	vadd.f32 v12, v2  }
0xcd: {  	s12 =	sld [smem:$0x7C4];
	[tilespmem:s22+$0x3250] =	vst v0  }
0xce: {  	s11 =	rddreg [dreg:$0x9];
	[tilespmem:s22+$0x3260] =	vst v1  }
0xcf: {  	v0 =	vld [tilespmem:s11+$0x0]  }
0xd0: {  	v1 =	vld [tilespmem:s12+$0x2000]  }
0xd1: {  	v2 =	vld [tilespmem:s11+$0x10]  }
0xd2: {  	v4 =	vld [tilespmem:s12+$0x2010]  }
0xd3: {  	v5 =	vld [tilespmem:s11+$0x20]  }
0xd4: {  	v6 =	vld [tilespmem:s12+$0x2020]  }
0xd5: {  	v10 =	vld [tilespmem:s11+$0x30]  }
0xd6: {  	v11 =	vld [tilespmem:s12+$0x2030]  }
0xd7: {  	v12 =	vld [tilespmem:s11+$0x40]  }
0xd8: {  	v13 =	vld [tilespmem:s12+$0x2040]  }
0xd9: {  	v14 =	vld [tilespmem:s11+$0x50]  }
0xda: {  	v15 =	vld [tilespmem:s12+$0x2050]  }
0xdb: {  	v16 =	vld [tilespmem:s11+$0x60]  }
0xdc: {  	v7 =	vld [tilespmem:s11+$0x70]  }
0xdd: {  	v9 =	vld [tilespmem:s12+$0x2070]  }
0xde: {  	s24 =	simm.s32 $0x0;
	v17 =	vld [tilespmem:s12+$0x2060]  }
0xdf: {  	v18 =	vld [tilespmem:s24+$0x1070]  }
0xe0: {  	v19 =	vld [tilespmem:s24+$0x1000]  }
0xe1: {  	v20 =	vld [tilespmem:s24+$0x1010];
	v3 =	vadd.f32 v1, v0  }
0xe2: {  	v8 =	vld [tilespmem:s24+$0x1020];
	v4 =	vadd.f32 v4, v2;
	v7 =	vadd.f32 v9, v7  }
0xe3: {  	v9 =	vld [tilespmem:s24+$0x1030];
	v5 =	vadd.f32 v6, v5;
	v0 =	vadd.f32 v11, v10  }
0xe4: {  	v10 =	vld [tilespmem:s24+$0x1040];
	v1 =	vadd.f32 v13, v12;
	v18 =	vadd.f32 v18, v7  }
0xe5: {  	v11 =	vld [tilespmem:s24+$0x1050];
	v6 =	vadd.f32 v15, v14;
	v13 =	vadd.f32 v19, v3  }
0xe6: {  	s22 =	simm.s32 $0x80;
	s11 =	simm.s32 $0x400;
	v2 =	vadd.f32 v17, v16;
	v12 =	vld [tilespmem:s24+$0x1060];
	v14 =	vadd.f32 v20, v4;
	[tilespmem:s24+$0x4270] =	vst v18  }
.LBB2_6:
0xe7: {  	p0 =	sne.s32 s11, $0x3E00;
	v15 =	vld [tilespmem:s22+$0x1070];
	[tilespmem:s24+$0x4200] =	vst v13;
	v8 =	vadd.f32 v8, v5  }
0xe8: {  	v13 =	vld [tilespmem:s22+$0x1000];
	[tilespmem:s24+$0x4210] =	vst v14;
	v9 =	vadd.f32 v9, v0  }
0xe9: {  	v14 =	vld [tilespmem:s22+$0x1010];
	[tilespmem:s24+$0x4220] =	vst v8;
	v10 =	vadd.f32 v10, v1  }
.Ltmp2:
0xea: {  	v8 =	vld [tilespmem:s22+$0x1020];
	[tilespmem:s24+$0x4230] =	vst v9;
	v11 =	vadd.f32 v11, v6;
	(pc) =	sbr.rel @p0 .LBB2_6-.Ltmp2, $4  }
0xeb: {  	v9 =	vld [tilespmem:s22+$0x1030];
	[tilespmem:s24+$0x4240] =	vst v10;
	v12 =	vadd.f32 v12, v2  }
0xec: {  	v10 =	vld [tilespmem:s22+$0x1040];
	v15 =	vadd.f32 v15, v7;
	[tilespmem:s24+$0x4250] =	vst v11  }
0xed: {  	v13 =	vadd.f32 v13, v3;
	v11 =	vld [tilespmem:s22+$0x1050];
	[tilespmem:s24+$0x4260] =	vst v12;
	s24 =	smov.u32 s22  }
0xee: {  	s22 =	sshra.s32 s11, $0x2;
	s11 =	sadd.s32 $0x200, s11;
	v14 =	vadd.f32 v14, v4;
	v12 =	vld [tilespmem:s24+$0x1060];
	[tilespmem:s24+$0x4270] =	vst v15  }
0xef: {  	v15 =	vld [tilespmem:s22+$0x1070];
	[tilespmem:s24+$0x4200] =	vst v13;
	v8 =	vadd.f32 v8, v5  }
0xf0: {  	v13 =	vld [tilespmem:s22+$0x1000];
	[tilespmem:s24+$0x4210] =	vst v14;
	v9 =	vadd.f32 v9, v0  }
0xf1: {  	v14 =	vld [tilespmem:s22+$0x1010];
	[tilespmem:s24+$0x4220] =	vst v8;
	v10 =	vadd.f32 v10, v1  }
0xf2: {  	v8 =	vld [tilespmem:s22+$0x1020];
	[tilespmem:s24+$0x4230] =	vst v9;
	v11 =	vadd.f32 v11, v6  }
0xf3: {  	v9 =	vld [tilespmem:s22+$0x1030];
	[tilespmem:s24+$0x4240] =	vst v10;
	v12 =	vadd.f32 v12, v2  }
0xf4: {  	v10 =	vld [tilespmem:s22+$0x1040];
	[tilespmem:s24+$0x4250] =	vst v11;
	v7 =	vadd.f32 v15, v7  }
0xf5: {  	v11 =	vld [tilespmem:s22+$0x1050];
	[tilespmem:s24+$0x4260] =	vst v12;
	v3 =	vadd.f32 v13, v3  }
0xf6: {  	v12 =	vld [tilespmem:s22+$0x1060];
	v4 =	vadd.f32 v14, v4;
	[tilespmem:s22+$0x4270] =	vst v7  }
0xf7: {  	[tilespmem:s22+$0x4200] =	vst v3;
	v3 =	vadd.f32 v8, v5  }
0xf8: {  	[tilespmem:s22+$0x4210] =	vst v4;
	v0 =	vadd.f32 v9, v0  }
0xf9: {  	[tilespmem:s22+$0x4220] =	vst v3;
	v1 =	vadd.f32 v10, v1  }
0xfa: {  	[tilespmem:s22+$0x4230] =	vst v0;
	v0 =	vadd.f32 v11, v6  }
0xfb: {  	s11 =	sld [smem:$0x7C5];
	[tilespmem:s22+$0x4240] =	vst v1;
	v1 =	vadd.f32 v12, v2  }
0xfc: {  	s12 =	sld [smem:$0x7C6];
	[tilespmem:s22+$0x4250] =	vst v0  }
0xfd: {  	[tilespmem:s22+$0x4260] =	vst v1  }
0xfe: {  	v0 =	vld [tilespmem:s11+$0x0]  }
0xff: {  	v1 =	vld [tilespmem:s12+$0x2000]  }
0x100: {  	v2 =	vld [tilespmem:s11+$0x10]  }
0x101: {  	v4 =	vld [tilespmem:s12+$0x2010]  }
0x102: {  	v5 =	vld [tilespmem:s11+$0x20]  }
0x103: {  	v6 =	vld [tilespmem:s12+$0x2020]  }
0x104: {  	v10 =	vld [tilespmem:s11+$0x30]  }
0x105: {  	v11 =	vld [tilespmem:s12+$0x2030]  }
0x106: {  	v12 =	vld [tilespmem:s11+$0x40]  }
0x107: {  	v13 =	vld [tilespmem:s12+$0x2040]  }
0x108: {  	v14 =	vld [tilespmem:s11+$0x50]  }
0x109: {  	v15 =	vld [tilespmem:s12+$0x2050]  }
0x10a: {  	v16 =	vld [tilespmem:s11+$0x60]  }
0x10b: {  	v7 =	vld [tilespmem:s11+$0x70]  }
0x10c: {  	v9 =	vld [tilespmem:s12+$0x2070]  }
0x10d: {  	s24 =	simm.s32 $0x0;
	v17 =	vld [tilespmem:s12+$0x2060]  }
0x10e: {  	v18 =	vld [tilespmem:s24+$0x1070]  }
0x10f: {  	v19 =	vld [tilespmem:s24+$0x1000]  }
0x110: {  	v20 =	vld [tilespmem:s24+$0x1010];
	v3 =	vadd.f32 v1, v0  }
0x111: {  	v8 =	vld [tilespmem:s24+$0x1020];
	v4 =	vadd.f32 v4, v2;
	v7 =	vadd.f32 v9, v7  }
0x112: {  	v9 =	vld [tilespmem:s24+$0x1030];
	v5 =	vadd.f32 v6, v5;
	v0 =	vadd.f32 v11, v10  }
0x113: {  	v10 =	vld [tilespmem:s24+$0x1040];
	v1 =	vadd.f32 v13, v12;
	v18 =	vadd.f32 v18, v7  }
0x114: {  	v11 =	vld [tilespmem:s24+$0x1050];
	v6 =	vadd.f32 v15, v14;
	v13 =	vadd.f32 v19, v3  }
0x115: {  	s22 =	simm.s32 $0x80;
	s11 =	simm.s32 $0x400;
	v2 =	vadd.f32 v17, v16;
	v12 =	vld [tilespmem:s24+$0x1060];
	v14 =	vadd.f32 v20, v4;
	[tilespmem:s24+$0x5270] =	vst v18  }
.LBB2_8:
0x116: {  	p0 =	sne.s32 s11, $0x3E00;
	v15 =	vld [tilespmem:s22+$0x1070];
	[tilespmem:s24+$0x5200] =	vst v13;
	v8 =	vadd.f32 v8, v5  }
0x117: {  	v13 =	vld [tilespmem:s22+$0x1000];
	[tilespmem:s24+$0x5210] =	vst v14;
	v9 =	vadd.f32 v9, v0  }
0x118: {  	v14 =	vld [tilespmem:s22+$0x1010];
	[tilespmem:s24+$0x5220] =	vst v8;
	v10 =	vadd.f32 v10, v1  }
.Ltmp3:
0x119: {  	v8 =	vld [tilespmem:s22+$0x1020];
	[tilespmem:s24+$0x5230] =	vst v9;
	v11 =	vadd.f32 v11, v6;
	(pc) =	sbr.rel @p0 .LBB2_8-.Ltmp3, $4  }
0x11a: {  	v9 =	vld [tilespmem:s22+$0x1030];
	[tilespmem:s24+$0x5240] =	vst v10;
	v12 =	vadd.f32 v12, v2  }
0x11b: {  	v10 =	vld [tilespmem:s22+$0x1040];
	v15 =	vadd.f32 v15, v7;
	[tilespmem:s24+$0x5250] =	vst v11  }
0x11c: {  	v13 =	vadd.f32 v13, v3;
	v11 =	vld [tilespmem:s22+$0x1050];
	[tilespmem:s24+$0x5260] =	vst v12;
	s24 =	smov.u32 s22  }
0x11d: {  	s22 =	sshra.s32 s11, $0x2;
	s11 =	sadd.s32 $0x200, s11;
	v14 =	vadd.f32 v14, v4;
	v12 =	vld [tilespmem:s24+$0x1060];
	[tilespmem:s24+$0x5270] =	vst v15  }
0x11e: {  	v15 =	vld [tilespmem:s22+$0x1070];
	[tilespmem:s24+$0x5200] =	vst v13;
	v8 =	vadd.f32 v8, v5  }
0x11f: {  	v13 =	vld [tilespmem:s22+$0x1000];
	[tilespmem:s24+$0x5210] =	vst v14;
	v9 =	vadd.f32 v9, v0  }
0x120: {  	v14 =	vld [tilespmem:s22+$0x1010];
	[tilespmem:s24+$0x5220] =	vst v8;
	v10 =	vadd.f32 v10, v1  }
0x121: {  	v8 =	vld [tilespmem:s22+$0x1020];
	[tilespmem:s24+$0x5230] =	vst v9;
	v11 =	vadd.f32 v11, v6  }
0x122: {  	v9 =	vld [tilespmem:s22+$0x1030];
	[tilespmem:s24+$0x5240] =	vst v10;
	v12 =	vadd.f32 v12, v2  }
0x123: {  	v10 =	vld [tilespmem:s22+$0x1040];
	[tilespmem:s24+$0x5250] =	vst v11;
	v7 =	vadd.f32 v15, v7  }
0x124: {  	v11 =	vld [tilespmem:s22+$0x1050];
	[tilespmem:s24+$0x5260] =	vst v12;
	v3 =	vadd.f32 v13, v3  }
0x125: {  	v12 =	vld [tilespmem:s22+$0x1060];
	v4 =	vadd.f32 v14, v4;
	[tilespmem:s22+$0x5270] =	vst v7  }
0x126: {  	[tilespmem:s22+$0x5200] =	vst v3;
	v3 =	vadd.f32 v8, v5  }
0x127: {  	[tilespmem:s22+$0x5210] =	vst v4;
	v0 =	vadd.f32 v9, v0  }
0x128: {  	[tilespmem:s22+$0x5220] =	vst v3;
	v1 =	vadd.f32 v10, v1  }
0x129: {  	[tilespmem:s22+$0x5230] =	vst v0;
	v0 =	vadd.f32 v11, v6  }
0x12a: {  	s11 =	sld [smem:$0x7C7];
	[tilespmem:s22+$0x5240] =	vst v1;
	v1 =	vadd.f32 v12, v2  }
0x12b: {  	s12 =	sld [smem:$0x7C8];
	[tilespmem:s22+$0x5250] =	vst v0  }
0x12c: {  	[tilespmem:s22+$0x5260] =	vst v1  }
0x12d: {  	v0 =	vld [tilespmem:s11+$0x0]  }
0x12e: {  	v1 =	vld [tilespmem:s12+$0x2000]  }
0x12f: {  	v2 =	vld [tilespmem:s11+$0x10]  }
0x130: {  	v4 =	vld [tilespmem:s12+$0x2010]  }
0x131: {  	v5 =	vld [tilespmem:s11+$0x20]  }
0x132: {  	v6 =	vld [tilespmem:s12+$0x2020]  }
0x133: {  	v10 =	vld [tilespmem:s11+$0x30]  }
0x134: {  	v11 =	vld [tilespmem:s12+$0x2030]  }
0x135: {  	v12 =	vld [tilespmem:s11+$0x40]  }
0x136: {  	v13 =	vld [tilespmem:s12+$0x2040]  }
0x137: {  	v14 =	vld [tilespmem:s11+$0x50]  }
0x138: {  	v15 =	vld [tilespmem:s12+$0x2050]  }
0x139: {  	v16 =	vld [tilespmem:s11+$0x60]  }
0x13a: {  	v7 =	vld [tilespmem:s11+$0x70]  }
0x13b: {  	v9 =	vld [tilespmem:s12+$0x2070]  }
0x13c: {  	s24 =	simm.s32 $0x0;
	v17 =	vld [tilespmem:s12+$0x2060]  }
0x13d: {  	v18 =	vld [tilespmem:s24+$0x1070]  }
0x13e: {  	v19 =	vld [tilespmem:s24+$0x1000]  }
0x13f: {  	v20 =	vld [tilespmem:s24+$0x1010];
	v3 =	vadd.f32 v1, v0  }
0x140: {  	v8 =	vld [tilespmem:s24+$0x1020];
	v4 =	vadd.f32 v4, v2;
	v7 =	vadd.f32 v9, v7  }
0x141: {  	v9 =	vld [tilespmem:s24+$0x1030];
	v5 =	vadd.f32 v6, v5;
	v0 =	vadd.f32 v11, v10  }
0x142: {  	v10 =	vld [tilespmem:s24+$0x1040];
	v1 =	vadd.f32 v13, v12;
	v18 =	vadd.f32 v18, v7  }
0x143: {  	v11 =	vld [tilespmem:s24+$0x1050];
	v6 =	vadd.f32 v15, v14;
	v13 =	vadd.f32 v19, v3  }
0x144: {  	s22 =	simm.s32 $0x80;
	s11 =	simm.s32 $0x400;
	v2 =	vadd.f32 v17, v16;
	v12 =	vld [tilespmem:s24+$0x1060];
	v14 =	vadd.f32 v20, v4;
	[tilespmem:s24+$0x6270] =	vst v18  }
.LBB2_10:
0x145: {  	p0 =	sne.s32 s11, $0x3E00;
	v15 =	vld [tilespmem:s22+$0x1070];
	[tilespmem:s24+$0x6200] =	vst v13;
	v8 =	vadd.f32 v8, v5  }
0x146: {  	v13 =	vld [tilespmem:s22+$0x1000];
	[tilespmem:s24+$0x6210] =	vst v14;
	v9 =	vadd.f32 v9, v0  }
0x147: {  	v14 =	vld [tilespmem:s22+$0x1010];
	[tilespmem:s24+$0x6220] =	vst v8;
	v10 =	vadd.f32 v10, v1  }
.Ltmp4:
0x148: {  	v8 =	vld [tilespmem:s22+$0x1020];
	[tilespmem:s24+$0x6230] =	vst v9;
	v11 =	vadd.f32 v11, v6;
	(pc) =	sbr.rel @p0 .LBB2_10-.Ltmp4, $4  }
0x149: {  	v9 =	vld [tilespmem:s22+$0x1030];
	[tilespmem:s24+$0x6240] =	vst v10;
	v12 =	vadd.f32 v12, v2  }
0x14a: {  	v10 =	vld [tilespmem:s22+$0x1040];
	v15 =	vadd.f32 v15, v7;
	[tilespmem:s24+$0x6250] =	vst v11  }
0x14b: {  	v13 =	vadd.f32 v13, v3;
	v11 =	vld [tilespmem:s22+$0x1050];
	[tilespmem:s24+$0x6260] =	vst v12;
	s24 =	smov.u32 s22  }
0x14c: {  	s22 =	sshra.s32 s11, $0x2;
	s11 =	sadd.s32 $0x200, s11;
	v14 =	vadd.f32 v14, v4;
	v12 =	vld [tilespmem:s24+$0x1060];
	[tilespmem:s24+$0x6270] =	vst v15  }
0x14d: {  	v15 =	vld [tilespmem:s22+$0x1070];
	[tilespmem:s24+$0x6200] =	vst v13;
	v8 =	vadd.f32 v8, v5  }
0x14e: {  	v13 =	vld [tilespmem:s22+$0x1000];
	[tilespmem:s24+$0x6210] =	vst v14;
	v9 =	vadd.f32 v9, v0  }
0x14f: {  	v14 =	vld [tilespmem:s22+$0x1010];
	[tilespmem:s24+$0x6220] =	vst v8;
	v10 =	vadd.f32 v10, v1  }
0x150: {  	v8 =	vld [tilespmem:s22+$0x1020];
	[tilespmem:s24+$0x6230] =	vst v9;
	v11 =	vadd.f32 v11, v6  }
0x151: {  	v9 =	vld [tilespmem:s22+$0x1030];
	[tilespmem:s24+$0x6240] =	vst v10;
	v12 =	vadd.f32 v12, v2  }
0x152: {  	v10 =	vld [tilespmem:s22+$0x1040];
	[tilespmem:s24+$0x6250] =	vst v11;
	v7 =	vadd.f32 v15, v7  }
0x153: {  	v11 =	vld [tilespmem:s22+$0x1050];
	[tilespmem:s24+$0x6260] =	vst v12;
	v3 =	vadd.f32 v13, v3  }
0x154: {  	v12 =	vld [tilespmem:s22+$0x1060];
	v4 =	vadd.f32 v14, v4;
	[tilespmem:s22+$0x6270] =	vst v7  }
0x155: {  	[tilespmem:s22+$0x6200] =	vst v3;
	v3 =	vadd.f32 v8, v5  }
0x156: {  	[tilespmem:s22+$0x6210] =	vst v4;
	v0 =	vadd.f32 v9, v0  }
0x157: {  	[tilespmem:s22+$0x6220] =	vst v3;
	v1 =	vadd.f32 v10, v1  }
0x158: {  	[tilespmem:s22+$0x6230] =	vst v0;
	v0 =	vadd.f32 v11, v6  }
0x159: {  	s11 =	sld [smem:$0x7C9];
	[tilespmem:s22+$0x6240] =	vst v1;
	v1 =	vadd.f32 v12, v2  }
0x15a: {  	s12 =	sld [smem:$0x7CA];
	[tilespmem:s22+$0x6250] =	vst v0  }
0x15b: {  	[tilespmem:s22+$0x6260] =	vst v1  }
0x15c: {  	v0 =	vld [tilespmem:s11+$0x0]  }
0x15d: {  	v1 =	vld [tilespmem:s12+$0x2000]  }
0x15e: {  	v2 =	vld [tilespmem:s11+$0x10]  }
0x15f: {  	v4 =	vld [tilespmem:s12+$0x2010]  }
0x160: {  	v5 =	vld [tilespmem:s11+$0x20]  }
0x161: {  	v6 =	vld [tilespmem:s12+$0x2020]  }
0x162: {  	v10 =	vld [tilespmem:s11+$0x30]  }
0x163: {  	v11 =	vld [tilespmem:s12+$0x2030]  }
0x164: {  	v12 =	vld [tilespmem:s11+$0x40]  }
0x165: {  	v13 =	vld [tilespmem:s12+$0x2040]  }
0x166: {  	v14 =	vld [tilespmem:s11+$0x50]  }
0x167: {  	v15 =	vld [tilespmem:s12+$0x2050]  }
0x168: {  	v16 =	vld [tilespmem:s11+$0x60]  }
0x169: {  	v7 =	vld [tilespmem:s11+$0x70]  }
0x16a: {  	v9 =	vld [tilespmem:s12+$0x2070]  }
0x16b: {  	s24 =	simm.s32 $0x0;
	v17 =	vld [tilespmem:s12+$0x2060]  }
0x16c: {  	v18 =	vld [tilespmem:s24+$0x1070]  }
0x16d: {  	v19 =	vld [tilespmem:s24+$0x1000]  }
0x16e: {  	v20 =	vld [tilespmem:s24+$0x1010];
	v3 =	vadd.f32 v1, v0  }
0x16f: {  	v8 =	vld [tilespmem:s24+$0x1020];
	v4 =	vadd.f32 v4, v2;
	v7 =	vadd.f32 v9, v7  }
0x170: {  	v9 =	vld [tilespmem:s24+$0x1030];
	v5 =	vadd.f32 v6, v5;
	v0 =	vadd.f32 v11, v10  }
0x171: {  	v10 =	vld [tilespmem:s24+$0x1040];
	v1 =	vadd.f32 v13, v12;
	v18 =	vadd.f32 v18, v7  }
0x172: {  	v11 =	vld [tilespmem:s24+$0x1050];
	v6 =	vadd.f32 v15, v14;
	v13 =	vadd.f32 v19, v3  }
0x173: {  	s22 =	simm.s32 $0x80;
	s11 =	simm.s32 $0x400;
	v2 =	vadd.f32 v17, v16;
	v12 =	vld [tilespmem:s24+$0x1060];
	v14 =	vadd.f32 v20, v4;
	[tilespmem:s24+$0x7270] =	vst v18  }
.LBB2_12:
0x174: {  	p0 =	sne.s32 s11, $0x3E00;
	v15 =	vld [tilespmem:s22+$0x1070];
	[tilespmem:s24+$0x7200] =	vst v13;
	v8 =	vadd.f32 v8, v5  }
0x175: {  	v13 =	vld [tilespmem:s22+$0x1000];
	[tilespmem:s24+$0x7210] =	vst v14;
	v9 =	vadd.f32 v9, v0  }
0x176: {  	v14 =	vld [tilespmem:s22+$0x1010];
	[tilespmem:s24+$0x7220] =	vst v8;
	v10 =	vadd.f32 v10, v1  }
.Ltmp5:
0x177: {  	v8 =	vld [tilespmem:s22+$0x1020];
	[tilespmem:s24+$0x7230] =	vst v9;
	v11 =	vadd.f32 v11, v6;
	(pc) =	sbr.rel @p0 .LBB2_12-.Ltmp5, $4  }
0x178: {  	v9 =	vld [tilespmem:s22+$0x1030];
	[tilespmem:s24+$0x7240] =	vst v10;
	v12 =	vadd.f32 v12, v2  }
0x179: {  	v10 =	vld [tilespmem:s22+$0x1040];
	v15 =	vadd.f32 v15, v7;
	[tilespmem:s24+$0x7250] =	vst v11  }
0x17a: {  	v13 =	vadd.f32 v13, v3;
	v11 =	vld [tilespmem:s22+$0x1050];
	[tilespmem:s24+$0x7260] =	vst v12;
	s24 =	smov.u32 s22  }
0x17b: {  	s22 =	sshra.s32 s11, $0x2;
	s11 =	sadd.s32 $0x200, s11;
	v14 =	vadd.f32 v14, v4;
	v12 =	vld [tilespmem:s24+$0x1060];
	[tilespmem:s24+$0x7270] =	vst v15  }
0x17c: {  	v15 =	vld [tilespmem:s22+$0x1070];
	[tilespmem:s24+$0x7200] =	vst v13;
	v8 =	vadd.f32 v8, v5  }
0x17d: {  	v13 =	vld [tilespmem:s22+$0x1000];
	[tilespmem:s24+$0x7210] =	vst v14;
	v9 =	vadd.f32 v9, v0  }
0x17e: {  	v14 =	vld [tilespmem:s22+$0x1010];
	[tilespmem:s24+$0x7220] =	vst v8;
	v10 =	vadd.f32 v10, v1  }
0x17f: {  	v8 =	vld [tilespmem:s22+$0x1020];
	[tilespmem:s24+$0x7230] =	vst v9;
	v11 =	vadd.f32 v11, v6  }
0x180: {  	v9 =	vld [tilespmem:s22+$0x1030];
	[tilespmem:s24+$0x7240] =	vst v10;
	v12 =	vadd.f32 v12, v2  }
0x181: {  	v10 =	vld [tilespmem:s22+$0x1040];
	[tilespmem:s24+$0x7250] =	vst v11;
	v7 =	vadd.f32 v15, v7  }
0x182: {  	v11 =	vld [tilespmem:s22+$0x1050];
	[tilespmem:s24+$0x7260] =	vst v12;
	v3 =	vadd.f32 v13, v3  }
0x183: {  	v12 =	vld [tilespmem:s22+$0x1060];
	v4 =	vadd.f32 v14, v4;
	[tilespmem:s22+$0x7270] =	vst v7  }
0x184: {  	[tilespmem:s22+$0x7200] =	vst v3;
	v59 =	vadd.f32 v8, v5  }
0x185: {  	[tilespmem:s22+$0x7210] =	vst v4;
	v60 =	vadd.f32 v9, v0  }
0x186: {  	[tilespmem:s22+$0x7220] =	vst v59;
	v61 =	vadd.f32 v10, v1  }
0x187: {  	[tilespmem:s22+$0x7230] =	vst v60;
	v62 =	vadd.f32 v11, v6  }
0x188: {  	[tilespmem:s22+$0x7240] =	vst v61;
	v63 =	vadd.f32 v12, v2  }
0x189: {  	[tilespmem:s22+$0x7250] =	vst v62  }
0x18a: {  	s11 =	rddreg [dreg:$0xa];
	s12 =	simm.s32 $0x2200;
	s18 =	simm.s32 $0xD;
	[tilespmem:s22+$0x7260] =	vst v63  }
0x18b: {  	[spmem:s11] =	stream.linear.scatter [tilespmem:s12], [sflag:$0xD], $0x6000, $0x38;
	[tilespmem:$0x1FA00] =	vst v63  }
0x18c: {  	_ =	swait.ge [sflag:s18], $0x6000  }
0x18d: {  	[sflag:s18] =	ssyncset.done $0x0  }
0x18e: {  	[sflag:s18] =	ssyncadd.s32 $0xFFFFA000  }
0x18f: {  	_ =	swait.ge [sflag:s1], $0x1800  }
0x190: {  	[sflag:s1] =	ssyncset.done $0x0  }
0x191: {  	[sflag:s1] =	ssyncadd.s32 $0xFFFFE800  }
0x192: {  	[bflag:$0x0] =	sbarrier.arrive $0xFFFF  }
0x193: {  	s11 =	rddreg [dreg:$0x6]  }
0x194: {  	s24 =	sld [smem:$0x7D8]  }
0x195: {  	[tilespmem:s3], [sflag:$0x1] =	stream.linear.gather [spmem:s11], $0x4000, $0x38;
	[tilespmem:$0x1FA00] =	vst v63  }
0x196: {  	_ = 	snop  }
0x197: {  	[tilespmem:s8], [sflag:$0x2] =	stream.linear.gather [spmem:s24], $0x4000, $0x38;
	[tilespmem:$0x1FA00] =	vst v63  }
0x198: {  	_ =	swait.ge [sflag:s26], $0x4000  }
0x199: {  	[sflag:s26] =	ssyncset.done $0x0  }
0x19a: {  	s12 =	sld [smem:$0x7D9];
	[sflag:s26] =	ssyncadd.s32 $0xFFFFC000  }
0x19b: {  	[tilespmem:s3], [sflag:$0x5] =	stream.indirect.gather.add.f32 [hbm:s0], $0x80, s13, s25, $0xb8;
	[tilespmem:$0x1FA00] =	vst v63  }
0x19c: {  	_ = 	snop  }
0x19d: {  	[tilespmem:s30], [sflag:$0x3] =	stream.linear.gather [spmem:s12], $0x4000, $0x38;
	[tilespmem:$0x1FA00] =	vst v63  }
0x19e: {  	_ =	swait.ge [sflag:s29], $0x4000  }
0x19f: {  	[sflag:s29] =	ssyncset.done $0x0  }
0x1a0: {  	s22 =	simm.s32 $0xE280;
	[sflag:s29] =	ssyncadd.s32 $0xFFFFC000  }
0x1a1: {  	[tilespmem:s8], [sflag:$0x6] =	stream.indirect.gather.add.f32 [hbm:s0], $0x80, s22, s25, $0xb8;
	[tilespmem:$0x1FA00] =	vst v63  }
0x1a2: {  	_ =	swait.ge [sflag:s2], $0x4000  }
0x1a3: {  	[sflag:s2] =	ssyncset.done $0x0  }
0x1a4: {  	s13 =	rddreg [dreg:$0xb];
	[sflag:s2] =	ssyncadd.s32 $0xFFFFC000  }
0x1a5: {  	[hbm4b:s13+s7] =	stream.linear.scatter [tilespmem:s3], [sflag:$0x9], $0x4000, $0x38;
	[tilespmem:$0x1FA00] =	vst v63  }
0x1a6: {  	s13 =	sld [smem:$0x7DA];
	_ =	sdelay $0x2  }
0x1a7: {  	[tilespmem:s23], [sflag:$0x4] =	stream.linear.gather [spmem:s13], $0x4000, $0x38;
	[tilespmem:$0x1FA00] =	vst v63  }
0x1a8: {  	_ =	swait.ge [sflag:s31], $0x4000  }
0x1a9: {  	[sflag:s31] =	ssyncset.done $0x0  }
0x1aa: {  	s14 =	simm.s32 $0xE300;
	[sflag:s31] =	ssyncadd.s32 $0xFFFFC000  }
0x1ab: {  	[tilespmem:s30], [sflag:$0x7] =	stream.indirect.gather.add.f32 [hbm:s0], $0x80, s14, s25, $0xb8;
	[tilespmem:$0x1FA00] =	vst v63  }
0x1ac: {  	_ =	swait.ge [sflag:s5], $0x4000  }
0x1ad: {  	[sflag:s5] =	ssyncset.done $0x0  }
0x1ae: {  	s14 =	sld [smem:$0x7DB];
	_ =	sdelay $0x1  }
0x1af: {  	[sflag:s5] =	ssyncadd.s32 $0xFFFFC000  }
0x1b0: {  	[hbm4b:s14+s7] =	stream.linear.scatter [tilespmem:s8], [sflag:$0xA], $0x4000, $0x38;
	[tilespmem:$0x1FA00] =	vst v63  }
0x1b1: {  	_ =	swait.ge [sflag:s28], $0x4000  }
0x1b2: {  	s14 =	sld [smem:$0x7DC]  }
0x1b3: {  	[sflag:s28] =	ssyncset.done $0x0  }
0x1b4: {  	[sflag:s28] =	ssyncadd.s32 $0xFFFFC000  }
0x1b5: {  	[tilespmem:s3], [sflag:$0x1] =	stream.linear.gather [spmem:s14], $0x4000, $0x38;
	[tilespmem:$0x1FA00] =	vst v63  }
0x1b6: {  	_ =	swait.ge [sflag:s1], $0x4000  }
0x1b7: {  	[sflag:s1] =	ssyncset.done $0x0  }
0x1b8: {  	s15 =	simm.s32 $0xE380;
	[sflag:s1] =	ssyncadd.s32 $0xFFFFC000  }
0x1b9: {  	[tilespmem:s23], [sflag:$0x8] =	stream.indirect.gather.add.f32 [hbm:s0], $0x80, s15, s25, $0xb8;
	[tilespmem:$0x1FA00] =	vst v63  }
0x1ba: {  	_ =	swait.ge [sflag:s4], $0x4000  }
0x1bb: {  	s15 =	sld [smem:$0x7DD]  }
0x1bc: {  	[sflag:s4] =	ssyncset.done $0x0  }
0x1bd: {  	[sflag:s4] =	ssyncadd.s32 $0xFFFFC000  }
0x1be: {  	[hbm4b:s15+s7] =	stream.linear.scatter [tilespmem:s30], [sflag:$0xB], $0x4000, $0x38;
	[tilespmem:$0x1FA00] =	vst v63  }
0x1bf: {  	_ =	swait.ge [sflag:s6], $0x4000  }
0x1c0: {  	s15 =	sld [smem:$0x7DE]  }
0x1c1: {  	[sflag:s6] =	ssyncset.done $0x0  }
0x1c2: {  	[sflag:s6] =	ssyncadd.s32 $0xFFFFC000  }
0x1c3: {  	[tilespmem:s8], [sflag:$0x2] =	stream.linear.gather [spmem:s15], $0x4000, $0x38;
	[tilespmem:$0x1FA00] =	vst v63  }
0x1c4: {  	_ =	swait.ge [sflag:s26], $0x4000  }
0x1c5: {  	[sflag:s26] =	ssyncset.done $0x0  }
0x1c6: {  	s16 =	simm.s32 $0xE400;
	[sflag:s26] =	ssyncadd.s32 $0xFFFFC000  }
0x1c7: {  	[tilespmem:s3], [sflag:$0x5] =	stream.indirect.gather.add.f32 [hbm:s0], $0x80, s16, s25, $0xb8;
	[tilespmem:$0x1FA00] =	vst v63  }
0x1c8: {  	_ =	swait.ge [sflag:s20], $0x4000  }
0x1c9: {  	s16 =	sld [smem:$0x7DF]  }
0x1ca: {  	[sflag:s20] =	ssyncset.done $0x0  }
0x1cb: {  	[sflag:s20] =	ssyncadd.s32 $0xFFFFC000  }
0x1cc: {  	[hbm4b:s16+s7] =	stream.linear.scatter [tilespmem:s23], [sflag:$0xC], $0x4000, $0x38;
	[tilespmem:$0x1FA00] =	vst v63  }
0x1cd: {  	_ =	swait.ge [sflag:s19], $0x4000  }
0x1ce: {  	s16 =	sld [smem:$0x7E0]  }
0x1cf: {  	[sflag:s19] =	ssyncset.done $0x0  }
0x1d0: {  	[sflag:s19] =	ssyncadd.s32 $0xFFFFC000  }
0x1d1: {  	[tilespmem:s30], [sflag:$0x3] =	stream.linear.gather [spmem:s16], $0x4000, $0x38;
	[tilespmem:$0x1FA00] =	vst v63  }
0x1d2: {  	_ =	swait.ge [sflag:s29], $0x4000  }
0x1d3: {  	[sflag:s29] =	ssyncset.done $0x0  }
0x1d4: {  	s17 =	simm.s32 $0xE480;
	[sflag:s29] =	ssyncadd.s32 $0xFFFFC000  }
0x1d5: {  	[tilespmem:s8], [sflag:$0x6] =	stream.indirect.gather.add.f32 [hbm:s0], $0x80, s17, s25, $0xb8;
	[tilespmem:$0x1FA00] =	vst v63  }
0x1d6: {  	_ =	swait.ge [sflag:s2], $0x4000  }
0x1d7: {  	s17 =	sld [smem:$0x7E1]  }
0x1d8: {  	[sflag:s2] =	ssyncset.done $0x0  }
0x1d9: {  	[sflag:s2] =	ssyncadd.s32 $0xFFFFC000  }
0x1da: {  	[hbm4b:s17+s7] =	stream.linear.scatter [tilespmem:s3], [sflag:$0x9], $0x4000, $0x38;
	[tilespmem:$0x1FA00] =	vst v63  }
0x1db: {  	_ =	swait.ge [sflag:s21], $0x4000  }
0x1dc: {  	s17 =	sld [smem:$0x7E2]  }
0x1dd: {  	[sflag:s21] =	ssyncset.done $0x0  }
0x1de: {  	[sflag:s21] =	ssyncadd.s32 $0xFFFFC000  }
0x1df: {  	[tilespmem:s23], [sflag:$0x4] =	stream.linear.gather [spmem:s17], $0x4000, $0x38;
	[tilespmem:$0x1FA00] =	vst v63  }
0x1e0: {  	_ =	swait.ge [sflag:s31], $0x4000  }
0x1e1: {  	[sflag:s31] =	ssyncset.done $0x0  }
0x1e2: {  	s18 =	simm.s32 $0xE500;
	[sflag:s31] =	ssyncadd.s32 $0xFFFFC000  }
0x1e3: {  	[tilespmem:s30], [sflag:$0x7] =	stream.indirect.gather.add.f32 [hbm:s0], $0x80, s18, s25, $0xb8;
	[tilespmem:$0x1FA00] =	vst v63  }
0x1e4: {  	_ =	swait.ge [sflag:s5], $0x4000  }
0x1e5: {  	s18 =	sld [smem:$0x7E3]  }
0x1e6: {  	[sflag:s5] =	ssyncset.done $0x0  }
0x1e7: {  	[sflag:s5] =	ssyncadd.s32 $0xFFFFC000  }
0x1e8: {  	[hbm4b:s18+s7] =	stream.linear.scatter [tilespmem:s8], [sflag:$0xA], $0x4000, $0x38;
	[tilespmem:$0x1FA00] =	vst v63  }
0x1e9: {  	_ =	swait.ge [sflag:s28], $0x4000  }
0x1ea: {  	s18 =	sld [smem:$0x7E4]  }
0x1eb: {  	[sflag:s28] =	ssyncset.done $0x0  }
0x1ec: {  	[sflag:s28] =	ssyncadd.s32 $0xFFFFC000  }
0x1ed: {  	[tilespmem:s3], [sflag:$0x1] =	stream.linear.gather [spmem:s18], $0x4000, $0x38;
	[tilespmem:$0x1FA00] =	vst v63  }
0x1ee: {  	_ =	swait.ge [sflag:s1], $0x4000  }
0x1ef: {  	[sflag:s1] =	ssyncset.done $0x0  }
0x1f0: {  	s22 =	simm.s32 $0xE580;
	[sflag:s1] =	ssyncadd.s32 $0xFFFFC000  }
0x1f1: {  	[tilespmem:s23], [sflag:$0x8] =	stream.indirect.gather.add.f32 [hbm:s0], $0x80, s22, s25, $0xb8;
	[tilespmem:$0x1FA00] =	vst v63  }
0x1f2: {  	_ =	swait.ge [sflag:s4], $0x4000  }
0x1f3: {  	s22 =	sld [smem:$0x7E5]  }
0x1f4: {  	[sflag:s4] =	ssyncset.done $0x0  }
0x1f5: {  	[sflag:s4] =	ssyncadd.s32 $0xFFFFC000  }
0x1f6: {  	[hbm4b:s22+s7] =	stream.linear.scatter [tilespmem:s30], [sflag:$0xB], $0x4000, $0x38;
	[tilespmem:$0x1FA00] =	vst v63  }
0x1f7: {  	_ =	swait.ge [sflag:s6], $0x4000  }
0x1f8: {  	s22 =	sld [smem:$0x7E6]  }
0x1f9: {  	[sflag:s6] =	ssyncset.done $0x0  }
0x1fa: {  	[sflag:s6] =	ssyncadd.s32 $0xFFFFC000  }
0x1fb: {  	[tilespmem:s8], [sflag:$0x2] =	stream.linear.gather [spmem:s22], $0x4000, $0x38;
	[tilespmem:$0x1FA00] =	vst v63  }
0x1fc: {  	_ =	swait.ge [sflag:s26], $0x4000  }
0x1fd: {  	[sflag:s26] =	ssyncset.done $0x0  }
0x1fe: {  	s22 =	simm.s32 $0xE600;
	[sflag:s26] =	ssyncadd.s32 $0xFFFFC000  }
0x1ff: {  	[tilespmem:s3], [sflag:$0x5] =	stream.indirect.gather.add.f32 [hbm:s0], $0x80, s22, s25, $0xb8;
	[tilespmem:$0x1FA00] =	vst v63  }
0x200: {  	_ =	swait.ge [sflag:s20], $0x4000  }
0x201: {  	s22 =	sld [smem:$0x7E7]  }
0x202: {  	[sflag:s20] =	ssyncset.done $0x0  }
0x203: {  	[sflag:s20] =	ssyncadd.s32 $0xFFFFC000  }
0x204: {  	[hbm4b:s22+s7] =	stream.linear.scatter [tilespmem:s23], [sflag:$0xC], $0x4000, $0x38;
	[tilespmem:$0x1FA00] =	vst v63  }
0x205: {  	_ =	swait.ge [sflag:s19], $0x4000  }
0x206: {  	s22 =	sld [smem:$0x7E8]  }
0x207: {  	[sflag:s19] =	ssyncset.done $0x0  }
0x208: {  	[sflag:s19] =	ssyncadd.s32 $0xFFFFC000  }
0x209: {  	[tilespmem:s30], [sflag:$0x3] =	stream.linear.gather [spmem:s22], $0x4000, $0x38;
	[tilespmem:$0x1FA00] =	vst v63  }
0x20a: {  	_ =	swait.ge [sflag:s29], $0x4000  }
0x20b: {  	[sflag:s29] =	ssyncset.done $0x0  }
0x20c: {  	s22 =	simm.s32 $0xE680;
	[sflag:s29] =	ssyncadd.s32 $0xFFFFC000  }
0x20d: {  	[tilespmem:s8], [sflag:$0x6] =	stream.indirect.gather.add.f32 [hbm:s0], $0x80, s22, s25, $0xb8;
	[tilespmem:$0x1FA00] =	vst v63  }
0x20e: {  	_ =	swait.ge [sflag:s2], $0x4000  }
0x20f: {  	s22 =	sld [smem:$0x7E9]  }
0x210: {  	[sflag:s2] =	ssyncset.done $0x0  }
0x211: {  	[sflag:s2] =	ssyncadd.s32 $0xFFFFC000  }
0x212: {  	[hbm4b:s22+s7] =	stream.linear.scatter [tilespmem:s3], [sflag:$0x9], $0x4000, $0x38;
	[tilespmem:$0x1FA00] =	vst v63  }
0x213: {  	_ =	swait.ge [sflag:s21], $0x4000  }
0x214: {  	s22 =	sld [smem:$0x7EA]  }
0x215: {  	[sflag:s21] =	ssyncset.done $0x0  }
0x216: {  	[sflag:s21] =	ssyncadd.s32 $0xFFFFC000  }
0x217: {  	[tilespmem:s23], [sflag:$0x4] =	stream.linear.gather [spmem:s22], $0x4000, $0x38;
	[tilespmem:$0x1FA00] =	vst v63  }
0x218: {  	_ =	swait.ge [sflag:s31], $0x4000  }
0x219: {  	[sflag:s31] =	ssyncset.done $0x0  }
0x21a: {  	s22 =	simm.s32 $0xE700;
	[sflag:s31] =	ssyncadd.s32 $0xFFFFC000  }
0x21b: {  	[tilespmem:s30], [sflag:$0x7] =	stream.indirect.gather.add.f32 [hbm:s0], $0x80, s22, s25, $0xb8;
	[tilespmem:$0x1FA00] =	vst v63  }
0x21c: {  	_ =	swait.ge [sflag:s5], $0x4000  }
0x21d: {  	s22 =	sld [smem:$0x7EB]  }
0x21e: {  	[sflag:s5] =	ssyncset.done $0x0  }
0x21f: {  	[sflag:s5] =	ssyncadd.s32 $0xFFFFC000  }
0x220: {  	[hbm4b:s22+s7] =	stream.linear.scatter [tilespmem:s8], [sflag:$0xA], $0x4000, $0x38;
	[tilespmem:$0x1FA00] =	vst v63  }
0x221: {  	_ =	swait.ge [sflag:s28], $0x4000  }
0x222: {  	s22 =	sld [smem:$0x7EC]  }
0x223: {  	[sflag:s28] =	ssyncset.done $0x0  }
0x224: {  	[sflag:s28] =	ssyncadd.s32 $0xFFFFC000  }
0x225: {  	[tilespmem:s3], [sflag:$0x1] =	stream.linear.gather [spmem:s22], $0x4000, $0x38;
	[tilespmem:$0x1FA00] =	vst v63  }
0x226: {  	_ =	swait.ge [sflag:s1], $0x4000  }
0x227: {  	[sflag:s1] =	ssyncset.done $0x0  }
0x228: {  	s22 =	simm.s32 $0xE780;
	[sflag:s1] =	ssyncadd.s32 $0xFFFFC000  }
0x229: {  	[tilespmem:s23], [sflag:$0x8] =	stream.indirect.gather.add.f32 [hbm:s0], $0x80, s22, s25, $0xb8;
	[tilespmem:$0x1FA00] =	vst v63  }
0x22a: {  	_ =	swait.ge [sflag:s4], $0x4000  }
0x22b: {  	s22 =	sld [smem:$0x7ED]  }
0x22c: {  	[sflag:s4] =	ssyncset.done $0x0  }
0x22d: {  	[sflag:s4] =	ssyncadd.s32 $0xFFFFC000  }
0x22e: {  	[hbm4b:s22+s7] =	stream.linear.scatter [tilespmem:s30], [sflag:$0xB], $0x4000, $0x38;
	[tilespmem:$0x1FA00] =	vst v63  }
0x22f: {  	_ =	swait.ge [sflag:s6], $0x4000  }
0x230: {  	s22 =	sld [smem:$0x7EE]  }
0x231: {  	[sflag:s6] =	ssyncset.done $0x0  }
0x232: {  	[sflag:s6] =	ssyncadd.s32 $0xFFFFC000  }
0x233: {  	[tilespmem:s8], [sflag:$0x2] =	stream.linear.gather [spmem:s22], $0x4000, $0x38;
	[tilespmem:$0x1FA00] =	vst v63  }
0x234: {  	_ =	swait.ge [sflag:s26], $0x4000  }
0x235: {  	[sflag:s26] =	ssyncset.done $0x0  }
0x236: {  	s22 =	simm.s32 $0xE800;
	[sflag:s26] =	ssyncadd.s32 $0xFFFFC000  }
0x237: {  	[tilespmem:s3], [sflag:$0x5] =	stream.indirect.gather.add.f32 [hbm:s0], $0x80, s22, s25, $0xb8;
	[tilespmem:$0x1FA00] =	vst v63  }
0x238: {  	_ =	swait.ge [sflag:s20], $0x4000  }
0x239: {  	s22 =	sld [smem:$0x7EF]  }
0x23a: {  	[sflag:s20] =	ssyncset.done $0x0  }
0x23b: {  	[sflag:s20] =	ssyncadd.s32 $0xFFFFC000  }
0x23c: {  	[hbm4b:s22+s7] =	stream.linear.scatter [tilespmem:s23], [sflag:$0xC], $0x4000, $0x38;
	[tilespmem:$0x1FA00] =	vst v63  }
0x23d: {  	_ =	swait.ge [sflag:s19], $0x4000  }
0x23e: {  	s22 =	sld [smem:$0x7F0]  }
0x23f: {  	[sflag:s19] =	ssyncset.done $0x0  }
0x240: {  	[sflag:s19] =	ssyncadd.s32 $0xFFFFC000  }
0x241: {  	[tilespmem:s30], [sflag:$0x3] =	stream.linear.gather [spmem:s22], $0x4000, $0x38;
	[tilespmem:$0x1FA00] =	vst v63  }
0x242: {  	_ =	swait.ge [sflag:s29], $0x4000  }
0x243: {  	[sflag:s29] =	ssyncset.done $0x0  }
0x244: {  	s22 =	simm.s32 $0xE880;
	[sflag:s29] =	ssyncadd.s32 $0xFFFFC000  }
0x245: {  	[tilespmem:s8], [sflag:$0x6] =	stream.indirect.gather.add.f32 [hbm:s0], $0x80, s22, s25, $0xb8;
	[tilespmem:$0x1FA00] =	vst v63  }
0x246: {  	_ =	swait.ge [sflag:s2], $0x4000  }
0x247: {  	s22 =	sld [smem:$0x7F1]  }
0x248: {  	[sflag:s2] =	ssyncset.done $0x0  }
0x249: {  	[sflag:s2] =	ssyncadd.s32 $0xFFFFC000  }
0x24a: {  	[hbm4b:s22+s7] =	stream.linear.scatter [tilespmem:s3], [sflag:$0x9], $0x4000, $0x38;
	[tilespmem:$0x1FA00] =	vst v63  }
0x24b: {  	_ =	swait.ge [sflag:s21], $0x4000  }
0x24c: {  	s22 =	sld [smem:$0x7F2]  }
0x24d: {  	[sflag:s21] =	ssyncset.done $0x0  }
0x24e: {  	[sflag:s21] =	ssyncadd.s32 $0xFFFFC000  }
0x24f: {  	[tilespmem:s23], [sflag:$0x4] =	stream.linear.gather [spmem:s22], $0x4000, $0x38;
	[tilespmem:$0x1FA00] =	vst v63  }
0x250: {  	_ =	swait.ge [sflag:s31], $0x4000  }
0x251: {  	[sflag:s31] =	ssyncset.done $0x0  }
0x252: {  	s22 =	simm.s32 $0xE900;
	[sflag:s31] =	ssyncadd.s32 $0xFFFFC000  }
0x253: {  	[tilespmem:s30], [sflag:$0x7] =	stream.indirect.gather.add.f32 [hbm:s0], $0x80, s22, s25, $0xb8;
	[tilespmem:$0x1FA00] =	vst v63  }
0x254: {  	_ =	swait.ge [sflag:s5], $0x4000  }
0x255: {  	s22 =	sld [smem:$0x7F3]  }
0x256: {  	[sflag:s5] =	ssyncset.done $0x0  }
0x257: {  	[sflag:s5] =	ssyncadd.s32 $0xFFFFC000  }
0x258: {  	[hbm4b:s22+s7] =	stream.linear.scatter [tilespmem:s8], [sflag:$0xA], $0x4000, $0x38;
	[tilespmem:$0x1FA00] =	vst v63  }
0x259: {  	_ =	swait.ge [sflag:s28], $0x4000  }
0x25a: {  	s22 =	sld [smem:$0x7F4]  }
0x25b: {  	[sflag:s28] =	ssyncset.done $0x0  }
0x25c: {  	[sflag:s28] =	ssyncadd.s32 $0xFFFFC000  }
0x25d: {  	[tilespmem:s3], [sflag:$0x1] =	stream.linear.gather [spmem:s22], $0x4000, $0x38;
	[tilespmem:$0x1FA00] =	vst v63  }
0x25e: {  	_ =	swait.ge [sflag:s1], $0x4000  }
0x25f: {  	[sflag:s1] =	ssyncset.done $0x0  }
0x260: {  	s22 =	simm.s32 $0xE980;
	[sflag:s1] =	ssyncadd.s32 $0xFFFFC000  }
0x261: {  	[tilespmem:s23], [sflag:$0x8] =	stream.indirect.gather.add.f32 [hbm:s0], $0x80, s22, s25, $0xb8;
	[tilespmem:$0x1FA00] =	vst v63  }
0x262: {  	_ =	swait.ge [sflag:s4], $0x4000  }
0x263: {  	s22 =	sld [smem:$0x7F5]  }
0x264: {  	[sflag:s4] =	ssyncset.done $0x0  }
0x265: {  	[sflag:s4] =	ssyncadd.s32 $0xFFFFC000  }
0x266: {  	[hbm4b:s22+s7] =	stream.linear.scatter [tilespmem:s30], [sflag:$0xB], $0x4000, $0x38;
	[tilespmem:$0x1FA00] =	vst v63  }
0x267: {  	_ =	swait.ge [sflag:s6], $0x4000  }
0x268: {  	s22 =	sld [smem:$0x7F6]  }
0x269: {  	[sflag:s6] =	ssyncset.done $0x0  }
0x26a: {  	[sflag:s6] =	ssyncadd.s32 $0xFFFFC000  }
0x26b: {  	[tilespmem:s8], [sflag:$0x2] =	stream.linear.gather [spmem:s22], $0x4000, $0x38;
	[tilespmem:$0x1FA00] =	vst v63  }
0x26c: {  	_ =	swait.ge [sflag:s26], $0x4000  }
0x26d: {  	[sflag:s26] =	ssyncset.done $0x0  }
0x26e: {  	s22 =	simm.s32 $0xEA00;
	[sflag:s26] =	ssyncadd.s32 $0xFFFFC000  }
0x26f: {  	[tilespmem:s3], [sflag:$0x5] =	stream.indirect.gather.add.f32 [hbm:s0], $0x80, s22, s25, $0xb8;
	[tilespmem:$0x1FA00] =	vst v63  }
0x270: {  	_ =	swait.ge [sflag:s20], $0x4000  }
0x271: {  	s22 =	sld [smem:$0x7F7]  }
0x272: {  	[sflag:s20] =	ssyncset.done $0x0  }
0x273: {  	[sflag:s20] =	ssyncadd.s32 $0xFFFFC000  }
0x274: {  	[hbm4b:s22+s7] =	stream.linear.scatter [tilespmem:s23], [sflag:$0xC], $0x4000, $0x38;
	[tilespmem:$0x1FA00] =	vst v63  }
0x275: {  	_ =	swait.ge [sflag:s19], $0x4000  }
0x276: {  	s22 =	sld [smem:$0x7F8]  }
0x277: {  	[sflag:s19] =	ssyncset.done $0x0  }
0x278: {  	[sflag:s19] =	ssyncadd.s32 $0xFFFFC000  }
0x279: {  	[tilespmem:s30], [sflag:$0x3] =	stream.linear.gather [spmem:s22], $0x4000, $0x38;
	[tilespmem:$0x1FA00] =	vst v63  }
0x27a: {  	_ =	swait.ge [sflag:s29], $0x4000  }
0x27b: {  	[sflag:s29] =	ssyncset.done $0x0  }
0x27c: {  	s22 =	simm.s32 $0xEA80;
	[sflag:s29] =	ssyncadd.s32 $0xFFFFC000  }
0x27d: {  	[tilespmem:s8], [sflag:$0x6] =	stream.indirect.gather.add.f32 [hbm:s0], $0x80, s22, s25, $0xb8;
	[tilespmem:$0x1FA00] =	vst v63  }
0x27e: {  	_ =	swait.ge [sflag:s2], $0x4000  }
0x27f: {  	[sflag:s2] =	ssyncset.done $0x0  }
0x280: {  	s22 =	rddreg [dreg:$0xc];
	[sflag:s2] =	ssyncadd.s32 $0xFFFFC000  }
0x281: {  	[hbm4b:s22+s7] =	stream.linear.scatter [tilespmem:s3], [sflag:$0x9], $0x4000, $0x38;
	[tilespmem:$0x1FA00] =	vst v63  }
0x282: {  	_ =	swait.ge [sflag:s21], $0x4000  }
0x283: {  	s22 =	sld [smem:$0x7F9]  }
0x284: {  	[sflag:s21] =	ssyncset.done $0x0  }
0x285: {  	[sflag:s21] =	ssyncadd.s32 $0xFFFFC000  }
0x286: {  	[tilespmem:s23], [sflag:$0x4] =	stream.linear.gather [spmem:s22], $0x4000, $0x38;
	[tilespmem:$0x1FA00] =	vst v63  }
0x287: {  	_ =	swait.ge [sflag:s31], $0x4000  }
0x288: {  	[sflag:s31] =	ssyncset.done $0x0  }
0x289: {  	s22 =	simm.s32 $0xEB00;
	[sflag:s31] =	ssyncadd.s32 $0xFFFFC000  }
0x28a: {  	[tilespmem:s30], [sflag:$0x7] =	stream.indirect.gather.add.f32 [hbm:s0], $0x80, s22, s25, $0xb8;
	[tilespmem:$0x1FA00] =	vst v63  }
0x28b: {  	_ =	swait.ge [sflag:s5], $0x4000  }
0x28c: {  	[sflag:s5] =	ssyncset.done $0x0  }
0x28d: {  	s22 =	rddreg [dreg:$0xd];
	[sflag:s5] =	ssyncadd.s32 $0xFFFFC000  }
0x28e: {  	[hbm4b:s22+s7] =	stream.linear.scatter [tilespmem:s8], [sflag:$0xA], $0x4000, $0x38;
	[tilespmem:$0x1FA00] =	vst v63  }
0x28f: {  	_ =	swait.ge [sflag:s28], $0x4000  }
0x290: {  	s22 =	sld [smem:$0x7FA]  }
0x291: {  	[sflag:s28] =	ssyncset.done $0x0  }
0x292: {  	[sflag:s28] =	ssyncadd.s32 $0xFFFFC000  }
0x293: {  	[tilespmem:s3], [sflag:$0x1] =	stream.linear.gather [spmem:s22], $0x4000, $0x38;
	[tilespmem:$0x1FA00] =	vst v63  }
0x294: {  	_ =	swait.ge [sflag:s1], $0x4000  }
0x295: {  	[sflag:s1] =	ssyncset.done $0x0  }
0x296: {  	s22 =	simm.s32 $0xEB80;
	[sflag:s1] =	ssyncadd.s32 $0xFFFFC000  }
0x297: {  	[tilespmem:s23], [sflag:$0x8] =	stream.indirect.gather.add.f32 [hbm:s0], $0x80, s22, s25, $0xb8;
	[tilespmem:$0x1FA00] =	vst v63  }
0x298: {  	_ =	swait.ge [sflag:s4], $0x4000  }
0x299: {  	[sflag:s4] =	ssyncset.done $0x0  }
0x29a: {  	s22 =	rddreg [dreg:$0xe];
	[sflag:s4] =	ssyncadd.s32 $0xFFFFC000  }
0x29b: {  	[hbm4b:s22+s7] =	stream.linear.scatter [tilespmem:s30], [sflag:$0xB], $0x4000, $0x38;
	[tilespmem:$0x1FA00] =	vst v63  }
0x29c: {  	_ =	swait.ge [sflag:s6], $0x4000  }
0x29d: {  	s22 =	sld [smem:$0x7FB]  }
0x29e: {  	[sflag:s6] =	ssyncset.done $0x0  }
0x29f: {  	[sflag:s6] =	ssyncadd.s32 $0xFFFFC000  }
0x2a0: {  	[tilespmem:s8], [sflag:$0x2] =	stream.linear.gather [spmem:s22], $0x4000, $0x38;
	[tilespmem:$0x1FA00] =	vst v63  }
0x2a1: {  	_ =	swait.ge [sflag:s26], $0x4000  }
0x2a2: {  	[sflag:s26] =	ssyncset.done $0x0  }
0x2a3: {  	s22 =	simm.s32 $0xEC00;
	[sflag:s26] =	ssyncadd.s32 $0xFFFFC000  }
0x2a4: {  	[tilespmem:s3], [sflag:$0x5] =	stream.indirect.gather.add.f32 [hbm:s0], $0x80, s22, s25, $0xb8;
	[tilespmem:$0x1FA00] =	vst v63  }
0x2a5: {  	_ =	swait.ge [sflag:s20], $0x4000  }
0x2a6: {  	[sflag:s20] =	ssyncset.done $0x0  }
0x2a7: {  	s22 =	rddreg [dreg:$0xf];
	[sflag:s20] =	ssyncadd.s32 $0xFFFFC000  }
0x2a8: {  	[hbm4b:s22+s7] =	stream.linear.scatter [tilespmem:s23], [sflag:$0xC], $0x4000, $0x38;
	[tilespmem:$0x1FA00] =	vst v63  }
0x2a9: {  	_ =	swait.ge [sflag:s19], $0x4000  }
0x2aa: {  	s22 =	sld [smem:$0x7FC]  }
0x2ab: {  	[sflag:s19] =	ssyncset.done $0x0  }
0x2ac: {  	[sflag:s19] =	ssyncadd.s32 $0xFFFFC000  }
0x2ad: {  	[tilespmem:s30], [sflag:$0x3] =	stream.linear.gather [spmem:s22], $0x4000, $0x38;
	[tilespmem:$0x1FA00] =	vst v63  }
0x2ae: {  	_ =	swait.ge [sflag:s29], $0x4000  }
0x2af: {  	[sflag:s29] =	ssyncset.done $0x0  }
0x2b0: {  	s22 =	simm.s32 $0xEC80;
	[sflag:s29] =	ssyncadd.s32 $0xFFFFC000  }
0x2b1: {  	[tilespmem:s8], [sflag:$0x6] =	stream.indirect.gather.add.f32 [hbm:s0], $0x80, s22, s25, $0xb8;
	[tilespmem:$0x1FA00] =	vst v63  }
0x2b2: {  	_ =	swait.ge [sflag:s2], $0x4000  }
0x2b3: {  	[sflag:s2] =	ssyncset.done $0x0  }
0x2b4: {  	s22 =	rddreg [dreg:$0x10];
	[sflag:s2] =	ssyncadd.s32 $0xFFFFC000  }
0x2b5: {  	[hbm4b:s22+s7] =	stream.linear.scatter [tilespmem:s3], [sflag:$0x9], $0x4000, $0x38;
	[tilespmem:$0x1FA00] =	vst v63  }
0x2b6: {  	_ =	swait.ge [sflag:s21], $0x4000  }
0x2b7: {  	s22 =	sld [smem:$0x7FD]  }
0x2b8: {  	[sflag:s21] =	ssyncset.done $0x0  }
0x2b9: {  	[sflag:s21] =	ssyncadd.s32 $0xFFFFC000  }
0x2ba: {  	[tilespmem:s23], [sflag:$0x4] =	stream.linear.gather [spmem:s22], $0x4000, $0x38;
	[tilespmem:$0x1FA00] =	vst v63  }
0x2bb: {  	_ =	swait.ge [sflag:s31], $0x4000  }
0x2bc: {  	[sflag:s31] =	ssyncset.done $0x0  }
0x2bd: {  	s22 =	simm.s32 $0xED00;
	[sflag:s31] =	ssyncadd.s32 $0xFFFFC000  }
0x2be: {  	[tilespmem:s30], [sflag:$0x7] =	stream.indirect.gather.add.f32 [hbm:s0], $0x80, s22, s25, $0xb8;
	[tilespmem:$0x1FA00] =	vst v63  }
0x2bf: {  	_ =	swait.ge [sflag:s5], $0x4000  }
0x2c0: {  	[sflag:s5] =	ssyncset.done $0x0  }
0x2c1: {  	s22 =	rddreg [dreg:$0x11];
	[sflag:s5] =	ssyncadd.s32 $0xFFFFC000  }
0x2c2: {  	[hbm4b:s22+s7] =	stream.linear.scatter [tilespmem:s8], [sflag:$0xA], $0x4000, $0x38;
	[tilespmem:$0x1FA00] =	vst v63  }
0x2c3: {  	_ =	swait.ge [sflag:s28], $0x4000  }
0x2c4: {  	[sflag:s28] =	ssyncset.done $0x0  }
0x2c5: {  	[sflag:s28] =	ssyncadd.s32 $0xFFFFC000  }
0x2c6: {  	[tilespmem:s3], [sflag:$0x1] =	stream.linear.gather [spmem:s11], $0x4000, $0x38;
	[tilespmem:$0x1FA00] =	vst v63  }
0x2c7: {  	_ =	swait.ge [sflag:s1], $0x4000  }
0x2c8: {  	[sflag:s1] =	ssyncset.done $0x0  }
0x2c9: {  	s22 =	simm.s32 $0xED80;
	[sflag:s1] =	ssyncadd.s32 $0xFFFFC000  }
0x2ca: {  	[tilespmem:s23], [sflag:$0x8] =	stream.indirect.gather.add.f32 [hbm:s0], $0x80, s22, s25, $0xb8;
	[tilespmem:$0x1FA00] =	vst v63  }
0x2cb: {  	_ =	swait.ge [sflag:s4], $0x4000  }
0x2cc: {  	[sflag:s4] =	ssyncset.done $0x0  }
0x2cd: {  	s22 =	rddreg [dreg:$0x12];
	[sflag:s4] =	ssyncadd.s32 $0xFFFFC000  }
0x2ce: {  	[hbm4b:s22+s7] =	stream.linear.scatter [tilespmem:s30], [sflag:$0xB], $0x4000, $0x38;
	[tilespmem:$0x1FA00] =	vst v63  }
0x2cf: {  	_ =	swait.ge [sflag:s6], $0x4000  }
0x2d0: {  	[sflag:s6] =	ssyncset.done $0x0  }
0x2d1: {  	[sflag:s6] =	ssyncadd.s32 $0xFFFFC000  }
0x2d2: {  	[tilespmem:s8], [sflag:$0x2] =	stream.linear.gather [spmem:s24], $0x4000, $0x38;
	[tilespmem:$0x1FA00] =	vst v63  }
0x2d3: {  	_ =	swait.ge [sflag:s26], $0x4000  }
0x2d4: {  	[sflag:s26] =	ssyncset.done $0x0  }
0x2d5: {  	s24 =	simm.s32 $0xEE00;
	[sflag:s26] =	ssyncadd.s32 $0xFFFFC000  }
0x2d6: {  	[tilespmem:s3], [sflag:$0x5] =	stream.indirect.gather.add.f32 [hbm:s0], $0x80, s24, s25, $0xb8;
	[tilespmem:$0x1FA00] =	vst v63  }
0x2d7: {  	_ =	swait.ge [sflag:s20], $0x4000  }
0x2d8: {  	[sflag:s20] =	ssyncset.done $0x0  }
0x2d9: {  	s22 =	rddreg [dreg:$0x13];
	[sflag:s20] =	ssyncadd.s32 $0xFFFFC000  }
0x2da: {  	[hbm4b:s22+s7] =	stream.linear.scatter [tilespmem:s23], [sflag:$0xC], $0x4000, $0x38;
	[tilespmem:$0x1FA00] =	vst v63  }
0x2db: {  	_ =	swait.ge [sflag:s19], $0x4000  }
0x2dc: {  	[sflag:s19] =	ssyncset.done $0x0  }
0x2dd: {  	[sflag:s19] =	ssyncadd.s32 $0xFFFFC000  }
0x2de: {  	[tilespmem:s30], [sflag:$0x3] =	stream.linear.gather [spmem:s12], $0x4000, $0x38;
	[tilespmem:$0x1FA00] =	vst v63  }
0x2df: {  	_ =	swait.ge [sflag:s29], $0x4000  }
0x2e0: {  	[sflag:s29] =	ssyncset.done $0x0  }
0x2e1: {  	s24 =	simm.s32 $0xEE80;
	[sflag:s29] =	ssyncadd.s32 $0xFFFFC000  }
0x2e2: {  	[tilespmem:s8], [sflag:$0x6] =	stream.indirect.gather.add.f32 [hbm:s0], $0x80, s24, s25, $0xb8;
	[tilespmem:$0x1FA00] =	vst v63  }
0x2e3: {  	_ =	swait.ge [sflag:s2], $0x4000  }
0x2e4: {  	[sflag:s2] =	ssyncset.done $0x0  }
0x2e5: {  	s12 =	rddreg [dreg:$0x14];
	[sflag:s2] =	ssyncadd.s32 $0xFFFFC000  }
0x2e6: {  	[hbm4b:s12+s7] =	stream.linear.scatter [tilespmem:s3], [sflag:$0x9], $0x4000, $0x38;
	[tilespmem:$0x1FA00] =	vst v63  }
0x2e7: {  	_ =	swait.ge [sflag:s21], $0x4000  }
0x2e8: {  	[sflag:s21] =	ssyncset.done $0x0  }
0x2e9: {  	[sflag:s21] =	ssyncadd.s32 $0xFFFFC000  }
0x2ea: {  	[tilespmem:s23], [sflag:$0x4] =	stream.linear.gather [spmem:s13], $0x4000, $0x38;
	[tilespmem:$0x1FA00] =	vst v63  }
0x2eb: {  	_ =	swait.ge [sflag:s31], $0x4000  }
0x2ec: {  	[sflag:s31] =	ssyncset.done $0x0  }
0x2ed: {  	s22 =	simm.s32 $0xEF00;
	[sflag:s31] =	ssyncadd.s32 $0xFFFFC000  }
0x2ee: {  	[tilespmem:s30], [sflag:$0x7] =	stream.indirect.gather.add.f32 [hbm:s0], $0x80, s22, s25, $0xb8;
	[tilespmem:$0x1FA00] =	vst v63  }
0x2ef: {  	_ =	swait.ge [sflag:s5], $0x4000  }
0x2f0: {  	[sflag:s5] =	ssyncset.done $0x0  }
0x2f1: {  	s24 =	rddreg [dreg:$0x15];
	[sflag:s5] =	ssyncadd.s32 $0xFFFFC000  }
0x2f2: {  	[hbm4b:s24+s7] =	stream.linear.scatter [tilespmem:s8], [sflag:$0xA], $0x4000, $0x38;
	[tilespmem:$0x1FA00] =	vst v63  }
0x2f3: {  	_ =	swait.ge [sflag:s28], $0x4000  }
0x2f4: {  	[sflag:s28] =	ssyncset.done $0x0  }
0x2f5: {  	[sflag:s28] =	ssyncadd.s32 $0xFFFFC000  }
0x2f6: {  	[tilespmem:s3], [sflag:$0x1] =	stream.linear.gather [spmem:s14], $0x4000, $0x38;
	[tilespmem:$0x1FA00] =	vst v63  }
0x2f7: {  	_ =	swait.ge [sflag:s1], $0x4000  }
0x2f8: {  	[sflag:s1] =	ssyncset.done $0x0  }
0x2f9: {  	s12 =	simm.s32 $0xEF80;
	[sflag:s1] =	ssyncadd.s32 $0xFFFFC000  }
0x2fa: {  	[tilespmem:s23], [sflag:$0x8] =	stream.indirect.gather.add.f32 [hbm:s0], $0x80, s12, s25, $0xb8;
	[tilespmem:$0x1FA00] =	vst v63  }
0x2fb: {  	_ =	swait.ge [sflag:s4], $0x4000  }
0x2fc: {  	[sflag:s4] =	ssyncset.done $0x0  }
0x2fd: {  	s14 =	rddreg [dreg:$0x16];
	[sflag:s4] =	ssyncadd.s32 $0xFFFFC000  }
0x2fe: {  	[hbm4b:s14+s7] =	stream.linear.scatter [tilespmem:s30], [sflag:$0xB], $0x4000, $0x38;
	[tilespmem:$0x1FA00] =	vst v63  }
0x2ff: {  	_ =	swait.ge [sflag:s6], $0x4000  }
0x300: {  	[sflag:s6] =	ssyncset.done $0x0  }
0x301: {  	[sflag:s6] =	ssyncadd.s32 $0xFFFFC000  }
0x302: {  	[tilespmem:s8], [sflag:$0x2] =	stream.linear.gather [spmem:s15], $0x4000, $0x38;
	[tilespmem:$0x1FA00] =	vst v63  }
0x303: {  	_ =	swait.ge [sflag:s26], $0x4000  }
0x304: {  	[sflag:s26] =	ssyncset.done $0x0  }
0x305: {  	s22 =	simm.s32 $0xF000;
	[sflag:s26] =	ssyncadd.s32 $0xFFFFC000  }
0x306: {  	[tilespmem:s3], [sflag:$0x5] =	stream.indirect.gather.add.f32 [hbm:s0], $0x80, s22, s25, $0xb8;
	[tilespmem:$0x1FA00] =	vst v63  }
0x307: {  	_ =	swait.ge [sflag:s20], $0x4000  }
0x308: {  	[sflag:s20] =	ssyncset.done $0x0  }
0x309: {  	s24 =	rddreg [dreg:$0x17];
	[sflag:s20] =	ssyncadd.s32 $0xFFFFC000  }
0x30a: {  	[hbm4b:s24+s7] =	stream.linear.scatter [tilespmem:s23], [sflag:$0xC], $0x4000, $0x38;
	[tilespmem:$0x1FA00] =	vst v63  }
0x30b: {  	_ =	swait.ge [sflag:s19], $0x4000  }
0x30c: {  	[sflag:s19] =	ssyncset.done $0x0  }
0x30d: {  	[sflag:s19] =	ssyncadd.s32 $0xFFFFC000  }
0x30e: {  	[tilespmem:s30], [sflag:$0x3] =	stream.linear.gather [spmem:s16], $0x4000, $0x38;
	[tilespmem:$0x1FA00] =	vst v63  }
0x30f: {  	_ =	swait.ge [sflag:s29], $0x4000  }
0x310: {  	[sflag:s29] =	ssyncset.done $0x0  }
0x311: {  	s12 =	simm.s32 $0xF080;
	[sflag:s29] =	ssyncadd.s32 $0xFFFFC000  }
0x312: {  	[tilespmem:s8], [sflag:$0x6] =	stream.indirect.gather.add.f32 [hbm:s0], $0x80, s12, s25, $0xb8;
	[tilespmem:$0x1FA00] =	vst v63  }
0x313: {  	_ =	swait.ge [sflag:s2], $0x4000  }
0x314: {  	[sflag:s2] =	ssyncset.done $0x0  }
0x315: {  	s14 =	rddreg [dreg:$0x18];
	[sflag:s2] =	ssyncadd.s32 $0xFFFFC000  }
0x316: {  	[hbm4b:s14+s7] =	stream.linear.scatter [tilespmem:s3], [sflag:$0x9], $0x4000, $0x38;
	[tilespmem:$0x1FA00] =	vst v63  }
0x317: {  	_ =	swait.ge [sflag:s21], $0x4000  }
0x318: {  	[sflag:s21] =	ssyncset.done $0x0  }
0x319: {  	[sflag:s21] =	ssyncadd.s32 $0xFFFFC000  }
0x31a: {  	[tilespmem:s23], [sflag:$0x4] =	stream.linear.gather [spmem:s17], $0x4000, $0x38;
	[tilespmem:$0x1FA00] =	vst v63  }
0x31b: {  	_ =	swait.ge [sflag:s31], $0x4000  }
0x31c: {  	[sflag:s31] =	ssyncset.done $0x0  }
0x31d: {  	s15 =	simm.s32 $0xF100;
	[sflag:s31] =	ssyncadd.s32 $0xFFFFC000  }
0x31e: {  	[tilespmem:s30], [sflag:$0x7] =	stream.indirect.gather.add.f32 [hbm:s0], $0x80, s15, s25, $0xb8;
	[tilespmem:$0x1FA00] =	vst v63  }
0x31f: {  	_ =	swait.ge [sflag:s5], $0x4000  }
0x320: {  	[sflag:s5] =	ssyncset.done $0x0  }
0x321: {  	s16 =	rddreg [dreg:$0x19];
	[sflag:s5] =	ssyncadd.s32 $0xFFFFC000  }
0x322: {  	[hbm4b:s16+s7] =	stream.linear.scatter [tilespmem:s8], [sflag:$0xA], $0x4000, $0x38;
	[tilespmem:$0x1FA00] =	vst v63  }
0x323: {  	_ =	swait.ge [sflag:s28], $0x4000  }
0x324: {  	[sflag:s28] =	ssyncset.done $0x0  }
0x325: {  	[sflag:s28] =	ssyncadd.s32 $0xFFFFC000  }
0x326: {  	[tilespmem:s3], [sflag:$0x1] =	stream.linear.gather [spmem:s18], $0x4000, $0x38;
	[tilespmem:$0x1FA00] =	vst v63  }
0x327: {  	_ =	swait.ge [sflag:s1], $0x4000  }
0x328: {  	[sflag:s1] =	ssyncset.done $0x0  }
0x329: {  	s17 =	simm.s32 $0xF180;
	[sflag:s1] =	ssyncadd.s32 $0xFFFFC000  }
0x32a: {  	[tilespmem:s23], [sflag:$0x8] =	stream.indirect.gather.add.f32 [hbm:s0], $0x80, s17, s25, $0xb8;
	[tilespmem:$0x1FA00] =	vst v63  }
0x32b: {  	_ =	swait.ge [sflag:s4], $0x4000  }
0x32c: {  	[sflag:s4] =	ssyncset.done $0x0  }
0x32d: {  	s18 =	rddreg [dreg:$0x1a];
	[sflag:s4] =	ssyncadd.s32 $0xFFFFC000  }
0x32e: {  	[hbm4b:s18+s7] =	stream.linear.scatter [tilespmem:s30], [sflag:$0xB], $0x4000, $0x38;
	[tilespmem:$0x1FA00] =	vst v63  }
0x32f: {  	_ =	swait.ge [sflag:s6], $0x4000  }
0x330: {  	s22 =	sld [smem:$0x7E6]  }
0x331: {  	[sflag:s6] =	ssyncset.done $0x0  }
0x332: {  	[sflag:s6] =	ssyncadd.s32 $0xFFFFC000  }
0x333: {  	[tilespmem:s8], [sflag:$0x2] =	stream.linear.gather [spmem:s22], $0x4000, $0x38;
	[tilespmem:$0x1FA00] =	vst v63  }
0x334: {  	_ =	swait.ge [sflag:s26], $0x4000  }
0x335: {  	[sflag:s26] =	ssyncset.done $0x0  }
0x336: {  	s24 =	simm.s32 $0xF200;
	[sflag:s26] =	ssyncadd.s32 $0xFFFFC000  }
0x337: {  	[tilespmem:s3], [sflag:$0x5] =	stream.indirect.gather.add.f32 [hbm:s0], $0x80, s24, s25, $0xb8;
	[tilespmem:$0x1FA00] =	vst v63  }
0x338: {  	_ =	swait.ge [sflag:s20], $0x4000  }
0x339: {  	[sflag:s20] =	ssyncset.done $0x0  }
0x33a: {  	s12 =	rddreg [dreg:$0x1b];
	[sflag:s20] =	ssyncadd.s32 $0xFFFFC000  }
0x33b: {  	[hbm4b:s12+s7] =	stream.linear.scatter [tilespmem:s23], [sflag:$0xC], $0x4000, $0x38;
	[tilespmem:$0x1FA00] =	vst v63  }
0x33c: {  	_ =	swait.ge [sflag:s19], $0x4000  }
0x33d: {  	s14 =	sld [smem:$0x7E8]  }
0x33e: {  	[sflag:s19] =	ssyncset.done $0x0  }
0x33f: {  	[sflag:s19] =	ssyncadd.s32 $0xFFFFC000  }
0x340: {  	[tilespmem:s30], [sflag:$0x3] =	stream.linear.gather [spmem:s14], $0x4000, $0x38;
	[tilespmem:$0x1FA00] =	vst v63  }
0x341: {  	_ =	swait.ge [sflag:s29], $0x4000  }
0x342: {  	[sflag:s29] =	ssyncset.done $0x0  }
0x343: {  	s15 =	simm.s32 $0xF280;
	[sflag:s29] =	ssyncadd.s32 $0xFFFFC000  }
0x344: {  	[tilespmem:s8], [sflag:$0x6] =	stream.indirect.gather.add.f32 [hbm:s0], $0x80, s15, s25, $0xb8;
	[tilespmem:$0x1FA00] =	vst v63  }
0x345: {  	_ =	swait.ge [sflag:s2], $0x4000  }
0x346: {  	[sflag:s2] =	ssyncset.done $0x0  }
0x347: {  	s16 =	rddreg [dreg:$0x1c];
	[sflag:s2] =	ssyncadd.s32 $0xFFFFC000  }
0x348: {  	[hbm4b:s16+s7] =	stream.linear.scatter [tilespmem:s3], [sflag:$0x9], $0x4000, $0x38;
	[tilespmem:$0x1FA00] =	vst v63  }
0x349: {  	_ =	swait.ge [sflag:s21], $0x4000  }
0x34a: {  	s17 =	sld [smem:$0x7EA]  }
0x34b: {  	[sflag:s21] =	ssyncset.done $0x0  }
0x34c: {  	[sflag:s21] =	ssyncadd.s32 $0xFFFFC000  }
0x34d: {  	[tilespmem:s23], [sflag:$0x4] =	stream.linear.gather [spmem:s17], $0x4000, $0x38;
	[tilespmem:$0x1FA00] =	vst v63  }
0x34e: {  	_ =	swait.ge [sflag:s31], $0x4000  }
0x34f: {  	[sflag:s31] =	ssyncset.done $0x0  }
0x350: {  	s18 =	simm.s32 $0xF300;
	[sflag:s31] =	ssyncadd.s32 $0xFFFFC000  }
0x351: {  	[tilespmem:s30], [sflag:$0x7] =	stream.indirect.gather.add.f32 [hbm:s0], $0x80, s18, s25, $0xb8;
	[tilespmem:$0x1FA00] =	vst v63  }
0x352: {  	_ =	swait.ge [sflag:s5], $0x4000  }
0x353: {  	[sflag:s5] =	ssyncset.done $0x0  }
0x354: {  	s22 =	rddreg [dreg:$0x1d];
	[sflag:s5] =	ssyncadd.s32 $0xFFFFC000  }
0x355: {  	[hbm4b:s22+s7] =	stream.linear.scatter [tilespmem:s8], [sflag:$0xA], $0x4000, $0x38;
	[tilespmem:$0x1FA00] =	vst v63  }
0x356: {  	_ =	swait.ge [sflag:s28], $0x4000  }
0x357: {  	s24 =	sld [smem:$0x7EC]  }
0x358: {  	[sflag:s28] =	ssyncset.done $0x0  }
0x359: {  	[sflag:s28] =	ssyncadd.s32 $0xFFFFC000  }
0x35a: {  	[tilespmem:s3], [sflag:$0x1] =	stream.linear.gather [spmem:s24], $0x4000, $0x38;
	[tilespmem:$0x1FA00] =	vst v63  }
0x35b: {  	_ =	swait.ge [sflag:s1], $0x4000  }
0x35c: {  	[sflag:s1] =	ssyncset.done $0x0  }
0x35d: {  	s12 =	simm.s32 $0xF380;
	[sflag:s1] =	ssyncadd.s32 $0xFFFFC000  }
0x35e: {  	[tilespmem:s23], [sflag:$0x8] =	stream.indirect.gather.add.f32 [hbm:s0], $0x80, s12, s25, $0xb8;
	[tilespmem:$0x1FA00] =	vst v63  }
0x35f: {  	_ =	swait.ge [sflag:s4], $0x4000  }
0x360: {  	[sflag:s4] =	ssyncset.done $0x0  }
0x361: {  	s14 =	rddreg [dreg:$0x1e];
	[sflag:s4] =	ssyncadd.s32 $0xFFFFC000  }
0x362: {  	[hbm4b:s14+s7] =	stream.linear.scatter [tilespmem:s30], [sflag:$0xB], $0x4000, $0x38;
	[tilespmem:$0x1FA00] =	vst v63  }
0x363: {  	_ =	swait.ge [sflag:s6], $0x4000  }
0x364: {  	s15 =	sld [smem:$0x7EE]  }
0x365: {  	[sflag:s6] =	ssyncset.done $0x0  }
0x366: {  	[sflag:s6] =	ssyncadd.s32 $0xFFFFC000  }
0x367: {  	[tilespmem:s8], [sflag:$0x2] =	stream.linear.gather [spmem:s15], $0x4000, $0x38;
	[tilespmem:$0x1FA00] =	vst v63  }
0x368: {  	_ =	swait.ge [sflag:s26], $0x4000  }
0x369: {  	[sflag:s26] =	ssyncset.done $0x0  }
0x36a: {  	s16 =	simm.s32 $0xF400;
	[sflag:s26] =	ssyncadd.s32 $0xFFFFC000  }
0x36b: {  	[tilespmem:s3], [sflag:$0x5] =	stream.indirect.gather.add.f32 [hbm:s0], $0x80, s16, s25, $0xb8;
	[tilespmem:$0x1FA00] =	vst v63  }
0x36c: {  	_ =	swait.ge [sflag:s20], $0x4000  }
0x36d: {  	[sflag:s20] =	ssyncset.done $0x0  }
0x36e: {  	s17 =	rddreg [dreg:$0x1f];
	[sflag:s20] =	ssyncadd.s32 $0xFFFFC000  }
0x36f: {  	[hbm4b:s17+s7] =	stream.linear.scatter [tilespmem:s23], [sflag:$0xC], $0x4000, $0x38;
	[tilespmem:$0x1FA00] =	vst v63  }
0x370: {  	_ =	swait.ge [sflag:s19], $0x4000  }
0x371: {  	s18 =	sld [smem:$0x7F0]  }
0x372: {  	[sflag:s19] =	ssyncset.done $0x0  }
0x373: {  	[sflag:s19] =	ssyncadd.s32 $0xFFFFC000  }
0x374: {  	[tilespmem:s30], [sflag:$0x3] =	stream.linear.gather [spmem:s18], $0x4000, $0x38;
	[tilespmem:$0x1FA00] =	vst v63  }
0x375: {  	_ =	swait.ge [sflag:s29], $0x4000  }
0x376: {  	[sflag:s29] =	ssyncset.done $0x0  }
0x377: {  	s22 =	simm.s32 $0xF480;
	[sflag:s29] =	ssyncadd.s32 $0xFFFFC000  }
0x378: {  	[tilespmem:s8], [sflag:$0x6] =	stream.indirect.gather.add.f32 [hbm:s0], $0x80, s22, s25, $0xb8;
	[tilespmem:$0x1FA00] =	vst v63  }
0x379: {  	_ =	swait.ge [sflag:s2], $0x4000  }
0x37a: {  	s24 =	sld [smem:$0x7CB]  }
0x37b: {  	[sflag:s2] =	ssyncset.done $0x0  }
0x37c: {  	[sflag:s2] =	ssyncadd.s32 $0xFFFFC000  }
0x37d: {  	[hbm4b:s24+s7] =	stream.linear.scatter [tilespmem:s3], [sflag:$0x9], $0x4000, $0x38;
	[tilespmem:$0x1FA00] =	vst v63  }
0x37e: {  	_ =	swait.ge [sflag:s21], $0x4000  }
0x37f: {  	s12 =	sld [smem:$0x7F2]  }
0x380: {  	[sflag:s21] =	ssyncset.done $0x0  }
0x381: {  	[sflag:s21] =	ssyncadd.s32 $0xFFFFC000  }
0x382: {  	[tilespmem:s23], [sflag:$0x4] =	stream.linear.gather [spmem:s12], $0x4000, $0x38;
	[tilespmem:$0x1FA00] =	vst v63  }
0x383: {  	_ =	swait.ge [sflag:s31], $0x4000  }
0x384: {  	[sflag:s31] =	ssyncset.done $0x0  }
0x385: {  	s14 =	simm.s32 $0xF500;
	[sflag:s31] =	ssyncadd.s32 $0xFFFFC000  }
0x386: {  	[tilespmem:s30], [sflag:$0x7] =	stream.indirect.gather.add.f32 [hbm:s0], $0x80, s14, s25, $0xb8;
	[tilespmem:$0x1FA00] =	vst v63  }
0x387: {  	_ =	swait.ge [sflag:s5], $0x4000  }
0x388: {  	s15 =	sld [smem:$0x7CC]  }
0x389: {  	[sflag:s5] =	ssyncset.done $0x0  }
0x38a: {  	[sflag:s5] =	ssyncadd.s32 $0xFFFFC000  }
0x38b: {  	[hbm4b:s15+s7] =	stream.linear.scatter [tilespmem:s8], [sflag:$0xA], $0x4000, $0x38;
	[tilespmem:$0x1FA00] =	vst v63  }
0x38c: {  	_ =	swait.ge [sflag:s28], $0x4000  }
0x38d: {  	s16 =	sld [smem:$0x7F4]  }
0x38e: {  	[sflag:s28] =	ssyncset.done $0x0  }
0x38f: {  	[sflag:s28] =	ssyncadd.s32 $0xFFFFC000  }
0x390: {  	[tilespmem:s3], [sflag:$0x1] =	stream.linear.gather [spmem:s16], $0x4000, $0x38;
	[tilespmem:$0x1FA00] =	vst v63  }
0x391: {  	_ =	swait.ge [sflag:s1], $0x4000  }
0x392: {  	[sflag:s1] =	ssyncset.done $0x0  }
0x393: {  	s17 =	simm.s32 $0xF580;
	[sflag:s1] =	ssyncadd.s32 $0xFFFFC000  }
0x394: {  	[tilespmem:s23], [sflag:$0x8] =	stream.indirect.gather.add.f32 [hbm:s0], $0x80, s17, s25, $0xb8;
	[tilespmem:$0x1FA00] =	vst v63  }
0x395: {  	_ =	swait.ge [sflag:s4], $0x4000  }
0x396: {  	s18 =	sld [smem:$0x7CD]  }
0x397: {  	[sflag:s4] =	ssyncset.done $0x0  }
0x398: {  	[sflag:s4] =	ssyncadd.s32 $0xFFFFC000  }
0x399: {  	[hbm4b:s18+s7] =	stream.linear.scatter [tilespmem:s30], [sflag:$0xB], $0x4000, $0x38;
	[tilespmem:$0x1FA00] =	vst v63  }
0x39a: {  	_ =	swait.ge [sflag:s6], $0x4000  }
0x39b: {  	s22 =	sld [smem:$0x7F6]  }
0x39c: {  	[sflag:s6] =	ssyncset.done $0x0  }
0x39d: {  	[sflag:s6] =	ssyncadd.s32 $0xFFFFC000  }
0x39e: {  	[tilespmem:s8], [sflag:$0x2] =	stream.linear.gather [spmem:s22], $0x4000, $0x38;
	[tilespmem:$0x1FA00] =	vst v63  }
0x39f: {  	_ =	swait.ge [sflag:s26], $0x4000  }
0x3a0: {  	[sflag:s26] =	ssyncset.done $0x0  }
0x3a1: {  	s24 =	simm.s32 $0xF600;
	[sflag:s26] =	ssyncadd.s32 $0xFFFFC000  }
0x3a2: {  	[tilespmem:s3], [sflag:$0x5] =	stream.indirect.gather.add.f32 [hbm:s0], $0x80, s24, s25, $0xb8;
	[tilespmem:$0x1FA00] =	vst v63  }
0x3a3: {  	_ =	swait.ge [sflag:s20], $0x4000  }
0x3a4: {  	s12 =	sld [smem:$0x7CE]  }
0x3a5: {  	[sflag:s20] =	ssyncset.done $0x0  }
0x3a6: {  	[sflag:s20] =	ssyncadd.s32 $0xFFFFC000  }
0x3a7: {  	[hbm4b:s12+s7] =	stream.linear.scatter [tilespmem:s23], [sflag:$0xC], $0x4000, $0x38;
	[tilespmem:$0x1FA00] =	vst v63  }
0x3a8: {  	_ =	swait.ge [sflag:s19], $0x4000  }
0x3a9: {  	s14 =	sld [smem:$0x7F8]  }
0x3aa: {  	[sflag:s19] =	ssyncset.done $0x0  }
0x3ab: {  	[sflag:s19] =	ssyncadd.s32 $0xFFFFC000  }
0x3ac: {  	[tilespmem:s30], [sflag:$0x3] =	stream.linear.gather [spmem:s14], $0x4000, $0x38;
	[tilespmem:$0x1FA00] =	vst v63  }
0x3ad: {  	_ =	swait.ge [sflag:s29], $0x4000  }
0x3ae: {  	[sflag:s29] =	ssyncset.done $0x0  }
0x3af: {  	s15 =	simm.s32 $0xF680;
	[sflag:s29] =	ssyncadd.s32 $0xFFFFC000  }
0x3b0: {  	[tilespmem:s8], [sflag:$0x6] =	stream.indirect.gather.add.f32 [hbm:s0], $0x80, s15, s25, $0xb8;
	[tilespmem:$0x1FA00] =	vst v63  }
0x3b1: {  	_ =	swait.ge [sflag:s2], $0x4000  }
0x3b2: {  	s16 =	sld [smem:$0x7CF]  }
0x3b3: {  	[sflag:s2] =	ssyncset.done $0x0  }
0x3b4: {  	[sflag:s2] =	ssyncadd.s32 $0xFFFFC000  }
0x3b5: {  	[hbm4b:s16+s7] =	stream.linear.scatter [tilespmem:s3], [sflag:$0x9], $0x4000, $0x38;
	[tilespmem:$0x1FA00] =	vst v63  }
0x3b6: {  	_ =	swait.ge [sflag:s21], $0x4000  }
0x3b7: {  	s17 =	sld [smem:$0x7F9]  }
0x3b8: {  	[sflag:s21] =	ssyncset.done $0x0  }
0x3b9: {  	[sflag:s21] =	ssyncadd.s32 $0xFFFFC000  }
0x3ba: {  	[tilespmem:s23], [sflag:$0x4] =	stream.linear.gather [spmem:s17], $0x4000, $0x38;
	[tilespmem:$0x1FA00] =	vst v63  }
0x3bb: {  	_ =	swait.ge [sflag:s31], $0x4000  }
0x3bc: {  	[sflag:s31] =	ssyncset.done $0x0  }
0x3bd: {  	s18 =	simm.s32 $0xF700;
	[sflag:s31] =	ssyncadd.s32 $0xFFFFC000  }
0x3be: {  	[tilespmem:s30], [sflag:$0x7] =	stream.indirect.gather.add.f32 [hbm:s0], $0x80, s18, s25, $0xb8;
	[tilespmem:$0x1FA00] =	vst v63  }
0x3bf: {  	_ =	swait.ge [sflag:s5], $0x4000  }
0x3c0: {  	s22 =	sld [smem:$0x7D0]  }
0x3c1: {  	[sflag:s5] =	ssyncset.done $0x0  }
0x3c2: {  	[sflag:s5] =	ssyncadd.s32 $0xFFFFC000  }
0x3c3: {  	[hbm4b:s22+s7] =	stream.linear.scatter [tilespmem:s8], [sflag:$0xA], $0x4000, $0x38;
	[tilespmem:$0x1FA00] =	vst v63  }
0x3c4: {  	_ =	swait.ge [sflag:s28], $0x4000  }
0x3c5: {  	s24 =	sld [smem:$0x7FA]  }
0x3c6: {  	[sflag:s28] =	ssyncset.done $0x0  }
0x3c7: {  	[sflag:s28] =	ssyncadd.s32 $0xFFFFC000  }
0x3c8: {  	[tilespmem:s3], [sflag:$0x1] =	stream.linear.gather [spmem:s24], $0x4000, $0x38;
	[tilespmem:$0x1FA00] =	vst v63  }
0x3c9: {  	_ =	swait.ge [sflag:s1], $0x4000  }
0x3ca: {  	[sflag:s1] =	ssyncset.done $0x0  }
0x3cb: {  	s12 =	simm.s32 $0xF780;
	[sflag:s1] =	ssyncadd.s32 $0xFFFFC000  }
0x3cc: {  	[tilespmem:s23], [sflag:$0x8] =	stream.indirect.gather.add.f32 [hbm:s0], $0x80, s12, s25, $0xb8;
	[tilespmem:$0x1FA00] =	vst v63  }
0x3cd: {  	_ =	swait.ge [sflag:s4], $0x4000  }
0x3ce: {  	s14 =	sld [smem:$0x7D1]  }
0x3cf: {  	[sflag:s4] =	ssyncset.done $0x0  }
0x3d0: {  	[sflag:s4] =	ssyncadd.s32 $0xFFFFC000  }
0x3d1: {  	[hbm4b:s14+s7] =	stream.linear.scatter [tilespmem:s30], [sflag:$0xB], $0x4000, $0x38;
	[tilespmem:$0x1FA00] =	vst v63  }
0x3d2: {  	_ =	swait.ge [sflag:s6], $0x4000  }
0x3d3: {  	s15 =	sld [smem:$0x7FB]  }
0x3d4: {  	[sflag:s6] =	ssyncset.done $0x0  }
0x3d5: {  	[sflag:s6] =	ssyncadd.s32 $0xFFFFC000  }
0x3d6: {  	[tilespmem:s8], [sflag:$0x2] =	stream.linear.gather [spmem:s15], $0x4000, $0x38;
	[tilespmem:$0x1FA00] =	vst v63  }
0x3d7: {  	_ =	swait.ge [sflag:s26], $0x4000  }
0x3d8: {  	[sflag:s26] =	ssyncset.done $0x0  }
0x3d9: {  	s16 =	simm.s32 $0xF800;
	[sflag:s26] =	ssyncadd.s32 $0xFFFFC000  }
0x3da: {  	[tilespmem:s3], [sflag:$0x5] =	stream.indirect.gather.add.f32 [hbm:s0], $0x80, s16, s25, $0xb8;
	[tilespmem:$0x1FA00] =	vst v63  }
0x3db: {  	_ =	swait.ge [sflag:s20], $0x4000  }
0x3dc: {  	s17 =	sld [smem:$0x7D2]  }
0x3dd: {  	[sflag:s20] =	ssyncset.done $0x0  }
0x3de: {  	[sflag:s20] =	ssyncadd.s32 $0xFFFFC000  }
0x3df: {  	[hbm4b:s17+s7] =	stream.linear.scatter [tilespmem:s23], [sflag:$0xC], $0x4000, $0x38;
	[tilespmem:$0x1FA00] =	vst v63  }
0x3e0: {  	_ =	swait.ge [sflag:s19], $0x4000  }
0x3e1: {  	s18 =	sld [smem:$0x7FC]  }
0x3e2: {  	[sflag:s19] =	ssyncset.done $0x0  }
0x3e3: {  	[sflag:s19] =	ssyncadd.s32 $0xFFFFC000  }
0x3e4: {  	[tilespmem:s30], [sflag:$0x3] =	stream.linear.gather [spmem:s18], $0x4000, $0x38;
	[tilespmem:$0x1FA00] =	vst v63  }
0x3e5: {  	_ =	swait.ge [sflag:s29], $0x4000  }
0x3e6: {  	[sflag:s29] =	ssyncset.done $0x0  }
0x3e7: {  	s22 =	simm.s32 $0xF880;
	[sflag:s29] =	ssyncadd.s32 $0xFFFFC000  }
0x3e8: {  	[tilespmem:s8], [sflag:$0x6] =	stream.indirect.gather.add.f32 [hbm:s0], $0x80, s22, s25, $0xb8;
	[tilespmem:$0x1FA00] =	vst v63  }
0x3e9: {  	_ =	swait.ge [sflag:s2], $0x4000  }
0x3ea: {  	s24 =	sld [smem:$0x7D3]  }
0x3eb: {  	[sflag:s2] =	ssyncset.done $0x0  }
0x3ec: {  	[sflag:s2] =	ssyncadd.s32 $0xFFFFC000  }
0x3ed: {  	[hbm4b:s24+s7] =	stream.linear.scatter [tilespmem:s3], [sflag:$0x9], $0x4000, $0x38;
	[tilespmem:$0x1FA00] =	vst v63  }
0x3ee: {  	_ =	swait.ge [sflag:s21], $0x4000  }
0x3ef: {  	s12 =	sld [smem:$0x7FD]  }
0x3f0: {  	[sflag:s21] =	ssyncset.done $0x0  }
0x3f1: {  	[sflag:s21] =	ssyncadd.s32 $0xFFFFC000  }
0x3f2: {  	[tilespmem:s23], [sflag:$0x4] =	stream.linear.gather [spmem:s12], $0x4000, $0x38;
	[tilespmem:$0x1FA00] =	vst v63  }
0x3f3: {  	_ =	swait.ge [sflag:s31], $0x4000  }
0x3f4: {  	[sflag:s31] =	ssyncset.done $0x0  }
0x3f5: {  	s14 =	simm.s32 $0xF900;
	[sflag:s31] =	ssyncadd.s32 $0xFFFFC000  }
0x3f6: {  	[tilespmem:s30], [sflag:$0x7] =	stream.indirect.gather.add.f32 [hbm:s0], $0x80, s14, s25, $0xb8;
	[tilespmem:$0x1FA00] =	vst v63  }
0x3f7: {  	_ =	swait.ge [sflag:s5], $0x4000  }
0x3f8: {  	s15 =	sld [smem:$0x7D4]  }
0x3f9: {  	[sflag:s5] =	ssyncset.done $0x0  }
0x3fa: {  	[sflag:s5] =	ssyncadd.s32 $0xFFFFC000  }
0x3fb: {  	[hbm4b:s15+s7] =	stream.linear.scatter [tilespmem:s8], [sflag:$0xA], $0x4000, $0x38;
	[tilespmem:$0x1FA00] =	vst v63  }
0x3fc: {  	_ =	swait.ge [sflag:s1], $0x4000  }
0x3fd: {  	[sflag:s1] =	ssyncset.done $0x0  }
0x3fe: {  	s16 =	simm.s32 $0xF980;
	[sflag:s1] =	ssyncadd.s32 $0xFFFFC000  }
0x3ff: {  	[tilespmem:s23], [sflag:$0x8] =	stream.indirect.gather.add.f32 [hbm:s0], $0x80, s16, s25, $0xb8;
	[tilespmem:$0x1FA00] =	vst v63  }
0x400: {  	_ =	swait.ge [sflag:s4], $0x4000  }
0x401: {  	s17 =	sld [smem:$0x7D5]  }
0x402: {  	[sflag:s4] =	ssyncset.done $0x0  }
0x403: {  	[sflag:s4] =	ssyncadd.s32 $0xFFFFC000  }
0x404: {  	[hbm4b:s17+s7] =	stream.linear.scatter [tilespmem:s30], [sflag:$0xB], $0x4000, $0x38;
	[tilespmem:$0x1FA00] =	vst v63  }
0x405: {  	_ =	swait.ge [sflag:s20], $0x4000  }
0x406: {  	s18 =	sld [smem:$0x7D6]  }
0x407: {  	[sflag:s20] =	ssyncset.done $0x0  }
0x408: {  	[sflag:s20] =	ssyncadd.s32 $0xFFFFC000  }
0x409: {  	[hbm4b:s18+s7] =	stream.linear.scatter [tilespmem:s23], [sflag:$0xC], $0x4000, $0x38;
	[tilespmem:$0x1FA00] =	vst v63  }
0x40a: {  	_ =	swait.ge [sflag:s28], $0x4000  }
0x40b: {  	[sflag:s28] =	ssyncset.done $0x0  }
0x40c: {  	[sflag:s28] =	ssyncadd.s32 $0xFFFFC000  }
0x40d: {  	_ =	swait.ge [sflag:s6], $0x4000  }
0x40e: {  	[sflag:s6] =	ssyncset.done $0x0  }
0x40f: {  	[sflag:s6] =	ssyncadd.s32 $0xFFFFC000  }
0x410: {  	_ =	swait.ge [sflag:s19], $0x4000  }
0x411: {  	[sflag:s19] =	ssyncset.done $0x0  }
0x412: {  	[sflag:s19] =	ssyncadd.s32 $0xFFFFC000  }
0x413: {  	_ =	swait.ge [sflag:s21], $0x4000  }
0x414: {  	s22 =	sld [smem:$0x7C3]  }
0x415: {  	s24 =	sld [smem:$0x7D7];
	_ =	sdelay $0x1  }
0x416: {  	s12 =	sadd.s32 $0x1, s22  }
0x417: {  	p0 =	sne.s32 s12, s24  }
.Ltmp6:
0x418: {  	_ = 	snop;
	(pc) =	sbr.rel @p0 .LBB2_1-.Ltmp6, $3  }
0x419: {  	_ =	sdelay $0x1  }
0x41a: {  	[sflag:s21] =	ssyncset.done $0x0  }
0x41b: {  	s13 =	simm.s32 $0xE200;
	[sflag:s21] =	ssyncadd.s32 $0xFFFFC000  }
0x41c: {  	_ =	sfence.sel $0x180000  }
0x41d: {  	[bflag:$0x0] =	sbarrier.arrive $0xFFFF  }
0x41e: {  	_ =	strace $0x90000047  }
0x41f: {  	s0 =	stileid.u32;
	[bflag:$0x2] =	sbarrier.arrive $0xFFFF  }
0x420: {  	p0 =	sne.s32 s0, $0x0;
	s0 =	rddreg [dreg:$0x7]  }
0x421: {  	s0 =	sadd.s32 @!p0 $0x100000, s0  }
0x422: {  	[sflag:s0] =	ssyncadd.tile.s32 @!p0 $0x1;
	_ =	shalt  }
.Lfunc_end2:
_tile_overlayer_lowered:
.L_overlay_start_2:
0x423: {  	(tag) =	ssettag $0x2  }
0x424: {  	s0 =	rddreg [dreg:$0x0];
	s2 =	stileid.u32  }
0x425: {  	s1 =	rddreg [dreg:$0x1];
	p0 =	sne.s32 s2, $0x0  }
0x426: {  	s3 =	rddreg [dreg:$0x2];
	[bflag:$0x3] =	sbarrier.arrive $0xFFFF;
	s2 =	simm.s32 @!p0 $0x1C0D  }
0x427: {  	[timem:s3], [sflag:s2] =	dma.local @!p0 [hbm:s0], s1  }
0x428: {  	s0 =	simm.s32 @!p0 $0xD  }
0x429: {  	_ =	swait.ge @!p0 [sflag:s0], s1  }
0x42a: {  	s1 =	ssub.s32 @!p0 $0x0, s1;
	[sflag:s0] =	ssyncset.done @!p0 $0x0  }
0x42b: {  	[sflag:s0] =	ssyncadd.s32 @!p0 s1  }
0x42c: {  	[bflag:$0x3] =	sbarrier.arrive $0xFFFF  }
0x42d: {  	_ =	shalt  }

</sc_bundles>
